<compile_context>
chip_gen: v7x
topology: tpu7x:2x2x1
jax: 0.10.2.dev20260603
libtpu: 0.0.44.dev20260713+nightly
codegen_flags: <defaults>
</compile_context>

<pallas_src>
import jax
import jax.numpy as jnp
from jax import lax
from jax.experimental import pallas as pl
from jax.experimental.pallas import tpu as pltpu
from jax.experimental.pallas import tpu_sc as plsc

N = 10000
E = 320000
D = 128
H = 8
HD = 16
L = 2
EDIM = 16
NP = 10240
EP = 327680
B = 128
CHUNKS = EP // B
NH = 1
CH = CHUNKS // NH
EPH = EP // NH
NW = 32
CPT = CH // NW
GN0 = CH // NW
GN1 = 2 * CPT - GN0
GNMAX = max(GN0, GN1)
NG = NP // 8
RB = 1024
EB = 2048
NPT = NP // 16
NGT = NG // 16


def _f32(x):
    return x.astype(jnp.float32)


def _dot(a, b):
    return jnp.dot(a, b, preferred_element_type=jnp.float32)


def _head_sum_sel():
    c = lax.broadcasted_iota(jnp.int32, (D, H), 0)
    h = lax.broadcasted_iota(jnp.int32, (D, H), 1)
    return _f32(c // HD == h)


def _rep_sel():
    h = lax.broadcasted_iota(jnp.int32, (H, D), 0)
    c = lax.broadcasted_iota(jnp.int32, (H, D), 1)
    return _f32(c // HD == h)


def _grp_sel():
    g = lax.broadcasted_iota(jnp.int32, (8, D), 0)
    c = lax.broadcasted_iota(jnp.int32, (8, D), 1)
    return _f32(c // 16 == g)


def _tile16_sel():
    j = lax.broadcasted_iota(jnp.int32, (16, D), 0)
    c = lax.broadcasted_iota(jnp.int32, (16, D), 1)
    return _f32(c % 16 == j)


def _pre_body(x_ref, w0_ref, w1t_ref, b_ref, g_ref, be_ref, o_ref):
    x = x_ref[...]
    nrm = jnp.sqrt(jnp.clip(jnp.sum(x * x, axis=-1, keepdims=True), 1e-12, None))
    en = jnp.exp(nrm)
    inv_en = 1.0 / en
    zt = 0.5 * (en + inv_en)
    zs = x * (0.5 * (en - inv_en) / nrm)
    s1 = zt * w0_ref[...] + _dot(zs, w1t_ref[...]) + b_ref[...]
    m = jnp.mean(s1, axis=-1, keepdims=True)
    v = jnp.mean((s1 - m) ** 2, axis=-1, keepdims=True)
    s2 = (s1 - m) / jnp.sqrt(v + 1e-5) * g_ref[...] + be_ref[...]
    o_ref[...] = jnp.maximum(s2, 0.0)


def _tc_pre(xp, w0, w1t, b, g, be):
    row = pl.BlockSpec((RB, D), lambda i: (i, 0))
    wfull = pl.BlockSpec((1, D), lambda i: (0, 0))
    wmat = pl.BlockSpec((D, D), lambda i: (0, 0))
    return pl.pallas_call(
        _pre_body,
        grid=(NP // RB,),
        in_specs=[row, wfull, wmat, wfull, wfull, wfull],
        out_specs=row,
        out_shape=jax.ShapeDtypeStruct((NP, D), jnp.float32),
    )(xp, w0, w1t, b, g, be)


def _tabs_body(h_ref, q0, q1t, qb, k0, k1t, kb, v0, v1t, vb,
               qo_ref, kvo_ref):
    hs = h_ref[...]
    t = jnp.sqrt(jnp.sum(hs * hs, axis=-1, keepdims=True) + 1.0)
    qo_ref[...] = t * q0[...] + _dot(hs, q1t[...]) + qb[...]
    ks = 0.5 * (t * k0[...] + _dot(hs, k1t[...]) + kb[...])
    vs = t * v0[...] + _dot(hs, v1t[...]) + vb[...]
    kvo_ref[...] = jnp.concatenate([ks, vs], axis=-1)


def _tc_tabs(hs, q0, q1t, qb, k0, k1t, kb, v0, v1t, vb):
    row = pl.BlockSpec((RB, D), lambda i: (i, 0))
    wfull = pl.BlockSpec((1, D), lambda i: (0, 0))
    wmat = pl.BlockSpec((D, D), lambda i: (0, 0))
    kvrow = pl.BlockSpec((RB, 2 * D), lambda i: (i, 0))
    return pl.pallas_call(
        _tabs_body,
        grid=(NP // RB,),
        in_specs=[row] + [wfull, wmat, wfull] * 3,
        out_specs=[row, kvrow],
        out_shape=[jax.ShapeDtypeStruct((NP, D), jnp.float32),
                   jax.ShapeDtypeStruct((NP, 2 * D), jnp.float32)],
    )(hs, q0, q1t, qb, k0, k1t, kb, v0, v1t, vb)


def _gather_body(qtab, kvtab, src2, dst2, qe, kve,
                 idxs, idxd,
                 qb0, kvb0, qb1, kvb1,
                 sq0, skv0, sq1, skv1):
    cid = lax.axis_index("c")
    sid = lax.axis_index("s")
    base = jnp.where(cid == 0, sid * GN0, 16 * GN0 + sid * GN1)
    cnt = jnp.where(cid == 0, GN0, GN1)
    pltpu.sync_copy(dst2.at[pl.ds(base, GNMAX)], idxd)
    pltpu.sync_copy(src2.at[pl.ds(base, GNMAX)], idxs)
    bufs = ((qb0, kvb0, sq0, skv0), (qb1, kvb1, sq1, skv1))

    def issue(c, bs):
        qb, kvb, sq, skv = bs
        pltpu.async_copy(qtab.at[idxd.at[c]], qb, sq)
        pltpu.async_copy(kvtab.at[idxs.at[c]], kvb, skv)

    def wait(c, bs):
        qb, kvb, sq, skv = bs
        pltpu.make_async_copy(qtab.at[idxd.at[c]], qb, sq).wait()
        pltpu.make_async_copy(kvtab.at[idxs.at[c]], kvb, skv).wait()

    def write(c, bs):
        pltpu.sync_copy(bs[0], qe.at[base + c])
        pltpu.sync_copy(bs[1], kve.at[base + c])

    issue(0, bufs[0])

    def step2(i, carry):
        c0 = 2 * i
        issue(c0 + 1, bufs[1])
        wait(c0, bufs[0])
        write(c0, bufs[0])

        @pl.when(i < cnt // 2 - 1)
        def _():
            issue(c0 + 2, bufs[0])

        wait(c0 + 1, bufs[1])
        write(c0 + 1, bufs[1])
        return carry

    lax.fori_loop(0, cnt // 2, step2, 0)


def _sc_gather(qtab, kvtab, src2, dst2):
    mesh = plsc.VectorSubcoreMesh(core_axis_name="c", subcore_axis_name="s")
    f = pl.kernel(
        _gather_body,
        out_type=[jax.ShapeDtypeStruct((CH, B, D), jnp.float32),
                  jax.ShapeDtypeStruct((CH, B, 2 * D), jnp.float32)],
        mesh=mesh,
        scratch_types=[
            pltpu.VMEM((GNMAX, B), jnp.int32),
            pltpu.VMEM((GNMAX, B), jnp.int32),
            pltpu.VMEM((B, D), jnp.float32),
            pltpu.VMEM((B, 2 * D), jnp.float32),
            pltpu.VMEM((B, D), jnp.float32),
            pltpu.VMEM((B, 2 * D), jnp.float32),
            pltpu.SemaphoreType.DMA,
            pltpu.SemaphoreType.DMA,
            pltpu.SemaphoreType.DMA,
            pltpu.SemaphoreType.DMA,
        ],
    )
    return f(qtab, kvtab, src2, dst2)


def _score_body(qe_ref, kve_ref, ef_ref, mask_ref, wet_ref,
                p1_ref, p2_ref):
    qe = qe_ref[...]
    kv = kve_ref[...]
    ke = kv[:, :D]
    ve = kv[:, D:]
    ssp = _head_sum_sel()
    tq = jnp.sqrt(_dot(qe * qe, ssp) + 1.0)
    tk = jnp.sqrt(4.0 * _dot(ke * ke, ssp) + 1.0)
    sc = _dot(qe * ke, ssp) - 0.5 * tq * tk
    efs = _dot(ef_ref[...], wet_ref[...]) + 0.5
    ex = jnp.exp(sc + efs)
    rep = _rep_sel()
    p1_ref[...] = _dot(ex, rep) * ve
    tv = jnp.sqrt(_dot(ve * ve, ssp) + 1.0)
    ext = jnp.concatenate([ex, ex * tv], axis=-1)
    mrep = _dot(mask_ref[...], _grp_sel())
    erep = _dot(ext, _tile16_sel())
    p2_ref[...] = mrep * erep


def _tc_score(qe, kve, efp, mask8, wet):
    erow = pl.BlockSpec((EB, D), lambda i: (i, 0))
    kvrow = pl.BlockSpec((EB, 2 * D), lambda i: (i, 0))
    efrow = pl.BlockSpec((EB, EDIM), lambda i: (i, 0))
    mrow = pl.BlockSpec((EB, 8), lambda i: (i, 0))
    wspec = pl.BlockSpec((EDIM, H), lambda i: (0, 0))
    osh = jax.ShapeDtypeStruct((EPH, D), jnp.float32)
    return pl.pallas_call(
        _score_body,
        grid=(EPH // EB,),
        in_specs=[erow, kvrow, efrow, mrow, wspec],
        out_specs=[erow, erow],
        out_shape=[osh, osh],
    )(qe, kve, efp, mask8, wet)


def _make_scatter(nrows):
    nrt = nrows // 16

    def body(p3, idx2, zsrc, acc_out, idxv, pb0, pb1, acc_sh, sp0, sp1):
        cid = lax.axis_index("c")
        sid = lax.axis_index("s")
        w = sid * 2 + cid
        base = w * CPT
        pltpu.sync_copy(idx2.at[pl.ds(base, CPT)], idxv)
        r0 = sid * nrt
        pltpu.sync_copy(zsrc.at[pl.ds(0, nrt)], acc_sh.at[pl.ds(r0, nrt)])
        plsc.subcore_barrier()
        pbufs = ((pb0, sp0), (pb1, sp1))
        pltpu.async_copy(p3.at[base], pb0, sp0)

        def step2(i, carry):
            c0 = 2 * i
            pltpu.async_copy(p3.at[base + c0 + 1], pb1, sp1)
            pltpu.make_async_copy(p3.at[base + c0], pb0, sp0).wait()
            pltpu.sync_copy(pb0, acc_sh.at[idxv.at[c0]], add=True)

            @pl.when(i < CPT // 2 - 1)
            def _():
                pltpu.async_copy(p3.at[base + c0 + 2], pb0, sp0)

            pltpu.make_async_copy(p3.at[base + c0 + 1], pb1, sp1).wait()
            pltpu.sync_copy(pb1, acc_sh.at[idxv.at[c0 + 1]], add=True)
            return carry

        lax.fori_loop(0, CPT // 2, step2, 0)
        plsc.subcore_barrier()
        pltpu.sync_copy(acc_sh.at[pl.ds(r0, nrt)],
                        acc_out.at[cid, pl.ds(r0, nrt)])

    mesh = plsc.VectorSubcoreMesh(core_axis_name="c", subcore_axis_name="s")
    f = pl.kernel(
        body,
        out_type=jax.ShapeDtypeStruct((2, nrows, D), jnp.float32),
        mesh=mesh,
        scratch_types=[
            pltpu.VMEM((CPT, B), jnp.int32),
            pltpu.VMEM((B, D), jnp.float32),
            pltpu.VMEM((B, D), jnp.float32),
            pltpu.VMEM_SHARED((nrows, D), jnp.float32),
            pltpu.SemaphoreType.DMA,
            pltpu.SemaphoreType.DMA,
        ],
    )
    return f


def _sc_scatter1(p3, idx2, zsrc):
    return _make_scatter(NP)(p3, idx2, zsrc)


def _sc_scatter2(p3, idx2, zsrc):
    return _make_scatter(NG)(p3, idx2, zsrc)


def _post_body(*refs):
    na = 2 * NH
    a_refs = refs[:na]
    e_refs = refs[na:2 * na]
    res_ref, wo0, wo1t, bo, gl, bl, o_ref = refs[2 * na:]
    sv = a_refs[0][...]
    for r in a_refs[1:]:
        sv = sv + r[...]
    e = e_refs[0][...]
    for r in e_refs[1:]:
        e = e + r[...]
    ssum = e[:, :H]
    st = e[:, H:]
    d = ssum + 1e-16
    rep = _rep_sel()
    aves = sv / _dot(d, rep)
    avet = st / d
    ssp = _head_sum_sel()
    c2 = _dot(aves * aves, ssp) - avet * avet
    denom = jnp.sqrt(jnp.clip(jnp.abs(c2), 1e-8, None))
    outs = aves * _dot(1.0 / denom, rep)
    tt = jnp.sqrt(jnp.sum(outs * outs, axis=-1, keepdims=True) + 1.0)
    s2 = tt * wo0[...] + _dot(outs, wo1t[...]) + bo[...]
    t2 = jnp.sqrt(jnp.sum(s2 * s2, axis=-1, keepdims=True) + 1.0)
    rs = res_ref[...]
    rt = jnp.sqrt(jnp.sum(rs * rs, axis=-1, keepdims=True) + 1.0)
    a2s = 0.5 * (s2 + rs)
    a2t = 0.5 * (t2 + rt)
    c3 = jnp.sum(a2s * a2s, axis=-1, keepdims=True) - a2t * a2t
    den3 = jnp.sqrt(jnp.clip(jnp.abs(c3), 1e-8, None))
    hs3 = a2s / den3
    m = jnp.mean(hs3, axis=-1, keepdims=True)
    v = jnp.mean((hs3 - m) ** 2, axis=-1, keepdims=True)
    o_ref[...] = (hs3 - m) / jnp.sqrt(v + 1e-5) * gl[...] + bl[...]


def _tc_post(a_list, e_list, res, wo0, wo1t, bo, gl, bl):
    row = pl.BlockSpec((RB, D), lambda i: (i, 0))
    erow = pl.BlockSpec((RB, 16), lambda i: (i, 0))
    wfull = pl.BlockSpec((1, D), lambda i: (0, 0))
    wmat = pl.BlockSpec((D, D), lambda i: (0, 0))
    na = 2 * NH
    return pl.pallas_call(
        _post_body,
        grid=(NP // RB,),
        in_specs=[row] * na + [erow] * na + [row, wfull, wmat, wfull,
                                             wfull, wfull],
        out_specs=row,
        out_shape=jax.ShapeDtypeStruct((NP, D), jnp.float32),
    )(*a_list, *e_list, res, wo0, wo1t, bo, gl, bl)


def _final_body(h_ref, w0, w1t, b, o_ref):
    hs = h_ref[...]
    t = jnp.sqrt(jnp.sum(hs * hs, axis=-1, keepdims=True) + 1.0)
    s = t * w0[...] + _dot(hs, w1t[...]) + b[...]
    st2 = jnp.sum(s * s, axis=-1, keepdims=True)
    xt = jnp.clip(jnp.sqrt(st2 + 1.0), 1.0 + 1e-7, None)
    dd = jnp.log(xt + jnp.sqrt(xt * xt - 1.0))
    nrm = jnp.sqrt(jnp.clip(st2, 1e-12, None))
    o_ref[...] = dd * s / nrm


def _tc_final(hs, w0, w1t, b):
    row = pl.BlockSpec((RB, D), lambda i: (i, 0))
    wfull = pl.BlockSpec((1, D), lambda i: (0, 0))
    wmat = pl.BlockSpec((D, D), lambda i: (0, 0))
    return pl.pallas_call(
        _final_body,
        grid=(NP // RB,),
        in_specs=[row, wfull, wmat, wfull],
        out_specs=row,
        out_shape=jax.ShapeDtypeStruct((NP, D), jnp.float32),
    )(hs, w0, w1t, b)


def kernel(x, edge_index, edge_feats, W_in, b_in, g0, be0, Wq, bq, Wk, bk,
           Wv, bv, Wo, bo, We, gl, bl, W_out, b_out):
    xp = jnp.pad(x, ((0, NP - N), (0, 0)))
    src = edge_index[0]
    dst = edge_index[1]
    srcp = jnp.concatenate([src, jnp.zeros((EP - E,), jnp.int32)])
    dstp = jnp.concatenate([dst, jnp.full((EP - E,), NP - 1, jnp.int32)])
    src2 = srcp.reshape(NH, CH, B)
    dst2 = dstp.reshape(NH, CH, B)
    dstg2 = (dstp // 8).reshape(NH, CH, B)
    mask8 = jax.nn.one_hot(dstp % 8, 8, dtype=jnp.float32).reshape(
        NH, EPH, 8)
    efp = jnp.pad(edge_feats, ((0, EP - E), (0, 0))).reshape(NH, EPH, EDIM)
    zsrc = jnp.zeros((NPT, D), jnp.float32)

    hs = _tc_pre(xp, W_in[:, 0][None], W_in[:, 1:].T, b_in[None],
                 g0[None], be0[None])
    for l in range(L):
        wq = Wq[l].reshape(D, D + 1)
        wk = Wk[l].reshape(D, D + 1)
        wv = Wv[l].reshape(D, D + 1)
        qtab, kvtab = _tc_tabs(
            hs,
            wq[:, 0][None], wq[:, 1:].T, bq[l].reshape(1, D),
            wk[:, 0][None], wk[:, 1:].T, bk[l].reshape(1, D),
            wv[:, 0][None], wv[:, 1:].T, bv[l].reshape(1, D))
        gath = [_sc_gather(qtab, kvtab, src2[h], dst2[h])
                for h in range(NH)]
        ps = [_tc_score(gath[h][0].reshape(EPH, D),
                        gath[h][1].reshape(EPH, 2 * D), efp[h], mask8[h],
                        We[l].T) for h in range(NH)]
        a1s = [_sc_scatter1(ps[h][0].reshape(CH, B, D), dst2[h], zsrc)
               for h in range(NH)]
        a2s = [_sc_scatter2(ps[h][1].reshape(CH, B, D), dstg2[h], zsrc)
               for h in range(NH)]
        e2s = [a.reshape(2, NP, 16) for a in a2s]
        wo = Wo[l]
        a_list = [a[i] for a in a1s for i in range(2)]
        e_list = [e[i] for e in e2s for i in range(2)]
        hs = _tc_post(a_list, e_list, hs,
                      wo[:, 0][None], wo[:, 1:].T, bo[l][None],
                      gl[l][None], bl[l][None])
    out = _tc_final(hs, W_out[:, 0][None], W_out[:, 1:].T, b_out[None])
    return out[:N]

# --- scband reference (transcript-rebuilt; emitter-appended) ---
"""Pipeline reference for scband-hyperbolic-temporal-transformer-19516331393625 (READ-ONLY COPY).

The authoritative reference and input builder live on the scoring server;
editing this copy changes nothing except your own understanding.
"""

import jax, jax.numpy as jnp
import numpy as np

K = 1.0
N = 10000
E = 320000
D = 128
H = 8
HD = 16
L = 2
EDIM = 16

def _time(space):
    return jnp.sqrt(jnp.sum(space ** 2, axis=-1, keepdims=True) + K)

def _cinner(x, y):
    return jnp.sum(x * y, axis=-1) - 2.0 * x[..., 0] * y[..., 0]

def _expmap0(u):
    us = u[..., 1:]
    norm = jnp.sqrt(jnp.clip(jnp.sum(us ** 2, axis=-1, keepdims=True), 1e-12, None))
    sk = jnp.sqrt(K)
    t = sk * jnp.cosh(norm / sk)
    s = sk * jnp.sinh(norm / sk) * us / norm
    return jnp.concatenate([t, s], axis=-1)

def _logmap0_space(x):
    xt = x[..., :1]
    xs = x[..., 1:]
    sk = jnp.sqrt(K)
    d = sk * jnp.arccosh(jnp.clip(xt / sk, 1.0 + 1e-7, None))
    norm = jnp.sqrt(jnp.clip(jnp.sum(xs ** 2, axis=-1, keepdims=True), 1e-12, None))
    return d * xs / norm

def _hyp_ln(x, g, b):
    s = x[..., 1:]
    m = jnp.mean(s, axis=-1, keepdims=True)
    v = jnp.var(s, axis=-1, keepdims=True)
    s = (s - m) / jnp.sqrt(v + 1e-5) * g + b
    return jnp.concatenate([_time(s), s], axis=-1)

def _hyp_linear(x, W, b):
    s = x @ W.T + b
    return jnp.concatenate([_time(s), s], axis=-1)

def setup_inputs(seed: int = 0):
    key = jax.random.key(seed)
    ks = jax.random.split(key, 12)
    sc = 0.05
    x = jax.random.normal(ks[0], (N, D), dtype=jnp.float32)
    edge_index = jax.random.randint(ks[1], (2, E), 0, N, dtype=jnp.int32)
    edge_feats = jax.random.normal(ks[2], (E, EDIM), dtype=jnp.float32)
    W_in = jax.random.normal(ks[3], (D, D + 1), dtype=jnp.float32) * sc
    b_in = jnp.zeros((D,), dtype=jnp.float32)
    g0 = jnp.ones((D,), dtype=jnp.float32)
    be0 = jnp.zeros((D,), dtype=jnp.float32)
    Wq = jax.random.normal(ks[4], (L, H, HD, D + 1), dtype=jnp.float32) * sc
    bq = jnp.zeros((L, H, HD), dtype=jnp.float32)
    Wk = jax.random.normal(ks[5], (L, H, HD, D + 1), dtype=jnp.float32) * sc
    bk = jnp.zeros((L, H, HD), dtype=jnp.float32)
    Wv = jax.random.normal(ks[6], (L, H, HD, D + 1), dtype=jnp.float32) * sc
    bv = jnp.zeros((L, H, HD), dtype=jnp.float32)
    Wo = jax.random.normal(ks[7], (L, D, D + 1), dtype=jnp.float32) * sc
    bo = jnp.zeros((L, D), dtype=jnp.float32)
    We = jax.random.normal(ks[8], (L, H, EDIM), dtype=jnp.float32) * sc
    gl = jnp.ones((L, D), dtype=jnp.float32)
    bl = jnp.zeros((L, D), dtype=jnp.float32)
    W_out = jax.random.normal(ks[9], (D, D + 1), dtype=jnp.float32) * sc
    b_out = jnp.zeros((D,), dtype=jnp.float32)
    return {"x": x, "edge_index": edge_index, "edge_feats": edge_feats, "W_in": W_in, "b_in": b_in, "g0": g0, "be0": be0, "Wq": Wq, "bq": bq, "Wk": Wk, "bk": bk, "Wv": Wv, "bv": bv, "Wo": Wo, "bo": bo, "We": We, "gl": gl, "bl": bl, "W_out": W_out, "b_out": b_out}

def _forward(x, src, dst, edge_feats, W_in, b_in, g0, be0, Wq, bq, Wk, bk, Wv, bv, Wo, bo, We, gl, bl, W_out, b_out):
    z = jnp.concatenate([jnp.zeros_like(x[..., :1]), x], axis=-1)
    z = _expmap0(z)
    h = _hyp_linear(z, W_in, b_in)
    h = _hyp_ln(h, g0, be0)
    s = jax.nn.relu(h[..., 1:])
    h = jnp.concatenate([_time(s), s], axis=-1)
    for l in range(L):
        res = h
        qs = jnp.einsum('nd,hkd->nhk', h, Wq[l]) + bq[l]
        q = jnp.concatenate([_time(qs), qs], axis=-1)
        ksp = jnp.einsum('nd,hkd->nhk', h, Wk[l]) + bk[l]
        kmat = jnp.concatenate([_time(ksp), ksp], axis=-1)
        vs = jnp.einsum('nd,hkd->nhk', h, Wv[l]) + bv[l]
        vmat = jnp.concatenate([_time(vs), vs], axis=-1)
        scores = (2.0 + 2.0 * _cinner(q[dst], kmat[src])) / float(np.sqrt(HD))
        scores = scores + edge_feats @ We[l].T
        smax = jax.ops.segment_max(scores, dst, num_segments=N)
        smax = jnp.where(jnp.isfinite(smax), smax, 0.0)
        ex = jnp.exp(scores - smax[dst])
        ssum = jax.ops.segment_sum(ex, dst, num_segments=N)
        attn = ex / (ssum[dst] + 1e-16)
        ave = jax.ops.segment_sum(vmat[src] * attn[..., None], dst, num_segments=N)
        denom = jnp.sqrt(jnp.clip(jnp.abs(-_cinner(ave, ave)), 1e-8, None))[..., None]
        out = jnp.sqrt(K) * ave / denom
        out_s = out[..., 1:].reshape(N, D)
        out = jnp.concatenate([_time(out_s), out_s], axis=-1)
        out = _hyp_linear(out, Wo[l], bo[l])
        stacked = jnp.stack([out, res], axis=1)
        ave2 = jnp.mean(stacked, axis=1)
        denom2 = jnp.sqrt(jnp.clip(jnp.abs(-_cinner(ave2, ave2)), 1e-8, None))[..., None]
        h = jnp.sqrt(K) * ave2 / denom2
        h = _hyp_ln(h, gl[l], bl[l])
    h = _hyp_linear(h, W_out, b_out)
    return _logmap0_space(h)

def reference(x, edge_index, edge_feats, W_in, b_in, g0, be0, Wq, bq, Wk, bk, Wv, bv, Wo, bo, We, gl, bl, W_out, b_out):
    src = edge_index[0]
    dst = edge_index[1]
    return _forward(x, src, dst, edge_feats, W_in, b_in, g0, be0, Wq, bq, Wk, bk, Wv, bv, Wo, bo, We, gl, bl, W_out, b_out)

if __name__ == "__main__":
    import jax
    _d = setup_inputs()
    print(jax.jit(kernel)(*tuple(_d.values())))

</pallas_src>

<mosaic_0001>
#map = affine_map<(d0, d1) -> (0, 0, 0)>
#map1 = affine_map<(d0, d1) -> (0, 0)>
module attributes {stable_mosaic.version = 14 : i64} {
  func.func @body(%arg0: i32, %arg1: i32, %arg2: memref<2560x128x128xf32, #tpu.memory_space<hbm>>, %arg3: memref<2560x128xi32, #tpu.memory_space<hbm>>, %arg4: memref<640x128xf32, #tpu.memory_space<hbm>>, %arg5: memref<2x10240x128xf32, #tpu.memory_space<hbm>>, %arg6: memref<80x128xi32, #tpu.memory_space<vmem>>, %arg7: memref<128x128xf32, #tpu.memory_space<vmem>>, %arg8: memref<128x128xf32, #tpu.memory_space<vmem>>, %arg9: memref<10240x128xf32, #tpu.memory_space<vmem_shared>>, %arg10: memref<!tpu.dma_semaphore, #tpu.memory_space<semaphore_mem>>, %arg11: memref<!tpu.dma_semaphore, #tpu.memory_space<semaphore_mem>>) attributes {dimension_semantics = [#tpu.dimension_semantics<core_parallel>, #tpu.dimension_semantics<subcore_parallel>], iteration_bounds = array<i64: 2, 16>, scalar_prefetch = 0 : i64, scratch_operands = 6 : i64, tpu.core_type = #tpu.core_type<sc_vector_subcore>, window_params = [{transform_indices = #map}, {transform_indices = #map1}, {transform_indices = #map1}, {transform_indices = #map}]} {
    %mul3A = arith.constant 2 : i32
    %mul3A_0 = arith.muli %arg1, %mul3A : i32
    %add3A = arith.addi %mul3A_0, %arg0 : i32
    %mul3A_1 = arith.constant 80 : i32
    %mul3A_2 = arith.muli %add3A, %mul3A_1 : i32
    "tpu.region"() ({
      %run_scoped3A = tpu.sem_alloc : memref<!tpu.dma_semaphore, #tpu.memory_space<semaphore_mem>>
      %dma_start3A_18 = arith.constant 0 : i32
      %dma_start3A_19 = tpu.memref_slice %arg3[%mul3A_2, %dma_start3A_18] : memref<2560x128xi32, #tpu.memory_space<hbm>> -> memref<80x128xi32, #tpu.memory_space<hbm>>
      %dma_start3A_20 = arith.constant 0 : i32
      %dma_start3A_21 = tpu.memref_slice %arg3[%mul3A_2, %dma_start3A_20] : memref<2560x128xi32, #tpu.memory_space<hbm>> -> memref<80x128xi32, #tpu.memory_space<hbm>>
      tpu.enqueue_dma source(%dma_start3A_21 : memref<80x128xi32, #tpu.memory_space<hbm>>) target(%arg6 : memref<80x128xi32, #tpu.memory_space<vmem>>) target_semaphore(%run_scoped3A : memref<!tpu.dma_semaphore, #tpu.memory_space<semaphore_mem>>)
      %dma_wait3A = arith.constant 0 : i32
      %dma_wait3A_22 = tpu.memref_slice %arg3[%mul3A_2, %dma_wait3A] : memref<2560x128xi32, #tpu.memory_space<hbm>> -> memref<80x128xi32, #tpu.memory_space<hbm>>
      %dma_wait3A_23 = arith.constant 0 : i32
      %dma_wait3A_24 = tpu.memref_slice %arg3[%mul3A_2, %dma_wait3A_23] : memref<2560x128xi32, #tpu.memory_space<hbm>> -> memref<80x128xi32, #tpu.memory_space<hbm>>
      tpu.wait_dma2 semaphore(%run_scoped3A : memref<!tpu.dma_semaphore, #tpu.memory_space<semaphore_mem>>) src(%dma_wait3A_24 : memref<80x128xi32, #tpu.memory_space<hbm>>) dst(%arg6 : memref<80x128xi32, #tpu.memory_space<vmem>>)
      tpu.yield
    }) : () -> ()
    %mul3A_3 = arith.constant 640 : i32
    %mul3A_4 = arith.muli %arg1, %mul3A_3 : i32
    "tpu.region"() ({
      %run_scoped3A = tpu.sem_alloc : memref<!tpu.dma_semaphore, #tpu.memory_space<semaphore_mem>>
      %dma_start3A_18 = arith.constant 0 : i32
      %dma_start3A_19 = tpu.memref_slice %arg9[%mul3A_4, %dma_start3A_18] : memref<10240x128xf32, #tpu.memory_space<vmem_shared>> -> memref<640x128xf32, #tpu.memory_space<vmem_shared>>
      %dma_start3A_20 = arith.constant 0 : i32
      %dma_start3A_21 = arith.constant 0 : i32
      %dma_start3A_22 = tpu.memref_slice %arg4[%dma_start3A_20, %dma_start3A_21] : memref<640x128xf32, #tpu.memory_space<hbm>> -> memref<640x128xf32, #tpu.memory_space<hbm>>
      tpu.enqueue_dma source(%dma_start3A_22 : memref<640x128xf32, #tpu.memory_space<hbm>>) target(%dma_start3A_19 : memref<640x128xf32, #tpu.memory_space<vmem_shared>>) target_semaphore(%run_scoped3A : memref<!tpu.dma_semaphore, #tpu.memory_space<semaphore_mem>>)
      %dma_wait3A = arith.constant 0 : i32
      %dma_wait3A_23 = tpu.memref_slice %arg9[%mul3A_4, %dma_wait3A] : memref<10240x128xf32, #tpu.memory_space<vmem_shared>> -> memref<640x128xf32, #tpu.memory_space<vmem_shared>>
      %dma_wait3A_24 = arith.constant 0 : i32
      %dma_wait3A_25 = arith.constant 0 : i32
      %dma_wait3A_26 = tpu.memref_slice %arg4[%dma_wait3A_24, %dma_wait3A_25] : memref<640x128xf32, #tpu.memory_space<hbm>> -> memref<640x128xf32, #tpu.memory_space<hbm>>
      tpu.wait_dma2 semaphore(%run_scoped3A : memref<!tpu.dma_semaphore, #tpu.memory_space<semaphore_mem>>) src(%dma_wait3A_26 : memref<640x128xf32, #tpu.memory_space<hbm>>) dst(%dma_wait3A_23 : memref<640x128xf32, #tpu.memory_space<vmem_shared>>)
      tpu.yield
    }) : () -> ()
    %barrier3A = arith.constant 0 : index
    tpu.barrier barrier_id(%barrier3A)
    %dma_start3A = arith.constant 0 : i32
    %dma_start3A_5 = arith.constant 0 : i32
    %dma_start3A_6 = tpu.memref_slice %arg2[%mul3A_2, %dma_start3A, %dma_start3A_5] : memref<2560x128x128xf32, #tpu.memory_space<hbm>> -> memref<1x128x128xf32, #tpu.memory_space<hbm>>
    %dma_start3A_7 = tpu.memref_squeeze %dma_start3A_6 : memref<1x128x128xf32, #tpu.memory_space<hbm>> -> memref<128x128xf32, #tpu.memory_space<hbm>>
    %dma_start3A_8 = arith.constant 0 : i32
    %dma_start3A_9 = arith.constant 0 : i32
    %dma_start3A_10 = tpu.memref_slice %arg2[%mul3A_2, %dma_start3A_8, %dma_start3A_9] : memref<2560x128x128xf32, #tpu.memory_space<hbm>> -> memref<1x128x128xf32, #tpu.memory_space<hbm>>
    %dma_start3A_11 = tpu.memref_squeeze %dma_start3A_10 : memref<1x128x128xf32, #tpu.memory_space<hbm>> -> memref<128x128xf32, #tpu.memory_space<hbm>>
    tpu.enqueue_dma source(%dma_start3A_11 : memref<128x128xf32, #tpu.memory_space<hbm>>) target(%arg7 : memref<128x128xf32, #tpu.memory_space<vmem>>) target_semaphore(%arg10 : memref<!tpu.dma_semaphore, #tpu.memory_space<semaphore_mem>>)
    %scan3A = arith.constant 0 : i32
    %scan3A_12 = arith.constant 0 : i32
    %scan3A_13 = arith.constant 40 : i32
    %scan3A_14 = arith.addi %scan3A_12, %scan3A_13 : i32
    %scan3A_15 = arith.constant 1 : i32
    scf.for %scan3A_18 = %scan3A_12 to %scan3A_14 step %scan3A_15  : i32 {
      %mul3A_19 = arith.constant 2 : i32
      %mul3A_20 = arith.muli %mul3A_19, %scan3A_18 : i32
      %add3A_21 = arith.addi %mul3A_2, %mul3A_20 : i32
      %add3A_22 = arith.constant 1 : i32
      %add3A_23 = arith.addi %add3A_21, %add3A_22 : i32
      %dma_start3A_24 = arith.constant 0 : i32
      %dma_start3A_25 = arith.constant 0 : i32
      %dma_start3A_26 = tpu.memref_slice %arg2[%add3A_23, %dma_start3A_24, %dma_start3A_25] : memref<2560x128x128xf32, #tpu.memory_space<hbm>> -> memref<1x128x128xf32, #tpu.memory_space<hbm>>
      %dma_start3A_27 = tpu.memref_squeeze %dma_start3A_26 : memref<1x128x128xf32, #tpu.memory_space<hbm>> -> memref<128x128xf32, #tpu.memory_space<hbm>>
      %dma_start3A_28 = arith.constant 0 : i32
      %dma_start3A_29 = arith.constant 0 : i32
      %dma_start3A_30 = tpu.memref_slice %arg2[%add3A_23, %dma_start3A_28, %dma_start3A_29] : memref<2560x128x128xf32, #tpu.memory_space<hbm>> -> memref<1x128x128xf32, #tpu.memory_space<hbm>>
      %dma_start3A_31 = tpu.memref_squeeze %dma_start3A_30 : memref<1x128x128xf32, #tpu.memory_space<hbm>> -> memref<128x128xf32, #tpu.memory_space<hbm>>
      tpu.enqueue_dma source(%dma_start3A_31 : memref<128x128xf32, #tpu.memory_space<hbm>>) target(%arg8 : memref<128x128xf32, #tpu.memory_space<vmem>>) target_semaphore(%arg11 : memref<!tpu.dma_semaphore, #tpu.memory_space<semaphore_mem>>)
      %add3A_32 = arith.addi %mul3A_2, %mul3A_20 : i32
      %dma_wait3A = arith.constant 0 : i32
      %dma_wait3A_33 = arith.constant 0 : i32
      %dma_wait3A_34 = tpu.memref_slice %arg2[%add3A_32, %dma_wait3A, %dma_wait3A_33] : memref<2560x128x128xf32, #tpu.memory_space<hbm>> -> memref<1x128x128xf32, #tpu.memory_space<hbm>>
      %dma_wait3A_35 = tpu.memref_squeeze %dma_wait3A_34 : memref<1x128x128xf32, #tpu.memory_space<hbm>> -> memref<128x128xf32, #tpu.memory_space<hbm>>
      %dma_wait3A_36 = arith.constant 0 : i32
      %dma_wait3A_37 = arith.constant 0 : i32
      %dma_wait3A_38 = tpu.memref_slice %arg2[%add3A_32, %dma_wait3A_36, %dma_wait3A_37] : memref<2560x128x128xf32, #tpu.memory_space<hbm>> -> memref<1x128x128xf32, #tpu.memory_space<hbm>>
      %dma_wait3A_39 = tpu.memref_squeeze %dma_wait3A_38 : memref<1x128x128xf32, #tpu.memory_space<hbm>> -> memref<128x128xf32, #tpu.memory_space<hbm>>
      tpu.wait_dma2 semaphore(%arg10 : memref<!tpu.dma_semaphore, #tpu.memory_space<semaphore_mem>>) src(%dma_wait3A_39 : memref<128x128xf32, #tpu.memory_space<hbm>>) dst(%arg7 : memref<128x128xf32, #tpu.memory_space<vmem>>)
      "tpu.region"() ({
        %run_scoped3A = tpu.sem_alloc : memref<!tpu.dma_semaphore, #tpu.memory_space<semaphore_mem>>
        %dma_start3A_55 = arith.constant 0 : i32
        %dma_start3A_56 = tpu.memref_slice %arg6[%mul3A_20, %dma_start3A_55] : memref<80x128xi32, #tpu.memory_space<vmem>> -> memref<1x128xi32, #tpu.memory_space<vmem>>
        %dma_start3A_57 = tpu.memref_squeeze %dma_start3A_56 : memref<1x128xi32, #tpu.memory_space<vmem>> -> memref<128xi32, #tpu.memory_space<vmem>>
        %dma_start3A_58 = arith.constant 0 : i32
        %dma_start3A_59 = arith.constant 0 : i32
        %dma_start3A_60 = tpu.memref_slice %arg9[%dma_start3A_58, %dma_start3A_59] : memref<10240x128xf32, #tpu.memory_space<vmem_shared>> -> memref<10240x128xf32, #tpu.memory_space<vmem_shared>>
        tpu.enqueue_indirect_dma source(%arg7 : memref<128x128xf32, #tpu.memory_space<vmem>>) target(%dma_start3A_60 : memref<10240x128xf32, #tpu.memory_space<vmem_shared>>) offsets(%dma_start3A_57 : memref<128xi32, #tpu.memory_space<vmem>>) semaphore(%run_scoped3A : memref<!tpu.dma_semaphore, #tpu.memory_space<semaphore_mem>>) {add = true}
        %dma_wait3A_61 = arith.constant 0 : i32
        %dma_wait3A_62 = tpu.memref_slice %arg6[%mul3A_20, %dma_wait3A_61] : memref<80x128xi32, #tpu.memory_space<vmem>> -> memref<1x128xi32, #tpu.memory_space<vmem>>
        %dma_wait3A_63 = tpu.memref_squeeze %dma_wait3A_62 : memref<1x128xi32, #tpu.memory_space<vmem>> -> memref<128xi32, #tpu.memory_space<vmem>>
        %dma_wait3A_64 = arith.constant 0 : i32
        %dma_wait3A_65 = arith.constant 0 : i32
        %dma_wait3A_66 = tpu.memref_slice %arg9[%dma_wait3A_64, %dma_wait3A_65] : memref<10240x128xf32, #tpu.memory_space<vmem_shared>> -> memref<10240x128xf32, #tpu.memory_space<vmem_shared>>
        tpu.wait_indirect_dma semaphore(%run_scoped3A : memref<!tpu.dma_semaphore, #tpu.memory_space<semaphore_mem>>) src(%arg7 : memref<128x128xf32, #tpu.memory_space<vmem>>) dst(%dma_wait3A_66 : memref<10240x128xf32, #tpu.memory_space<vmem_shared>>)
        tpu.yield
      }) : () -> ()
      %lt3A = arith.constant 39 : i32
      %lt3A_40 = arith.cmpi slt, %scan3A_18, %lt3A : i32
      %convert_element_type3A = arith.extui %lt3A_40 : i1 to i32
      %cond3A = arith.constant 0 : i32
      %cond3A_41 = arith.cmpi ne, %convert_element_type3A, %cond3A : i32
      scf.if %cond3A_41 {
        %add3A_55 = arith.addi %mul3A_2, %mul3A_20 : i32
        %add3A_56 = arith.constant 2 : i32
        %add3A_57 = arith.addi %add3A_55, %add3A_56 : i32
        %dma_start3A_58 = arith.constant 0 : i32
        %dma_start3A_59 = arith.constant 0 : i32
        %dma_start3A_60 = tpu.memref_slice %arg2[%add3A_57, %dma_start3A_58, %dma_start3A_59] : memref<2560x128x128xf32, #tpu.memory_space<hbm>> -> memref<1x128x128xf32, #tpu.memory_space<hbm>>
        %dma_start3A_61 = tpu.memref_squeeze %dma_start3A_60 : memref<1x128x128xf32, #tpu.memory_space<hbm>> -> memref<128x128xf32, #tpu.memory_space<hbm>>
        %dma_start3A_62 = arith.constant 0 : i32
        %dma_start3A_63 = arith.constant 0 : i32
        %dma_start3A_64 = tpu.memref_slice %arg2[%add3A_57, %dma_start3A_62, %dma_start3A_63] : memref<2560x128x128xf32, #tpu.memory_space<hbm>> -> memref<1x128x128xf32, #tpu.memory_space<hbm>>
        %dma_start3A_65 = tpu.memref_squeeze %dma_start3A_64 : memref<1x128x128xf32, #tpu.memory_space<hbm>> -> memref<128x128xf32, #tpu.memory_space<hbm>>
        tpu.enqueue_dma source(%dma_start3A_65 : memref<128x128xf32, #tpu.memory_space<hbm>>) target(%arg7 : memref<128x128xf32, #tpu.memory_space<vmem>>) target_semaphore(%arg10 : memref<!tpu.dma_semaphore, #tpu.memory_space<semaphore_mem>>)
      } else {
      }
      %add3A_42 = arith.addi %mul3A_2, %mul3A_20 : i32
      %add3A_43 = arith.constant 1 : i32
      %add3A_44 = arith.addi %add3A_42, %add3A_43 : i32
      %dma_wait3A_45 = arith.constant 0 : i32
      %dma_wait3A_46 = arith.constant 0 : i32
      %dma_wait3A_47 = tpu.memref_slice %arg2[%add3A_44, %dma_wait3A_45, %dma_wait3A_46] : memref<2560x128x128xf32, #tpu.memory_space<hbm>> -> memref<1x128x128xf32, #tpu.memory_space<hbm>>
      %dma_wait3A_48 = tpu.memref_squeeze %dma_wait3A_47 : memref<1x128x128xf32, #tpu.memory_space<hbm>> -> memref<128x128xf32, #tpu.memory_space<hbm>>
      %dma_wait3A_49 = arith.constant 0 : i32
      %dma_wait3A_50 = arith.constant 0 : i32
      %dma_wait3A_51 = tpu.memref_slice %arg2[%add3A_44, %dma_wait3A_49, %dma_wait3A_50] : memref<2560x128x128xf32, #tpu.memory_space<hbm>> -> memref<1x128x128xf32, #tpu.memory_space<hbm>>
      %dma_wait3A_52 = tpu.memref_squeeze %dma_wait3A_51 : memref<1x128x128xf32, #tpu.memory_space<hbm>> -> memref<128x128xf32, #tpu.memory_space<hbm>>
      tpu.wait_dma2 semaphore(%arg11 : memref<!tpu.dma_semaphore, #tpu.memory_space<semaphore_mem>>) src(%dma_wait3A_52 : memref<128x128xf32, #tpu.memory_space<hbm>>) dst(%arg8 : memref<128x128xf32, #tpu.memory_space<vmem>>)
      %add3A_53 = arith.constant 1 : i32
      %add3A_54 = arith.addi %mul3A_20, %add3A_53 : i32
      "tpu.region"() ({
        %run_scoped3A = tpu.sem_alloc : memref<!tpu.dma_semaphore, #tpu.memory_space<semaphore_mem>>
        %dma_start3A_55 = arith.constant 0 : i32
        %dma_start3A_56 = tpu.memref_slice %arg6[%add3A_54, %dma_start3A_55] : memref<80x128xi32, #tpu.memory_space<vmem>> -> memref<1x128xi32, #tpu.memory_space<vmem>>
        %dma_start3A_57 = tpu.memref_squeeze %dma_start3A_56 : memref<1x128xi32, #tpu.memory_space<vmem>> -> memref<128xi32, #tpu.memory_space<vmem>>
        %dma_start3A_58 = arith.constant 0 : i32
        %dma_start3A_59 = arith.constant 0 : i32
        %dma_start3A_60 = tpu.memref_slice %arg9[%dma_start3A_58, %dma_start3A_59] : memref<10240x128xf32, #tpu.memory_space<vmem_shared>> -> memref<10240x128xf32, #tpu.memory_space<vmem_shared>>
        tpu.enqueue_indirect_dma source(%arg8 : memref<128x128xf32, #tpu.memory_space<vmem>>) target(%dma_start3A_60 : memref<10240x128xf32, #tpu.memory_space<vmem_shared>>) offsets(%dma_start3A_57 : memref<128xi32, #tpu.memory_space<vmem>>) semaphore(%run_scoped3A : memref<!tpu.dma_semaphore, #tpu.memory_space<semaphore_mem>>) {add = true}
        %dma_wait3A_61 = arith.constant 0 : i32
        %dma_wait3A_62 = tpu.memref_slice %arg6[%add3A_54, %dma_wait3A_61] : memref<80x128xi32, #tpu.memory_space<vmem>> -> memref<1x128xi32, #tpu.memory_space<vmem>>
        %dma_wait3A_63 = tpu.memref_squeeze %dma_wait3A_62 : memref<1x128xi32, #tpu.memory_space<vmem>> -> memref<128xi32, #tpu.memory_space<vmem>>
        %dma_wait3A_64 = arith.constant 0 : i32
        %dma_wait3A_65 = arith.constant 0 : i32
        %dma_wait3A_66 = tpu.memref_slice %arg9[%dma_wait3A_64, %dma_wait3A_65] : memref<10240x128xf32, #tpu.memory_space<vmem_shared>> -> memref<10240x128xf32, #tpu.memory_space<vmem_shared>>
        tpu.wait_indirect_dma semaphore(%run_scoped3A : memref<!tpu.dma_semaphore, #tpu.memory_space<semaphore_mem>>) src(%arg8 : memref<128x128xf32, #tpu.memory_space<vmem>>) dst(%dma_wait3A_66 : memref<10240x128xf32, #tpu.memory_space<vmem_shared>>)
        tpu.yield
      }) : () -> ()
    }
    %scan3A_16 = arith.constant 40 : i32
    %barrier3A_17 = arith.constant 0 : index
    tpu.barrier barrier_id(%barrier3A_17)
    "tpu.region"() ({
      %run_scoped3A = tpu.sem_alloc : memref<!tpu.dma_semaphore, #tpu.memory_space<semaphore_mem>>
      %dma_start3A_18 = arith.constant 0 : i32
      %dma_start3A_19 = tpu.memref_slice %arg5[%arg0, %mul3A_4, %dma_start3A_18] : memref<2x10240x128xf32, #tpu.memory_space<hbm>> -> memref<1x640x128xf32, #tpu.memory_space<hbm>>
      %dma_start3A_20 = tpu.memref_squeeze %dma_start3A_19 : memref<1x640x128xf32, #tpu.memory_space<hbm>> -> memref<640x128xf32, #tpu.memory_space<hbm>>
      %dma_start3A_21 = arith.constant 0 : i32
      %dma_start3A_22 = tpu.memref_slice %arg9[%mul3A_4, %dma_start3A_21] : memref<10240x128xf32, #tpu.memory_space<vmem_shared>> -> memref<640x128xf32, #tpu.memory_space<vmem_shared>>
      tpu.enqueue_dma source(%dma_start3A_22 : memref<640x128xf32, #tpu.memory_space<vmem_shared>>) target(%dma_start3A_20 : memref<640x128xf32, #tpu.memory_space<hbm>>) target_semaphore(%run_scoped3A : memref<!tpu.dma_semaphore, #tpu.memory_space<semaphore_mem>>)
      %dma_wait3A = arith.constant 0 : i32
      %dma_wait3A_23 = tpu.memref_slice %arg5[%arg0, %mul3A_4, %dma_wait3A] : memref<2x10240x128xf32, #tpu.memory_space<hbm>> -> memref<1x640x128xf32, #tpu.memory_space<hbm>>
      %dma_wait3A_24 = tpu.memref_squeeze %dma_wait3A_23 : memref<1x640x128xf32, #tpu.memory_space<hbm>> -> memref<640x128xf32, #tpu.memory_space<hbm>>
      %dma_wait3A_25 = arith.constant 0 : i32
      %dma_wait3A_26 = tpu.memref_slice %arg9[%mul3A_4, %dma_wait3A_25] : memref<10240x128xf32, #tpu.memory_space<vmem_shared>> -> memref<640x128xf32, #tpu.memory_space<vmem_shared>>
      tpu.wait_dma2 semaphore(%run_scoped3A : memref<!tpu.dma_semaphore, #tpu.memory_space<semaphore_mem>>) src(%dma_wait3A_26 : memref<640x128xf32, #tpu.memory_space<vmem_shared>>) dst(%dma_wait3A_24 : memref<640x128xf32, #tpu.memory_space<hbm>>)
      tpu.yield
    }) : () -> ()
    return
  }
}

#map = affine_map<(d0, d1) -> (0, 0)>
#map1 = affine_map<(d0, d1) -> (0, 0, 0)>
module attributes {stable_mosaic.version = 14 : i64} {
  func.func @_gather_body(%arg0: i32, %arg1: i32, %arg2: memref<10240x128xf32, #tpu.memory_space<hbm>>, %arg3: memref<10240x256xf32, #tpu.memory_space<hbm>>, %arg4: memref<2560x128xi32, #tpu.memory_space<hbm>>, %arg5: memref<2560x128xi32, #tpu.memory_space<hbm>>, %arg6: memref<2560x128x128xf32, #tpu.memory_space<hbm>>, %arg7: memref<2560x128x256xf32, #tpu.memory_space<hbm>>, %arg8: memref<80x128xi32, #tpu.memory_space<vmem>>, %arg9: memref<80x128xi32, #tpu.memory_space<vmem>>, %arg10: memref<128x128xf32, #tpu.memory_space<vmem>>, %arg11: memref<128x256xf32, #tpu.memory_space<vmem>>, %arg12: memref<128x128xf32, #tpu.memory_space<vmem>>, %arg13: memref<128x256xf32, #tpu.memory_space<vmem>>, %arg14: memref<!tpu.dma_semaphore, #tpu.memory_space<semaphore_mem>>, %arg15: memref<!tpu.dma_semaphore, #tpu.memory_space<semaphore_mem>>, %arg16: memref<!tpu.dma_semaphore, #tpu.memory_space<semaphore_mem>>, %arg17: memref<!tpu.dma_semaphore, #tpu.memory_space<semaphore_mem>>) attributes {dimension_semantics = [#tpu.dimension_semantics<core_parallel>, #tpu.dimension_semantics<subcore_parallel>], iteration_bounds = array<i64: 2, 16>, scalar_prefetch = 0 : i64, scratch_operands = 10 : i64, tpu.core_type = #tpu.core_type<sc_vector_subcore>, window_params = [{transform_indices = #map}, {transform_indices = #map}, {transform_indices = #map}, {transform_indices = #map}, {transform_indices = #map1}, {transform_indices = #map1}]} {
    %eq3A = arith.constant 0 : i32
    %eq3A_0 = arith.cmpi eq, %arg0, %eq3A : i32
    %mul3A = arith.constant 80 : i32
    %mul3A_1 = arith.muli %arg1, %mul3A : i32
    %mul3A_2 = arith.constant 80 : i32
    %mul3A_3 = arith.muli %arg1, %mul3A_2 : i32
    %add3A = arith.constant 1280 : i32
    %add3A_4 = arith.addi %add3A, %mul3A_3 : i32
    %select_n3A = arith.select %eq3A_0, %mul3A_1, %add3A_4 : i32
    %eq3A_5 = arith.constant 0 : i32
    %eq3A_6 = arith.cmpi eq, %arg0, %eq3A_5 : i32
    %jit3A = arith.constant 80 : i32
    %jit3A_7 = arith.constant 80 : i32
    %select_n3A_8 = arith.select %eq3A_6, %jit3A, %jit3A_7 : i32
    "tpu.region"() ({
      %run_scoped3A = tpu.sem_alloc : memref<!tpu.dma_semaphore, #tpu.memory_space<semaphore_mem>>
      %dma_start3A_49 = arith.constant 0 : i32
      %dma_start3A_50 = tpu.memref_slice %arg5[%select_n3A, %dma_start3A_49] : memref<2560x128xi32, #tpu.memory_space<hbm>> -> memref<80x128xi32, #tpu.memory_space<hbm>>
      %dma_start3A_51 = arith.constant 0 : i32
      %dma_start3A_52 = tpu.memref_slice %arg5[%select_n3A, %dma_start3A_51] : memref<2560x128xi32, #tpu.memory_space<hbm>> -> memref<80x128xi32, #tpu.memory_space<hbm>>
      tpu.enqueue_dma source(%dma_start3A_52 : memref<80x128xi32, #tpu.memory_space<hbm>>) target(%arg9 : memref<80x128xi32, #tpu.memory_space<vmem>>) target_semaphore(%run_scoped3A : memref<!tpu.dma_semaphore, #tpu.memory_space<semaphore_mem>>)
      %dma_wait3A = arith.constant 0 : i32
      %dma_wait3A_53 = tpu.memref_slice %arg5[%select_n3A, %dma_wait3A] : memref<2560x128xi32, #tpu.memory_space<hbm>> -> memref<80x128xi32, #tpu.memory_space<hbm>>
      %dma_wait3A_54 = arith.constant 0 : i32
      %dma_wait3A_55 = tpu.memref_slice %arg5[%select_n3A, %dma_wait3A_54] : memref<2560x128xi32, #tpu.memory_space<hbm>> -> memref<80x128xi32, #tpu.memory_space<hbm>>
      tpu.wait_dma2 semaphore(%run_scoped3A : memref<!tpu.dma_semaphore, #tpu.memory_space<semaphore_mem>>) src(%dma_wait3A_55 : memref<80x128xi32, #tpu.memory_space<hbm>>) dst(%arg9 : memref<80x128xi32, #tpu.memory_space<vmem>>)
      tpu.yield
    }) : () -> ()
    "tpu.region"() ({
      %run_scoped3A = tpu.sem_alloc : memref<!tpu.dma_semaphore, #tpu.memory_space<semaphore_mem>>
      %dma_start3A_49 = arith.constant 0 : i32
      %dma_start3A_50 = tpu.memref_slice %arg4[%select_n3A, %dma_start3A_49] : memref<2560x128xi32, #tpu.memory_space<hbm>> -> memref<80x128xi32, #tpu.memory_space<hbm>>
      %dma_start3A_51 = arith.constant 0 : i32
      %dma_start3A_52 = tpu.memref_slice %arg4[%select_n3A, %dma_start3A_51] : memref<2560x128xi32, #tpu.memory_space<hbm>> -> memref<80x128xi32, #tpu.memory_space<hbm>>
      tpu.enqueue_dma source(%dma_start3A_52 : memref<80x128xi32, #tpu.memory_space<hbm>>) target(%arg8 : memref<80x128xi32, #tpu.memory_space<vmem>>) target_semaphore(%run_scoped3A : memref<!tpu.dma_semaphore, #tpu.memory_space<semaphore_mem>>)
      %dma_wait3A = arith.constant 0 : i32
      %dma_wait3A_53 = tpu.memref_slice %arg4[%select_n3A, %dma_wait3A] : memref<2560x128xi32, #tpu.memory_space<hbm>> -> memref<80x128xi32, #tpu.memory_space<hbm>>
      %dma_wait3A_54 = arith.constant 0 : i32
      %dma_wait3A_55 = tpu.memref_slice %arg4[%select_n3A, %dma_wait3A_54] : memref<2560x128xi32, #tpu.memory_space<hbm>> -> memref<80x128xi32, #tpu.memory_space<hbm>>
      tpu.wait_dma2 semaphore(%run_scoped3A : memref<!tpu.dma_semaphore, #tpu.memory_space<semaphore_mem>>) src(%dma_wait3A_55 : memref<80x128xi32, #tpu.memory_space<hbm>>) dst(%arg8 : memref<80x128xi32, #tpu.memory_space<vmem>>)
      tpu.yield
    }) : () -> ()
    %dma_start3A = arith.constant 0 : i32
    %dma_start3A_9 = arith.constant 0 : i32
    %dma_start3A_10 = tpu.memref_slice %arg9[%dma_start3A, %dma_start3A_9] : memref<80x128xi32, #tpu.memory_space<vmem>> -> memref<1x128xi32, #tpu.memory_space<vmem>>
    %dma_start3A_11 = tpu.memref_squeeze %dma_start3A_10 : memref<1x128xi32, #tpu.memory_space<vmem>> -> memref<128xi32, #tpu.memory_space<vmem>>
    %dma_start3A_12 = arith.constant 0 : i32
    %dma_start3A_13 = arith.constant 0 : i32
    %dma_start3A_14 = tpu.memref_slice %arg2[%dma_start3A_12, %dma_start3A_13] : memref<10240x128xf32, #tpu.memory_space<hbm>> -> memref<10240x128xf32, #tpu.memory_space<hbm>>
    tpu.enqueue_indirect_dma source(%dma_start3A_14 : memref<10240x128xf32, #tpu.memory_space<hbm>>) target(%arg10 : memref<128x128xf32, #tpu.memory_space<vmem>>) offsets(%dma_start3A_11 : memref<128xi32, #tpu.memory_space<vmem>>) semaphore(%arg14 : memref<!tpu.dma_semaphore, #tpu.memory_space<semaphore_mem>>)
    %dma_start3A_15 = arith.constant 0 : i32
    %dma_start3A_16 = arith.constant 0 : i32
    %dma_start3A_17 = tpu.memref_slice %arg8[%dma_start3A_15, %dma_start3A_16] : memref<80x128xi32, #tpu.memory_space<vmem>> -> memref<1x128xi32, #tpu.memory_space<vmem>>
    %dma_start3A_18 = tpu.memref_squeeze %dma_start3A_17 : memref<1x128xi32, #tpu.memory_space<vmem>> -> memref<128xi32, #tpu.memory_space<vmem>>
    %dma_start3A_19 = arith.constant 0 : i32
    %dma_start3A_20 = arith.constant 0 : i32
    %dma_start3A_21 = tpu.memref_slice %arg3[%dma_start3A_19, %dma_start3A_20] : memref<10240x256xf32, #tpu.memory_space<hbm>> -> memref<10240x256xf32, #tpu.memory_space<hbm>>
    tpu.enqueue_indirect_dma source(%dma_start3A_21 : memref<10240x256xf32, #tpu.memory_space<hbm>>) target(%arg11 : memref<128x256xf32, #tpu.memory_space<vmem>>) offsets(%dma_start3A_18 : memref<128xi32, #tpu.memory_space<vmem>>) semaphore(%arg15 : memref<!tpu.dma_semaphore, #tpu.memory_space<semaphore_mem>>)
    %jit3A_22 = arith.constant 2 : i32
    %div3A = arith.divsi %select_n3A_8, %jit3A_22 : i32
    %sign3A = arith.constant 0 : i32
    %sign3A_23 = arith.cmpi sgt, %select_n3A_8, %sign3A : i32
    %sign3A_24 = arith.extui %sign3A_23 : i1 to i32
    %sign3A_25 = arith.constant 0 : i32
    %sign3A_26 = arith.cmpi slt, %select_n3A_8, %sign3A_25 : i32
    %sign3A_27 = arith.extui %sign3A_26 : i1 to i32
    %sign3A_28 = arith.subi %sign3A_24, %sign3A_27 : i32
    %sign3A_29 = arith.constant 0 : i32
    %sign3A_30 = arith.cmpi sgt, %jit3A_22, %sign3A_29 : i32
    %sign3A_31 = arith.extui %sign3A_30 : i1 to i32
    %sign3A_32 = arith.constant 0 : i32
    %sign3A_33 = arith.cmpi slt, %jit3A_22, %sign3A_32 : i32
    %sign3A_34 = arith.extui %sign3A_33 : i1 to i32
    %sign3A_35 = arith.subi %sign3A_31, %sign3A_34 : i32
    %ne3A = arith.cmpi ne, %sign3A_28, %sign3A_35 : i32
    %rem3A = arith.remsi %select_n3A_8, %jit3A_22 : i32
    %ne3A_36 = arith.constant 0 : i32
    %ne3A_37 = arith.cmpi ne, %rem3A, %ne3A_36 : i32
    %and3A = arith.andi %ne3A, %ne3A_37 : i1
    %sub3A = arith.constant 1 : i32
    %sub3A_38 = arith.subi %div3A, %sub3A : i32
    %select_n3A_39 = arith.select %and3A, %sub3A_38, %div3A : i32
    %while3A = arith.constant 0 : i32
    %while3A_40 = arith.constant 0 : i32
    %while3A_41 = arith.subi %select_n3A_39, %while3A_40 : i32
    %while3A_42 = arith.addi %while3A_40, %while3A_41 : i32
    %while3A_43 = arith.constant 1 : i32
    %while3A_44 = arith.divsi %while3A_41, %while3A_43 : i32
    %while3A_45 = arith.muli %while3A_44, %while3A_43 : i32
    %while3A_46 = arith.addi %while3A_40, %while3A_45 : i32
    %while3A_47 = arith.constant 1 : i32
    scf.for %while3A_49 = %while3A_40 to %while3A_46 step %while3A_47  : i32 {
      %mul3A_50 = arith.constant 2 : i32
      %mul3A_51 = arith.muli %mul3A_50, %while3A_49 : i32
      %add3A_52 = arith.constant 1 : i32
      %add3A_53 = arith.addi %mul3A_51, %add3A_52 : i32
      %dma_start3A_54 = arith.constant 0 : i32
      %dma_start3A_55 = tpu.memref_slice %arg9[%add3A_53, %dma_start3A_54] : memref<80x128xi32, #tpu.memory_space<vmem>> -> memref<1x128xi32, #tpu.memory_space<vmem>>
      %dma_start3A_56 = tpu.memref_squeeze %dma_start3A_55 : memref<1x128xi32, #tpu.memory_space<vmem>> -> memref<128xi32, #tpu.memory_space<vmem>>
      %dma_start3A_57 = arith.constant 0 : i32
      %dma_start3A_58 = arith.constant 0 : i32
      %dma_start3A_59 = tpu.memref_slice %arg2[%dma_start3A_57, %dma_start3A_58] : memref<10240x128xf32, #tpu.memory_space<hbm>> -> memref<10240x128xf32, #tpu.memory_space<hbm>>
      tpu.enqueue_indirect_dma source(%dma_start3A_59 : memref<10240x128xf32, #tpu.memory_space<hbm>>) target(%arg12 : memref<128x128xf32, #tpu.memory_space<vmem>>) offsets(%dma_start3A_56 : memref<128xi32, #tpu.memory_space<vmem>>) semaphore(%arg16 : memref<!tpu.dma_semaphore, #tpu.memory_space<semaphore_mem>>)
      %dma_start3A_60 = arith.constant 0 : i32
      %dma_start3A_61 = tpu.memref_slice %arg8[%add3A_53, %dma_start3A_60] : memref<80x128xi32, #tpu.memory_space<vmem>> -> memref<1x128xi32, #tpu.memory_space<vmem>>
      %dma_start3A_62 = tpu.memref_squeeze %dma_start3A_61 : memref<1x128xi32, #tpu.memory_space<vmem>> -> memref<128xi32, #tpu.memory_space<vmem>>
      %dma_start3A_63 = arith.constant 0 : i32
      %dma_start3A_64 = arith.constant 0 : i32
      %dma_start3A_65 = tpu.memref_slice %arg3[%dma_start3A_63, %dma_start3A_64] : memref<10240x256xf32, #tpu.memory_space<hbm>> -> memref<10240x256xf32, #tpu.memory_space<hbm>>
      tpu.enqueue_indirect_dma source(%dma_start3A_65 : memref<10240x256xf32, #tpu.memory_space<hbm>>) target(%arg13 : memref<128x256xf32, #tpu.memory_space<vmem>>) offsets(%dma_start3A_62 : memref<128xi32, #tpu.memory_space<vmem>>) semaphore(%arg17 : memref<!tpu.dma_semaphore, #tpu.memory_space<semaphore_mem>>)
      %dma_wait3A = arith.constant 0 : i32
      %dma_wait3A_66 = tpu.memref_slice %arg9[%mul3A_51, %dma_wait3A] : memref<80x128xi32, #tpu.memory_space<vmem>> -> memref<1x128xi32, #tpu.memory_space<vmem>>
      %dma_wait3A_67 = tpu.memref_squeeze %dma_wait3A_66 : memref<1x128xi32, #tpu.memory_space<vmem>> -> memref<128xi32, #tpu.memory_space<vmem>>
      %dma_wait3A_68 = arith.constant 0 : i32
      %dma_wait3A_69 = arith.constant 0 : i32
      %dma_wait3A_70 = tpu.memref_slice %arg2[%dma_wait3A_68, %dma_wait3A_69] : memref<10240x128xf32, #tpu.memory_space<hbm>> -> memref<10240x128xf32, #tpu.memory_space<hbm>>
      tpu.wait_indirect_dma semaphore(%arg14 : memref<!tpu.dma_semaphore, #tpu.memory_space<semaphore_mem>>) src(%dma_wait3A_70 : memref<10240x128xf32, #tpu.memory_space<hbm>>) dst(%arg10 : memref<128x128xf32, #tpu.memory_space<vmem>>)
      %dma_wait3A_71 = arith.constant 0 : i32
      %dma_wait3A_72 = tpu.memref_slice %arg8[%mul3A_51, %dma_wait3A_71] : memref<80x128xi32, #tpu.memory_space<vmem>> -> memref<1x128xi32, #tpu.memory_space<vmem>>
      %dma_wait3A_73 = tpu.memref_squeeze %dma_wait3A_72 : memref<1x128xi32, #tpu.memory_space<vmem>> -> memref<128xi32, #tpu.memory_space<vmem>>
      %dma_wait3A_74 = arith.constant 0 : i32
      %dma_wait3A_75 = arith.constant 0 : i32
      %dma_wait3A_76 = tpu.memref_slice %arg3[%dma_wait3A_74, %dma_wait3A_75] : memref<10240x256xf32, #tpu.memory_space<hbm>> -> memref<10240x256xf32, #tpu.memory_space<hbm>>
      tpu.wait_indirect_dma semaphore(%arg15 : memref<!tpu.dma_semaphore, #tpu.memory_space<semaphore_mem>>) src(%dma_wait3A_76 : memref<10240x256xf32, #tpu.memory_space<hbm>>) dst(%arg11 : memref<128x256xf32, #tpu.memory_space<vmem>>)
      %add3A_77 = arith.addi %select_n3A, %mul3A_51 : i32
      "tpu.region"() ({
        %run_scoped3A = tpu.sem_alloc : memref<!tpu.dma_semaphore, #tpu.memory_space<semaphore_mem>>
        %dma_start3A_124 = arith.constant 0 : i32
        %dma_start3A_125 = arith.constant 0 : i32
        %dma_start3A_126 = tpu.memref_slice %arg6[%add3A_77, %dma_start3A_124, %dma_start3A_125] : memref<2560x128x128xf32, #tpu.memory_space<hbm>> -> memref<1x128x128xf32, #tpu.memory_space<hbm>>
        %dma_start3A_127 = tpu.memref_squeeze %dma_start3A_126 : memref<1x128x128xf32, #tpu.memory_space<hbm>> -> memref<128x128xf32, #tpu.memory_space<hbm>>
        %dma_start3A_128 = arith.constant 0 : i32
        %dma_start3A_129 = arith.constant 0 : i32
        %dma_start3A_130 = tpu.memref_slice %arg6[%add3A_77, %dma_start3A_128, %dma_start3A_129] : memref<2560x128x128xf32, #tpu.memory_space<hbm>> -> memref<1x128x128xf32, #tpu.memory_space<hbm>>
        %dma_start3A_131 = tpu.memref_squeeze %dma_start3A_130 : memref<1x128x128xf32, #tpu.memory_space<hbm>> -> memref<128x128xf32, #tpu.memory_space<hbm>>
        tpu.enqueue_dma source(%arg10 : memref<128x128xf32, #tpu.memory_space<vmem>>) target(%dma_start3A_131 : memref<128x128xf32, #tpu.memory_space<hbm>>) target_semaphore(%run_scoped3A : memref<!tpu.dma_semaphore, #tpu.memory_space<semaphore_mem>>)
        %dma_wait3A_132 = arith.constant 0 : i32
        %dma_wait3A_133 = arith.constant 0 : i32
        %dma_wait3A_134 = tpu.memref_slice %arg6[%add3A_77, %dma_wait3A_132, %dma_wait3A_133] : memref<2560x128x128xf32, #tpu.memory_space<hbm>> -> memref<1x128x128xf32, #tpu.memory_space<hbm>>
        %dma_wait3A_135 = tpu.memref_squeeze %dma_wait3A_134 : memref<1x128x128xf32, #tpu.memory_space<hbm>> -> memref<128x128xf32, #tpu.memory_space<hbm>>
        %dma_wait3A_136 = arith.constant 0 : i32
        %dma_wait3A_137 = arith.constant 0 : i32
        %dma_wait3A_138 = tpu.memref_slice %arg6[%add3A_77, %dma_wait3A_136, %dma_wait3A_137] : memref<2560x128x128xf32, #tpu.memory_space<hbm>> -> memref<1x128x128xf32, #tpu.memory_space<hbm>>
        %dma_wait3A_139 = tpu.memref_squeeze %dma_wait3A_138 : memref<1x128x128xf32, #tpu.memory_space<hbm>> -> memref<128x128xf32, #tpu.memory_space<hbm>>
        tpu.wait_dma2 semaphore(%run_scoped3A : memref<!tpu.dma_semaphore, #tpu.memory_space<semaphore_mem>>) src(%arg10 : memref<128x128xf32, #tpu.memory_space<vmem>>) dst(%dma_wait3A_139 : memref<128x128xf32, #tpu.memory_space<hbm>>)
        tpu.yield
      }) : () -> ()
      %add3A_78 = arith.addi %select_n3A, %mul3A_51 : i32
      "tpu.region"() ({
        %run_scoped3A = tpu.sem_alloc : memref<!tpu.dma_semaphore, #tpu.memory_space<semaphore_mem>>
        %dma_start3A_124 = arith.constant 0 : i32
        %dma_start3A_125 = arith.constant 0 : i32
        %dma_start3A_126 = tpu.memref_slice %arg7[%add3A_78, %dma_start3A_124, %dma_start3A_125] : memref<2560x128x256xf32, #tpu.memory_space<hbm>> -> memref<1x128x256xf32, #tpu.memory_space<hbm>>
        %dma_start3A_127 = tpu.memref_squeeze %dma_start3A_126 : memref<1x128x256xf32, #tpu.memory_space<hbm>> -> memref<128x256xf32, #tpu.memory_space<hbm>>
        %dma_start3A_128 = arith.constant 0 : i32
        %dma_start3A_129 = arith.constant 0 : i32
        %dma_start3A_130 = tpu.memref_slice %arg7[%add3A_78, %dma_start3A_128, %dma_start3A_129] : memref<2560x128x256xf32, #tpu.memory_space<hbm>> -> memref<1x128x256xf32, #tpu.memory_space<hbm>>
        %dma_start3A_131 = tpu.memref_squeeze %dma_start3A_130 : memref<1x128x256xf32, #tpu.memory_space<hbm>> -> memref<128x256xf32, #tpu.memory_space<hbm>>
        tpu.enqueue_dma source(%arg11 : memref<128x256xf32, #tpu.memory_space<vmem>>) target(%dma_start3A_131 : memref<128x256xf32, #tpu.memory_space<hbm>>) target_semaphore(%run_scoped3A : memref<!tpu.dma_semaphore, #tpu.memory_space<semaphore_mem>>)
        %dma_wait3A_132 = arith.constant 0 : i32
        %dma_wait3A_133 = arith.constant 0 : i32
        %dma_wait3A_134 = tpu.memref_slice %arg7[%add3A_78, %dma_wait3A_132, %dma_wait3A_133] : memref<2560x128x256xf32, #tpu.memory_space<hbm>> -> memref<1x128x256xf32, #tpu.memory_space<hbm>>
        %dma_wait3A_135 = tpu.memref_squeeze %dma_wait3A_134 : memref<1x128x256xf32, #tpu.memory_space<hbm>> -> memref<128x256xf32, #tpu.memory_space<hbm>>
        %dma_wait3A_136 = arith.constant 0 : i32
        %dma_wait3A_137 = arith.constant 0 : i32
        %dma_wait3A_138 = tpu.memref_slice %arg7[%add3A_78, %dma_wait3A_136, %dma_wait3A_137] : memref<2560x128x256xf32, #tpu.memory_space<hbm>> -> memref<1x128x256xf32, #tpu.memory_space<hbm>>
        %dma_wait3A_139 = tpu.memref_squeeze %dma_wait3A_138 : memref<1x128x256xf32, #tpu.memory_space<hbm>> -> memref<128x256xf32, #tpu.memory_space<hbm>>
        tpu.wait_dma2 semaphore(%run_scoped3A : memref<!tpu.dma_semaphore, #tpu.memory_space<semaphore_mem>>) src(%arg11 : memref<128x256xf32, #tpu.memory_space<vmem>>) dst(%dma_wait3A_139 : memref<128x256xf32, #tpu.memory_space<hbm>>)
        tpu.yield
      }) : () -> ()
      %jit3A_79 = arith.constant 2 : i32
      %div3A_80 = arith.divsi %select_n3A_8, %jit3A_79 : i32
      %sign3A_81 = arith.constant 0 : i32
      %sign3A_82 = arith.cmpi sgt, %select_n3A_8, %sign3A_81 : i32
      %sign3A_83 = arith.extui %sign3A_82 : i1 to i32
      %sign3A_84 = arith.constant 0 : i32
      %sign3A_85 = arith.cmpi slt, %select_n3A_8, %sign3A_84 : i32
      %sign3A_86 = arith.extui %sign3A_85 : i1 to i32
      %sign3A_87 = arith.subi %sign3A_83, %sign3A_86 : i32
      %sign3A_88 = arith.constant 0 : i32
      %sign3A_89 = arith.cmpi sgt, %jit3A_79, %sign3A_88 : i32
      %sign3A_90 = arith.extui %sign3A_89 : i1 to i32
      %sign3A_91 = arith.constant 0 : i32
      %sign3A_92 = arith.cmpi slt, %jit3A_79, %sign3A_91 : i32
      %sign3A_93 = arith.extui %sign3A_92 : i1 to i32
      %sign3A_94 = arith.subi %sign3A_90, %sign3A_93 : i32
      %ne3A_95 = arith.cmpi ne, %sign3A_87, %sign3A_94 : i32
      %rem3A_96 = arith.remsi %select_n3A_8, %jit3A_79 : i32
      %ne3A_97 = arith.constant 0 : i32
      %ne3A_98 = arith.cmpi ne, %rem3A_96, %ne3A_97 : i32
      %and3A_99 = arith.andi %ne3A_95, %ne3A_98 : i1
      %sub3A_100 = arith.constant 1 : i32
      %sub3A_101 = arith.subi %div3A_80, %sub3A_100 : i32
      %select_n3A_102 = arith.select %and3A_99, %sub3A_101, %div3A_80 : i32
      %sub3A_103 = arith.constant 1 : i32
      %sub3A_104 = arith.subi %select_n3A_102, %sub3A_103 : i32
      %lt3A = arith.cmpi slt, %while3A_49, %sub3A_104 : i32
      %convert_element_type3A = arith.extui %lt3A : i1 to i32
      %cond3A = arith.constant 0 : i32
      %cond3A_105 = arith.cmpi ne, %convert_element_type3A, %cond3A : i32
      scf.if %cond3A_105 {
        %add3A_124 = arith.constant 2 : i32
        %add3A_125 = arith.addi %mul3A_51, %add3A_124 : i32
        %dma_start3A_126 = arith.constant 0 : i32
        %dma_start3A_127 = tpu.memref_slice %arg9[%add3A_125, %dma_start3A_126] : memref<80x128xi32, #tpu.memory_space<vmem>> -> memref<1x128xi32, #tpu.memory_space<vmem>>
        %dma_start3A_128 = tpu.memref_squeeze %dma_start3A_127 : memref<1x128xi32, #tpu.memory_space<vmem>> -> memref<128xi32, #tpu.memory_space<vmem>>
        %dma_start3A_129 = arith.constant 0 : i32
        %dma_start3A_130 = arith.constant 0 : i32
        %dma_start3A_131 = tpu.memref_slice %arg2[%dma_start3A_129, %dma_start3A_130] : memref<10240x128xf32, #tpu.memory_space<hbm>> -> memref<10240x128xf32, #tpu.memory_space<hbm>>
        tpu.enqueue_indirect_dma source(%dma_start3A_131 : memref<10240x128xf32, #tpu.memory_space<hbm>>) target(%arg10 : memref<128x128xf32, #tpu.memory_space<vmem>>) offsets(%dma_start3A_128 : memref<128xi32, #tpu.memory_space<vmem>>) semaphore(%arg14 : memref<!tpu.dma_semaphore, #tpu.memory_space<semaphore_mem>>)
        %dma_start3A_132 = arith.constant 0 : i32
        %dma_start3A_133 = tpu.memref_slice %arg8[%add3A_125, %dma_start3A_132] : memref<80x128xi32, #tpu.memory_space<vmem>> -> memref<1x128xi32, #tpu.memory_space<vmem>>
        %dma_start3A_134 = tpu.memref_squeeze %dma_start3A_133 : memref<1x128xi32, #tpu.memory_space<vmem>> -> memref<128xi32, #tpu.memory_space<vmem>>
        %dma_start3A_135 = arith.constant 0 : i32
        %dma_start3A_136 = arith.constant 0 : i32
        %dma_start3A_137 = tpu.memref_slice %arg3[%dma_start3A_135, %dma_start3A_136] : memref<10240x256xf32, #tpu.memory_space<hbm>> -> memref<10240x256xf32, #tpu.memory_space<hbm>>
        tpu.enqueue_indirect_dma source(%dma_start3A_137 : memref<10240x256xf32, #tpu.memory_space<hbm>>) target(%arg11 : memref<128x256xf32, #tpu.memory_space<vmem>>) offsets(%dma_start3A_134 : memref<128xi32, #tpu.memory_space<vmem>>) semaphore(%arg15 : memref<!tpu.dma_semaphore, #tpu.memory_space<semaphore_mem>>)
      } else {
      }
      %add3A_106 = arith.constant 1 : i32
      %add3A_107 = arith.addi %mul3A_51, %add3A_106 : i32
      %dma_wait3A_108 = arith.constant 0 : i32
      %dma_wait3A_109 = tpu.memref_slice %arg9[%add3A_107, %dma_wait3A_108] : memref<80x128xi32, #tpu.memory_space<vmem>> -> memref<1x128xi32, #tpu.memory_space<vmem>>
      %dma_wait3A_110 = tpu.memref_squeeze %dma_wait3A_109 : memref<1x128xi32, #tpu.memory_space<vmem>> -> memref<128xi32, #tpu.memory_space<vmem>>
      %dma_wait3A_111 = arith.constant 0 : i32
      %dma_wait3A_112 = arith.constant 0 : i32
      %dma_wait3A_113 = tpu.memref_slice %arg2[%dma_wait3A_111, %dma_wait3A_112] : memref<10240x128xf32, #tpu.memory_space<hbm>> -> memref<10240x128xf32, #tpu.memory_space<hbm>>
      tpu.wait_indirect_dma semaphore(%arg16 : memref<!tpu.dma_semaphore, #tpu.memory_space<semaphore_mem>>) src(%dma_wait3A_113 : memref<10240x128xf32, #tpu.memory_space<hbm>>) dst(%arg12 : memref<128x128xf32, #tpu.memory_space<vmem>>)
      %dma_wait3A_114 = arith.constant 0 : i32
      %dma_wait3A_115 = tpu.memref_slice %arg8[%add3A_107, %dma_wait3A_114] : memref<80x128xi32, #tpu.memory_space<vmem>> -> memref<1x128xi32, #tpu.memory_space<vmem>>
      %dma_wait3A_116 = tpu.memref_squeeze %dma_wait3A_115 : memref<1x128xi32, #tpu.memory_space<vmem>> -> memref<128xi32, #tpu.memory_space<vmem>>
      %dma_wait3A_117 = arith.constant 0 : i32
      %dma_wait3A_118 = arith.constant 0 : i32
      %dma_wait3A_119 = tpu.memref_slice %arg3[%dma_wait3A_117, %dma_wait3A_118] : memref<10240x256xf32, #tpu.memory_space<hbm>> -> memref<10240x256xf32, #tpu.memory_space<hbm>>
      tpu.wait_indirect_dma semaphore(%arg17 : memref<!tpu.dma_semaphore, #tpu.memory_space<semaphore_mem>>) src(%dma_wait3A_119 : memref<10240x256xf32, #tpu.memory_space<hbm>>) dst(%arg13 : memref<128x256xf32, #tpu.memory_space<vmem>>)
      %add3A_120 = arith.constant 1 : i32
      %add3A_121 = arith.addi %mul3A_51, %add3A_120 : i32
      %add3A_122 = arith.addi %select_n3A, %add3A_121 : i32
      "tpu.region"() ({
        %run_scoped3A = tpu.sem_alloc : memref<!tpu.dma_semaphore, #tpu.memory_space<semaphore_mem>>
        %dma_start3A_124 = arith.constant 0 : i32
        %dma_start3A_125 = arith.constant 0 : i32
        %dma_start3A_126 = tpu.memref_slice %arg6[%add3A_122, %dma_start3A_124, %dma_start3A_125] : memref<2560x128x128xf32, #tpu.memory_space<hbm>> -> memref<1x128x128xf32, #tpu.memory_space<hbm>>
        %dma_start3A_127 = tpu.memref_squeeze %dma_start3A_126 : memref<1x128x128xf32, #tpu.memory_space<hbm>> -> memref<128x128xf32, #tpu.memory_space<hbm>>
        %dma_start3A_128 = arith.constant 0 : i32
        %dma_start3A_129 = arith.constant 0 : i32
        %dma_start3A_130 = tpu.memref_slice %arg6[%add3A_122, %dma_start3A_128, %dma_start3A_129] : memref<2560x128x128xf32, #tpu.memory_space<hbm>> -> memref<1x128x128xf32, #tpu.memory_space<hbm>>
        %dma_start3A_131 = tpu.memref_squeeze %dma_start3A_130 : memref<1x128x128xf32, #tpu.memory_space<hbm>> -> memref<128x128xf32, #tpu.memory_space<hbm>>
        tpu.enqueue_dma source(%arg12 : memref<128x128xf32, #tpu.memory_space<vmem>>) target(%dma_start3A_131 : memref<128x128xf32, #tpu.memory_space<hbm>>) target_semaphore(%run_scoped3A : memref<!tpu.dma_semaphore, #tpu.memory_space<semaphore_mem>>)
        %dma_wait3A_132 = arith.constant 0 : i32
        %dma_wait3A_133 = arith.constant 0 : i32
        %dma_wait3A_134 = tpu.memref_slice %arg6[%add3A_122, %dma_wait3A_132, %dma_wait3A_133] : memref<2560x128x128xf32, #tpu.memory_space<hbm>> -> memref<1x128x128xf32, #tpu.memory_space<hbm>>
        %dma_wait3A_135 = tpu.memref_squeeze %dma_wait3A_134 : memref<1x128x128xf32, #tpu.memory_space<hbm>> -> memref<128x128xf32, #tpu.memory_space<hbm>>
        %dma_wait3A_136 = arith.constant 0 : i32
        %dma_wait3A_137 = arith.constant 0 : i32
        %dma_wait3A_138 = tpu.memref_slice %arg6[%add3A_122, %dma_wait3A_136, %dma_wait3A_137] : memref<2560x128x128xf32, #tpu.memory_space<hbm>> -> memref<1x128x128xf32, #tpu.memory_space<hbm>>
        %dma_wait3A_139 = tpu.memref_squeeze %dma_wait3A_138 : memref<1x128x128xf32, #tpu.memory_space<hbm>> -> memref<128x128xf32, #tpu.memory_space<hbm>>
        tpu.wait_dma2 semaphore(%run_scoped3A : memref<!tpu.dma_semaphore, #tpu.memory_space<semaphore_mem>>) src(%arg12 : memref<128x128xf32, #tpu.memory_space<vmem>>) dst(%dma_wait3A_139 : memref<128x128xf32, #tpu.memory_space<hbm>>)
        tpu.yield
      }) : () -> ()
      %add3A_123 = arith.addi %select_n3A, %add3A_121 : i32
      "tpu.region"() ({
        %run_scoped3A = tpu.sem_alloc : memref<!tpu.dma_semaphore, #tpu.memory_space<semaphore_mem>>
        %dma_start3A_124 = arith.constant 0 : i32
        %dma_start3A_125 = arith.constant 0 : i32
        %dma_start3A_126 = tpu.memref_slice %arg7[%add3A_123, %dma_start3A_124, %dma_start3A_125] : memref<2560x128x256xf32, #tpu.memory_space<hbm>> -> memref<1x128x256xf32, #tpu.memory_space<hbm>>
        %dma_start3A_127 = tpu.memref_squeeze %dma_start3A_126 : memref<1x128x256xf32, #tpu.memory_space<hbm>> -> memref<128x256xf32, #tpu.memory_space<hbm>>
        %dma_start3A_128 = arith.constant 0 : i32
        %dma_start3A_129 = arith.constant 0 : i32
        %dma_start3A_130 = tpu.memref_slice %arg7[%add3A_123, %dma_start3A_128, %dma_start3A_129] : memref<2560x128x256xf32, #tpu.memory_space<hbm>> -> memref<1x128x256xf32, #tpu.memory_space<hbm>>
        %dma_start3A_131 = tpu.memref_squeeze %dma_start3A_130 : memref<1x128x256xf32, #tpu.memory_space<hbm>> -> memref<128x256xf32, #tpu.memory_space<hbm>>
        tpu.enqueue_dma source(%arg13 : memref<128x256xf32, #tpu.memory_space<vmem>>) target(%dma_start3A_131 : memref<128x256xf32, #tpu.memory_space<hbm>>) target_semaphore(%run_scoped3A : memref<!tpu.dma_semaphore, #tpu.memory_space<semaphore_mem>>)
        %dma_wait3A_132 = arith.constant 0 : i32
        %dma_wait3A_133 = arith.constant 0 : i32
        %dma_wait3A_134 = tpu.memref_slice %arg7[%add3A_123, %dma_wait3A_132, %dma_wait3A_133] : memref<2560x128x256xf32, #tpu.memory_space<hbm>> -> memref<1x128x256xf32, #tpu.memory_space<hbm>>
        %dma_wait3A_135 = tpu.memref_squeeze %dma_wait3A_134 : memref<1x128x256xf32, #tpu.memory_space<hbm>> -> memref<128x256xf32, #tpu.memory_space<hbm>>
        %dma_wait3A_136 = arith.constant 0 : i32
        %dma_wait3A_137 = arith.constant 0 : i32
        %dma_wait3A_138 = tpu.memref_slice %arg7[%add3A_123, %dma_wait3A_136, %dma_wait3A_137] : memref<2560x128x256xf32, #tpu.memory_space<hbm>> -> memref<1x128x256xf32, #tpu.memory_space<hbm>>
        %dma_wait3A_139 = tpu.memref_squeeze %dma_wait3A_138 : memref<1x128x256xf32, #tpu.memory_space<hbm>> -> memref<128x256xf32, #tpu.memory_space<hbm>>
        tpu.wait_dma2 semaphore(%run_scoped3A : memref<!tpu.dma_semaphore, #tpu.memory_space<semaphore_mem>>) src(%arg13 : memref<128x256xf32, #tpu.memory_space<vmem>>) dst(%dma_wait3A_139 : memref<128x256xf32, #tpu.memory_space<hbm>>)
        tpu.yield
      }) : () -> ()
    }
    %while3A_48 = arith.constant 1 : i32
    scf.for %while3A_49 = %while3A_46 to %while3A_42 step %while3A_48  : i32 {
      %mul3A_50 = arith.constant 2 : i32
      %mul3A_51 = arith.muli %mul3A_50, %while3A_49 : i32
      %add3A_52 = arith.constant 1 : i32
      %add3A_53 = arith.addi %mul3A_51, %add3A_52 : i32
      %dma_start3A_54 = arith.constant 0 : i32
      %dma_start3A_55 = tpu.memref_slice %arg9[%add3A_53, %dma_start3A_54] : memref<80x128xi32, #tpu.memory_space<vmem>> -> memref<1x128xi32, #tpu.memory_space<vmem>>
      %dma_start3A_56 = tpu.memref_squeeze %dma_start3A_55 : memref<1x128xi32, #tpu.memory_space<vmem>> -> memref<128xi32, #tpu.memory_space<vmem>>
      %dma_start3A_57 = arith.constant 0 : i32
      %dma_start3A_58 = arith.constant 0 : i32
      %dma_start3A_59 = tpu.memref_slice %arg2[%dma_start3A_57, %dma_start3A_58] : memref<10240x128xf32, #tpu.memory_space<hbm>> -> memref<10240x128xf32, #tpu.memory_space<hbm>>
      tpu.enqueue_indirect_dma source(%dma_start3A_59 : memref<10240x128xf32, #tpu.memory_space<hbm>>) target(%arg12 : memref<128x128xf32, #tpu.memory_space<vmem>>) offsets(%dma_start3A_56 : memref<128xi32, #tpu.memory_space<vmem>>) semaphore(%arg16 : memref<!tpu.dma_semaphore, #tpu.memory_space<semaphore_mem>>)
      %dma_start3A_60 = arith.constant 0 : i32
      %dma_start3A_61 = tpu.memref_slice %arg8[%add3A_53, %dma_start3A_60] : memref<80x128xi32, #tpu.memory_space<vmem>> -> memref<1x128xi32, #tpu.memory_space<vmem>>
      %dma_start3A_62 = tpu.memref_squeeze %dma_start3A_61 : memref<1x128xi32, #tpu.memory_space<vmem>> -> memref<128xi32, #tpu.memory_space<vmem>>
      %dma_start3A_63 = arith.constant 0 : i32
      %dma_start3A_64 = arith.constant 0 : i32
      %dma_start3A_65 = tpu.memref_slice %arg3[%dma_start3A_63, %dma_start3A_64] : memref<10240x256xf32, #tpu.memory_space<hbm>> -> memref<10240x256xf32, #tpu.memory_space<hbm>>
      tpu.enqueue_indirect_dma source(%dma_start3A_65 : memref<10240x256xf32, #tpu.memory_space<hbm>>) target(%arg13 : memref<128x256xf32, #tpu.memory_space<vmem>>) offsets(%dma_start3A_62 : memref<128xi32, #tpu.memory_space<vmem>>) semaphore(%arg17 : memref<!tpu.dma_semaphore, #tpu.memory_space<semaphore_mem>>)
      %dma_wait3A = arith.constant 0 : i32
      %dma_wait3A_66 = tpu.memref_slice %arg9[%mul3A_51, %dma_wait3A] : memref<80x128xi32, #tpu.memory_space<vmem>> -> memref<1x128xi32, #tpu.memory_space<vmem>>
      %dma_wait3A_67 = tpu.memref_squeeze %dma_wait3A_66 : memref<1x128xi32, #tpu.memory_space<vmem>> -> memref<128xi32, #tpu.memory_space<vmem>>
      %dma_wait3A_68 = arith.constant 0 : i32
      %dma_wait3A_69 = arith.constant 0 : i32
      %dma_wait3A_70 = tpu.memref_slice %arg2[%dma_wait3A_68, %dma_wait3A_69] : memref<10240x128xf32, #tpu.memory_space<hbm>> -> memref<10240x128xf32, #tpu.memory_space<hbm>>
      tpu.wait_indirect_dma semaphore(%arg14 : memref<!tpu.dma_semaphore, #tpu.memory_space<semaphore_mem>>) src(%dma_wait3A_70 : memref<10240x128xf32, #tpu.memory_space<hbm>>) dst(%arg10 : memref<128x128xf32, #tpu.memory_space<vmem>>)
      %dma_wait3A_71 = arith.constant 0 : i32
      %dma_wait3A_72 = tpu.memref_slice %arg8[%mul3A_51, %dma_wait3A_71] : memref<80x128xi32, #tpu.memory_space<vmem>> -> memref<1x128xi32, #tpu.memory_space<vmem>>
      %dma_wait3A_73 = tpu.memref_squeeze %dma_wait3A_72 : memref<1x128xi32, #tpu.memory_space<vmem>> -> memref<128xi32, #tpu.memory_space<vmem>>
      %dma_wait3A_74 = arith.constant 0 : i32
      %dma_wait3A_75 = arith.constant 0 : i32
      %dma_wait3A_76 = tpu.memref_slice %arg3[%dma_wait3A_74, %dma_wait3A_75] : memref<10240x256xf32, #tpu.memory_space<hbm>> -> memref<10240x256xf32, #tpu.memory_space<hbm>>
      tpu.wait_indirect_dma semaphore(%arg15 : memref<!tpu.dma_semaphore, #tpu.memory_space<semaphore_mem>>) src(%dma_wait3A_76 : memref<10240x256xf32, #tpu.memory_space<hbm>>) dst(%arg11 : memref<128x256xf32, #tpu.memory_space<vmem>>)
      %add3A_77 = arith.addi %select_n3A, %mul3A_51 : i32
      "tpu.region"() ({
        %run_scoped3A = tpu.sem_alloc : memref<!tpu.dma_semaphore, #tpu.memory_space<semaphore_mem>>
        %dma_start3A_124 = arith.constant 0 : i32
        %dma_start3A_125 = arith.constant 0 : i32
        %dma_start3A_126 = tpu.memref_slice %arg6[%add3A_77, %dma_start3A_124, %dma_start3A_125] : memref<2560x128x128xf32, #tpu.memory_space<hbm>> -> memref<1x128x128xf32, #tpu.memory_space<hbm>>
        %dma_start3A_127 = tpu.memref_squeeze %dma_start3A_126 : memref<1x128x128xf32, #tpu.memory_space<hbm>> -> memref<128x128xf32, #tpu.memory_space<hbm>>
        %dma_start3A_128 = arith.constant 0 : i32
        %dma_start3A_129 = arith.constant 0 : i32
        %dma_start3A_130 = tpu.memref_slice %arg6[%add3A_77, %dma_start3A_128, %dma_start3A_129] : memref<2560x128x128xf32, #tpu.memory_space<hbm>> -> memref<1x128x128xf32, #tpu.memory_space<hbm>>
        %dma_start3A_131 = tpu.memref_squeeze %dma_start3A_130 : memref<1x128x128xf32, #tpu.memory_space<hbm>> -> memref<128x128xf32, #tpu.memory_space<hbm>>
        tpu.enqueue_dma source(%arg10 : memref<128x128xf32, #tpu.memory_space<vmem>>) target(%dma_start3A_131 : memref<128x128xf32, #tpu.memory_space<hbm>>) target_semaphore(%run_scoped3A : memref<!tpu.dma_semaphore, #tpu.memory_space<semaphore_mem>>)
        %dma_wait3A_132 = arith.constant 0 : i32
        %dma_wait3A_133 = arith.constant 0 : i32
        %dma_wait3A_134 = tpu.memref_slice %arg6[%add3A_77, %dma_wait3A_132, %dma_wait3A_133] : memref<2560x128x128xf32, #tpu.memory_space<hbm>> -> memref<1x128x128xf32, #tpu.memory_space<hbm>>
        %dma_wait3A_135 = tpu.memref_squeeze %dma_wait3A_134 : memref<1x128x128xf32, #tpu.memory_space<hbm>> -> memref<128x128xf32, #tpu.memory_space<hbm>>
        %dma_wait3A_136 = arith.constant 0 : i32
        %dma_wait3A_137 = arith.constant 0 : i32
        %dma_wait3A_138 = tpu.memref_slice %arg6[%add3A_77, %dma_wait3A_136, %dma_wait3A_137] : memref<2560x128x128xf32, #tpu.memory_space<hbm>> -> memref<1x128x128xf32, #tpu.memory_space<hbm>>
        %dma_wait3A_139 = tpu.memref_squeeze %dma_wait3A_138 : memref<1x128x128xf32, #tpu.memory_space<hbm>> -> memref<128x128xf32, #tpu.memory_space<hbm>>
        tpu.wait_dma2 semaphore(%run_scoped3A : memref<!tpu.dma_semaphore, #tpu.memory_space<semaphore_mem>>) src(%arg10 : memref<128x128xf32, #tpu.memory_space<vmem>>) dst(%dma_wait3A_139 : memref<128x128xf32, #tpu.memory_space<hbm>>)
        tpu.yield
      }) : () -> ()
      %add3A_78 = arith.addi %select_n3A, %mul3A_51 : i32
      "tpu.region"() ({
        %run_scoped3A = tpu.sem_alloc : memref<!tpu.dma_semaphore, #tpu.memory_space<semaphore_mem>>
        %dma_start3A_124 = arith.constant 0 : i32
        %dma_start3A_125 = arith.constant 0 : i32
        %dma_start3A_126 = tpu.memref_slice %arg7[%add3A_78, %dma_start3A_124, %dma_start3A_125] : memref<2560x128x256xf32, #tpu.memory_space<hbm>> -> memref<1x128x256xf32, #tpu.memory_space<hbm>>
        %dma_start3A_127 = tpu.memref_squeeze %dma_start3A_126 : memref<1x128x256xf32, #tpu.memory_space<hbm>> -> memref<128x256xf32, #tpu.memory_space<hbm>>
        %dma_start3A_128 = arith.constant 0 : i32
        %dma_start3A_129 = arith.constant 0 : i32
        %dma_start3A_130 = tpu.memref_slice %arg7[%add3A_78, %dma_start3A_128, %dma_start3A_129] : memref<2560x128x256xf32, #tpu.memory_space<hbm>> -> memref<1x128x256xf32, #tpu.memory_space<hbm>>
        %dma_start3A_131 = tpu.memref_squeeze %dma_start3A_130 : memref<1x128x256xf32, #tpu.memory_space<hbm>> -> memref<128x256xf32, #tpu.memory_space<hbm>>
        tpu.enqueue_dma source(%arg11 : memref<128x256xf32, #tpu.memory_space<vmem>>) target(%dma_start3A_131 : memref<128x256xf32, #tpu.memory_space<hbm>>) target_semaphore(%run_scoped3A : memref<!tpu.dma_semaphore, #tpu.memory_space<semaphore_mem>>)
        %dma_wait3A_132 = arith.constant 0 : i32
        %dma_wait3A_133 = arith.constant 0 : i32
        %dma_wait3A_134 = tpu.memref_slice %arg7[%add3A_78, %dma_wait3A_132, %dma_wait3A_133] : memref<2560x128x256xf32, #tpu.memory_space<hbm>> -> memref<1x128x256xf32, #tpu.memory_space<hbm>>
        %dma_wait3A_135 = tpu.memref_squeeze %dma_wait3A_134 : memref<1x128x256xf32, #tpu.memory_space<hbm>> -> memref<128x256xf32, #tpu.memory_space<hbm>>
        %dma_wait3A_136 = arith.constant 0 : i32
        %dma_wait3A_137 = arith.constant 0 : i32
        %dma_wait3A_138 = tpu.memref_slice %arg7[%add3A_78, %dma_wait3A_136, %dma_wait3A_137] : memref<2560x128x256xf32, #tpu.memory_space<hbm>> -> memref<1x128x256xf32, #tpu.memory_space<hbm>>
        %dma_wait3A_139 = tpu.memref_squeeze %dma_wait3A_138 : memref<1x128x256xf32, #tpu.memory_space<hbm>> -> memref<128x256xf32, #tpu.memory_space<hbm>>
        tpu.wait_dma2 semaphore(%run_scoped3A : memref<!tpu.dma_semaphore, #tpu.memory_space<semaphore_mem>>) src(%arg11 : memref<128x256xf32, #tpu.memory_space<vmem>>) dst(%dma_wait3A_139 : memref<128x256xf32, #tpu.memory_space<hbm>>)
        tpu.yield
      }) : () -> ()
      %jit3A_79 = arith.constant 2 : i32
      %div3A_80 = arith.divsi %select_n3A_8, %jit3A_79 : i32
      %sign3A_81 = arith.constant 0 : i32
      %sign3A_82 = arith.cmpi sgt, %select_n3A_8, %sign3A_81 : i32
      %sign3A_83 = arith.extui %sign3A_82 : i1 to i32
      %sign3A_84 = arith.constant 0 : i32
      %sign3A_85 = arith.cmpi slt, %select_n3A_8, %sign3A_84 : i32
      %sign3A_86 = arith.extui %sign3A_85 : i1 to i32
      %sign3A_87 = arith.subi %sign3A_83, %sign3A_86 : i32
      %sign3A_88 = arith.constant 0 : i32
      %sign3A_89 = arith.cmpi sgt, %jit3A_79, %sign3A_88 : i32
      %sign3A_90 = arith.extui %sign3A_89 : i1 to i32
      %sign3A_91 = arith.constant 0 : i32
      %sign3A_92 = arith.cmpi slt, %jit3A_79, %sign3A_91 : i32
      %sign3A_93 = arith.extui %sign3A_92 : i1 to i32
      %sign3A_94 = arith.subi %sign3A_90, %sign3A_93 : i32
      %ne3A_95 = arith.cmpi ne, %sign3A_87, %sign3A_94 : i32
      %rem3A_96 = arith.remsi %select_n3A_8, %jit3A_79 : i32
      %ne3A_97 = arith.constant 0 : i32
      %ne3A_98 = arith.cmpi ne, %rem3A_96, %ne3A_97 : i32
      %and3A_99 = arith.andi %ne3A_95, %ne3A_98 : i1
      %sub3A_100 = arith.constant 1 : i32
      %sub3A_101 = arith.subi %div3A_80, %sub3A_100 : i32
      %select_n3A_102 = arith.select %and3A_99, %sub3A_101, %div3A_80 : i32
      %sub3A_103 = arith.constant 1 : i32
      %sub3A_104 = arith.subi %select_n3A_102, %sub3A_103 : i32
      %lt3A = arith.cmpi slt, %while3A_49, %sub3A_104 : i32
      %convert_element_type3A = arith.extui %lt3A : i1 to i32
      %cond3A = arith.constant 0 : i32
      %cond3A_105 = arith.cmpi ne, %convert_element_type3A, %cond3A : i32
      scf.if %cond3A_105 {
        %add3A_124 = arith.constant 2 : i32
        %add3A_125 = arith.addi %mul3A_51, %add3A_124 : i32
        %dma_start3A_126 = arith.constant 0 : i32
        %dma_start3A_127 = tpu.memref_slice %arg9[%add3A_125, %dma_start3A_126] : memref<80x128xi32, #tpu.memory_space<vmem>> -> memref<1x128xi32, #tpu.memory_space<vmem>>
        %dma_start3A_128 = tpu.memref_squeeze %dma_start3A_127 : memref<1x128xi32, #tpu.memory_space<vmem>> -> memref<128xi32, #tpu.memory_space<vmem>>
        %dma_start3A_129 = arith.constant 0 : i32
        %dma_start3A_130 = arith.constant 0 : i32
        %dma_start3A_131 = tpu.memref_slice %arg2[%dma_start3A_129, %dma_start3A_130] : memref<10240x128xf32, #tpu.memory_space<hbm>> -> memref<10240x128xf32, #tpu.memory_space<hbm>>
        tpu.enqueue_indirect_dma source(%dma_start3A_131 : memref<10240x128xf32, #tpu.memory_space<hbm>>) target(%arg10 : memref<128x128xf32, #tpu.memory_space<vmem>>) offsets(%dma_start3A_128 : memref<128xi32, #tpu.memory_space<vmem>>) semaphore(%arg14 : memref<!tpu.dma_semaphore, #tpu.memory_space<semaphore_mem>>)
        %dma_start3A_132 = arith.constant 0 : i32
        %dma_start3A_133 = tpu.memref_slice %arg8[%add3A_125, %dma_start3A_132] : memref<80x128xi32, #tpu.memory_space<vmem>> -> memref<1x128xi32, #tpu.memory_space<vmem>>
        %dma_start3A_134 = tpu.memref_squeeze %dma_start3A_133 : memref<1x128xi32, #tpu.memory_space<vmem>> -> memref<128xi32, #tpu.memory_space<vmem>>
        %dma_start3A_135 = arith.constant 0 : i32
        %dma_start3A_136 = arith.constant 0 : i32
        %dma_start3A_137 = tpu.memref_slice %arg3[%dma_start3A_135, %dma_start3A_136] : memref<10240x256xf32, #tpu.memory_space<hbm>> -> memref<10240x256xf32, #tpu.memory_space<hbm>>
        tpu.enqueue_indirect_dma source(%dma_start3A_137 : memref<10240x256xf32, #tpu.memory_space<hbm>>) target(%arg11 : memref<128x256xf32, #tpu.memory_space<vmem>>) offsets(%dma_start3A_134 : memref<128xi32, #tpu.memory_space<vmem>>) semaphore(%arg15 : memref<!tpu.dma_semaphore, #tpu.memory_space<semaphore_mem>>)
      } else {
      }
      %add3A_106 = arith.constant 1 : i32
      %add3A_107 = arith.addi %mul3A_51, %add3A_106 : i32
      %dma_wait3A_108 = arith.constant 0 : i32
      %dma_wait3A_109 = tpu.memref_slice %arg9[%add3A_107, %dma_wait3A_108] : memref<80x128xi32, #tpu.memory_space<vmem>> -> memref<1x128xi32, #tpu.memory_space<vmem>>
      %dma_wait3A_110 = tpu.memref_squeeze %dma_wait3A_109 : memref<1x128xi32, #tpu.memory_space<vmem>> -> memref<128xi32, #tpu.memory_space<vmem>>
      %dma_wait3A_111 = arith.constant 0 : i32
      %dma_wait3A_112 = arith.constant 0 : i32
      %dma_wait3A_113 = tpu.memref_slice %arg2[%dma_wait3A_111, %dma_wait3A_112] : memref<10240x128xf32, #tpu.memory_space<hbm>> -> memref<10240x128xf32, #tpu.memory_space<hbm>>
      tpu.wait_indirect_dma semaphore(%arg16 : memref<!tpu.dma_semaphore, #tpu.memory_space<semaphore_mem>>) src(%dma_wait3A_113 : memref<10240x128xf32, #tpu.memory_space<hbm>>) dst(%arg12 : memref<128x128xf32, #tpu.memory_space<vmem>>)
      %dma_wait3A_114 = arith.constant 0 : i32
      %dma_wait3A_115 = tpu.memref_slice %arg8[%add3A_107, %dma_wait3A_114] : memref<80x128xi32, #tpu.memory_space<vmem>> -> memref<1x128xi32, #tpu.memory_space<vmem>>
      %dma_wait3A_116 = tpu.memref_squeeze %dma_wait3A_115 : memref<1x128xi32, #tpu.memory_space<vmem>> -> memref<128xi32, #tpu.memory_space<vmem>>
      %dma_wait3A_117 = arith.constant 0 : i32
      %dma_wait3A_118 = arith.constant 0 : i32
      %dma_wait3A_119 = tpu.memref_slice %arg3[%dma_wait3A_117, %dma_wait3A_118] : memref<10240x256xf32, #tpu.memory_space<hbm>> -> memref<10240x256xf32, #tpu.memory_space<hbm>>
      tpu.wait_indirect_dma semaphore(%arg17 : memref<!tpu.dma_semaphore, #tpu.memory_space<semaphore_mem>>) src(%dma_wait3A_119 : memref<10240x256xf32, #tpu.memory_space<hbm>>) dst(%arg13 : memref<128x256xf32, #tpu.memory_space<vmem>>)
      %add3A_120 = arith.constant 1 : i32
      %add3A_121 = arith.addi %mul3A_51, %add3A_120 : i32
      %add3A_122 = arith.addi %select_n3A, %add3A_121 : i32
      "tpu.region"() ({
        %run_scoped3A = tpu.sem_alloc : memref<!tpu.dma_semaphore, #tpu.memory_space<semaphore_mem>>
        %dma_start3A_124 = arith.constant 0 : i32
        %dma_start3A_125 = arith.constant 0 : i32
        %dma_start3A_126 = tpu.memref_slice %arg6[%add3A_122, %dma_start3A_124, %dma_start3A_125] : memref<2560x128x128xf32, #tpu.memory_space<hbm>> -> memref<1x128x128xf32, #tpu.memory_space<hbm>>
        %dma_start3A_127 = tpu.memref_squeeze %dma_start3A_126 : memref<1x128x128xf32, #tpu.memory_space<hbm>> -> memref<128x128xf32, #tpu.memory_space<hbm>>
        %dma_start3A_128 = arith.constant 0 : i32
        %dma_start3A_129 = arith.constant 0 : i32
        %dma_start3A_130 = tpu.memref_slice %arg6[%add3A_122, %dma_start3A_128, %dma_start3A_129] : memref<2560x128x128xf32, #tpu.memory_space<hbm>> -> memref<1x128x128xf32, #tpu.memory_space<hbm>>
        %dma_start3A_131 = tpu.memref_squeeze %dma_start3A_130 : memref<1x128x128xf32, #tpu.memory_space<hbm>> -> memref<128x128xf32, #tpu.memory_space<hbm>>
        tpu.enqueue_dma source(%arg12 : memref<128x128xf32, #tpu.memory_space<vmem>>) target(%dma_start3A_131 : memref<128x128xf32, #tpu.memory_space<hbm>>) target_semaphore(%run_scoped3A : memref<!tpu.dma_semaphore, #tpu.memory_space<semaphore_mem>>)
        %dma_wait3A_132 = arith.constant 0 : i32
        %dma_wait3A_133 = arith.constant 0 : i32
        %dma_wait3A_134 = tpu.memref_slice %arg6[%add3A_122, %dma_wait3A_132, %dma_wait3A_133] : memref<2560x128x128xf32, #tpu.memory_space<hbm>> -> memref<1x128x128xf32, #tpu.memory_space<hbm>>
        %dma_wait3A_135 = tpu.memref_squeeze %dma_wait3A_134 : memref<1x128x128xf32, #tpu.memory_space<hbm>> -> memref<128x128xf32, #tpu.memory_space<hbm>>
        %dma_wait3A_136 = arith.constant 0 : i32
        %dma_wait3A_137 = arith.constant 0 : i32
        %dma_wait3A_138 = tpu.memref_slice %arg6[%add3A_122, %dma_wait3A_136, %dma_wait3A_137] : memref<2560x128x128xf32, #tpu.memory_space<hbm>> -> memref<1x128x128xf32, #tpu.memory_space<hbm>>
        %dma_wait3A_139 = tpu.memref_squeeze %dma_wait3A_138 : memref<1x128x128xf32, #tpu.memory_space<hbm>> -> memref<128x128xf32, #tpu.memory_space<hbm>>
        tpu.wait_dma2 semaphore(%run_scoped3A : memref<!tpu.dma_semaphore, #tpu.memory_space<semaphore_mem>>) src(%arg12 : memref<128x128xf32, #tpu.memory_space<vmem>>) dst(%dma_wait3A_139 : memref<128x128xf32, #tpu.memory_space<hbm>>)
        tpu.yield
      }) : () -> ()
      %add3A_123 = arith.addi %select_n3A, %add3A_121 : i32
      "tpu.region"() ({
        %run_scoped3A = tpu.sem_alloc : memref<!tpu.dma_semaphore, #tpu.memory_space<semaphore_mem>>
        %dma_start3A_124 = arith.constant 0 : i32
        %dma_start3A_125 = arith.constant 0 : i32
        %dma_start3A_126 = tpu.memref_slice %arg7[%add3A_123, %dma_start3A_124, %dma_start3A_125] : memref<2560x128x256xf32, #tpu.memory_space<hbm>> -> memref<1x128x256xf32, #tpu.memory_space<hbm>>
        %dma_start3A_127 = tpu.memref_squeeze %dma_start3A_126 : memref<1x128x256xf32, #tpu.memory_space<hbm>> -> memref<128x256xf32, #tpu.memory_space<hbm>>
        %dma_start3A_128 = arith.constant 0 : i32
        %dma_start3A_129 = arith.constant 0 : i32
        %dma_start3A_130 = tpu.memref_slice %arg7[%add3A_123, %dma_start3A_128, %dma_start3A_129] : memref<2560x128x256xf32, #tpu.memory_space<hbm>> -> memref<1x128x256xf32, #tpu.memory_space<hbm>>
        %dma_start3A_131 = tpu.memref_squeeze %dma_start3A_130 : memref<1x128x256xf32, #tpu.memory_space<hbm>> -> memref<128x256xf32, #tpu.memory_space<hbm>>
        tpu.enqueue_dma source(%arg13 : memref<128x256xf32, #tpu.memory_space<vmem>>) target(%dma_start3A_131 : memref<128x256xf32, #tpu.memory_space<hbm>>) target_semaphore(%run_scoped3A : memref<!tpu.dma_semaphore, #tpu.memory_space<semaphore_mem>>)
        %dma_wait3A_132 = arith.constant 0 : i32
        %dma_wait3A_133 = arith.constant 0 : i32
        %dma_wait3A_134 = tpu.memref_slice %arg7[%add3A_123, %dma_wait3A_132, %dma_wait3A_133] : memref<2560x128x256xf32, #tpu.memory_space<hbm>> -> memref<1x128x256xf32, #tpu.memory_space<hbm>>
        %dma_wait3A_135 = tpu.memref_squeeze %dma_wait3A_134 : memref<1x128x256xf32, #tpu.memory_space<hbm>> -> memref<128x256xf32, #tpu.memory_space<hbm>>
        %dma_wait3A_136 = arith.constant 0 : i32
        %dma_wait3A_137 = arith.constant 0 : i32
        %dma_wait3A_138 = tpu.memref_slice %arg7[%add3A_123, %dma_wait3A_136, %dma_wait3A_137] : memref<2560x128x256xf32, #tpu.memory_space<hbm>> -> memref<1x128x256xf32, #tpu.memory_space<hbm>>
        %dma_wait3A_139 = tpu.memref_squeeze %dma_wait3A_138 : memref<1x128x256xf32, #tpu.memory_space<hbm>> -> memref<128x256xf32, #tpu.memory_space<hbm>>
        tpu.wait_dma2 semaphore(%run_scoped3A : memref<!tpu.dma_semaphore, #tpu.memory_space<semaphore_mem>>) src(%arg13 : memref<128x256xf32, #tpu.memory_space<vmem>>) dst(%dma_wait3A_139 : memref<128x256xf32, #tpu.memory_space<hbm>>)
        tpu.yield
      }) : () -> ()
    }
    return
  }
}

#map = affine_map<(d0, d1) -> (0, 0, 0)>
#map1 = affine_map<(d0, d1) -> (0, 0)>
module attributes {stable_mosaic.version = 14 : i64} {
  func.func @body(%arg0: i32, %arg1: i32, %arg2: memref<2560x128x128xf32, #tpu.memory_space<hbm>>, %arg3: memref<2560x128xi32, #tpu.memory_space<hbm>>, %arg4: memref<640x128xf32, #tpu.memory_space<hbm>>, %arg5: memref<2x1280x128xf32, #tpu.memory_space<hbm>>, %arg6: memref<80x128xi32, #tpu.memory_space<vmem>>, %arg7: memref<128x128xf32, #tpu.memory_space<vmem>>, %arg8: memref<128x128xf32, #tpu.memory_space<vmem>>, %arg9: memref<1280x128xf32, #tpu.memory_space<vmem_shared>>, %arg10: memref<!tpu.dma_semaphore, #tpu.memory_space<semaphore_mem>>, %arg11: memref<!tpu.dma_semaphore, #tpu.memory_space<semaphore_mem>>) attributes {dimension_semantics = [#tpu.dimension_semantics<core_parallel>, #tpu.dimension_semantics<subcore_parallel>], iteration_bounds = array<i64: 2, 16>, scalar_prefetch = 0 : i64, scratch_operands = 6 : i64, tpu.core_type = #tpu.core_type<sc_vector_subcore>, window_params = [{transform_indices = #map}, {transform_indices = #map1}, {transform_indices = #map1}, {transform_indices = #map}]} {
    %mul3A = arith.constant 2 : i32
    %mul3A_0 = arith.muli %arg1, %mul3A : i32
    %add3A = arith.addi %mul3A_0, %arg0 : i32
    %mul3A_1 = arith.constant 80 : i32
    %mul3A_2 = arith.muli %add3A, %mul3A_1 : i32
    "tpu.region"() ({
      %run_scoped3A = tpu.sem_alloc : memref<!tpu.dma_semaphore, #tpu.memory_space<semaphore_mem>>
      %dma_start3A_18 = arith.constant 0 : i32
      %dma_start3A_19 = tpu.memref_slice %arg3[%mul3A_2, %dma_start3A_18] : memref<2560x128xi32, #tpu.memory_space<hbm>> -> memref<80x128xi32, #tpu.memory_space<hbm>>
      %dma_start3A_20 = arith.constant 0 : i32
      %dma_start3A_21 = tpu.memref_slice %arg3[%mul3A_2, %dma_start3A_20] : memref<2560x128xi32, #tpu.memory_space<hbm>> -> memref<80x128xi32, #tpu.memory_space<hbm>>
      tpu.enqueue_dma source(%dma_start3A_21 : memref<80x128xi32, #tpu.memory_space<hbm>>) target(%arg6 : memref<80x128xi32, #tpu.memory_space<vmem>>) target_semaphore(%run_scoped3A : memref<!tpu.dma_semaphore, #tpu.memory_space<semaphore_mem>>)
      %dma_wait3A = arith.constant 0 : i32
      %dma_wait3A_22 = tpu.memref_slice %arg3[%mul3A_2, %dma_wait3A] : memref<2560x128xi32, #tpu.memory_space<hbm>> -> memref<80x128xi32, #tpu.memory_space<hbm>>
      %dma_wait3A_23 = arith.constant 0 : i32
      %dma_wait3A_24 = tpu.memref_slice %arg3[%mul3A_2, %dma_wait3A_23] : memref<2560x128xi32, #tpu.memory_space<hbm>> -> memref<80x128xi32, #tpu.memory_space<hbm>>
      tpu.wait_dma2 semaphore(%run_scoped3A : memref<!tpu.dma_semaphore, #tpu.memory_space<semaphore_mem>>) src(%dma_wait3A_24 : memref<80x128xi32, #tpu.memory_space<hbm>>) dst(%arg6 : memref<80x128xi32, #tpu.memory_space<vmem>>)
      tpu.yield
    }) : () -> ()
    %mul3A_3 = arith.constant 80 : i32
    %mul3A_4 = arith.muli %arg1, %mul3A_3 : i32
    "tpu.region"() ({
      %run_scoped3A = tpu.sem_alloc : memref<!tpu.dma_semaphore, #tpu.memory_space<semaphore_mem>>
      %dma_start3A_18 = arith.constant 0 : i32
      %dma_start3A_19 = tpu.memref_slice %arg9[%mul3A_4, %dma_start3A_18] : memref<1280x128xf32, #tpu.memory_space<vmem_shared>> -> memref<80x128xf32, #tpu.memory_space<vmem_shared>>
      %dma_start3A_20 = arith.constant 0 : i32
      %dma_start3A_21 = arith.constant 0 : i32
      %dma_start3A_22 = tpu.memref_slice %arg4[%dma_start3A_20, %dma_start3A_21] : memref<640x128xf32, #tpu.memory_space<hbm>> -> memref<80x128xf32, #tpu.memory_space<hbm>>
      tpu.enqueue_dma source(%dma_start3A_22 : memref<80x128xf32, #tpu.memory_space<hbm>>) target(%dma_start3A_19 : memref<80x128xf32, #tpu.memory_space<vmem_shared>>) target_semaphore(%run_scoped3A : memref<!tpu.dma_semaphore, #tpu.memory_space<semaphore_mem>>)
      %dma_wait3A = arith.constant 0 : i32
      %dma_wait3A_23 = tpu.memref_slice %arg9[%mul3A_4, %dma_wait3A] : memref<1280x128xf32, #tpu.memory_space<vmem_shared>> -> memref<80x128xf32, #tpu.memory_space<vmem_shared>>
      %dma_wait3A_24 = arith.constant 0 : i32
      %dma_wait3A_25 = arith.constant 0 : i32
      %dma_wait3A_26 = tpu.memref_slice %arg4[%dma_wait3A_24, %dma_wait3A_25] : memref<640x128xf32, #tpu.memory_space<hbm>> -> memref<80x128xf32, #tpu.memory_space<hbm>>
      tpu.wait_dma2 semaphore(%run_scoped3A : memref<!tpu.dma_semaphore, #tpu.memory_space<semaphore_mem>>) src(%dma_wait3A_26 : memref<80x128xf32, #tpu.memory_space<hbm>>) dst(%dma_wait3A_23 : memref<80x128xf32, #tpu.memory_space<vmem_shared>>)
      tpu.yield
    }) : () -> ()
    %barrier3A = arith.constant 0 : index
    tpu.barrier barrier_id(%barrier3A)
    %dma_start3A = arith.constant 0 : i32
    %dma_start3A_5 = arith.constant 0 : i32
    %dma_start3A_6 = tpu.memref_slice %arg2[%mul3A_2, %dma_start3A, %dma_start3A_5] : memref<2560x128x128xf32, #tpu.memory_space<hbm>> -> memref<1x128x128xf32, #tpu.memory_space<hbm>>
    %dma_start3A_7 = tpu.memref_squeeze %dma_start3A_6 : memref<1x128x128xf32, #tpu.memory_space<hbm>> -> memref<128x128xf32, #tpu.memory_space<hbm>>
    %dma_start3A_8 = arith.constant 0 : i32
    %dma_start3A_9 = arith.constant 0 : i32
    %dma_start3A_10 = tpu.memref_slice %arg2[%mul3A_2, %dma_start3A_8, %dma_start3A_9] : memref<2560x128x128xf32, #tpu.memory_space<hbm>> -> memref<1x128x128xf32, #tpu.memory_space<hbm>>
    %dma_start3A_11 = tpu.memref_squeeze %dma_start3A_10 : memref<1x128x128xf32, #tpu.memory_space<hbm>> -> memref<128x128xf32, #tpu.memory_space<hbm>>
    tpu.enqueue_dma source(%dma_start3A_11 : memref<128x128xf32, #tpu.memory_space<hbm>>) target(%arg7 : memref<128x128xf32, #tpu.memory_space<vmem>>) target_semaphore(%arg10 : memref<!tpu.dma_semaphore, #tpu.memory_space<semaphore_mem>>)
    %scan3A = arith.constant 0 : i32
    %scan3A_12 = arith.constant 0 : i32
    %scan3A_13 = arith.constant 40 : i32
    %scan3A_14 = arith.addi %scan3A_12, %scan3A_13 : i32
    %scan3A_15 = arith.constant 1 : i32
    scf.for %scan3A_18 = %scan3A_12 to %scan3A_14 step %scan3A_15  : i32 {
      %mul3A_19 = arith.constant 2 : i32
      %mul3A_20 = arith.muli %mul3A_19, %scan3A_18 : i32
      %add3A_21 = arith.addi %mul3A_2, %mul3A_20 : i32
      %add3A_22 = arith.constant 1 : i32
      %add3A_23 = arith.addi %add3A_21, %add3A_22 : i32
      %dma_start3A_24 = arith.constant 0 : i32
      %dma_start3A_25 = arith.constant 0 : i32
      %dma_start3A_26 = tpu.memref_slice %arg2[%add3A_23, %dma_start3A_24, %dma_start3A_25] : memref<2560x128x128xf32, #tpu.memory_space<hbm>> -> memref<1x128x128xf32, #tpu.memory_space<hbm>>
      %dma_start3A_27 = tpu.memref_squeeze %dma_start3A_26 : memref<1x128x128xf32, #tpu.memory_space<hbm>> -> memref<128x128xf32, #tpu.memory_space<hbm>>
      %dma_start3A_28 = arith.constant 0 : i32
      %dma_start3A_29 = arith.constant 0 : i32
      %dma_start3A_30 = tpu.memref_slice %arg2[%add3A_23, %dma_start3A_28, %dma_start3A_29] : memref<2560x128x128xf32, #tpu.memory_space<hbm>> -> memref<1x128x128xf32, #tpu.memory_space<hbm>>
      %dma_start3A_31 = tpu.memref_squeeze %dma_start3A_30 : memref<1x128x128xf32, #tpu.memory_space<hbm>> -> memref<128x128xf32, #tpu.memory_space<hbm>>
      tpu.enqueue_dma source(%dma_start3A_31 : memref<128x128xf32, #tpu.memory_space<hbm>>) target(%arg8 : memref<128x128xf32, #tpu.memory_space<vmem>>) target_semaphore(%arg11 : memref<!tpu.dma_semaphore, #tpu.memory_space<semaphore_mem>>)
      %add3A_32 = arith.addi %mul3A_2, %mul3A_20 : i32
      %dma_wait3A = arith.constant 0 : i32
      %dma_wait3A_33 = arith.constant 0 : i32
      %dma_wait3A_34 = tpu.memref_slice %arg2[%add3A_32, %dma_wait3A, %dma_wait3A_33] : memref<2560x128x128xf32, #tpu.memory_space<hbm>> -> memref<1x128x128xf32, #tpu.memory_space<hbm>>
      %dma_wait3A_35 = tpu.memref_squeeze %dma_wait3A_34 : memref<1x128x128xf32, #tpu.memory_space<hbm>> -> memref<128x128xf32, #tpu.memory_space<hbm>>
      %dma_wait3A_36 = arith.constant 0 : i32
      %dma_wait3A_37 = arith.constant 0 : i32
      %dma_wait3A_38 = tpu.memref_slice %arg2[%add3A_32, %dma_wait3A_36, %dma_wait3A_37] : memref<2560x128x128xf32, #tpu.memory_space<hbm>> -> memref<1x128x128xf32, #tpu.memory_space<hbm>>
      %dma_wait3A_39 = tpu.memref_squeeze %dma_wait3A_38 : memref<1x128x128xf32, #tpu.memory_space<hbm>> -> memref<128x128xf32, #tpu.memory_space<hbm>>
      tpu.wait_dma2 semaphore(%arg10 : memref<!tpu.dma_semaphore, #tpu.memory_space<semaphore_mem>>) src(%dma_wait3A_39 : memref<128x128xf32, #tpu.memory_space<hbm>>) dst(%arg7 : memref<128x128xf32, #tpu.memory_space<vmem>>)
      "tpu.region"() ({
        %run_scoped3A = tpu.sem_alloc : memref<!tpu.dma_semaphore, #tpu.memory_space<semaphore_mem>>
        %dma_start3A_55 = arith.constant 0 : i32
        %dma_start3A_56 = tpu.memref_slice %arg6[%mul3A_20, %dma_start3A_55] : memref<80x128xi32, #tpu.memory_space<vmem>> -> memref<1x128xi32, #tpu.memory_space<vmem>>
        %dma_start3A_57 = tpu.memref_squeeze %dma_start3A_56 : memref<1x128xi32, #tpu.memory_space<vmem>> -> memref<128xi32, #tpu.memory_space<vmem>>
        %dma_start3A_58 = arith.constant 0 : i32
        %dma_start3A_59 = arith.constant 0 : i32
        %dma_start3A_60 = tpu.memref_slice %arg9[%dma_start3A_58, %dma_start3A_59] : memref<1280x128xf32, #tpu.memory_space<vmem_shared>> -> memref<1280x128xf32, #tpu.memory_space<vmem_shared>>
        tpu.enqueue_indirect_dma source(%arg7 : memref<128x128xf32, #tpu.memory_space<vmem>>) target(%dma_start3A_60 : memref<1280x128xf32, #tpu.memory_space<vmem_shared>>) offsets(%dma_start3A_57 : memref<128xi32, #tpu.memory_space<vmem>>) semaphore(%run_scoped3A : memref<!tpu.dma_semaphore, #tpu.memory_space<semaphore_mem>>) {add = true}
        %dma_wait3A_61 = arith.constant 0 : i32
        %dma_wait3A_62 = tpu.memref_slice %arg6[%mul3A_20, %dma_wait3A_61] : memref<80x128xi32, #tpu.memory_space<vmem>> -> memref<1x128xi32, #tpu.memory_space<vmem>>
        %dma_wait3A_63 = tpu.memref_squeeze %dma_wait3A_62 : memref<1x128xi32, #tpu.memory_space<vmem>> -> memref<128xi32, #tpu.memory_space<vmem>>
        %dma_wait3A_64 = arith.constant 0 : i32
        %dma_wait3A_65 = arith.constant 0 : i32
        %dma_wait3A_66 = tpu.memref_slice %arg9[%dma_wait3A_64, %dma_wait3A_65] : memref<1280x128xf32, #tpu.memory_space<vmem_shared>> -> memref<1280x128xf32, #tpu.memory_space<vmem_shared>>
        tpu.wait_indirect_dma semaphore(%run_scoped3A : memref<!tpu.dma_semaphore, #tpu.memory_space<semaphore_mem>>) src(%arg7 : memref<128x128xf32, #tpu.memory_space<vmem>>) dst(%dma_wait3A_66 : memref<1280x128xf32, #tpu.memory_space<vmem_shared>>)
        tpu.yield
      }) : () -> ()
      %lt3A = arith.constant 39 : i32
      %lt3A_40 = arith.cmpi slt, %scan3A_18, %lt3A : i32
      %convert_element_type3A = arith.extui %lt3A_40 : i1 to i32
      %cond3A = arith.constant 0 : i32
      %cond3A_41 = arith.cmpi ne, %convert_element_type3A, %cond3A : i32
      scf.if %cond3A_41 {
        %add3A_55 = arith.addi %mul3A_2, %mul3A_20 : i32
        %add3A_56 = arith.constant 2 : i32
        %add3A_57 = arith.addi %add3A_55, %add3A_56 : i32
        %dma_start3A_58 = arith.constant 0 : i32
        %dma_start3A_59 = arith.constant 0 : i32
        %dma_start3A_60 = tpu.memref_slice %arg2[%add3A_57, %dma_start3A_58, %dma_start3A_59] : memref<2560x128x128xf32, #tpu.memory_space<hbm>> -> memref<1x128x128xf32, #tpu.memory_space<hbm>>
        %dma_start3A_61 = tpu.memref_squeeze %dma_start3A_60 : memref<1x128x128xf32, #tpu.memory_space<hbm>> -> memref<128x128xf32, #tpu.memory_space<hbm>>
        %dma_start3A_62 = arith.constant 0 : i32
        %dma_start3A_63 = arith.constant 0 : i32
        %dma_start3A_64 = tpu.memref_slice %arg2[%add3A_57, %dma_start3A_62, %dma_start3A_63] : memref<2560x128x128xf32, #tpu.memory_space<hbm>> -> memref<1x128x128xf32, #tpu.memory_space<hbm>>
        %dma_start3A_65 = tpu.memref_squeeze %dma_start3A_64 : memref<1x128x128xf32, #tpu.memory_space<hbm>> -> memref<128x128xf32, #tpu.memory_space<hbm>>
        tpu.enqueue_dma source(%dma_start3A_65 : memref<128x128xf32, #tpu.memory_space<hbm>>) target(%arg7 : memref<128x128xf32, #tpu.memory_space<vmem>>) target_semaphore(%arg10 : memref<!tpu.dma_semaphore, #tpu.memory_space<semaphore_mem>>)
      } else {
      }
      %add3A_42 = arith.addi %mul3A_2, %mul3A_20 : i32
      %add3A_43 = arith.constant 1 : i32
      %add3A_44 = arith.addi %add3A_42, %add3A_43 : i32
      %dma_wait3A_45 = arith.constant 0 : i32
      %dma_wait3A_46 = arith.constant 0 : i32
      %dma_wait3A_47 = tpu.memref_slice %arg2[%add3A_44, %dma_wait3A_45, %dma_wait3A_46] : memref<2560x128x128xf32, #tpu.memory_space<hbm>> -> memref<1x128x128xf32, #tpu.memory_space<hbm>>
      %dma_wait3A_48 = tpu.memref_squeeze %dma_wait3A_47 : memref<1x128x128xf32, #tpu.memory_space<hbm>> -> memref<128x128xf32, #tpu.memory_space<hbm>>
      %dma_wait3A_49 = arith.constant 0 : i32
      %dma_wait3A_50 = arith.constant 0 : i32
      %dma_wait3A_51 = tpu.memref_slice %arg2[%add3A_44, %dma_wait3A_49, %dma_wait3A_50] : memref<2560x128x128xf32, #tpu.memory_space<hbm>> -> memref<1x128x128xf32, #tpu.memory_space<hbm>>
      %dma_wait3A_52 = tpu.memref_squeeze %dma_wait3A_51 : memref<1x128x128xf32, #tpu.memory_space<hbm>> -> memref<128x128xf32, #tpu.memory_space<hbm>>
      tpu.wait_dma2 semaphore(%arg11 : memref<!tpu.dma_semaphore, #tpu.memory_space<semaphore_mem>>) src(%dma_wait3A_52 : memref<128x128xf32, #tpu.memory_space<hbm>>) dst(%arg8 : memref<128x128xf32, #tpu.memory_space<vmem>>)
      %add3A_53 = arith.constant 1 : i32
      %add3A_54 = arith.addi %mul3A_20, %add3A_53 : i32
      "tpu.region"() ({
        %run_scoped3A = tpu.sem_alloc : memref<!tpu.dma_semaphore, #tpu.memory_space<semaphore_mem>>
        %dma_start3A_55 = arith.constant 0 : i32
        %dma_start3A_56 = tpu.memref_slice %arg6[%add3A_54, %dma_start3A_55] : memref<80x128xi32, #tpu.memory_space<vmem>> -> memref<1x128xi32, #tpu.memory_space<vmem>>
        %dma_start3A_57 = tpu.memref_squeeze %dma_start3A_56 : memref<1x128xi32, #tpu.memory_space<vmem>> -> memref<128xi32, #tpu.memory_space<vmem>>
        %dma_start3A_58 = arith.constant 0 : i32
        %dma_start3A_59 = arith.constant 0 : i32
        %dma_start3A_60 = tpu.memref_slice %arg9[%dma_start3A_58, %dma_start3A_59] : memref<1280x128xf32, #tpu.memory_space<vmem_shared>> -> memref<1280x128xf32, #tpu.memory_space<vmem_shared>>
        tpu.enqueue_indirect_dma source(%arg8 : memref<128x128xf32, #tpu.memory_space<vmem>>) target(%dma_start3A_60 : memref<1280x128xf32, #tpu.memory_space<vmem_shared>>) offsets(%dma_start3A_57 : memref<128xi32, #tpu.memory_space<vmem>>) semaphore(%run_scoped3A : memref<!tpu.dma_semaphore, #tpu.memory_space<semaphore_mem>>) {add = true}
        %dma_wait3A_61 = arith.constant 0 : i32
        %dma_wait3A_62 = tpu.memref_slice %arg6[%add3A_54, %dma_wait3A_61] : memref<80x128xi32, #tpu.memory_space<vmem>> -> memref<1x128xi32, #tpu.memory_space<vmem>>
        %dma_wait3A_63 = tpu.memref_squeeze %dma_wait3A_62 : memref<1x128xi32, #tpu.memory_space<vmem>> -> memref<128xi32, #tpu.memory_space<vmem>>
        %dma_wait3A_64 = arith.constant 0 : i32
        %dma_wait3A_65 = arith.constant 0 : i32
        %dma_wait3A_66 = tpu.memref_slice %arg9[%dma_wait3A_64, %dma_wait3A_65] : memref<1280x128xf32, #tpu.memory_space<vmem_shared>> -> memref<1280x128xf32, #tpu.memory_space<vmem_shared>>
        tpu.wait_indirect_dma semaphore(%run_scoped3A : memref<!tpu.dma_semaphore, #tpu.memory_space<semaphore_mem>>) src(%arg8 : memref<128x128xf32, #tpu.memory_space<vmem>>) dst(%dma_wait3A_66 : memref<1280x128xf32, #tpu.memory_space<vmem_shared>>)
        tpu.yield
      }) : () -> ()
    }
    %scan3A_16 = arith.constant 40 : i32
    %barrier3A_17 = arith.constant 0 : index
    tpu.barrier barrier_id(%barrier3A_17)
    "tpu.region"() ({
      %run_scoped3A = tpu.sem_alloc : memref<!tpu.dma_semaphore, #tpu.memory_space<semaphore_mem>>
      %dma_start3A_18 = arith.constant 0 : i32
      %dma_start3A_19 = tpu.memref_slice %arg5[%arg0, %mul3A_4, %dma_start3A_18] : memref<2x1280x128xf32, #tpu.memory_space<hbm>> -> memref<1x80x128xf32, #tpu.memory_space<hbm>>
      %dma_start3A_20 = tpu.memref_squeeze %dma_start3A_19 : memref<1x80x128xf32, #tpu.memory_space<hbm>> -> memref<80x128xf32, #tpu.memory_space<hbm>>
      %dma_start3A_21 = arith.constant 0 : i32
      %dma_start3A_22 = tpu.memref_slice %arg9[%mul3A_4, %dma_start3A_21] : memref<1280x128xf32, #tpu.memory_space<vmem_shared>> -> memref<80x128xf32, #tpu.memory_space<vmem_shared>>
      tpu.enqueue_dma source(%dma_start3A_22 : memref<80x128xf32, #tpu.memory_space<vmem_shared>>) target(%dma_start3A_20 : memref<80x128xf32, #tpu.memory_space<hbm>>) target_semaphore(%run_scoped3A : memref<!tpu.dma_semaphore, #tpu.memory_space<semaphore_mem>>)
      %dma_wait3A = arith.constant 0 : i32
      %dma_wait3A_23 = tpu.memref_slice %arg5[%arg0, %mul3A_4, %dma_wait3A] : memref<2x1280x128xf32, #tpu.memory_space<hbm>> -> memref<1x80x128xf32, #tpu.memory_space<hbm>>
      %dma_wait3A_24 = tpu.memref_squeeze %dma_wait3A_23 : memref<1x80x128xf32, #tpu.memory_space<hbm>> -> memref<80x128xf32, #tpu.memory_space<hbm>>
      %dma_wait3A_25 = arith.constant 0 : i32
      %dma_wait3A_26 = tpu.memref_slice %arg9[%mul3A_4, %dma_wait3A_25] : memref<1280x128xf32, #tpu.memory_space<vmem_shared>> -> memref<80x128xf32, #tpu.memory_space<vmem_shared>>
      tpu.wait_dma2 semaphore(%run_scoped3A : memref<!tpu.dma_semaphore, #tpu.memory_space<semaphore_mem>>) src(%dma_wait3A_26 : memref<80x128xf32, #tpu.memory_space<vmem_shared>>) dst(%dma_wait3A_24 : memref<80x128xf32, #tpu.memory_space<hbm>>)
      tpu.yield
    }) : () -> ()
    return
  }
}

#map = affine_map<(d0, d1) -> (0, 0)>
#map1 = affine_map<(d0, d1) -> (0, 0, 0)>
module attributes {stable_mosaic.version = 14 : i64} {
  func.func @_gather_body(%arg0: i32, %arg1: i32, %arg2: memref<10240x128xf32, #tpu.memory_space<hbm>>, %arg3: memref<10240x256xf32, #tpu.memory_space<hbm>>, %arg4: memref<2560x128xi32, #tpu.memory_space<hbm>>, %arg5: memref<2560x128xi32, #tpu.memory_space<hbm>>, %arg6: memref<2560x128x128xf32, #tpu.memory_space<hbm>>, %arg7: memref<2560x128x256xf32, #tpu.memory_space<hbm>>, %arg8: memref<80x128xi32, #tpu.memory_space<vmem>>, %arg9: memref<80x128xi32, #tpu.memory_space<vmem>>, %arg10: memref<128x128xf32, #tpu.memory_space<vmem>>, %arg11: memref<128x256xf32, #tpu.memory_space<vmem>>, %arg12: memref<128x128xf32, #tpu.memory_space<vmem>>, %arg13: memref<128x256xf32, #tpu.memory_space<vmem>>, %arg14: memref<!tpu.dma_semaphore, #tpu.memory_space<semaphore_mem>>, %arg15: memref<!tpu.dma_semaphore, #tpu.memory_space<semaphore_mem>>, %arg16: memref<!tpu.dma_semaphore, #tpu.memory_space<semaphore_mem>>, %arg17: memref<!tpu.dma_semaphore, #tpu.memory_space<semaphore_mem>>) attributes {dimension_semantics = [#tpu.dimension_semantics<core_parallel>, #tpu.dimension_semantics<subcore_parallel>], iteration_bounds = array<i64: 2, 16>, scalar_prefetch = 0 : i64, scratch_operands = 10 : i64, tpu.core_type = #tpu.core_type<sc_vector_subcore>, window_params = [{transform_indices = #map}, {transform_indices = #map}, {transform_indices = #map}, {transform_indices = #map}, {transform_indices = #map1}, {transform_indices = #map1}]} {
    %eq3A = arith.constant 0 : i32
    %eq3A_0 = arith.cmpi eq, %arg0, %eq3A : i32
    %mul3A = arith.constant 80 : i32
    %mul3A_1 = arith.muli %arg1, %mul3A : i32
    %mul3A_2 = arith.constant 80 : i32
    %mul3A_3 = arith.muli %arg1, %mul3A_2 : i32
    %add3A = arith.constant 1280 : i32
    %add3A_4 = arith.addi %add3A, %mul3A_3 : i32
    %select_n3A = arith.select %eq3A_0, %mul3A_1, %add3A_4 : i32
    %eq3A_5 = arith.constant 0 : i32
    %eq3A_6 = arith.cmpi eq, %arg0, %eq3A_5 : i32
    %jit3A = arith.constant 80 : i32
    %jit3A_7 = arith.constant 80 : i32
    %select_n3A_8 = arith.select %eq3A_6, %jit3A, %jit3A_7 : i32
    "tpu.region"() ({
      %run_scoped3A = tpu.sem_alloc : memref<!tpu.dma_semaphore, #tpu.memory_space<semaphore_mem>>
      %dma_start3A_49 = arith.constant 0 : i32
      %dma_start3A_50 = tpu.memref_slice %arg5[%select_n3A, %dma_start3A_49] : memref<2560x128xi32, #tpu.memory_space<hbm>> -> memref<80x128xi32, #tpu.memory_space<hbm>>
      %dma_start3A_51 = arith.constant 0 : i32
      %dma_start3A_52 = tpu.memref_slice %arg5[%select_n3A, %dma_start3A_51] : memref<2560x128xi32, #tpu.memory_space<hbm>> -> memref<80x128xi32, #tpu.memory_space<hbm>>
      tpu.enqueue_dma source(%dma_start3A_52 : memref<80x128xi32, #tpu.memory_space<hbm>>) target(%arg9 : memref<80x128xi32, #tpu.memory_space<vmem>>) target_semaphore(%run_scoped3A : memref<!tpu.dma_semaphore, #tpu.memory_space<semaphore_mem>>)
      %dma_wait3A = arith.constant 0 : i32
      %dma_wait3A_53 = tpu.memref_slice %arg5[%select_n3A, %dma_wait3A] : memref<2560x128xi32, #tpu.memory_space<hbm>> -> memref<80x128xi32, #tpu.memory_space<hbm>>
      %dma_wait3A_54 = arith.constant 0 : i32
      %dma_wait3A_55 = tpu.memref_slice %arg5[%select_n3A, %dma_wait3A_54] : memref<2560x128xi32, #tpu.memory_space<hbm>> -> memref<80x128xi32, #tpu.memory_space<hbm>>
      tpu.wait_dma2 semaphore(%run_scoped3A : memref<!tpu.dma_semaphore, #tpu.memory_space<semaphore_mem>>) src(%dma_wait3A_55 : memref<80x128xi32, #tpu.memory_space<hbm>>) dst(%arg9 : memref<80x128xi32, #tpu.memory_space<vmem>>)
      tpu.yield
    }) : () -> ()
    "tpu.region"() ({
      %run_scoped3A = tpu.sem_alloc : memref<!tpu.dma_semaphore, #tpu.memory_space<semaphore_mem>>
      %dma_start3A_49 = arith.constant 0 : i32
      %dma_start3A_50 = tpu.memref_slice %arg4[%select_n3A, %dma_start3A_49] : memref<2560x128xi32, #tpu.memory_space<hbm>> -> memref<80x128xi32, #tpu.memory_space<hbm>>
      %dma_start3A_51 = arith.constant 0 : i32
      %dma_start3A_52 = tpu.memref_slice %arg4[%select_n3A, %dma_start3A_51] : memref<2560x128xi32, #tpu.memory_space<hbm>> -> memref<80x128xi32, #tpu.memory_space<hbm>>
      tpu.enqueue_dma source(%dma_start3A_52 : memref<80x128xi32, #tpu.memory_space<hbm>>) target(%arg8 : memref<80x128xi32, #tpu.memory_space<vmem>>) target_semaphore(%run_scoped3A : memref<!tpu.dma_semaphore, #tpu.memory_space<semaphore_mem>>)
      %dma_wait3A = arith.constant 0 : i32
      %dma_wait3A_53 = tpu.memref_slice %arg4[%select_n3A, %dma_wait3A] : memref<2560x128xi32, #tpu.memory_space<hbm>> -> memref<80x128xi32, #tpu.memory_space<hbm>>
      %dma_wait3A_54 = arith.constant 0 : i32
      %dma_wait3A_55 = tpu.memref_slice %arg4[%select_n3A, %dma_wait3A_54] : memref<2560x128xi32, #tpu.memory_space<hbm>> -> memref<80x128xi32, #tpu.memory_space<hbm>>
      tpu.wait_dma2 semaphore(%run_scoped3A : memref<!tpu.dma_semaphore, #tpu.memory_space<semaphore_mem>>) src(%dma_wait3A_55 : memref<80x128xi32, #tpu.memory_space<hbm>>) dst(%arg8 : memref<80x128xi32, #tpu.memory_space<vmem>>)
      tpu.yield
    }) : () -> ()
    %dma_start3A = arith.constant 0 : i32
    %dma_start3A_9 = arith.constant 0 : i32
    %dma_start3A_10 = tpu.memref_slice %arg9[%dma_start3A, %dma_start3A_9] : memref<80x128xi32, #tpu.memory_space<vmem>> -> memref<1x128xi32, #tpu.memory_space<vmem>>
    %dma_start3A_11 = tpu.memref_squeeze %dma_start3A_10 : memref<1x128xi32, #tpu.memory_space<vmem>> -> memref<128xi32, #tpu.memory_space<vmem>>
    %dma_start3A_12 = arith.constant 0 : i32
    %dma_start3A_13 = arith.constant 0 : i32
    %dma_start3A_14 = tpu.memref_slice %arg2[%dma_start3A_12, %dma_start3A_13] : memref<10240x128xf32, #tpu.memory_space<hbm>> -> memref<10240x128xf32, #tpu.memory_space<hbm>>
    tpu.enqueue_indirect_dma source(%dma_start3A_14 : memref<10240x128xf32, #tpu.memory_space<hbm>>) target(%arg10 : memref<128x128xf32, #tpu.memory_space<vmem>>) offsets(%dma_start3A_11 : memref<128xi32, #tpu.memory_space<vmem>>) semaphore(%arg14 : memref<!tpu.dma_semaphore, #tpu.memory_space<semaphore_mem>>)
    %dma_start3A_15 = arith.constant 0 : i32
    %dma_start3A_16 = arith.constant 0 : i32
    %dma_start3A_17 = tpu.memref_slice %arg8[%dma_start3A_15, %dma_start3A_16] : memref<80x128xi32, #tpu.memory_space<vmem>> -> memref<1x128xi32, #tpu.memory_space<vmem>>
    %dma_start3A_18 = tpu.memref_squeeze %dma_start3A_17 : memref<1x128xi32, #tpu.memory_space<vmem>> -> memref<128xi32, #tpu.memory_space<vmem>>
    %dma_start3A_19 = arith.constant 0 : i32
    %dma_start3A_20 = arith.constant 0 : i32
    %dma_start3A_21 = tpu.memref_slice %arg3[%dma_start3A_19, %dma_start3A_20] : memref<10240x256xf32, #tpu.memory_space<hbm>> -> memref<10240x256xf32, #tpu.memory_space<hbm>>
    tpu.enqueue_indirect_dma source(%dma_start3A_21 : memref<10240x256xf32, #tpu.memory_space<hbm>>) target(%arg11 : memref<128x256xf32, #tpu.memory_space<vmem>>) offsets(%dma_start3A_18 : memref<128xi32, #tpu.memory_space<vmem>>) semaphore(%arg15 : memref<!tpu.dma_semaphore, #tpu.memory_space<semaphore_mem>>)
    %jit3A_22 = arith.constant 2 : i32
    %div3A = arith.divsi %select_n3A_8, %jit3A_22 : i32
    %sign3A = arith.constant 0 : i32
    %sign3A_23 = arith.cmpi sgt, %select_n3A_8, %sign3A : i32
    %sign3A_24 = arith.extui %sign3A_23 : i1 to i32
    %sign3A_25 = arith.constant 0 : i32
    %sign3A_26 = arith.cmpi slt, %select_n3A_8, %sign3A_25 : i32
    %sign3A_27 = arith.extui %sign3A_26 : i1 to i32
    %sign3A_28 = arith.subi %sign3A_24, %sign3A_27 : i32
    %sign3A_29 = arith.constant 0 : i32
    %sign3A_30 = arith.cmpi sgt, %jit3A_22, %sign3A_29 : i32
    %sign3A_31 = arith.extui %sign3A_30 : i1 to i32
    %sign3A_32 = arith.constant 0 : i32
    %sign3A_33 = arith.cmpi slt, %jit3A_22, %sign3A_32 : i32
    %sign3A_34 = arith.extui %sign3A_33 : i1 to i32
    %sign3A_35 = arith.subi %sign3A_31, %sign3A_34 : i32
    %ne3A = arith.cmpi ne, %sign3A_28, %sign3A_35 : i32
    %rem3A = arith.remsi %select_n3A_8, %jit3A_22 : i32
    %ne3A_36 = arith.constant 0 : i32
    %ne3A_37 = arith.cmpi ne, %rem3A, %ne3A_36 : i32
    %and3A = arith.andi %ne3A, %ne3A_37 : i1
    %sub3A = arith.constant 1 : i32
    %sub3A_38 = arith.subi %div3A, %sub3A : i32
    %select_n3A_39 = arith.select %and3A, %sub3A_38, %div3A : i32
    %while3A = arith.constant 0 : i32
    %while3A_40 = arith.constant 0 : i32
    %while3A_41 = arith.subi %select_n3A_39, %while3A_40 : i32
    %while3A_42 = arith.addi %while3A_40, %while3A_41 : i32
    %while3A_43 = arith.constant 1 : i32
    %while3A_44 = arith.divsi %while3A_41, %while3A_43 : i32
    %while3A_45 = arith.muli %while3A_44, %while3A_43 : i32
    %while3A_46 = arith.addi %while3A_40, %while3A_45 : i32
    %while3A_47 = arith.constant 1 : i32
    scf.for %while3A_49 = %while3A_40 to %while3A_46 step %while3A_47  : i32 {
      %mul3A_50 = arith.constant 2 : i32
      %mul3A_51 = arith.muli %mul3A_50, %while3A_49 : i32
      %add3A_52 = arith.constant 1 : i32
      %add3A_53 = arith.addi %mul3A_51, %add3A_52 : i32
      %dma_start3A_54 = arith.constant 0 : i32
      %dma_start3A_55 = tpu.memref_slice %arg9[%add3A_53, %dma_start3A_54] : memref<80x128xi32, #tpu.memory_space<vmem>> -> memref<1x128xi32, #tpu.memory_space<vmem>>
      %dma_start3A_56 = tpu.memref_squeeze %dma_start3A_55 : memref<1x128xi32, #tpu.memory_space<vmem>> -> memref<128xi32, #tpu.memory_space<vmem>>
      %dma_start3A_57 = arith.constant 0 : i32
      %dma_start3A_58 = arith.constant 0 : i32
      %dma_start3A_59 = tpu.memref_slice %arg2[%dma_start3A_57, %dma_start3A_58] : memref<10240x128xf32, #tpu.memory_space<hbm>> -> memref<10240x128xf32, #tpu.memory_space<hbm>>
      tpu.enqueue_indirect_dma source(%dma_start3A_59 : memref<10240x128xf32, #tpu.memory_space<hbm>>) target(%arg12 : memref<128x128xf32, #tpu.memory_space<vmem>>) offsets(%dma_start3A_56 : memref<128xi32, #tpu.memory_space<vmem>>) semaphore(%arg16 : memref<!tpu.dma_semaphore, #tpu.memory_space<semaphore_mem>>)
      %dma_start3A_60 = arith.constant 0 : i32
      %dma_start3A_61 = tpu.memref_slice %arg8[%add3A_53, %dma_start3A_60] : memref<80x128xi32, #tpu.memory_space<vmem>> -> memref<1x128xi32, #tpu.memory_space<vmem>>
      %dma_start3A_62 = tpu.memref_squeeze %dma_start3A_61 : memref<1x128xi32, #tpu.memory_space<vmem>> -> memref<128xi32, #tpu.memory_space<vmem>>
      %dma_start3A_63 = arith.constant 0 : i32
      %dma_start3A_64 = arith.constant 0 : i32
      %dma_start3A_65 = tpu.memref_slice %arg3[%dma_start3A_63, %dma_start3A_64] : memref<10240x256xf32, #tpu.memory_space<hbm>> -> memref<10240x256xf32, #tpu.memory_space<hbm>>
      tpu.enqueue_indirect_dma source(%dma_start3A_65 : memref<10240x256xf32, #tpu.memory_space<hbm>>) target(%arg13 : memref<128x256xf32, #tpu.memory_space<vmem>>) offsets(%dma_start3A_62 : memref<128xi32, #tpu.memory_space<vmem>>) semaphore(%arg17 : memref<!tpu.dma_semaphore, #tpu.memory_space<semaphore_mem>>)
      %dma_wait3A = arith.constant 0 : i32
      %dma_wait3A_66 = tpu.memref_slice %arg9[%mul3A_51, %dma_wait3A] : memref<80x128xi32, #tpu.memory_space<vmem>> -> memref<1x128xi32, #tpu.memory_space<vmem>>
      %dma_wait3A_67 = tpu.memref_squeeze %dma_wait3A_66 : memref<1x128xi32, #tpu.memory_space<vmem>> -> memref<128xi32, #tpu.memory_space<vmem>>
      %dma_wait3A_68 = arith.constant 0 : i32
      %dma_wait3A_69 = arith.constant 0 : i32
      %dma_wait3A_70 = tpu.memref_slice %arg2[%dma_wait3A_68, %dma_wait3A_69] : memref<10240x128xf32, #tpu.memory_space<hbm>> -> memref<10240x128xf32, #tpu.memory_space<hbm>>
      tpu.wait_indirect_dma semaphore(%arg14 : memref<!tpu.dma_semaphore, #tpu.memory_space<semaphore_mem>>) src(%dma_wait3A_70 : memref<10240x128xf32, #tpu.memory_space<hbm>>) dst(%arg10 : memref<128x128xf32, #tpu.memory_space<vmem>>)
      %dma_wait3A_71 = arith.constant 0 : i32
      %dma_wait3A_72 = tpu.memref_slice %arg8[%mul3A_51, %dma_wait3A_71] : memref<80x128xi32, #tpu.memory_space<vmem>> -> memref<1x128xi32, #tpu.memory_space<vmem>>
      %dma_wait3A_73 = tpu.memref_squeeze %dma_wait3A_72 : memref<1x128xi32, #tpu.memory_space<vmem>> -> memref<128xi32, #tpu.memory_space<vmem>>
      %dma_wait3A_74 = arith.constant 0 : i32
      %dma_wait3A_75 = arith.constant 0 : i32
      %dma_wait3A_76 = tpu.memref_slice %arg3[%dma_wait3A_74, %dma_wait3A_75] : memref<10240x256xf32, #tpu.memory_space<hbm>> -> memref<10240x256xf32, #tpu.memory_space<hbm>>
      tpu.wait_indirect_dma semaphore(%arg15 : memref<!tpu.dma_semaphore, #tpu.memory_space<semaphore_mem>>) src(%dma_wait3A_76 : memref<10240x256xf32, #tpu.memory_space<hbm>>) dst(%arg11 : memref<128x256xf32, #tpu.memory_space<vmem>>)
      %add3A_77 = arith.addi %select_n3A, %mul3A_51 : i32
      "tpu.region"() ({
        %run_scoped3A = tpu.sem_alloc : memref<!tpu.dma_semaphore, #tpu.memory_space<semaphore_mem>>
        %dma_start3A_124 = arith.constant 0 : i32
        %dma_start3A_125 = arith.constant 0 : i32
        %dma_start3A_126 = tpu.memref_slice %arg6[%add3A_77, %dma_start3A_124, %dma_start3A_125] : memref<2560x128x128xf32, #tpu.memory_space<hbm>> -> memref<1x128x128xf32, #tpu.memory_space<hbm>>
        %dma_start3A_127 = tpu.memref_squeeze %dma_start3A_126 : memref<1x128x128xf32, #tpu.memory_space<hbm>> -> memref<128x128xf32, #tpu.memory_space<hbm>>
        %dma_start3A_128 = arith.constant 0 : i32
        %dma_start3A_129 = arith.constant 0 : i32
        %dma_start3A_130 = tpu.memref_slice %arg6[%add3A_77, %dma_start3A_128, %dma_start3A_129] : memref<2560x128x128xf32, #tpu.memory_space<hbm>> -> memref<1x128x128xf32, #tpu.memory_space<hbm>>
        %dma_start3A_131 = tpu.memref_squeeze %dma_start3A_130 : memref<1x128x128xf32, #tpu.memory_space<hbm>> -> memref<128x128xf32, #tpu.memory_space<hbm>>
        tpu.enqueue_dma source(%arg10 : memref<128x128xf32, #tpu.memory_space<vmem>>) target(%dma_start3A_131 : memref<128x128xf32, #tpu.memory_space<hbm>>) target_semaphore(%run_scoped3A : memref<!tpu.dma_semaphore, #tpu.memory_space<semaphore_mem>>)
        %dma_wait3A_132 = arith.constant 0 : i32
        %dma_wait3A_133 = arith.constant 0 : i32
        %dma_wait3A_134 = tpu.memref_slice %arg6[%add3A_77, %dma_wait3A_132, %dma_wait3A_133] : memref<2560x128x128xf32, #tpu.memory_space<hbm>> -> memref<1x128x128xf32, #tpu.memory_space<hbm>>
        %dma_wait3A_135 = tpu.memref_squeeze %dma_wait3A_134 : memref<1x128x128xf32, #tpu.memory_space<hbm>> -> memref<128x128xf32, #tpu.memory_space<hbm>>
        %dma_wait3A_136 = arith.constant 0 : i32
        %dma_wait3A_137 = arith.constant 0 : i32
        %dma_wait3A_138 = tpu.memref_slice %arg6[%add3A_77, %dma_wait3A_136, %dma_wait3A_137] : memref<2560x128x128xf32, #tpu.memory_space<hbm>> -> memref<1x128x128xf32, #tpu.memory_space<hbm>>
        %dma_wait3A_139 = tpu.memref_squeeze %dma_wait3A_138 : memref<1x128x128xf32, #tpu.memory_space<hbm>> -> memref<128x128xf32, #tpu.memory_space<hbm>>
        tpu.wait_dma2 semaphore(%run_scoped3A : memref<!tpu.dma_semaphore, #tpu.memory_space<semaphore_mem>>) src(%arg10 : memref<128x128xf32, #tpu.memory_space<vmem>>) dst(%dma_wait3A_139 : memref<128x128xf32, #tpu.memory_space<hbm>>)
        tpu.yield
      }) : () -> ()
      %add3A_78 = arith.addi %select_n3A, %mul3A_51 : i32
      "tpu.region"() ({
        %run_scoped3A = tpu.sem_alloc : memref<!tpu.dma_semaphore, #tpu.memory_space<semaphore_mem>>
        %dma_start3A_124 = arith.constant 0 : i32
        %dma_start3A_125 = arith.constant 0 : i32
        %dma_start3A_126 = tpu.memref_slice %arg7[%add3A_78, %dma_start3A_124, %dma_start3A_125] : memref<2560x128x256xf32, #tpu.memory_space<hbm>> -> memref<1x128x256xf32, #tpu.memory_space<hbm>>
        %dma_start3A_127 = tpu.memref_squeeze %dma_start3A_126 : memref<1x128x256xf32, #tpu.memory_space<hbm>> -> memref<128x256xf32, #tpu.memory_space<hbm>>
        %dma_start3A_128 = arith.constant 0 : i32
        %dma_start3A_129 = arith.constant 0 : i32
        %dma_start3A_130 = tpu.memref_slice %arg7[%add3A_78, %dma_start3A_128, %dma_start3A_129] : memref<2560x128x256xf32, #tpu.memory_space<hbm>> -> memref<1x128x256xf32, #tpu.memory_space<hbm>>
        %dma_start3A_131 = tpu.memref_squeeze %dma_start3A_130 : memref<1x128x256xf32, #tpu.memory_space<hbm>> -> memref<128x256xf32, #tpu.memory_space<hbm>>
        tpu.enqueue_dma source(%arg11 : memref<128x256xf32, #tpu.memory_space<vmem>>) target(%dma_start3A_131 : memref<128x256xf32, #tpu.memory_space<hbm>>) target_semaphore(%run_scoped3A : memref<!tpu.dma_semaphore, #tpu.memory_space<semaphore_mem>>)
        %dma_wait3A_132 = arith.constant 0 : i32
        %dma_wait3A_133 = arith.constant 0 : i32
        %dma_wait3A_134 = tpu.memref_slice %arg7[%add3A_78, %dma_wait3A_132, %dma_wait3A_133] : memref<2560x128x256xf32, #tpu.memory_space<hbm>> -> memref<1x128x256xf32, #tpu.memory_space<hbm>>
        %dma_wait3A_135 = tpu.memref_squeeze %dma_wait3A_134 : memref<1x128x256xf32, #tpu.memory_space<hbm>> -> memref<128x256xf32, #tpu.memory_space<hbm>>
        %dma_wait3A_136 = arith.constant 0 : i32
        %dma_wait3A_137 = arith.constant 0 : i32
        %dma_wait3A_138 = tpu.memref_slice %arg7[%add3A_78, %dma_wait3A_136, %dma_wait3A_137] : memref<2560x128x256xf32, #tpu.memory_space<hbm>> -> memref<1x128x256xf32, #tpu.memory_space<hbm>>
        %dma_wait3A_139 = tpu.memref_squeeze %dma_wait3A_138 : memref<1x128x256xf32, #tpu.memory_space<hbm>> -> memref<128x256xf32, #tpu.memory_space<hbm>>
        tpu.wait_dma2 semaphore(%run_scoped3A : memref<!tpu.dma_semaphore, #tpu.memory_space<semaphore_mem>>) src(%arg11 : memref<128x256xf32, #tpu.memory_space<vmem>>) dst(%dma_wait3A_139 : memref<128x256xf32, #tpu.memory_space<hbm>>)
        tpu.yield
      }) : () -> ()
      %jit3A_79 = arith.constant 2 : i32
      %div3A_80 = arith.divsi %select_n3A_8, %jit3A_79 : i32
      %sign3A_81 = arith.constant 0 : i32
      %sign3A_82 = arith.cmpi sgt, %select_n3A_8, %sign3A_81 : i32
      %sign3A_83 = arith.extui %sign3A_82 : i1 to i32
      %sign3A_84 = arith.constant 0 : i32
      %sign3A_85 = arith.cmpi slt, %select_n3A_8, %sign3A_84 : i32
      %sign3A_86 = arith.extui %sign3A_85 : i1 to i32
      %sign3A_87 = arith.subi %sign3A_83, %sign3A_86 : i32
      %sign3A_88 = arith.constant 0 : i32
      %sign3A_89 = arith.cmpi sgt, %jit3A_79, %sign3A_88 : i32
      %sign3A_90 = arith.extui %sign3A_89 : i1 to i32
      %sign3A_91 = arith.constant 0 : i32
      %sign3A_92 = arith.cmpi slt, %jit3A_79, %sign3A_91 : i32
      %sign3A_93 = arith.extui %sign3A_92 : i1 to i32
      %sign3A_94 = arith.subi %sign3A_90, %sign3A_93 : i32
      %ne3A_95 = arith.cmpi ne, %sign3A_87, %sign3A_94 : i32
      %rem3A_96 = arith.remsi %select_n3A_8, %jit3A_79 : i32
      %ne3A_97 = arith.constant 0 : i32
      %ne3A_98 = arith.cmpi ne, %rem3A_96, %ne3A_97 : i32
      %and3A_99 = arith.andi %ne3A_95, %ne3A_98 : i1
      %sub3A_100 = arith.constant 1 : i32
      %sub3A_101 = arith.subi %div3A_80, %sub3A_100 : i32
      %select_n3A_102 = arith.select %and3A_99, %sub3A_101, %div3A_80 : i32
      %sub3A_103 = arith.constant 1 : i32
      %sub3A_104 = arith.subi %select_n3A_102, %sub3A_103 : i32
      %lt3A = arith.cmpi slt, %while3A_49, %sub3A_104 : i32
      %convert_element_type3A = arith.extui %lt3A : i1 to i32
      %cond3A = arith.constant 0 : i32
      %cond3A_105 = arith.cmpi ne, %convert_element_type3A, %cond3A : i32
      scf.if %cond3A_105 {
        %add3A_124 = arith.constant 2 : i32
        %add3A_125 = arith.addi %mul3A_51, %add3A_124 : i32
        %dma_start3A_126 = arith.constant 0 : i32
        %dma_start3A_127 = tpu.memref_slice %arg9[%add3A_125, %dma_start3A_126] : memref<80x128xi32, #tpu.memory_space<vmem>> -> memref<1x128xi32, #tpu.memory_space<vmem>>
        %dma_start3A_128 = tpu.memref_squeeze %dma_start3A_127 : memref<1x128xi32, #tpu.memory_space<vmem>> -> memref<128xi32, #tpu.memory_space<vmem>>
        %dma_start3A_129 = arith.constant 0 : i32
        %dma_start3A_130 = arith.constant 0 : i32
        %dma_start3A_131 = tpu.memref_slice %arg2[%dma_start3A_129, %dma_start3A_130] : memref<10240x128xf32, #tpu.memory_space<hbm>> -> memref<10240x128xf32, #tpu.memory_space<hbm>>
        tpu.enqueue_indirect_dma source(%dma_start3A_131 : memref<10240x128xf32, #tpu.memory_space<hbm>>) target(%arg10 : memref<128x128xf32, #tpu.memory_space<vmem>>) offsets(%dma_start3A_128 : memref<128xi32, #tpu.memory_space<vmem>>) semaphore(%arg14 : memref<!tpu.dma_semaphore, #tpu.memory_space<semaphore_mem>>)
        %dma_start3A_132 = arith.constant 0 : i32
        %dma_start3A_133 = tpu.memref_slice %arg8[%add3A_125, %dma_start3A_132] : memref<80x128xi32, #tpu.memory_space<vmem>> -> memref<1x128xi32, #tpu.memory_space<vmem>>
        %dma_start3A_134 = tpu.memref_squeeze %dma_start3A_133 : memref<1x128xi32, #tpu.memory_space<vmem>> -> memref<128xi32, #tpu.memory_space<vmem>>
        %dma_start3A_135 = arith.constant 0 : i32
        %dma_start3A_136 = arith.constant 0 : i32
        %dma_start3A_137 = tpu.memref_slice %arg3[%dma_start3A_135, %dma_start3A_136] : memref<10240x256xf32, #tpu.memory_space<hbm>> -> memref<10240x256xf32, #tpu.memory_space<hbm>>
        tpu.enqueue_indirect_dma source(%dma_start3A_137 : memref<10240x256xf32, #tpu.memory_space<hbm>>) target(%arg11 : memref<128x256xf32, #tpu.memory_space<vmem>>) offsets(%dma_start3A_134 : memref<128xi32, #tpu.memory_space<vmem>>) semaphore(%arg15 : memref<!tpu.dma_semaphore, #tpu.memory_space<semaphore_mem>>)
      } else {
      }
      %add3A_106 = arith.constant 1 : i32
      %add3A_107 = arith.addi %mul3A_51, %add3A_106 : i32
      %dma_wait3A_108 = arith.constant 0 : i32
      %dma_wait3A_109 = tpu.memref_slice %arg9[%add3A_107, %dma_wait3A_108] : memref<80x128xi32, #tpu.memory_space<vmem>> -> memref<1x128xi32, #tpu.memory_space<vmem>>
      %dma_wait3A_110 = tpu.memref_squeeze %dma_wait3A_109 : memref<1x128xi32, #tpu.memory_space<vmem>> -> memref<128xi32, #tpu.memory_space<vmem>>
      %dma_wait3A_111 = arith.constant 0 : i32
      %dma_wait3A_112 = arith.constant 0 : i32
      %dma_wait3A_113 = tpu.memref_slice %arg2[%dma_wait3A_111, %dma_wait3A_112] : memref<10240x128xf32, #tpu.memory_space<hbm>> -> memref<10240x128xf32, #tpu.memory_space<hbm>>
      tpu.wait_indirect_dma semaphore(%arg16 : memref<!tpu.dma_semaphore, #tpu.memory_space<semaphore_mem>>) src(%dma_wait3A_113 : memref<10240x128xf32, #tpu.memory_space<hbm>>) dst(%arg12 : memref<128x128xf32, #tpu.memory_space<vmem>>)
      %dma_wait3A_114 = arith.constant 0 : i32
      %dma_wait3A_115 = tpu.memref_slice %arg8[%add3A_107, %dma_wait3A_114] : memref<80x128xi32, #tpu.memory_space<vmem>> -> memref<1x128xi32, #tpu.memory_space<vmem>>
      %dma_wait3A_116 = tpu.memref_squeeze %dma_wait3A_115 : memref<1x128xi32, #tpu.memory_space<vmem>> -> memref<128xi32, #tpu.memory_space<vmem>>
      %dma_wait3A_117 = arith.constant 0 : i32
      %dma_wait3A_118 = arith.constant 0 : i32
      %dma_wait3A_119 = tpu.memref_slice %arg3[%dma_wait3A_117, %dma_wait3A_118] : memref<10240x256xf32, #tpu.memory_space<hbm>> -> memref<10240x256xf32, #tpu.memory_space<hbm>>
      tpu.wait_indirect_dma semaphore(%arg17 : memref<!tpu.dma_semaphore, #tpu.memory_space<semaphore_mem>>) src(%dma_wait3A_119 : memref<10240x256xf32, #tpu.memory_space<hbm>>) dst(%arg13 : memref<128x256xf32, #tpu.memory_space<vmem>>)
      %add3A_120 = arith.constant 1 : i32
      %add3A_121 = arith.addi %mul3A_51, %add3A_120 : i32
      %add3A_122 = arith.addi %select_n3A, %add3A_121 : i32
      "tpu.region"() ({
        %run_scoped3A = tpu.sem_alloc : memref<!tpu.dma_semaphore, #tpu.memory_space<semaphore_mem>>
        %dma_start3A_124 = arith.constant 0 : i32
        %dma_start3A_125 = arith.constant 0 : i32
        %dma_start3A_126 = tpu.memref_slice %arg6[%add3A_122, %dma_start3A_124, %dma_start3A_125] : memref<2560x128x128xf32, #tpu.memory_space<hbm>> -> memref<1x128x128xf32, #tpu.memory_space<hbm>>
        %dma_start3A_127 = tpu.memref_squeeze %dma_start3A_126 : memref<1x128x128xf32, #tpu.memory_space<hbm>> -> memref<128x128xf32, #tpu.memory_space<hbm>>
        %dma_start3A_128 = arith.constant 0 : i32
        %dma_start3A_129 = arith.constant 0 : i32
        %dma_start3A_130 = tpu.memref_slice %arg6[%add3A_122, %dma_start3A_128, %dma_start3A_129] : memref<2560x128x128xf32, #tpu.memory_space<hbm>> -> memref<1x128x128xf32, #tpu.memory_space<hbm>>
        %dma_start3A_131 = tpu.memref_squeeze %dma_start3A_130 : memref<1x128x128xf32, #tpu.memory_space<hbm>> -> memref<128x128xf32, #tpu.memory_space<hbm>>
        tpu.enqueue_dma source(%arg12 : memref<128x128xf32, #tpu.memory_space<vmem>>) target(%dma_start3A_131 : memref<128x128xf32, #tpu.memory_space<hbm>>) target_semaphore(%run_scoped3A : memref<!tpu.dma_semaphore, #tpu.memory_space<semaphore_mem>>)
        %dma_wait3A_132 = arith.constant 0 : i32
        %dma_wait3A_133 = arith.constant 0 : i32
        %dma_wait3A_134 = tpu.memref_slice %arg6[%add3A_122, %dma_wait3A_132, %dma_wait3A_133] : memref<2560x128x128xf32, #tpu.memory_space<hbm>> -> memref<1x128x128xf32, #tpu.memory_space<hbm>>
        %dma_wait3A_135 = tpu.memref_squeeze %dma_wait3A_134 : memref<1x128x128xf32, #tpu.memory_space<hbm>> -> memref<128x128xf32, #tpu.memory_space<hbm>>
        %dma_wait3A_136 = arith.constant 0 : i32
        %dma_wait3A_137 = arith.constant 0 : i32
        %dma_wait3A_138 = tpu.memref_slice %arg6[%add3A_122, %dma_wait3A_136, %dma_wait3A_137] : memref<2560x128x128xf32, #tpu.memory_space<hbm>> -> memref<1x128x128xf32, #tpu.memory_space<hbm>>
        %dma_wait3A_139 = tpu.memref_squeeze %dma_wait3A_138 : memref<1x128x128xf32, #tpu.memory_space<hbm>> -> memref<128x128xf32, #tpu.memory_space<hbm>>
        tpu.wait_dma2 semaphore(%run_scoped3A : memref<!tpu.dma_semaphore, #tpu.memory_space<semaphore_mem>>) src(%arg12 : memref<128x128xf32, #tpu.memory_space<vmem>>) dst(%dma_wait3A_139 : memref<128x128xf32, #tpu.memory_space<hbm>>)
        tpu.yield
      }) : () -> ()
      %add3A_123 = arith.addi %select_n3A, %add3A_121 : i32
      "tpu.region"() ({
        %run_scoped3A = tpu.sem_alloc : memref<!tpu.dma_semaphore, #tpu.memory_space<semaphore_mem>>
        %dma_start3A_124 = arith.constant 0 : i32
        %dma_start3A_125 = arith.constant 0 : i32
        %dma_start3A_126 = tpu.memref_slice %arg7[%add3A_123, %dma_start3A_124, %dma_start3A_125] : memref<2560x128x256xf32, #tpu.memory_space<hbm>> -> memref<1x128x256xf32, #tpu.memory_space<hbm>>
        %dma_start3A_127 = tpu.memref_squeeze %dma_start3A_126 : memref<1x128x256xf32, #tpu.memory_space<hbm>> -> memref<128x256xf32, #tpu.memory_space<hbm>>
        %dma_start3A_128 = arith.constant 0 : i32
        %dma_start3A_129 = arith.constant 0 : i32
        %dma_start3A_130 = tpu.memref_slice %arg7[%add3A_123, %dma_start3A_128, %dma_start3A_129] : memref<2560x128x256xf32, #tpu.memory_space<hbm>> -> memref<1x128x256xf32, #tpu.memory_space<hbm>>
        %dma_start3A_131 = tpu.memref_squeeze %dma_start3A_130 : memref<1x128x256xf32, #tpu.memory_space<hbm>> -> memref<128x256xf32, #tpu.memory_space<hbm>>
        tpu.enqueue_dma source(%arg13 : memref<128x256xf32, #tpu.memory_space<vmem>>) target(%dma_start3A_131 : memref<128x256xf32, #tpu.memory_space<hbm>>) target_semaphore(%run_scoped3A : memref<!tpu.dma_semaphore, #tpu.memory_space<semaphore_mem>>)
        %dma_wait3A_132 = arith.constant 0 : i32
        %dma_wait3A_133 = arith.constant 0 : i32
        %dma_wait3A_134 = tpu.memref_slice %arg7[%add3A_123, %dma_wait3A_132, %dma_wait3A_133] : memref<2560x128x256xf32, #tpu.memory_space<hbm>> -> memref<1x128x256xf32, #tpu.memory_space<hbm>>
        %dma_wait3A_135 = tpu.memref_squeeze %dma_wait3A_134 : memref<1x128x256xf32, #tpu.memory_space<hbm>> -> memref<128x256xf32, #tpu.memory_space<hbm>>
        %dma_wait3A_136 = arith.constant 0 : i32
        %dma_wait3A_137 = arith.constant 0 : i32
        %dma_wait3A_138 = tpu.memref_slice %arg7[%add3A_123, %dma_wait3A_136, %dma_wait3A_137] : memref<2560x128x256xf32, #tpu.memory_space<hbm>> -> memref<1x128x256xf32, #tpu.memory_space<hbm>>
        %dma_wait3A_139 = tpu.memref_squeeze %dma_wait3A_138 : memref<1x128x256xf32, #tpu.memory_space<hbm>> -> memref<128x256xf32, #tpu.memory_space<hbm>>
        tpu.wait_dma2 semaphore(%run_scoped3A : memref<!tpu.dma_semaphore, #tpu.memory_space<semaphore_mem>>) src(%arg13 : memref<128x256xf32, #tpu.memory_space<vmem>>) dst(%dma_wait3A_139 : memref<128x256xf32, #tpu.memory_space<hbm>>)
        tpu.yield
      }) : () -> ()
    }
    %while3A_48 = arith.constant 1 : i32
    scf.for %while3A_49 = %while3A_46 to %while3A_42 step %while3A_48  : i32 {
      %mul3A_50 = arith.constant 2 : i32
      %mul3A_51 = arith.muli %mul3A_50, %while3A_49 : i32
      %add3A_52 = arith.constant 1 : i32
      %add3A_53 = arith.addi %mul3A_51, %add3A_52 : i32
      %dma_start3A_54 = arith.constant 0 : i32
      %dma_start3A_55 = tpu.memref_slice %arg9[%add3A_53, %dma_start3A_54] : memref<80x128xi32, #tpu.memory_space<vmem>> -> memref<1x128xi32, #tpu.memory_space<vmem>>
      %dma_start3A_56 = tpu.memref_squeeze %dma_start3A_55 : memref<1x128xi32, #tpu.memory_space<vmem>> -> memref<128xi32, #tpu.memory_space<vmem>>
      %dma_start3A_57 = arith.constant 0 : i32
      %dma_start3A_58 = arith.constant 0 : i32
      %dma_start3A_59 = tpu.memref_slice %arg2[%dma_start3A_57, %dma_start3A_58] : memref<10240x128xf32, #tpu.memory_space<hbm>> -> memref<10240x128xf32, #tpu.memory_space<hbm>>
      tpu.enqueue_indirect_dma source(%dma_start3A_59 : memref<10240x128xf32, #tpu.memory_space<hbm>>) target(%arg12 : memref<128x128xf32, #tpu.memory_space<vmem>>) offsets(%dma_start3A_56 : memref<128xi32, #tpu.memory_space<vmem>>) semaphore(%arg16 : memref<!tpu.dma_semaphore, #tpu.memory_space<semaphore_mem>>)
      %dma_start3A_60 = arith.constant 0 : i32
      %dma_start3A_61 = tpu.memref_slice %arg8[%add3A_53, %dma_start3A_60] : memref<80x128xi32, #tpu.memory_space<vmem>> -> memref<1x128xi32, #tpu.memory_space<vmem>>
      %dma_start3A_62 = tpu.memref_squeeze %dma_start3A_61 : memref<1x128xi32, #tpu.memory_space<vmem>> -> memref<128xi32, #tpu.memory_space<vmem>>
      %dma_start3A_63 = arith.constant 0 : i32
      %dma_start3A_64 = arith.constant 0 : i32
      %dma_start3A_65 = tpu.memref_slice %arg3[%dma_start3A_63, %dma_start3A_64] : memref<10240x256xf32, #tpu.memory_space<hbm>> -> memref<10240x256xf32, #tpu.memory_space<hbm>>
      tpu.enqueue_indirect_dma source(%dma_start3A_65 : memref<10240x256xf32, #tpu.memory_space<hbm>>) target(%arg13 : memref<128x256xf32, #tpu.memory_space<vmem>>) offsets(%dma_start3A_62 : memref<128xi32, #tpu.memory_space<vmem>>) semaphore(%arg17 : memref<!tpu.dma_semaphore, #tpu.memory_space<semaphore_mem>>)
      %dma_wait3A = arith.constant 0 : i32
      %dma_wait3A_66 = tpu.memref_slice %arg9[%mul3A_51, %dma_wait3A] : memref<80x128xi32, #tpu.memory_space<vmem>> -> memref<1x128xi32, #tpu.memory_space<vmem>>
      %dma_wait3A_67 = tpu.memref_squeeze %dma_wait3A_66 : memref<1x128xi32, #tpu.memory_space<vmem>> -> memref<128xi32, #tpu.memory_space<vmem>>
      %dma_wait3A_68 = arith.constant 0 : i32
      %dma_wait3A_69 = arith.constant 0 : i32
      %dma_wait3A_70 = tpu.memref_slice %arg2[%dma_wait3A_68, %dma_wait3A_69] : memref<10240x128xf32, #tpu.memory_space<hbm>> -> memref<10240x128xf32, #tpu.memory_space<hbm>>
      tpu.wait_indirect_dma semaphore(%arg14 : memref<!tpu.dma_semaphore, #tpu.memory_space<semaphore_mem>>) src(%dma_wait3A_70 : memref<10240x128xf32, #tpu.memory_space<hbm>>) dst(%arg10 : memref<128x128xf32, #tpu.memory_space<vmem>>)
      %dma_wait3A_71 = arith.constant 0 : i32
      %dma_wait3A_72 = tpu.memref_slice %arg8[%mul3A_51, %dma_wait3A_71] : memref<80x128xi32, #tpu.memory_space<vmem>> -> memref<1x128xi32, #tpu.memory_space<vmem>>
      %dma_wait3A_73 = tpu.memref_squeeze %dma_wait3A_72 : memref<1x128xi32, #tpu.memory_space<vmem>> -> memref<128xi32, #tpu.memory_space<vmem>>
      %dma_wait3A_74 = arith.constant 0 : i32
      %dma_wait3A_75 = arith.constant 0 : i32
      %dma_wait3A_76 = tpu.memref_slice %arg3[%dma_wait3A_74, %dma_wait3A_75] : memref<10240x256xf32, #tpu.memory_space<hbm>> -> memref<10240x256xf32, #tpu.memory_space<hbm>>
      tpu.wait_indirect_dma semaphore(%arg15 : memref<!tpu.dma_semaphore, #tpu.memory_space<semaphore_mem>>) src(%dma_wait3A_76 : memref<10240x256xf32, #tpu.memory_space<hbm>>) dst(%arg11 : memref<128x256xf32, #tpu.memory_space<vmem>>)
      %add3A_77 = arith.addi %select_n3A, %mul3A_51 : i32
      "tpu.region"() ({
        %run_scoped3A = tpu.sem_alloc : memref<!tpu.dma_semaphore, #tpu.memory_space<semaphore_mem>>
        %dma_start3A_124 = arith.constant 0 : i32
        %dma_start3A_125 = arith.constant 0 : i32
        %dma_start3A_126 = tpu.memref_slice %arg6[%add3A_77, %dma_start3A_124, %dma_start3A_125] : memref<2560x128x128xf32, #tpu.memory_space<hbm>> -> memref<1x128x128xf32, #tpu.memory_space<hbm>>
        %dma_start3A_127 = tpu.memref_squeeze %dma_start3A_126 : memref<1x128x128xf32, #tpu.memory_space<hbm>> -> memref<128x128xf32, #tpu.memory_space<hbm>>
        %dma_start3A_128 = arith.constant 0 : i32
        %dma_start3A_129 = arith.constant 0 : i32
        %dma_start3A_130 = tpu.memref_slice %arg6[%add3A_77, %dma_start3A_128, %dma_start3A_129] : memref<2560x128x128xf32, #tpu.memory_space<hbm>> -> memref<1x128x128xf32, #tpu.memory_space<hbm>>
        %dma_start3A_131 = tpu.memref_squeeze %dma_start3A_130 : memref<1x128x128xf32, #tpu.memory_space<hbm>> -> memref<128x128xf32, #tpu.memory_space<hbm>>
        tpu.enqueue_dma source(%arg10 : memref<128x128xf32, #tpu.memory_space<vmem>>) target(%dma_start3A_131 : memref<128x128xf32, #tpu.memory_space<hbm>>) target_semaphore(%run_scoped3A : memref<!tpu.dma_semaphore, #tpu.memory_space<semaphore_mem>>)
        %dma_wait3A_132 = arith.constant 0 : i32
        %dma_wait3A_133 = arith.constant 0 : i32
        %dma_wait3A_134 = tpu.memref_slice %arg6[%add3A_77, %dma_wait3A_132, %dma_wait3A_133] : memref<2560x128x128xf32, #tpu.memory_space<hbm>> -> memref<1x128x128xf32, #tpu.memory_space<hbm>>
        %dma_wait3A_135 = tpu.memref_squeeze %dma_wait3A_134 : memref<1x128x128xf32, #tpu.memory_space<hbm>> -> memref<128x128xf32, #tpu.memory_space<hbm>>
        %dma_wait3A_136 = arith.constant 0 : i32
        %dma_wait3A_137 = arith.constant 0 : i32
        %dma_wait3A_138 = tpu.memref_slice %arg6[%add3A_77, %dma_wait3A_136, %dma_wait3A_137] : memref<2560x128x128xf32, #tpu.memory_space<hbm>> -> memref<1x128x128xf32, #tpu.memory_space<hbm>>
        %dma_wait3A_139 = tpu.memref_squeeze %dma_wait3A_138 : memref<1x128x128xf32, #tpu.memory_space<hbm>> -> memref<128x128xf32, #tpu.memory_space<hbm>>
        tpu.wait_dma2 semaphore(%run_scoped3A : memref<!tpu.dma_semaphore, #tpu.memory_space<semaphore_mem>>) src(%arg10 : memref<128x128xf32, #tpu.memory_space<vmem>>) dst(%dma_wait3A_139 : memref<128x128xf32, #tpu.memory_space<hbm>>)
        tpu.yield
      }) : () -> ()
      %add3A_78 = arith.addi %select_n3A, %mul3A_51 : i32
      "tpu.region"() ({
        %run_scoped3A = tpu.sem_alloc : memref<!tpu.dma_semaphore, #tpu.memory_space<semaphore_mem>>
        %dma_start3A_124 = arith.constant 0 : i32
        %dma_start3A_125 = arith.constant 0 : i32
        %dma_start3A_126 = tpu.memref_slice %arg7[%add3A_78, %dma_start3A_124, %dma_start3A_125] : memref<2560x128x256xf32, #tpu.memory_space<hbm>> -> memref<1x128x256xf32, #tpu.memory_space<hbm>>
        %dma_start3A_127 = tpu.memref_squeeze %dma_start3A_126 : memref<1x128x256xf32, #tpu.memory_space<hbm>> -> memref<128x256xf32, #tpu.memory_space<hbm>>
        %dma_start3A_128 = arith.constant 0 : i32
        %dma_start3A_129 = arith.constant 0 : i32
        %dma_start3A_130 = tpu.memref_slice %arg7[%add3A_78, %dma_start3A_128, %dma_start3A_129] : memref<2560x128x256xf32, #tpu.memory_space<hbm>> -> memref<1x128x256xf32, #tpu.memory_space<hbm>>
        %dma_start3A_131 = tpu.memref_squeeze %dma_start3A_130 : memref<1x128x256xf32, #tpu.memory_space<hbm>> -> memref<128x256xf32, #tpu.memory_space<hbm>>
        tpu.enqueue_dma source(%arg11 : memref<128x256xf32, #tpu.memory_space<vmem>>) target(%dma_start3A_131 : memref<128x256xf32, #tpu.memory_space<hbm>>) target_semaphore(%run_scoped3A : memref<!tpu.dma_semaphore, #tpu.memory_space<semaphore_mem>>)
        %dma_wait3A_132 = arith.constant 0 : i32
        %dma_wait3A_133 = arith.constant 0 : i32
        %dma_wait3A_134 = tpu.memref_slice %arg7[%add3A_78, %dma_wait3A_132, %dma_wait3A_133] : memref<2560x128x256xf32, #tpu.memory_space<hbm>> -> memref<1x128x256xf32, #tpu.memory_space<hbm>>
        %dma_wait3A_135 = tpu.memref_squeeze %dma_wait3A_134 : memref<1x128x256xf32, #tpu.memory_space<hbm>> -> memref<128x256xf32, #tpu.memory_space<hbm>>
        %dma_wait3A_136 = arith.constant 0 : i32
        %dma_wait3A_137 = arith.constant 0 : i32
        %dma_wait3A_138 = tpu.memref_slice %arg7[%add3A_78, %dma_wait3A_136, %dma_wait3A_137] : memref<2560x128x256xf32, #tpu.memory_space<hbm>> -> memref<1x128x256xf32, #tpu.memory_space<hbm>>
        %dma_wait3A_139 = tpu.memref_squeeze %dma_wait3A_138 : memref<1x128x256xf32, #tpu.memory_space<hbm>> -> memref<128x256xf32, #tpu.memory_space<hbm>>
        tpu.wait_dma2 semaphore(%run_scoped3A : memref<!tpu.dma_semaphore, #tpu.memory_space<semaphore_mem>>) src(%arg11 : memref<128x256xf32, #tpu.memory_space<vmem>>) dst(%dma_wait3A_139 : memref<128x256xf32, #tpu.memory_space<hbm>>)
        tpu.yield
      }) : () -> ()
      %jit3A_79 = arith.constant 2 : i32
      %div3A_80 = arith.divsi %select_n3A_8, %jit3A_79 : i32
      %sign3A_81 = arith.constant 0 : i32
      %sign3A_82 = arith.cmpi sgt, %select_n3A_8, %sign3A_81 : i32
      %sign3A_83 = arith.extui %sign3A_82 : i1 to i32
      %sign3A_84 = arith.constant 0 : i32
      %sign3A_85 = arith.cmpi slt, %select_n3A_8, %sign3A_84 : i32
      %sign3A_86 = arith.extui %sign3A_85 : i1 to i32
      %sign3A_87 = arith.subi %sign3A_83, %sign3A_86 : i32
      %sign3A_88 = arith.constant 0 : i32
      %sign3A_89 = arith.cmpi sgt, %jit3A_79, %sign3A_88 : i32
      %sign3A_90 = arith.extui %sign3A_89 : i1 to i32
      %sign3A_91 = arith.constant 0 : i32
      %sign3A_92 = arith.cmpi slt, %jit3A_79, %sign3A_91 : i32
      %sign3A_93 = arith.extui %sign3A_92 : i1 to i32
      %sign3A_94 = arith.subi %sign3A_90, %sign3A_93 : i32
      %ne3A_95 = arith.cmpi ne, %sign3A_87, %sign3A_94 : i32
      %rem3A_96 = arith.remsi %select_n3A_8, %jit3A_79 : i32
      %ne3A_97 = arith.constant 0 : i32
      %ne3A_98 = arith.cmpi ne, %rem3A_96, %ne3A_97 : i32
      %and3A_99 = arith.andi %ne3A_95, %ne3A_98 : i1
      %sub3A_100 = arith.constant 1 : i32
      %sub3A_101 = arith.subi %div3A_80, %sub3A_100 : i32
      %select_n3A_102 = arith.select %and3A_99, %sub3A_101, %div3A_80 : i32
      %sub3A_103 = arith.constant 1 : i32
      %sub3A_104 = arith.subi %select_n3A_102, %sub3A_103 : i32
      %lt3A = arith.cmpi slt, %while3A_49, %sub3A_104 : i32
      %convert_element_type3A = arith.extui %lt3A : i1 to i32
      %cond3A = arith.constant 0 : i32
      %cond3A_105 = arith.cmpi ne, %convert_element_type3A, %cond3A : i32
      scf.if %cond3A_105 {
        %add3A_124 = arith.constant 2 : i32
        %add3A_125 = arith.addi %mul3A_51, %add3A_124 : i32
        %dma_start3A_126 = arith.constant 0 : i32
        %dma_start3A_127 = tpu.memref_slice %arg9[%add3A_125, %dma_start3A_126] : memref<80x128xi32, #tpu.memory_space<vmem>> -> memref<1x128xi32, #tpu.memory_space<vmem>>
        %dma_start3A_128 = tpu.memref_squeeze %dma_start3A_127 : memref<1x128xi32, #tpu.memory_space<vmem>> -> memref<128xi32, #tpu.memory_space<vmem>>
        %dma_start3A_129 = arith.constant 0 : i32
        %dma_start3A_130 = arith.constant 0 : i32
        %dma_start3A_131 = tpu.memref_slice %arg2[%dma_start3A_129, %dma_start3A_130] : memref<10240x128xf32, #tpu.memory_space<hbm>> -> memref<10240x128xf32, #tpu.memory_space<hbm>>
        tpu.enqueue_indirect_dma source(%dma_start3A_131 : memref<10240x128xf32, #tpu.memory_space<hbm>>) target(%arg10 : memref<128x128xf32, #tpu.memory_space<vmem>>) offsets(%dma_start3A_128 : memref<128xi32, #tpu.memory_space<vmem>>) semaphore(%arg14 : memref<!tpu.dma_semaphore, #tpu.memory_space<semaphore_mem>>)
        %dma_start3A_132 = arith.constant 0 : i32
        %dma_start3A_133 = tpu.memref_slice %arg8[%add3A_125, %dma_start3A_132] : memref<80x128xi32, #tpu.memory_space<vmem>> -> memref<1x128xi32, #tpu.memory_space<vmem>>
        %dma_start3A_134 = tpu.memref_squeeze %dma_start3A_133 : memref<1x128xi32, #tpu.memory_space<vmem>> -> memref<128xi32, #tpu.memory_space<vmem>>
        %dma_start3A_135 = arith.constant 0 : i32
        %dma_start3A_136 = arith.constant 0 : i32
        %dma_start3A_137 = tpu.memref_slice %arg3[%dma_start3A_135, %dma_start3A_136] : memref<10240x256xf32, #tpu.memory_space<hbm>> -> memref<10240x256xf32, #tpu.memory_space<hbm>>
        tpu.enqueue_indirect_dma source(%dma_start3A_137 : memref<10240x256xf32, #tpu.memory_space<hbm>>) target(%arg11 : memref<128x256xf32, #tpu.memory_space<vmem>>) offsets(%dma_start3A_134 : memref<128xi32, #tpu.memory_space<vmem>>) semaphore(%arg15 : memref<!tpu.dma_semaphore, #tpu.memory_space<semaphore_mem>>)
      } else {
      }
      %add3A_106 = arith.constant 1 : i32
      %add3A_107 = arith.addi %mul3A_51, %add3A_106 : i32
      %dma_wait3A_108 = arith.constant 0 : i32
      %dma_wait3A_109 = tpu.memref_slice %arg9[%add3A_107, %dma_wait3A_108] : memref<80x128xi32, #tpu.memory_space<vmem>> -> memref<1x128xi32, #tpu.memory_space<vmem>>
      %dma_wait3A_110 = tpu.memref_squeeze %dma_wait3A_109 : memref<1x128xi32, #tpu.memory_space<vmem>> -> memref<128xi32, #tpu.memory_space<vmem>>
      %dma_wait3A_111 = arith.constant 0 : i32
      %dma_wait3A_112 = arith.constant 0 : i32
      %dma_wait3A_113 = tpu.memref_slice %arg2[%dma_wait3A_111, %dma_wait3A_112] : memref<10240x128xf32, #tpu.memory_space<hbm>> -> memref<10240x128xf32, #tpu.memory_space<hbm>>
      tpu.wait_indirect_dma semaphore(%arg16 : memref<!tpu.dma_semaphore, #tpu.memory_space<semaphore_mem>>) src(%dma_wait3A_113 : memref<10240x128xf32, #tpu.memory_space<hbm>>) dst(%arg12 : memref<128x128xf32, #tpu.memory_space<vmem>>)
      %dma_wait3A_114 = arith.constant 0 : i32
      %dma_wait3A_115 = tpu.memref_slice %arg8[%add3A_107, %dma_wait3A_114] : memref<80x128xi32, #tpu.memory_space<vmem>> -> memref<1x128xi32, #tpu.memory_space<vmem>>
      %dma_wait3A_116 = tpu.memref_squeeze %dma_wait3A_115 : memref<1x128xi32, #tpu.memory_space<vmem>> -> memref<128xi32, #tpu.memory_space<vmem>>
      %dma_wait3A_117 = arith.constant 0 : i32
      %dma_wait3A_118 = arith.constant 0 : i32
      %dma_wait3A_119 = tpu.memref_slice %arg3[%dma_wait3A_117, %dma_wait3A_118] : memref<10240x256xf32, #tpu.memory_space<hbm>> -> memref<10240x256xf32, #tpu.memory_space<hbm>>
      tpu.wait_indirect_dma semaphore(%arg17 : memref<!tpu.dma_semaphore, #tpu.memory_space<semaphore_mem>>) src(%dma_wait3A_119 : memref<10240x256xf32, #tpu.memory_space<hbm>>) dst(%arg13 : memref<128x256xf32, #tpu.memory_space<vmem>>)
      %add3A_120 = arith.constant 1 : i32
      %add3A_121 = arith.addi %mul3A_51, %add3A_120 : i32
      %add3A_122 = arith.addi %select_n3A, %add3A_121 : i32
      "tpu.region"() ({
        %run_scoped3A = tpu.sem_alloc : memref<!tpu.dma_semaphore, #tpu.memory_space<semaphore_mem>>
        %dma_start3A_124 = arith.constant 0 : i32
        %dma_start3A_125 = arith.constant 0 : i32
        %dma_start3A_126 = tpu.memref_slice %arg6[%add3A_122, %dma_start3A_124, %dma_start3A_125] : memref<2560x128x128xf32, #tpu.memory_space<hbm>> -> memref<1x128x128xf32, #tpu.memory_space<hbm>>
        %dma_start3A_127 = tpu.memref_squeeze %dma_start3A_126 : memref<1x128x128xf32, #tpu.memory_space<hbm>> -> memref<128x128xf32, #tpu.memory_space<hbm>>
        %dma_start3A_128 = arith.constant 0 : i32
        %dma_start3A_129 = arith.constant 0 : i32
        %dma_start3A_130 = tpu.memref_slice %arg6[%add3A_122, %dma_start3A_128, %dma_start3A_129] : memref<2560x128x128xf32, #tpu.memory_space<hbm>> -> memref<1x128x128xf32, #tpu.memory_space<hbm>>
        %dma_start3A_131 = tpu.memref_squeeze %dma_start3A_130 : memref<1x128x128xf32, #tpu.memory_space<hbm>> -> memref<128x128xf32, #tpu.memory_space<hbm>>
        tpu.enqueue_dma source(%arg12 : memref<128x128xf32, #tpu.memory_space<vmem>>) target(%dma_start3A_131 : memref<128x128xf32, #tpu.memory_space<hbm>>) target_semaphore(%run_scoped3A : memref<!tpu.dma_semaphore, #tpu.memory_space<semaphore_mem>>)
        %dma_wait3A_132 = arith.constant 0 : i32
        %dma_wait3A_133 = arith.constant 0 : i32
        %dma_wait3A_134 = tpu.memref_slice %arg6[%add3A_122, %dma_wait3A_132, %dma_wait3A_133] : memref<2560x128x128xf32, #tpu.memory_space<hbm>> -> memref<1x128x128xf32, #tpu.memory_space<hbm>>
        %dma_wait3A_135 = tpu.memref_squeeze %dma_wait3A_134 : memref<1x128x128xf32, #tpu.memory_space<hbm>> -> memref<128x128xf32, #tpu.memory_space<hbm>>
        %dma_wait3A_136 = arith.constant 0 : i32
        %dma_wait3A_137 = arith.constant 0 : i32
        %dma_wait3A_138 = tpu.memref_slice %arg6[%add3A_122, %dma_wait3A_136, %dma_wait3A_137] : memref<2560x128x128xf32, #tpu.memory_space<hbm>> -> memref<1x128x128xf32, #tpu.memory_space<hbm>>
        %dma_wait3A_139 = tpu.memref_squeeze %dma_wait3A_138 : memref<1x128x128xf32, #tpu.memory_space<hbm>> -> memref<128x128xf32, #tpu.memory_space<hbm>>
        tpu.wait_dma2 semaphore(%run_scoped3A : memref<!tpu.dma_semaphore, #tpu.memory_space<semaphore_mem>>) src(%arg12 : memref<128x128xf32, #tpu.memory_space<vmem>>) dst(%dma_wait3A_139 : memref<128x128xf32, #tpu.memory_space<hbm>>)
        tpu.yield
      }) : () -> ()
      %add3A_123 = arith.addi %select_n3A, %add3A_121 : i32
      "tpu.region"() ({
        %run_scoped3A = tpu.sem_alloc : memref<!tpu.dma_semaphore, #tpu.memory_space<semaphore_mem>>
        %dma_start3A_124 = arith.constant 0 : i32
        %dma_start3A_125 = arith.constant 0 : i32
        %dma_start3A_126 = tpu.memref_slice %arg7[%add3A_123, %dma_start3A_124, %dma_start3A_125] : memref<2560x128x256xf32, #tpu.memory_space<hbm>> -> memref<1x128x256xf32, #tpu.memory_space<hbm>>
        %dma_start3A_127 = tpu.memref_squeeze %dma_start3A_126 : memref<1x128x256xf32, #tpu.memory_space<hbm>> -> memref<128x256xf32, #tpu.memory_space<hbm>>
        %dma_start3A_128 = arith.constant 0 : i32
        %dma_start3A_129 = arith.constant 0 : i32
        %dma_start3A_130 = tpu.memref_slice %arg7[%add3A_123, %dma_start3A_128, %dma_start3A_129] : memref<2560x128x256xf32, #tpu.memory_space<hbm>> -> memref<1x128x256xf32, #tpu.memory_space<hbm>>
        %dma_start3A_131 = tpu.memref_squeeze %dma_start3A_130 : memref<1x128x256xf32, #tpu.memory_space<hbm>> -> memref<128x256xf32, #tpu.memory_space<hbm>>
        tpu.enqueue_dma source(%arg13 : memref<128x256xf32, #tpu.memory_space<vmem>>) target(%dma_start3A_131 : memref<128x256xf32, #tpu.memory_space<hbm>>) target_semaphore(%run_scoped3A : memref<!tpu.dma_semaphore, #tpu.memory_space<semaphore_mem>>)
        %dma_wait3A_132 = arith.constant 0 : i32
        %dma_wait3A_133 = arith.constant 0 : i32
        %dma_wait3A_134 = tpu.memref_slice %arg7[%add3A_123, %dma_wait3A_132, %dma_wait3A_133] : memref<2560x128x256xf32, #tpu.memory_space<hbm>> -> memref<1x128x256xf32, #tpu.memory_space<hbm>>
        %dma_wait3A_135 = tpu.memref_squeeze %dma_wait3A_134 : memref<1x128x256xf32, #tpu.memory_space<hbm>> -> memref<128x256xf32, #tpu.memory_space<hbm>>
        %dma_wait3A_136 = arith.constant 0 : i32
        %dma_wait3A_137 = arith.constant 0 : i32
        %dma_wait3A_138 = tpu.memref_slice %arg7[%add3A_123, %dma_wait3A_136, %dma_wait3A_137] : memref<2560x128x256xf32, #tpu.memory_space<hbm>> -> memref<1x128x256xf32, #tpu.memory_space<hbm>>
        %dma_wait3A_139 = tpu.memref_squeeze %dma_wait3A_138 : memref<1x128x256xf32, #tpu.memory_space<hbm>> -> memref<128x256xf32, #tpu.memory_space<hbm>>
        tpu.wait_dma2 semaphore(%run_scoped3A : memref<!tpu.dma_semaphore, #tpu.memory_space<semaphore_mem>>) src(%arg13 : memref<128x256xf32, #tpu.memory_space<vmem>>) dst(%dma_wait3A_139 : memref<128x256xf32, #tpu.memory_space<hbm>>)
        tpu.yield
      }) : () -> ()
    }
    return
  }
}

#map = affine_map<(d0, d1) -> (0, 0, 0)>
#map1 = affine_map<(d0, d1) -> (0, 0)>
module attributes {stable_mosaic.version = 14 : i64} {
  func.func @body(%arg0: i32, %arg1: i32, %arg2: memref<2560x128x128xf32, #tpu.memory_space<hbm>>, %arg3: memref<2560x128xi32, #tpu.memory_space<hbm>>, %arg4: memref<640x128xf32, #tpu.memory_space<hbm>>, %arg5: memref<2x1280x128xf32, #tpu.memory_space<hbm>>, %arg6: memref<80x128xi32, #tpu.memory_space<vmem>>, %arg7: memref<128x128xf32, #tpu.memory_space<vmem>>, %arg8: memref<128x128xf32, #tpu.memory_space<vmem>>, %arg9: memref<1280x128xf32, #tpu.memory_space<vmem_shared>>, %arg10: memref<!tpu.dma_semaphore, #tpu.memory_space<semaphore_mem>>, %arg11: memref<!tpu.dma_semaphore, #tpu.memory_space<semaphore_mem>>) attributes {dimension_semantics = [#tpu.dimension_semantics<core_parallel>, #tpu.dimension_semantics<subcore_parallel>], iteration_bounds = array<i64: 2, 16>, scalar_prefetch = 0 : i64, scratch_operands = 6 : i64, tpu.core_type = #tpu.core_type<sc_vector_subcore>, window_params = [{transform_indices = #map}, {transform_indices = #map1}, {transform_indices = #map1}, {transform_indices = #map}]} {
    %mul3A = arith.constant 2 : i32
    %mul3A_0 = arith.muli %arg1, %mul3A : i32
    %add3A = arith.addi %mul3A_0, %arg0 : i32
    %mul3A_1 = arith.constant 80 : i32
    %mul3A_2 = arith.muli %add3A, %mul3A_1 : i32
    "tpu.region"() ({
      %run_scoped3A = tpu.sem_alloc : memref<!tpu.dma_semaphore, #tpu.memory_space<semaphore_mem>>
      %dma_start3A_18 = arith.constant 0 : i32
      %dma_start3A_19 = tpu.memref_slice %arg3[%mul3A_2, %dma_start3A_18] : memref<2560x128xi32, #tpu.memory_space<hbm>> -> memref<80x128xi32, #tpu.memory_space<hbm>>
      %dma_start3A_20 = arith.constant 0 : i32
      %dma_start3A_21 = tpu.memref_slice %arg3[%mul3A_2, %dma_start3A_20] : memref<2560x128xi32, #tpu.memory_space<hbm>> -> memref<80x128xi32, #tpu.memory_space<hbm>>
      tpu.enqueue_dma source(%dma_start3A_21 : memref<80x128xi32, #tpu.memory_space<hbm>>) target(%arg6 : memref<80x128xi32, #tpu.memory_space<vmem>>) target_semaphore(%run_scoped3A : memref<!tpu.dma_semaphore, #tpu.memory_space<semaphore_mem>>)
      %dma_wait3A = arith.constant 0 : i32
      %dma_wait3A_22 = tpu.memref_slice %arg3[%mul3A_2, %dma_wait3A] : memref<2560x128xi32, #tpu.memory_space<hbm>> -> memref<80x128xi32, #tpu.memory_space<hbm>>
      %dma_wait3A_23 = arith.constant 0 : i32
      %dma_wait3A_24 = tpu.memref_slice %arg3[%mul3A_2, %dma_wait3A_23] : memref<2560x128xi32, #tpu.memory_space<hbm>> -> memref<80x128xi32, #tpu.memory_space<hbm>>
      tpu.wait_dma2 semaphore(%run_scoped3A : memref<!tpu.dma_semaphore, #tpu.memory_space<semaphore_mem>>) src(%dma_wait3A_24 : memref<80x128xi32, #tpu.memory_space<hbm>>) dst(%arg6 : memref<80x128xi32, #tpu.memory_space<vmem>>)
      tpu.yield
    }) : () -> ()
    %mul3A_3 = arith.constant 80 : i32
    %mul3A_4 = arith.muli %arg1, %mul3A_3 : i32
    "tpu.region"() ({
      %run_scoped3A = tpu.sem_alloc : memref<!tpu.dma_semaphore, #tpu.memory_space<semaphore_mem>>
      %dma_start3A_18 = arith.constant 0 : i32
      %dma_start3A_19 = tpu.memref_slice %arg9[%mul3A_4, %dma_start3A_18] : memref<1280x128xf32, #tpu.memory_space<vmem_shared>> -> memref<80x128xf32, #tpu.memory_space<vmem_shared>>
      %dma_start3A_20 = arith.constant 0 : i32
      %dma_start3A_21 = arith.constant 0 : i32
      %dma_start3A_22 = tpu.memref_slice %arg4[%dma_start3A_20, %dma_start3A_21] : memref<640x128xf32, #tpu.memory_space<hbm>> -> memref<80x128xf32, #tpu.memory_space<hbm>>
      tpu.enqueue_dma source(%dma_start3A_22 : memref<80x128xf32, #tpu.memory_space<hbm>>) target(%dma_start3A_19 : memref<80x128xf32, #tpu.memory_space<vmem_shared>>) target_semaphore(%run_scoped3A : memref<!tpu.dma_semaphore, #tpu.memory_space<semaphore_mem>>)
      %dma_wait3A = arith.constant 0 : i32
      %dma_wait3A_23 = tpu.memref_slice %arg9[%mul3A_4, %dma_wait3A] : memref<1280x128xf32, #tpu.memory_space<vmem_shared>> -> memref<80x128xf32, #tpu.memory_space<vmem_shared>>
      %dma_wait3A_24 = arith.constant 0 : i32
      %dma_wait3A_25 = arith.constant 0 : i32
      %dma_wait3A_26 = tpu.memref_slice %arg4[%dma_wait3A_24, %dma_wait3A_25] : memref<640x128xf32, #tpu.memory_space<hbm>> -> memref<80x128xf32, #tpu.memory_space<hbm>>
      tpu.wait_dma2 semaphore(%run_scoped3A : memref<!tpu.dma_semaphore, #tpu.memory_space<semaphore_mem>>) src(%dma_wait3A_26 : memref<80x128xf32, #tpu.memory_space<hbm>>) dst(%dma_wait3A_23 : memref<80x128xf32, #tpu.memory_space<vmem_shared>>)
      tpu.yield
    }) : () -> ()
    %barrier3A = arith.constant 0 : index
    tpu.barrier barrier_id(%barrier3A)
    %dma_start3A = arith.constant 0 : i32
    %dma_start3A_5 = arith.constant 0 : i32
    %dma_start3A_6 = tpu.memref_slice %arg2[%mul3A_2, %dma_start3A, %dma_start3A_5] : memref<2560x128x128xf32, #tpu.memory_space<hbm>> -> memref<1x128x128xf32, #tpu.memory_space<hbm>>
    %dma_start3A_7 = tpu.memref_squeeze %dma_start3A_6 : memref<1x128x128xf32, #tpu.memory_space<hbm>> -> memref<128x128xf32, #tpu.memory_space<hbm>>
    %dma_start3A_8 = arith.constant 0 : i32
    %dma_start3A_9 = arith.constant 0 : i32
    %dma_start3A_10 = tpu.memref_slice %arg2[%mul3A_2, %dma_start3A_8, %dma_start3A_9] : memref<2560x128x128xf32, #tpu.memory_space<hbm>> -> memref<1x128x128xf32, #tpu.memory_space<hbm>>
    %dma_start3A_11 = tpu.memref_squeeze %dma_start3A_10 : memref<1x128x128xf32, #tpu.memory_space<hbm>> -> memref<128x128xf32, #tpu.memory_space<hbm>>
    tpu.enqueue_dma source(%dma_start3A_11 : memref<128x128xf32, #tpu.memory_space<hbm>>) target(%arg7 : memref<128x128xf32, #tpu.memory_space<vmem>>) target_semaphore(%arg10 : memref<!tpu.dma_semaphore, #tpu.memory_space<semaphore_mem>>)
    %scan3A = arith.constant 0 : i32
    %scan3A_12 = arith.constant 0 : i32
    %scan3A_13 = arith.constant 40 : i32
    %scan3A_14 = arith.addi %scan3A_12, %scan3A_13 : i32
    %scan3A_15 = arith.constant 1 : i32
    scf.for %scan3A_18 = %scan3A_12 to %scan3A_14 step %scan3A_15  : i32 {
      %mul3A_19 = arith.constant 2 : i32
      %mul3A_20 = arith.muli %mul3A_19, %scan3A_18 : i32
      %add3A_21 = arith.addi %mul3A_2, %mul3A_20 : i32
      %add3A_22 = arith.constant 1 : i32
      %add3A_23 = arith.addi %add3A_21, %add3A_22 : i32
      %dma_start3A_24 = arith.constant 0 : i32
      %dma_start3A_25 = arith.constant 0 : i32
      %dma_start3A_26 = tpu.memref_slice %arg2[%add3A_23, %dma_start3A_24, %dma_start3A_25] : memref<2560x128x128xf32, #tpu.memory_space<hbm>> -> memref<1x128x128xf32, #tpu.memory_space<hbm>>
      %dma_start3A_27 = tpu.memref_squeeze %dma_start3A_26 : memref<1x128x128xf32, #tpu.memory_space<hbm>> -> memref<128x128xf32, #tpu.memory_space<hbm>>
      %dma_start3A_28 = arith.constant 0 : i32
      %dma_start3A_29 = arith.constant 0 : i32
      %dma_start3A_30 = tpu.memref_slice %arg2[%add3A_23, %dma_start3A_28, %dma_start3A_29] : memref<2560x128x128xf32, #tpu.memory_space<hbm>> -> memref<1x128x128xf32, #tpu.memory_space<hbm>>
      %dma_start3A_31 = tpu.memref_squeeze %dma_start3A_30 : memref<1x128x128xf32, #tpu.memory_space<hbm>> -> memref<128x128xf32, #tpu.memory_space<hbm>>
      tpu.enqueue_dma source(%dma_start3A_31 : memref<128x128xf32, #tpu.memory_space<hbm>>) target(%arg8 : memref<128x128xf32, #tpu.memory_space<vmem>>) target_semaphore(%arg11 : memref<!tpu.dma_semaphore, #tpu.memory_space<semaphore_mem>>)
      %add3A_32 = arith.addi %mul3A_2, %mul3A_20 : i32
      %dma_wait3A = arith.constant 0 : i32
      %dma_wait3A_33 = arith.constant 0 : i32
      %dma_wait3A_34 = tpu.memref_slice %arg2[%add3A_32, %dma_wait3A, %dma_wait3A_33] : memref<2560x128x128xf32, #tpu.memory_space<hbm>> -> memref<1x128x128xf32, #tpu.memory_space<hbm>>
      %dma_wait3A_35 = tpu.memref_squeeze %dma_wait3A_34 : memref<1x128x128xf32, #tpu.memory_space<hbm>> -> memref<128x128xf32, #tpu.memory_space<hbm>>
      %dma_wait3A_36 = arith.constant 0 : i32
      %dma_wait3A_37 = arith.constant 0 : i32
      %dma_wait3A_38 = tpu.memref_slice %arg2[%add3A_32, %dma_wait3A_36, %dma_wait3A_37] : memref<2560x128x128xf32, #tpu.memory_space<hbm>> -> memref<1x128x128xf32, #tpu.memory_space<hbm>>
      %dma_wait3A_39 = tpu.memref_squeeze %dma_wait3A_38 : memref<1x128x128xf32, #tpu.memory_space<hbm>> -> memref<128x128xf32, #tpu.memory_space<hbm>>
      tpu.wait_dma2 semaphore(%arg10 : memref<!tpu.dma_semaphore, #tpu.memory_space<semaphore_mem>>) src(%dma_wait3A_39 : memref<128x128xf32, #tpu.memory_space<hbm>>) dst(%arg7 : memref<128x128xf32, #tpu.memory_space<vmem>>)
      "tpu.region"() ({
        %run_scoped3A = tpu.sem_alloc : memref<!tpu.dma_semaphore, #tpu.memory_space<semaphore_mem>>
        %dma_start3A_55 = arith.constant 0 : i32
        %dma_start3A_56 = tpu.memref_slice %arg6[%mul3A_20, %dma_start3A_55] : memref<80x128xi32, #tpu.memory_space<vmem>> -> memref<1x128xi32, #tpu.memory_space<vmem>>
        %dma_start3A_57 = tpu.memref_squeeze %dma_start3A_56 : memref<1x128xi32, #tpu.memory_space<vmem>> -> memref<128xi32, #tpu.memory_space<vmem>>
        %dma_start3A_58 = arith.constant 0 : i32
        %dma_start3A_59 = arith.constant 0 : i32
        %dma_start3A_60 = tpu.memref_slice %arg9[%dma_start3A_58, %dma_start3A_59] : memref<1280x128xf32, #tpu.memory_space<vmem_shared>> -> memref<1280x128xf32, #tpu.memory_space<vmem_shared>>
        tpu.enqueue_indirect_dma source(%arg7 : memref<128x128xf32, #tpu.memory_space<vmem>>) target(%dma_start3A_60 : memref<1280x128xf32, #tpu.memory_space<vmem_shared>>) offsets(%dma_start3A_57 : memref<128xi32, #tpu.memory_space<vmem>>) semaphore(%run_scoped3A : memref<!tpu.dma_semaphore, #tpu.memory_space<semaphore_mem>>) {add = true}
        %dma_wait3A_61 = arith.constant 0 : i32
        %dma_wait3A_62 = tpu.memref_slice %arg6[%mul3A_20, %dma_wait3A_61] : memref<80x128xi32, #tpu.memory_space<vmem>> -> memref<1x128xi32, #tpu.memory_space<vmem>>
        %dma_wait3A_63 = tpu.memref_squeeze %dma_wait3A_62 : memref<1x128xi32, #tpu.memory_space<vmem>> -> memref<128xi32, #tpu.memory_space<vmem>>
        %dma_wait3A_64 = arith.constant 0 : i32
        %dma_wait3A_65 = arith.constant 0 : i32
        %dma_wait3A_66 = tpu.memref_slice %arg9[%dma_wait3A_64, %dma_wait3A_65] : memref<1280x128xf32, #tpu.memory_space<vmem_shared>> -> memref<1280x128xf32, #tpu.memory_space<vmem_shared>>
        tpu.wait_indirect_dma semaphore(%run_scoped3A : memref<!tpu.dma_semaphore, #tpu.memory_space<semaphore_mem>>) src(%arg7 : memref<128x128xf32, #tpu.memory_space<vmem>>) dst(%dma_wait3A_66 : memref<1280x128xf32, #tpu.memory_space<vmem_shared>>)
        tpu.yield
      }) : () -> ()
      %lt3A = arith.constant 39 : i32
      %lt3A_40 = arith.cmpi slt, %scan3A_18, %lt3A : i32
      %convert_element_type3A = arith.extui %lt3A_40 : i1 to i32
      %cond3A = arith.constant 0 : i32
      %cond3A_41 = arith.cmpi ne, %convert_element_type3A, %cond3A : i32
      scf.if %cond3A_41 {
        %add3A_55 = arith.addi %mul3A_2, %mul3A_20 : i32
        %add3A_56 = arith.constant 2 : i32
        %add3A_57 = arith.addi %add3A_55, %add3A_56 : i32
        %dma_start3A_58 = arith.constant 0 : i32
        %dma_start3A_59 = arith.constant 0 : i32
        %dma_start3A_60 = tpu.memref_slice %arg2[%add3A_57, %dma_start3A_58, %dma_start3A_59] : memref<2560x128x128xf32, #tpu.memory_space<hbm>> -> memref<1x128x128xf32, #tpu.memory_space<hbm>>
        %dma_start3A_61 = tpu.memref_squeeze %dma_start3A_60 : memref<1x128x128xf32, #tpu.memory_space<hbm>> -> memref<128x128xf32, #tpu.memory_space<hbm>>
        %dma_start3A_62 = arith.constant 0 : i32
        %dma_start3A_63 = arith.constant 0 : i32
        %dma_start3A_64 = tpu.memref_slice %arg2[%add3A_57, %dma_start3A_62, %dma_start3A_63] : memref<2560x128x128xf32, #tpu.memory_space<hbm>> -> memref<1x128x128xf32, #tpu.memory_space<hbm>>
        %dma_start3A_65 = tpu.memref_squeeze %dma_start3A_64 : memref<1x128x128xf32, #tpu.memory_space<hbm>> -> memref<128x128xf32, #tpu.memory_space<hbm>>
        tpu.enqueue_dma source(%dma_start3A_65 : memref<128x128xf32, #tpu.memory_space<hbm>>) target(%arg7 : memref<128x128xf32, #tpu.memory_space<vmem>>) target_semaphore(%arg10 : memref<!tpu.dma_semaphore, #tpu.memory_space<semaphore_mem>>)
      } else {
      }
      %add3A_42 = arith.addi %mul3A_2, %mul3A_20 : i32
      %add3A_43 = arith.constant 1 : i32
      %add3A_44 = arith.addi %add3A_42, %add3A_43 : i32
      %dma_wait3A_45 = arith.constant 0 : i32
      %dma_wait3A_46 = arith.constant 0 : i32
      %dma_wait3A_47 = tpu.memref_slice %arg2[%add3A_44, %dma_wait3A_45, %dma_wait3A_46] : memref<2560x128x128xf32, #tpu.memory_space<hbm>> -> memref<1x128x128xf32, #tpu.memory_space<hbm>>
      %dma_wait3A_48 = tpu.memref_squeeze %dma_wait3A_47 : memref<1x128x128xf32, #tpu.memory_space<hbm>> -> memref<128x128xf32, #tpu.memory_space<hbm>>
      %dma_wait3A_49 = arith.constant 0 : i32
      %dma_wait3A_50 = arith.constant 0 : i32
      %dma_wait3A_51 = tpu.memref_slice %arg2[%add3A_44, %dma_wait3A_49, %dma_wait3A_50] : memref<2560x128x128xf32, #tpu.memory_space<hbm>> -> memref<1x128x128xf32, #tpu.memory_space<hbm>>
      %dma_wait3A_52 = tpu.memref_squeeze %dma_wait3A_51 : memref<1x128x128xf32, #tpu.memory_space<hbm>> -> memref<128x128xf32, #tpu.memory_space<hbm>>
      tpu.wait_dma2 semaphore(%arg11 : memref<!tpu.dma_semaphore, #tpu.memory_space<semaphore_mem>>) src(%dma_wait3A_52 : memref<128x128xf32, #tpu.memory_space<hbm>>) dst(%arg8 : memref<128x128xf32, #tpu.memory_space<vmem>>)
      %add3A_53 = arith.constant 1 : i32
      %add3A_54 = arith.addi %mul3A_20, %add3A_53 : i32
      "tpu.region"() ({
        %run_scoped3A = tpu.sem_alloc : memref<!tpu.dma_semaphore, #tpu.memory_space<semaphore_mem>>
        %dma_start3A_55 = arith.constant 0 : i32
        %dma_start3A_56 = tpu.memref_slice %arg6[%add3A_54, %dma_start3A_55] : memref<80x128xi32, #tpu.memory_space<vmem>> -> memref<1x128xi32, #tpu.memory_space<vmem>>
        %dma_start3A_57 = tpu.memref_squeeze %dma_start3A_56 : memref<1x128xi32, #tpu.memory_space<vmem>> -> memref<128xi32, #tpu.memory_space<vmem>>
        %dma_start3A_58 = arith.constant 0 : i32
        %dma_start3A_59 = arith.constant 0 : i32
        %dma_start3A_60 = tpu.memref_slice %arg9[%dma_start3A_58, %dma_start3A_59] : memref<1280x128xf32, #tpu.memory_space<vmem_shared>> -> memref<1280x128xf32, #tpu.memory_space<vmem_shared>>
        tpu.enqueue_indirect_dma source(%arg8 : memref<128x128xf32, #tpu.memory_space<vmem>>) target(%dma_start3A_60 : memref<1280x128xf32, #tpu.memory_space<vmem_shared>>) offsets(%dma_start3A_57 : memref<128xi32, #tpu.memory_space<vmem>>) semaphore(%run_scoped3A : memref<!tpu.dma_semaphore, #tpu.memory_space<semaphore_mem>>) {add = true}
        %dma_wait3A_61 = arith.constant 0 : i32
        %dma_wait3A_62 = tpu.memref_slice %arg6[%add3A_54, %dma_wait3A_61] : memref<80x128xi32, #tpu.memory_space<vmem>> -> memref<1x128xi32, #tpu.memory_space<vmem>>
        %dma_wait3A_63 = tpu.memref_squeeze %dma_wait3A_62 : memref<1x128xi32, #tpu.memory_space<vmem>> -> memref<128xi32, #tpu.memory_space<vmem>>
        %dma_wait3A_64 = arith.constant 0 : i32
        %dma_wait3A_65 = arith.constant 0 : i32
        %dma_wait3A_66 = tpu.memref_slice %arg9[%dma_wait3A_64, %dma_wait3A_65] : memref<1280x128xf32, #tpu.memory_space<vmem_shared>> -> memref<1280x128xf32, #tpu.memory_space<vmem_shared>>
        tpu.wait_indirect_dma semaphore(%run_scoped3A : memref<!tpu.dma_semaphore, #tpu.memory_space<semaphore_mem>>) src(%arg8 : memref<128x128xf32, #tpu.memory_space<vmem>>) dst(%dma_wait3A_66 : memref<1280x128xf32, #tpu.memory_space<vmem_shared>>)
        tpu.yield
      }) : () -> ()
    }
    %scan3A_16 = arith.constant 40 : i32
    %barrier3A_17 = arith.constant 0 : index
    tpu.barrier barrier_id(%barrier3A_17)
    "tpu.region"() ({
      %run_scoped3A = tpu.sem_alloc : memref<!tpu.dma_semaphore, #tpu.memory_space<semaphore_mem>>
      %dma_start3A_18 = arith.constant 0 : i32
      %dma_start3A_19 = tpu.memref_slice %arg5[%arg0, %mul3A_4, %dma_start3A_18] : memref<2x1280x128xf32, #tpu.memory_space<hbm>> -> memref<1x80x128xf32, #tpu.memory_space<hbm>>
      %dma_start3A_20 = tpu.memref_squeeze %dma_start3A_19 : memref<1x80x128xf32, #tpu.memory_space<hbm>> -> memref<80x128xf32, #tpu.memory_space<hbm>>
      %dma_start3A_21 = arith.constant 0 : i32
      %dma_start3A_22 = tpu.memref_slice %arg9[%mul3A_4, %dma_start3A_21] : memref<1280x128xf32, #tpu.memory_space<vmem_shared>> -> memref<80x128xf32, #tpu.memory_space<vmem_shared>>
      tpu.enqueue_dma source(%dma_start3A_22 : memref<80x128xf32, #tpu.memory_space<vmem_shared>>) target(%dma_start3A_20 : memref<80x128xf32, #tpu.memory_space<hbm>>) target_semaphore(%run_scoped3A : memref<!tpu.dma_semaphore, #tpu.memory_space<semaphore_mem>>)
      %dma_wait3A = arith.constant 0 : i32
      %dma_wait3A_23 = tpu.memref_slice %arg5[%arg0, %mul3A_4, %dma_wait3A] : memref<2x1280x128xf32, #tpu.memory_space<hbm>> -> memref<1x80x128xf32, #tpu.memory_space<hbm>>
      %dma_wait3A_24 = tpu.memref_squeeze %dma_wait3A_23 : memref<1x80x128xf32, #tpu.memory_space<hbm>> -> memref<80x128xf32, #tpu.memory_space<hbm>>
      %dma_wait3A_25 = arith.constant 0 : i32
      %dma_wait3A_26 = tpu.memref_slice %arg9[%mul3A_4, %dma_wait3A_25] : memref<1280x128xf32, #tpu.memory_space<vmem_shared>> -> memref<80x128xf32, #tpu.memory_space<vmem_shared>>
      tpu.wait_dma2 semaphore(%run_scoped3A : memref<!tpu.dma_semaphore, #tpu.memory_space<semaphore_mem>>) src(%dma_wait3A_26 : memref<80x128xf32, #tpu.memory_space<vmem_shared>>) dst(%dma_wait3A_24 : memref<80x128xf32, #tpu.memory_space<hbm>>)
      tpu.yield
    }) : () -> ()
    return
  }
}

#map = affine_map<(d0, d1) -> (0, 0, 0)>
#map1 = affine_map<(d0, d1) -> (0, 0)>
module attributes {stable_mosaic.version = 14 : i64} {
  func.func @body(%arg0: i32, %arg1: i32, %arg2: memref<2560x128x128xf32, #tpu.memory_space<hbm>>, %arg3: memref<2560x128xi32, #tpu.memory_space<hbm>>, %arg4: memref<640x128xf32, #tpu.memory_space<hbm>>, %arg5: memref<2x10240x128xf32, #tpu.memory_space<hbm>>, %arg6: memref<80x128xi32, #tpu.memory_space<vmem>>, %arg7: memref<128x128xf32, #tpu.memory_space<vmem>>, %arg8: memref<128x128xf32, #tpu.memory_space<vmem>>, %arg9: memref<10240x128xf32, #tpu.memory_space<vmem_shared>>, %arg10: memref<!tpu.dma_semaphore, #tpu.memory_space<semaphore_mem>>, %arg11: memref<!tpu.dma_semaphore, #tpu.memory_space<semaphore_mem>>) attributes {dimension_semantics = [#tpu.dimension_semantics<core_parallel>, #tpu.dimension_semantics<subcore_parallel>], iteration_bounds = array<i64: 2, 16>, scalar_prefetch = 0 : i64, scratch_operands = 6 : i64, tpu.core_type = #tpu.core_type<sc_vector_subcore>, window_params = [{transform_indices = #map}, {transform_indices = #map1}, {transform_indices = #map1}, {transform_indices = #map}]} {
    %mul3A = arith.constant 2 : i32
    %mul3A_0 = arith.muli %arg1, %mul3A : i32
    %add3A = arith.addi %mul3A_0, %arg0 : i32
    %mul3A_1 = arith.constant 80 : i32
    %mul3A_2 = arith.muli %add3A, %mul3A_1 : i32
    "tpu.region"() ({
      %run_scoped3A = tpu.sem_alloc : memref<!tpu.dma_semaphore, #tpu.memory_space<semaphore_mem>>
      %dma_start3A_18 = arith.constant 0 : i32
      %dma_start3A_19 = tpu.memref_slice %arg3[%mul3A_2, %dma_start3A_18] : memref<2560x128xi32, #tpu.memory_space<hbm>> -> memref<80x128xi32, #tpu.memory_space<hbm>>
      %dma_start3A_20 = arith.constant 0 : i32
      %dma_start3A_21 = tpu.memref_slice %arg3[%mul3A_2, %dma_start3A_20] : memref<2560x128xi32, #tpu.memory_space<hbm>> -> memref<80x128xi32, #tpu.memory_space<hbm>>
      tpu.enqueue_dma source(%dma_start3A_21 : memref<80x128xi32, #tpu.memory_space<hbm>>) target(%arg6 : memref<80x128xi32, #tpu.memory_space<vmem>>) target_semaphore(%run_scoped3A : memref<!tpu.dma_semaphore, #tpu.memory_space<semaphore_mem>>)
      %dma_wait3A = arith.constant 0 : i32
      %dma_wait3A_22 = tpu.memref_slice %arg3[%mul3A_2, %dma_wait3A] : memref<2560x128xi32, #tpu.memory_space<hbm>> -> memref<80x128xi32, #tpu.memory_space<hbm>>
      %dma_wait3A_23 = arith.constant 0 : i32
      %dma_wait3A_24 = tpu.memref_slice %arg3[%mul3A_2, %dma_wait3A_23] : memref<2560x128xi32, #tpu.memory_space<hbm>> -> memref<80x128xi32, #tpu.memory_space<hbm>>
      tpu.wait_dma2 semaphore(%run_scoped3A : memref<!tpu.dma_semaphore, #tpu.memory_space<semaphore_mem>>) src(%dma_wait3A_24 : memref<80x128xi32, #tpu.memory_space<hbm>>) dst(%arg6 : memref<80x128xi32, #tpu.memory_space<vmem>>)
      tpu.yield
    }) : () -> ()
    %mul3A_3 = arith.constant 640 : i32
    %mul3A_4 = arith.muli %arg1, %mul3A_3 : i32
    "tpu.region"() ({
      %run_scoped3A = tpu.sem_alloc : memref<!tpu.dma_semaphore, #tpu.memory_space<semaphore_mem>>
      %dma_start3A_18 = arith.constant 0 : i32
      %dma_start3A_19 = tpu.memref_slice %arg9[%mul3A_4, %dma_start3A_18] : memref<10240x128xf32, #tpu.memory_space<vmem_shared>> -> memref<640x128xf32, #tpu.memory_space<vmem_shared>>
      %dma_start3A_20 = arith.constant 0 : i32
      %dma_start3A_21 = arith.constant 0 : i32
      %dma_start3A_22 = tpu.memref_slice %arg4[%dma_start3A_20, %dma_start3A_21] : memref<640x128xf32, #tpu.memory_space<hbm>> -> memref<640x128xf32, #tpu.memory_space<hbm>>
      tpu.enqueue_dma source(%dma_start3A_22 : memref<640x128xf32, #tpu.memory_space<hbm>>) target(%dma_start3A_19 : memref<640x128xf32, #tpu.memory_space<vmem_shared>>) target_semaphore(%run_scoped3A : memref<!tpu.dma_semaphore, #tpu.memory_space<semaphore_mem>>)
      %dma_wait3A = arith.constant 0 : i32
      %dma_wait3A_23 = tpu.memref_slice %arg9[%mul3A_4, %dma_wait3A] : memref<10240x128xf32, #tpu.memory_space<vmem_shared>> -> memref<640x128xf32, #tpu.memory_space<vmem_shared>>
      %dma_wait3A_24 = arith.constant 0 : i32
      %dma_wait3A_25 = arith.constant 0 : i32
      %dma_wait3A_26 = tpu.memref_slice %arg4[%dma_wait3A_24, %dma_wait3A_25] : memref<640x128xf32, #tpu.memory_space<hbm>> -> memref<640x128xf32, #tpu.memory_space<hbm>>
      tpu.wait_dma2 semaphore(%run_scoped3A : memref<!tpu.dma_semaphore, #tpu.memory_space<semaphore_mem>>) src(%dma_wait3A_26 : memref<640x128xf32, #tpu.memory_space<hbm>>) dst(%dma_wait3A_23 : memref<640x128xf32, #tpu.memory_space<vmem_shared>>)
      tpu.yield
    }) : () -> ()
    %barrier3A = arith.constant 0 : index
    tpu.barrier barrier_id(%barrier3A)
    %dma_start3A = arith.constant 0 : i32
    %dma_start3A_5 = arith.constant 0 : i32
    %dma_start3A_6 = tpu.memref_slice %arg2[%mul3A_2, %dma_start3A, %dma_start3A_5] : memref<2560x128x128xf32, #tpu.memory_space<hbm>> -> memref<1x128x128xf32, #tpu.memory_space<hbm>>
    %dma_start3A_7 = tpu.memref_squeeze %dma_start3A_6 : memref<1x128x128xf32, #tpu.memory_space<hbm>> -> memref<128x128xf32, #tpu.memory_space<hbm>>
    %dma_start3A_8 = arith.constant 0 : i32
    %dma_start3A_9 = arith.constant 0 : i32
    %dma_start3A_10 = tpu.memref_slice %arg2[%mul3A_2, %dma_start3A_8, %dma_start3A_9] : memref<2560x128x128xf32, #tpu.memory_space<hbm>> -> memref<1x128x128xf32, #tpu.memory_space<hbm>>
    %dma_start3A_11 = tpu.memref_squeeze %dma_start3A_10 : memref<1x128x128xf32, #tpu.memory_space<hbm>> -> memref<128x128xf32, #tpu.memory_space<hbm>>
    tpu.enqueue_dma source(%dma_start3A_11 : memref<128x128xf32, #tpu.memory_space<hbm>>) target(%arg7 : memref<128x128xf32, #tpu.memory_space<vmem>>) target_semaphore(%arg10 : memref<!tpu.dma_semaphore, #tpu.memory_space<semaphore_mem>>)
    %scan3A = arith.constant 0 : i32
    %scan3A_12 = arith.constant 0 : i32
    %scan3A_13 = arith.constant 40 : i32
    %scan3A_14 = arith.addi %scan3A_12, %scan3A_13 : i32
    %scan3A_15 = arith.constant 1 : i32
    scf.for %scan3A_18 = %scan3A_12 to %scan3A_14 step %scan3A_15  : i32 {
      %mul3A_19 = arith.constant 2 : i32
      %mul3A_20 = arith.muli %mul3A_19, %scan3A_18 : i32
      %add3A_21 = arith.addi %mul3A_2, %mul3A_20 : i32
      %add3A_22 = arith.constant 1 : i32
      %add3A_23 = arith.addi %add3A_21, %add3A_22 : i32
      %dma_start3A_24 = arith.constant 0 : i32
      %dma_start3A_25 = arith.constant 0 : i32
      %dma_start3A_26 = tpu.memref_slice %arg2[%add3A_23, %dma_start3A_24, %dma_start3A_25] : memref<2560x128x128xf32, #tpu.memory_space<hbm>> -> memref<1x128x128xf32, #tpu.memory_space<hbm>>
      %dma_start3A_27 = tpu.memref_squeeze %dma_start3A_26 : memref<1x128x128xf32, #tpu.memory_space<hbm>> -> memref<128x128xf32, #tpu.memory_space<hbm>>
      %dma_start3A_28 = arith.constant 0 : i32
      %dma_start3A_29 = arith.constant 0 : i32
      %dma_start3A_30 = tpu.memref_slice %arg2[%add3A_23, %dma_start3A_28, %dma_start3A_29] : memref<2560x128x128xf32, #tpu.memory_space<hbm>> -> memref<1x128x128xf32, #tpu.memory_space<hbm>>
      %dma_start3A_31 = tpu.memref_squeeze %dma_start3A_30 : memref<1x128x128xf32, #tpu.memory_space<hbm>> -> memref<128x128xf32, #tpu.memory_space<hbm>>
      tpu.enqueue_dma source(%dma_start3A_31 : memref<128x128xf32, #tpu.memory_space<hbm>>) target(%arg8 : memref<128x128xf32, #tpu.memory_space<vmem>>) target_semaphore(%arg11 : memref<!tpu.dma_semaphore, #tpu.memory_space<semaphore_mem>>)
      %add3A_32 = arith.addi %mul3A_2, %mul3A_20 : i32
      %dma_wait3A = arith.constant 0 : i32
      %dma_wait3A_33 = arith.constant 0 : i32
      %dma_wait3A_34 = tpu.memref_slice %arg2[%add3A_32, %dma_wait3A, %dma_wait3A_33] : memref<2560x128x128xf32, #tpu.memory_space<hbm>> -> memref<1x128x128xf32, #tpu.memory_space<hbm>>
      %dma_wait3A_35 = tpu.memref_squeeze %dma_wait3A_34 : memref<1x128x128xf32, #tpu.memory_space<hbm>> -> memref<128x128xf32, #tpu.memory_space<hbm>>
      %dma_wait3A_36 = arith.constant 0 : i32
      %dma_wait3A_37 = arith.constant 0 : i32
      %dma_wait3A_38 = tpu.memref_slice %arg2[%add3A_32, %dma_wait3A_36, %dma_wait3A_37] : memref<2560x128x128xf32, #tpu.memory_space<hbm>> -> memref<1x128x128xf32, #tpu.memory_space<hbm>>
      %dma_wait3A_39 = tpu.memref_squeeze %dma_wait3A_38 : memref<1x128x128xf32, #tpu.memory_space<hbm>> -> memref<128x128xf32, #tpu.memory_space<hbm>>
      tpu.wait_dma2 semaphore(%arg10 : memref<!tpu.dma_semaphore, #tpu.memory_space<semaphore_mem>>) src(%dma_wait3A_39 : memref<128x128xf32, #tpu.memory_space<hbm>>) dst(%arg7 : memref<128x128xf32, #tpu.memory_space<vmem>>)
      "tpu.region"() ({
        %run_scoped3A = tpu.sem_alloc : memref<!tpu.dma_semaphore, #tpu.memory_space<semaphore_mem>>
        %dma_start3A_55 = arith.constant 0 : i32
        %dma_start3A_56 = tpu.memref_slice %arg6[%mul3A_20, %dma_start3A_55] : memref<80x128xi32, #tpu.memory_space<vmem>> -> memref<1x128xi32, #tpu.memory_space<vmem>>
        %dma_start3A_57 = tpu.memref_squeeze %dma_start3A_56 : memref<1x128xi32, #tpu.memory_space<vmem>> -> memref<128xi32, #tpu.memory_space<vmem>>
        %dma_start3A_58 = arith.constant 0 : i32
        %dma_start3A_59 = arith.constant 0 : i32
        %dma_start3A_60 = tpu.memref_slice %arg9[%dma_start3A_58, %dma_start3A_59] : memref<10240x128xf32, #tpu.memory_space<vmem_shared>> -> memref<10240x128xf32, #tpu.memory_space<vmem_shared>>
        tpu.enqueue_indirect_dma source(%arg7 : memref<128x128xf32, #tpu.memory_space<vmem>>) target(%dma_start3A_60 : memref<10240x128xf32, #tpu.memory_space<vmem_shared>>) offsets(%dma_start3A_57 : memref<128xi32, #tpu.memory_space<vmem>>) semaphore(%run_scoped3A : memref<!tpu.dma_semaphore, #tpu.memory_space<semaphore_mem>>) {add = true}
        %dma_wait3A_61 = arith.constant 0 : i32
        %dma_wait3A_62 = tpu.memref_slice %arg6[%mul3A_20, %dma_wait3A_61] : memref<80x128xi32, #tpu.memory_space<vmem>> -> memref<1x128xi32, #tpu.memory_space<vmem>>
        %dma_wait3A_63 = tpu.memref_squeeze %dma_wait3A_62 : memref<1x128xi32, #tpu.memory_space<vmem>> -> memref<128xi32, #tpu.memory_space<vmem>>
        %dma_wait3A_64 = arith.constant 0 : i32
        %dma_wait3A_65 = arith.constant 0 : i32
        %dma_wait3A_66 = tpu.memref_slice %arg9[%dma_wait3A_64, %dma_wait3A_65] : memref<10240x128xf32, #tpu.memory_space<vmem_shared>> -> memref<10240x128xf32, #tpu.memory_space<vmem_shared>>
        tpu.wait_indirect_dma semaphore(%run_scoped3A : memref<!tpu.dma_semaphore, #tpu.memory_space<semaphore_mem>>) src(%arg7 : memref<128x128xf32, #tpu.memory_space<vmem>>) dst(%dma_wait3A_66 : memref<10240x128xf32, #tpu.memory_space<vmem_shared>>)
        tpu.yield
      }) : () -> ()
      %lt3A = arith.constant 39 : i32
      %lt3A_40 = arith.cmpi slt, %scan3A_18, %lt3A : i32
      %convert_element_type3A = arith.extui %lt3A_40 : i1 to i32
      %cond3A = arith.constant 0 : i32
      %cond3A_41 = arith.cmpi ne, %convert_element_type3A, %cond3A : i32
      scf.if %cond3A_41 {
        %add3A_55 = arith.addi %mul3A_2, %mul3A_20 : i32
        %add3A_56 = arith.constant 2 : i32
        %add3A_57 = arith.addi %add3A_55, %add3A_56 : i32
        %dma_start3A_58 = arith.constant 0 : i32
        %dma_start3A_59 = arith.constant 0 : i32
        %dma_start3A_60 = tpu.memref_slice %arg2[%add3A_57, %dma_start3A_58, %dma_start3A_59] : memref<2560x128x128xf32, #tpu.memory_space<hbm>> -> memref<1x128x128xf32, #tpu.memory_space<hbm>>
        %dma_start3A_61 = tpu.memref_squeeze %dma_start3A_60 : memref<1x128x128xf32, #tpu.memory_space<hbm>> -> memref<128x128xf32, #tpu.memory_space<hbm>>
        %dma_start3A_62 = arith.constant 0 : i32
        %dma_start3A_63 = arith.constant 0 : i32
        %dma_start3A_64 = tpu.memref_slice %arg2[%add3A_57, %dma_start3A_62, %dma_start3A_63] : memref<2560x128x128xf32, #tpu.memory_space<hbm>> -> memref<1x128x128xf32, #tpu.memory_space<hbm>>
        %dma_start3A_65 = tpu.memref_squeeze %dma_start3A_64 : memref<1x128x128xf32, #tpu.memory_space<hbm>> -> memref<128x128xf32, #tpu.memory_space<hbm>>
        tpu.enqueue_dma source(%dma_start3A_65 : memref<128x128xf32, #tpu.memory_space<hbm>>) target(%arg7 : memref<128x128xf32, #tpu.memory_space<vmem>>) target_semaphore(%arg10 : memref<!tpu.dma_semaphore, #tpu.memory_space<semaphore_mem>>)
      } else {
      }
      %add3A_42 = arith.addi %mul3A_2, %mul3A_20 : i32
      %add3A_43 = arith.constant 1 : i32
      %add3A_44 = arith.addi %add3A_42, %add3A_43 : i32
      %dma_wait3A_45 = arith.constant 0 : i32
      %dma_wait3A_46 = arith.constant 0 : i32
      %dma_wait3A_47 = tpu.memref_slice %arg2[%add3A_44, %dma_wait3A_45, %dma_wait3A_46] : memref<2560x128x128xf32, #tpu.memory_space<hbm>> -> memref<1x128x128xf32, #tpu.memory_space<hbm>>
      %dma_wait3A_48 = tpu.memref_squeeze %dma_wait3A_47 : memref<1x128x128xf32, #tpu.memory_space<hbm>> -> memref<128x128xf32, #tpu.memory_space<hbm>>
      %dma_wait3A_49 = arith.constant 0 : i32
      %dma_wait3A_50 = arith.constant 0 : i32
      %dma_wait3A_51 = tpu.memref_slice %arg2[%add3A_44, %dma_wait3A_49, %dma_wait3A_50] : memref<2560x128x128xf32, #tpu.memory_space<hbm>> -> memref<1x128x128xf32, #tpu.memory_space<hbm>>
      %dma_wait3A_52 = tpu.memref_squeeze %dma_wait3A_51 : memref<1x128x128xf32, #tpu.memory_space<hbm>> -> memref<128x128xf32, #tpu.memory_space<hbm>>
      tpu.wait_dma2 semaphore(%arg11 : memref<!tpu.dma_semaphore, #tpu.memory_space<semaphore_mem>>) src(%dma_wait3A_52 : memref<128x128xf32, #tpu.memory_space<hbm>>) dst(%arg8 : memref<128x128xf32, #tpu.memory_space<vmem>>)
      %add3A_53 = arith.constant 1 : i32
      %add3A_54 = arith.addi %mul3A_20, %add3A_53 : i32
      "tpu.region"() ({
        %run_scoped3A = tpu.sem_alloc : memref<!tpu.dma_semaphore, #tpu.memory_space<semaphore_mem>>
        %dma_start3A_55 = arith.constant 0 : i32
        %dma_start3A_56 = tpu.memref_slice %arg6[%add3A_54, %dma_start3A_55] : memref<80x128xi32, #tpu.memory_space<vmem>> -> memref<1x128xi32, #tpu.memory_space<vmem>>
        %dma_start3A_57 = tpu.memref_squeeze %dma_start3A_56 : memref<1x128xi32, #tpu.memory_space<vmem>> -> memref<128xi32, #tpu.memory_space<vmem>>
        %dma_start3A_58 = arith.constant 0 : i32
        %dma_start3A_59 = arith.constant 0 : i32
        %dma_start3A_60 = tpu.memref_slice %arg9[%dma_start3A_58, %dma_start3A_59] : memref<10240x128xf32, #tpu.memory_space<vmem_shared>> -> memref<10240x128xf32, #tpu.memory_space<vmem_shared>>
        tpu.enqueue_indirect_dma source(%arg8 : memref<128x128xf32, #tpu.memory_space<vmem>>) target(%dma_start3A_60 : memref<10240x128xf32, #tpu.memory_space<vmem_shared>>) offsets(%dma_start3A_57 : memref<128xi32, #tpu.memory_space<vmem>>) semaphore(%run_scoped3A : memref<!tpu.dma_semaphore, #tpu.memory_space<semaphore_mem>>) {add = true}
        %dma_wait3A_61 = arith.constant 0 : i32
        %dma_wait3A_62 = tpu.memref_slice %arg6[%add3A_54, %dma_wait3A_61] : memref<80x128xi32, #tpu.memory_space<vmem>> -> memref<1x128xi32, #tpu.memory_space<vmem>>
        %dma_wait3A_63 = tpu.memref_squeeze %dma_wait3A_62 : memref<1x128xi32, #tpu.memory_space<vmem>> -> memref<128xi32, #tpu.memory_space<vmem>>
        %dma_wait3A_64 = arith.constant 0 : i32
        %dma_wait3A_65 = arith.constant 0 : i32
        %dma_wait3A_66 = tpu.memref_slice %arg9[%dma_wait3A_64, %dma_wait3A_65] : memref<10240x128xf32, #tpu.memory_space<vmem_shared>> -> memref<10240x128xf32, #tpu.memory_space<vmem_shared>>
        tpu.wait_indirect_dma semaphore(%run_scoped3A : memref<!tpu.dma_semaphore, #tpu.memory_space<semaphore_mem>>) src(%arg8 : memref<128x128xf32, #tpu.memory_space<vmem>>) dst(%dma_wait3A_66 : memref<10240x128xf32, #tpu.memory_space<vmem_shared>>)
        tpu.yield
      }) : () -> ()
    }
    %scan3A_16 = arith.constant 40 : i32
    %barrier3A_17 = arith.constant 0 : index
    tpu.barrier barrier_id(%barrier3A_17)
    "tpu.region"() ({
      %run_scoped3A = tpu.sem_alloc : memref<!tpu.dma_semaphore, #tpu.memory_space<semaphore_mem>>
      %dma_start3A_18 = arith.constant 0 : i32
      %dma_start3A_19 = tpu.memref_slice %arg5[%arg0, %mul3A_4, %dma_start3A_18] : memref<2x10240x128xf32, #tpu.memory_space<hbm>> -> memref<1x640x128xf32, #tpu.memory_space<hbm>>
      %dma_start3A_20 = tpu.memref_squeeze %dma_start3A_19 : memref<1x640x128xf32, #tpu.memory_space<hbm>> -> memref<640x128xf32, #tpu.memory_space<hbm>>
      %dma_start3A_21 = arith.constant 0 : i32
      %dma_start3A_22 = tpu.memref_slice %arg9[%mul3A_4, %dma_start3A_21] : memref<10240x128xf32, #tpu.memory_space<vmem_shared>> -> memref<640x128xf32, #tpu.memory_space<vmem_shared>>
      tpu.enqueue_dma source(%dma_start3A_22 : memref<640x128xf32, #tpu.memory_space<vmem_shared>>) target(%dma_start3A_20 : memref<640x128xf32, #tpu.memory_space<hbm>>) target_semaphore(%run_scoped3A : memref<!tpu.dma_semaphore, #tpu.memory_space<semaphore_mem>>)
      %dma_wait3A = arith.constant 0 : i32
      %dma_wait3A_23 = tpu.memref_slice %arg5[%arg0, %mul3A_4, %dma_wait3A] : memref<2x10240x128xf32, #tpu.memory_space<hbm>> -> memref<1x640x128xf32, #tpu.memory_space<hbm>>
      %dma_wait3A_24 = tpu.memref_squeeze %dma_wait3A_23 : memref<1x640x128xf32, #tpu.memory_space<hbm>> -> memref<640x128xf32, #tpu.memory_space<hbm>>
      %dma_wait3A_25 = arith.constant 0 : i32
      %dma_wait3A_26 = tpu.memref_slice %arg9[%mul3A_4, %dma_wait3A_25] : memref<10240x128xf32, #tpu.memory_space<vmem_shared>> -> memref<640x128xf32, #tpu.memory_space<vmem_shared>>
      tpu.wait_dma2 semaphore(%run_scoped3A : memref<!tpu.dma_semaphore, #tpu.memory_space<semaphore_mem>>) src(%dma_wait3A_26 : memref<640x128xf32, #tpu.memory_space<vmem_shared>>) dst(%dma_wait3A_24 : memref<640x128xf32, #tpu.memory_space<hbm>>)
      tpu.yield
    }) : () -> ()
    return
  }
}

module attributes {stable_mosaic.version = 14 : i64} {
  func.func @_pre_body(%arg0: i32, %arg1: memref<1024x128xf32, #tpu.memory_space<vmem>>, %arg2: memref<1x128xf32, #tpu.memory_space<vmem>>, %arg3: memref<128x128xf32, #tpu.memory_space<vmem>>, %arg4: memref<1x128xf32, #tpu.memory_space<vmem>>, %arg5: memref<1x128xf32, #tpu.memory_space<vmem>>, %arg6: memref<1x128xf32, #tpu.memory_space<vmem>>, %arg7: memref<1024x128xf32, #tpu.memory_space<vmem>>) attributes {dimension_semantics = [#tpu.dimension_semantics<arbitrary>], iteration_bounds = array<i64: 10>, scalar_prefetch = 0 : i64, scratch_operands = 0 : i64, tpu.core_type = #tpu.core_type<tc>, window_params = [{transform_indices = @transform_0, window_bounds = array<i64: 1024, 128>}, {pipeline_mode = #tpu.pipeline_mode<synchronous>, transform_indices = @transform_1, window_bounds = array<i64: 1, 128>}, {pipeline_mode = #tpu.pipeline_mode<synchronous>, transform_indices = @transform_2, window_bounds = array<i64: 128, 128>}, {pipeline_mode = #tpu.pipeline_mode<synchronous>, transform_indices = @transform_3, window_bounds = array<i64: 1, 128>}, {pipeline_mode = #tpu.pipeline_mode<synchronous>, transform_indices = @transform_4, window_bounds = array<i64: 1, 128>}, {pipeline_mode = #tpu.pipeline_mode<synchronous>, transform_indices = @transform_5, window_bounds = array<i64: 1, 128>}, {transform_indices = @transform_6, window_bounds = array<i64: 1024, 128>}]} {
    %get3A = arith.constant 0 : index
    %get3A_0 = arith.constant 0 : index
    %get3A_1 = vector.load %arg1[%get3A, %get3A_0] : memref<1024x128xf32, #tpu.memory_space<vmem>>, vector<1024x128xf32>
    %mul3A = arith.mulf %get3A_1, %get3A_1 : vector<1024x128xf32>
    %reduce_sum3A = arith.constant dense<0.000000e+00> : vector<1024xf32>
    %reduce_sum3A_2 = vector.multi_reduction <add>, %mul3A, %reduce_sum3A [1] : vector<1024x128xf32> to vector<1024xf32>
    %broadcast_in_dim3A = vector.shape_cast %reduce_sum3A_2 : vector<1024xf32> to vector<1024x1xf32>
    %jit3A = arith.constant 9.99999996E-13 : f32
    %max3A = vector.broadcast %jit3A : f32 to vector<1024x1xf32>
    %max3A_3 = arith.maximumf %max3A, %broadcast_in_dim3A : vector<1024x1xf32>
    %sqrt3A = math.sqrt %max3A_3 : vector<1024x1xf32>
    %exp3A = math.exp %sqrt3A : vector<1024x1xf32>
    %div3A = arith.constant 1.000000e+00 : f32
    %div3A_4 = vector.broadcast %div3A : f32 to vector<1024x1xf32>
    %div3A_5 = arith.divf %div3A_4, %exp3A : vector<1024x1xf32>
    %add3A = arith.addf %exp3A, %div3A_5 : vector<1024x1xf32>
    %mul3A_6 = arith.constant 5.000000e-01 : f32
    %mul3A_7 = vector.broadcast %mul3A_6 : f32 to vector<1024x1xf32>
    %mul3A_8 = arith.mulf %mul3A_7, %add3A : vector<1024x1xf32>
    %sub3A = arith.subf %exp3A, %div3A_5 : vector<1024x1xf32>
    %mul3A_9 = arith.constant 5.000000e-01 : f32
    %mul3A_10 = vector.broadcast %mul3A_9 : f32 to vector<1024x1xf32>
    %mul3A_11 = arith.mulf %mul3A_10, %sub3A : vector<1024x1xf32>
    %div3A_12 = arith.divf %mul3A_11, %sqrt3A : vector<1024x1xf32>
    %mul3A_13 = vector.broadcast %div3A_12 : vector<1024x1xf32> to vector<1024x128xf32>
    %mul3A_14 = arith.mulf %get3A_1, %mul3A_13 : vector<1024x128xf32>
    %get3A_15 = arith.constant 0 : index
    %get3A_16 = arith.constant 0 : index
    %get3A_17 = vector.load %arg2[%get3A_15, %get3A_16] : memref<1x128xf32, #tpu.memory_space<vmem>>, vector<1x128xf32>
    %mul3A_18 = vector.broadcast %mul3A_8 : vector<1024x1xf32> to vector<1024x128xf32>
    %mul3A_19 = vector.broadcast %get3A_17 : vector<1x128xf32> to vector<1024x128xf32>
    %mul3A_20 = arith.mulf %mul3A_18, %mul3A_19 : vector<1024x128xf32>
    %get3A_21 = arith.constant 0 : index
    %get3A_22 = arith.constant 0 : index
    %get3A_23 = vector.load %arg3[%get3A_21, %get3A_22] : memref<128x128xf32, #tpu.memory_space<vmem>>, vector<128x128xf32>
    %dot_general3A = arith.constant dense<0.000000e+00> : vector<1024x128xf32>
    %dot_general3A_24 = tpu.matmul %mul3A_14, %get3A_23, %dot_general3A {dimension_numbers = #tpu.dot_dimension_numbers<[1], [0], [0], [1], [0, 0, 1, 1], [], []>, transpose_lhs_hint = false} : vector<1024x128xf32>, vector<128x128xf32>, vector<1024x128xf32> -> vector<1024x128xf32>
    %add3A_25 = arith.addf %mul3A_20, %dot_general3A_24 : vector<1024x128xf32>
    %get3A_26 = arith.constant 0 : index
    %get3A_27 = arith.constant 0 : index
    %get3A_28 = vector.load %arg4[%get3A_26, %get3A_27] : memref<1x128xf32, #tpu.memory_space<vmem>>, vector<1x128xf32>
    %add3A_29 = vector.broadcast %get3A_28 : vector<1x128xf32> to vector<1024x128xf32>
    %add3A_30 = arith.addf %add3A_25, %add3A_29 : vector<1024x128xf32>
    %reduce_sum3A_31 = arith.constant dense<0.000000e+00> : vector<1024xf32>
    %reduce_sum3A_32 = vector.multi_reduction <add>, %add3A_30, %reduce_sum3A_31 [1] : vector<1024x128xf32> to vector<1024xf32>
    %broadcast_in_dim3A_33 = vector.shape_cast %reduce_sum3A_32 : vector<1024xf32> to vector<1024x1xf32>
    %div3A_34 = arith.constant 1.280000e+02 : f32
    %div3A_35 = vector.broadcast %div3A_34 : f32 to vector<1024x1xf32>
    %div3A_36 = arith.divf %broadcast_in_dim3A_33, %div3A_35 : vector<1024x1xf32>
    %sub3A_37 = vector.broadcast %div3A_36 : vector<1024x1xf32> to vector<1024x128xf32>
    %sub3A_38 = arith.subf %add3A_30, %sub3A_37 : vector<1024x128xf32>
    %integer_pow3A = arith.mulf %sub3A_38, %sub3A_38 : vector<1024x128xf32>
    %reduce_sum3A_39 = arith.constant dense<0.000000e+00> : vector<1024xf32>
    %reduce_sum3A_40 = vector.multi_reduction <add>, %integer_pow3A, %reduce_sum3A_39 [1] : vector<1024x128xf32> to vector<1024xf32>
    %broadcast_in_dim3A_41 = vector.shape_cast %reduce_sum3A_40 : vector<1024xf32> to vector<1024x1xf32>
    %div3A_42 = arith.constant 1.280000e+02 : f32
    %div3A_43 = vector.broadcast %div3A_42 : f32 to vector<1024x1xf32>
    %div3A_44 = arith.divf %broadcast_in_dim3A_41, %div3A_43 : vector<1024x1xf32>
    %sub3A_45 = vector.broadcast %div3A_36 : vector<1024x1xf32> to vector<1024x128xf32>
    %sub3A_46 = arith.subf %add3A_30, %sub3A_45 : vector<1024x128xf32>
    %add3A_47 = arith.constant 9.99999974E-6 : f32
    %add3A_48 = vector.broadcast %add3A_47 : f32 to vector<1024x1xf32>
    %add3A_49 = arith.addf %div3A_44, %add3A_48 : vector<1024x1xf32>
    %sqrt3A_50 = math.sqrt %add3A_49 : vector<1024x1xf32>
    %div3A_51 = vector.broadcast %sqrt3A_50 : vector<1024x1xf32> to vector<1024x128xf32>
    %div3A_52 = arith.divf %sub3A_46, %div3A_51 : vector<1024x128xf32>
    %get3A_53 = arith.constant 0 : index
    %get3A_54 = arith.constant 0 : index
    %get3A_55 = vector.load %arg5[%get3A_53, %get3A_54] : memref<1x128xf32, #tpu.memory_space<vmem>>, vector<1x128xf32>
    %mul3A_56 = vector.broadcast %get3A_55 : vector<1x128xf32> to vector<1024x128xf32>
    %mul3A_57 = arith.mulf %div3A_52, %mul3A_56 : vector<1024x128xf32>
    %get3A_58 = arith.constant 0 : index
    %get3A_59 = arith.constant 0 : index
    %get3A_60 = vector.load %arg6[%get3A_58, %get3A_59] : memref<1x128xf32, #tpu.memory_space<vmem>>, vector<1x128xf32>
    %add3A_61 = vector.broadcast %get3A_60 : vector<1x128xf32> to vector<1024x128xf32>
    %add3A_62 = arith.addf %mul3A_57, %add3A_61 : vector<1024x128xf32>
    %max3A_63 = arith.constant 0.000000e+00 : f32
    %max3A_64 = vector.broadcast %max3A_63 : f32 to vector<1024x128xf32>
    %max3A_65 = arith.maximumf %add3A_62, %max3A_64 : vector<1024x128xf32>
    %swap3A = arith.constant 0 : index
    %swap3A_66 = arith.constant 0 : index
    %swap3A_67 = vector.load %arg7[%swap3A, %swap3A_66] : memref<1024x128xf32, #tpu.memory_space<vmem>>, vector<1024x128xf32>
    tpu.vector_store %arg7[%swap3A, %swap3A_66], %max3A_65 {strides = array<i32>} : memref<1024x128xf32, #tpu.memory_space<vmem>>, vector<1024x128xf32>,
    return
  }
  func.func @transform_0(%arg0: i32) -> (i32, i32) {
    %c0_i32 = arith.constant 0 : i32
    %c0_i32_0 = arith.constant 0 : i32
    return %arg0, %c0_i32 : i32, i32
  }
  func.func @transform_1(%arg0: i32) -> (i32, i32) {
    %c0_i32 = arith.constant 0 : i32
    %c0_i32_0 = arith.constant 0 : i32
    %c0_i32_1 = arith.constant 0 : i32
    return %c0_i32, %c0_i32_0 : i32, i32
  }
  func.func @transform_2(%arg0: i32) -> (i32, i32) {
    %c0_i32 = arith.constant 0 : i32
    %c0_i32_0 = arith.constant 0 : i32
    %c0_i32_1 = arith.constant 0 : i32
    return %c0_i32, %c0_i32_0 : i32, i32
  }
  func.func @transform_3(%arg0: i32) -> (i32, i32) {
    %c0_i32 = arith.constant 0 : i32
    %c0_i32_0 = arith.constant 0 : i32
    %c0_i32_1 = arith.constant 0 : i32
    return %c0_i32, %c0_i32_0 : i32, i32
  }
  func.func @transform_4(%arg0: i32) -> (i32, i32) {
    %c0_i32 = arith.constant 0 : i32
    %c0_i32_0 = arith.constant 0 : i32
    %c0_i32_1 = arith.constant 0 : i32
    return %c0_i32, %c0_i32_0 : i32, i32
  }
  func.func @transform_5(%arg0: i32) -> (i32, i32) {
    %c0_i32 = arith.constant 0 : i32
    %c0_i32_0 = arith.constant 0 : i32
    %c0_i32_1 = arith.constant 0 : i32
    return %c0_i32, %c0_i32_0 : i32, i32
  }
  func.func @transform_6(%arg0: i32) -> (i32, i32) {
    %c0_i32 = arith.constant 0 : i32
    %c0_i32_0 = arith.constant 0 : i32
    return %arg0, %c0_i32 : i32, i32
  }
}

module attributes {stable_mosaic.version = 14 : i64} {
  func.func @_tabs_body(%arg0: i32, %arg1: memref<1024x128xf32, #tpu.memory_space<vmem>>, %arg2: memref<1x128xf32, #tpu.memory_space<vmem>>, %arg3: memref<128x128xf32, #tpu.memory_space<vmem>>, %arg4: memref<1x128xf32, #tpu.memory_space<vmem>>, %arg5: memref<1x128xf32, #tpu.memory_space<vmem>>, %arg6: memref<128x128xf32, #tpu.memory_space<vmem>>, %arg7: memref<1x128xf32, #tpu.memory_space<vmem>>, %arg8: memref<1x128xf32, #tpu.memory_space<vmem>>, %arg9: memref<128x128xf32, #tpu.memory_space<vmem>>, %arg10: memref<1x128xf32, #tpu.memory_space<vmem>>, %arg11: memref<1024x128xf32, #tpu.memory_space<vmem>>, %arg12: memref<1024x256xf32, #tpu.memory_space<vmem>>) attributes {dimension_semantics = [#tpu.dimension_semantics<arbitrary>], iteration_bounds = array<i64: 10>, scalar_prefetch = 0 : i64, scratch_operands = 0 : i64, tpu.core_type = #tpu.core_type<tc>, window_params = [{transform_indices = @transform_0, window_bounds = array<i64: 1024, 128>}, {pipeline_mode = #tpu.pipeline_mode<synchronous>, transform_indices = @transform_1, window_bounds = array<i64: 1, 128>}, {pipeline_mode = #tpu.pipeline_mode<synchronous>, transform_indices = @transform_2, window_bounds = array<i64: 128, 128>}, {pipeline_mode = #tpu.pipeline_mode<synchronous>, transform_indices = @transform_3, window_bounds = array<i64: 1, 128>}, {pipeline_mode = #tpu.pipeline_mode<synchronous>, transform_indices = @transform_4, window_bounds = array<i64: 1, 128>}, {pipeline_mode = #tpu.pipeline_mode<synchronous>, transform_indices = @transform_5, window_bounds = array<i64: 128, 128>}, {pipeline_mode = #tpu.pipeline_mode<synchronous>, transform_indices = @transform_6, window_bounds = array<i64: 1, 128>}, {pipeline_mode = #tpu.pipeline_mode<synchronous>, transform_indices = @transform_7, window_bounds = array<i64: 1, 128>}, {pipeline_mode = #tpu.pipeline_mode<synchronous>, transform_indices = @transform_8, window_bounds = array<i64: 128, 128>}, {pipeline_mode = #tpu.pipeline_mode<synchronous>, transform_indices = @transform_9, window_bounds = array<i64: 1, 128>}, {transform_indices = @transform_10, window_bounds = array<i64: 1024, 128>}, {transform_indices = @transform_11, window_bounds = array<i64: 1024, 256>}]} {
    %get3A = arith.constant 0 : index
    %get3A_0 = arith.constant 0 : index
    %get3A_1 = vector.load %arg1[%get3A, %get3A_0] : memref<1024x128xf32, #tpu.memory_space<vmem>>, vector<1024x128xf32>
    %mul3A = arith.mulf %get3A_1, %get3A_1 : vector<1024x128xf32>
    %reduce_sum3A = arith.constant dense<0.000000e+00> : vector<1024xf32>
    %reduce_sum3A_2 = vector.multi_reduction <add>, %mul3A, %reduce_sum3A [1] : vector<1024x128xf32> to vector<1024xf32>
    %broadcast_in_dim3A = vector.shape_cast %reduce_sum3A_2 : vector<1024xf32> to vector<1024x1xf32>
    %add3A = arith.constant 1.000000e+00 : f32
    %add3A_3 = vector.broadcast %add3A : f32 to vector<1024x1xf32>
    %add3A_4 = arith.addf %broadcast_in_dim3A, %add3A_3 : vector<1024x1xf32>
    %sqrt3A = math.sqrt %add3A_4 : vector<1024x1xf32>
    %get3A_5 = arith.constant 0 : index
    %get3A_6 = arith.constant 0 : index
    %get3A_7 = vector.load %arg2[%get3A_5, %get3A_6] : memref<1x128xf32, #tpu.memory_space<vmem>>, vector<1x128xf32>
    %mul3A_8 = vector.broadcast %sqrt3A : vector<1024x1xf32> to vector<1024x128xf32>
    %mul3A_9 = vector.broadcast %get3A_7 : vector<1x128xf32> to vector<1024x128xf32>
    %mul3A_10 = arith.mulf %mul3A_8, %mul3A_9 : vector<1024x128xf32>
    %get3A_11 = arith.constant 0 : index
    %get3A_12 = arith.constant 0 : index
    %get3A_13 = vector.load %arg3[%get3A_11, %get3A_12] : memref<128x128xf32, #tpu.memory_space<vmem>>, vector<128x128xf32>
    %dot_general3A = arith.constant dense<0.000000e+00> : vector<1024x128xf32>
    %dot_general3A_14 = tpu.matmul %get3A_1, %get3A_13, %dot_general3A {dimension_numbers = #tpu.dot_dimension_numbers<[1], [0], [0], [1], [0, 0, 1, 1], [], []>, transpose_lhs_hint = false} : vector<1024x128xf32>, vector<128x128xf32>, vector<1024x128xf32> -> vector<1024x128xf32>
    %add3A_15 = arith.addf %mul3A_10, %dot_general3A_14 : vector<1024x128xf32>
    %get3A_16 = arith.constant 0 : index
    %get3A_17 = arith.constant 0 : index
    %get3A_18 = vector.load %arg4[%get3A_16, %get3A_17] : memref<1x128xf32, #tpu.memory_space<vmem>>, vector<1x128xf32>
    %add3A_19 = vector.broadcast %get3A_18 : vector<1x128xf32> to vector<1024x128xf32>
    %add3A_20 = arith.addf %add3A_15, %add3A_19 : vector<1024x128xf32>
    %swap3A = arith.constant 0 : index
    %swap3A_21 = arith.constant 0 : index
    %swap3A_22 = vector.load %arg11[%swap3A, %swap3A_21] : memref<1024x128xf32, #tpu.memory_space<vmem>>, vector<1024x128xf32>
    tpu.vector_store %arg11[%swap3A, %swap3A_21], %add3A_20 {strides = array<i32>} : memref<1024x128xf32, #tpu.memory_space<vmem>>, vector<1024x128xf32>,
    %get3A_23 = arith.constant 0 : index
    %get3A_24 = arith.constant 0 : index
    %get3A_25 = vector.load %arg5[%get3A_23, %get3A_24] : memref<1x128xf32, #tpu.memory_space<vmem>>, vector<1x128xf32>
    %mul3A_26 = vector.broadcast %sqrt3A : vector<1024x1xf32> to vector<1024x128xf32>
    %mul3A_27 = vector.broadcast %get3A_25 : vector<1x128xf32> to vector<1024x128xf32>
    %mul3A_28 = arith.mulf %mul3A_26, %mul3A_27 : vector<1024x128xf32>
    %get3A_29 = arith.constant 0 : index
    %get3A_30 = arith.constant 0 : index
    %get3A_31 = vector.load %arg6[%get3A_29, %get3A_30] : memref<128x128xf32, #tpu.memory_space<vmem>>, vector<128x128xf32>
    %dot_general3A_32 = arith.constant dense<0.000000e+00> : vector<1024x128xf32>
    %dot_general3A_33 = tpu.matmul %get3A_1, %get3A_31, %dot_general3A_32 {dimension_numbers = #tpu.dot_dimension_numbers<[1], [0], [0], [1], [0, 0, 1, 1], [], []>, transpose_lhs_hint = false} : vector<1024x128xf32>, vector<128x128xf32>, vector<1024x128xf32> -> vector<1024x128xf32>
    %add3A_34 = arith.addf %mul3A_28, %dot_general3A_33 : vector<1024x128xf32>
    %get3A_35 = arith.constant 0 : index
    %get3A_36 = arith.constant 0 : index
    %get3A_37 = vector.load %arg7[%get3A_35, %get3A_36] : memref<1x128xf32, #tpu.memory_space<vmem>>, vector<1x128xf32>
    %add3A_38 = vector.broadcast %get3A_37 : vector<1x128xf32> to vector<1024x128xf32>
    %add3A_39 = arith.addf %add3A_34, %add3A_38 : vector<1024x128xf32>
    %mul3A_40 = arith.constant 5.000000e-01 : f32
    %mul3A_41 = vector.broadcast %mul3A_40 : f32 to vector<1024x128xf32>
    %mul3A_42 = arith.mulf %mul3A_41, %add3A_39 : vector<1024x128xf32>
    %get3A_43 = arith.constant 0 : index
    %get3A_44 = arith.constant 0 : index
    %get3A_45 = vector.load %arg8[%get3A_43, %get3A_44] : memref<1x128xf32, #tpu.memory_space<vmem>>, vector<1x128xf32>
    %mul3A_46 = vector.broadcast %sqrt3A : vector<1024x1xf32> to vector<1024x128xf32>
    %mul3A_47 = vector.broadcast %get3A_45 : vector<1x128xf32> to vector<1024x128xf32>
    %mul3A_48 = arith.mulf %mul3A_46, %mul3A_47 : vector<1024x128xf32>
    %get3A_49 = arith.constant 0 : index
    %get3A_50 = arith.constant 0 : index
    %get3A_51 = vector.load %arg9[%get3A_49, %get3A_50] : memref<128x128xf32, #tpu.memory_space<vmem>>, vector<128x128xf32>
    %dot_general3A_52 = arith.constant dense<0.000000e+00> : vector<1024x128xf32>
    %dot_general3A_53 = tpu.matmul %get3A_1, %get3A_51, %dot_general3A_52 {dimension_numbers = #tpu.dot_dimension_numbers<[1], [0], [0], [1], [0, 0, 1, 1], [], []>, transpose_lhs_hint = false} : vector<1024x128xf32>, vector<128x128xf32>, vector<1024x128xf32> -> vector<1024x128xf32>
    %add3A_54 = arith.addf %mul3A_48, %dot_general3A_53 : vector<1024x128xf32>
    %get3A_55 = arith.constant 0 : index
    %get3A_56 = arith.constant 0 : index
    %get3A_57 = vector.load %arg10[%get3A_55, %get3A_56] : memref<1x128xf32, #tpu.memory_space<vmem>>, vector<1x128xf32>
    %add3A_58 = vector.broadcast %get3A_57 : vector<1x128xf32> to vector<1024x128xf32>
    %add3A_59 = arith.addf %add3A_54, %add3A_58 : vector<1024x128xf32>
    %concatenate3A = tpu.concatenate %mul3A_42, %add3A_59 in 1 : vector<1024x128xf32>, vector<1024x128xf32> -> vector<1024x256xf32>
    %swap3A_60 = arith.constant 0 : index
    %swap3A_61 = arith.constant 0 : index
    %swap3A_62 = vector.load %arg12[%swap3A_60, %swap3A_61] : memref<1024x256xf32, #tpu.memory_space<vmem>>, vector<1024x256xf32>
    tpu.vector_store %arg12[%swap3A_60, %swap3A_61], %concatenate3A {strides = array<i32>} : memref<1024x256xf32, #tpu.memory_space<vmem>>, vector<1024x256xf32>,
    return
  }
  func.func @transform_0(%arg0: i32) -> (i32, i32) {
    %c0_i32 = arith.constant 0 : i32
    %c0_i32_0 = arith.constant 0 : i32
    return %arg0, %c0_i32 : i32, i32
  }
  func.func @transform_1(%arg0: i32) -> (i32, i32) {
    %c0_i32 = arith.constant 0 : i32
    %c0_i32_0 = arith.constant 0 : i32
    %c0_i32_1 = arith.constant 0 : i32
    return %c0_i32, %c0_i32_0 : i32, i32
  }
  func.func @transform_2(%arg0: i32) -> (i32, i32) {
    %c0_i32 = arith.constant 0 : i32
    %c0_i32_0 = arith.constant 0 : i32
    %c0_i32_1 = arith.constant 0 : i32
    return %c0_i32, %c0_i32_0 : i32, i32
  }
  func.func @transform_3(%arg0: i32) -> (i32, i32) {
    %c0_i32 = arith.constant 0 : i32
    %c0_i32_0 = arith.constant 0 : i32
    %c0_i32_1 = arith.constant 0 : i32
    return %c0_i32, %c0_i32_0 : i32, i32
  }
  func.func @transform_4(%arg0: i32) -> (i32, i32) {
    %c0_i32 = arith.constant 0 : i32
    %c0_i32_0 = arith.constant 0 : i32
    %c0_i32_1 = arith.constant 0 : i32
    return %c0_i32, %c0_i32_0 : i32, i32
  }
  func.func @transform_5(%arg0: i32) -> (i32, i32) {
    %c0_i32 = arith.constant 0 : i32
    %c0_i32_0 = arith.constant 0 : i32
    %c0_i32_1 = arith.constant 0 : i32
    return %c0_i32, %c0_i32_0 : i32, i32
  }
  func.func @transform_6(%arg0: i32) -> (i32, i32) {
    %c0_i32 = arith.constant 0 : i32
    %c0_i32_0 = arith.constant 0 : i32
    %c0_i32_1 = arith.constant 0 : i32
    return %c0_i32, %c0_i32_0 : i32, i32
  }
  func.func @transform_7(%arg0: i32) -> (i32, i32) {
    %c0_i32 = arith.constant 0 : i32
    %c0_i32_0 = arith.constant 0 : i32
    %c0_i32_1 = arith.constant 0 : i32
    return %c0_i32, %c0_i32_0 : i32, i32
  }
  func.func @transform_8(%arg0: i32) -> (i32, i32) {
    %c0_i32 = arith.constant 0 : i32
    %c0_i32_0 = arith.constant 0 : i32
    %c0_i32_1 = arith.constant 0 : i32
    return %c0_i32, %c0_i32_0 : i32, i32
  }
  func.func @transform_9(%arg0: i32) -> (i32, i32) {
    %c0_i32 = arith.constant 0 : i32
    %c0_i32_0 = arith.constant 0 : i32
    %c0_i32_1 = arith.constant 0 : i32
    return %c0_i32, %c0_i32_0 : i32, i32
  }
  func.func @transform_10(%arg0: i32) -> (i32, i32) {
    %c0_i32 = arith.constant 0 : i32
    %c0_i32_0 = arith.constant 0 : i32
    return %arg0, %c0_i32 : i32, i32
  }
  func.func @transform_11(%arg0: i32) -> (i32, i32) {
    %c0_i32 = arith.constant 0 : i32
    %c0_i32_0 = arith.constant 0 : i32
    return %arg0, %c0_i32 : i32, i32
  }
}

module attributes {stable_mosaic.version = 14 : i64} {
  func.func @_score_body(%arg0: i32, %arg1: memref<2048x128xf32, #tpu.memory_space<vmem>>, %arg2: memref<2048x256xf32, #tpu.memory_space<vmem>>, %arg3: memref<2048x16xf32, #tpu.memory_space<vmem>>, %arg4: memref<2048x8xf32, #tpu.memory_space<vmem>>, %arg5: memref<16x8xf32, #tpu.memory_space<vmem>>, %arg6: memref<2048x128xf32, #tpu.memory_space<vmem>>, %arg7: memref<2048x128xf32, #tpu.memory_space<vmem>>) attributes {dimension_semantics = [#tpu.dimension_semantics<arbitrary>], iteration_bounds = array<i64: 160>, scalar_prefetch = 0 : i64, scratch_operands = 0 : i64, tpu.core_type = #tpu.core_type<tc>, window_params = [{transform_indices = @transform_0, window_bounds = array<i64: 2048, 128>}, {transform_indices = @transform_1, window_bounds = array<i64: 2048, 256>}, {transform_indices = @transform_2, window_bounds = array<i64: 2048, 16>}, {transform_indices = @transform_3, window_bounds = array<i64: 2048, 8>}, {pipeline_mode = #tpu.pipeline_mode<synchronous>, transform_indices = @transform_4, window_bounds = array<i64: 16, 8>}, {transform_indices = @transform_5, window_bounds = array<i64: 2048, 128>}, {transform_indices = @transform_6, window_bounds = array<i64: 2048, 128>}]} {
    %get3A = arith.constant 0 : index
    %get3A_0 = arith.constant 0 : index
    %get3A_1 = vector.load %arg1[%get3A, %get3A_0] : memref<2048x128xf32, #tpu.memory_space<vmem>>, vector<2048x128xf32>
    %get3A_2 = arith.constant 0 : index
    %get3A_3 = arith.constant 0 : index
    %get3A_4 = vector.load %arg2[%get3A_2, %get3A_3] : memref<2048x256xf32, #tpu.memory_space<vmem>>, vector<2048x256xf32>
    %slice3A = vector.extract_strided_slice %get3A_4 {offsets = [0, 0], sizes = [2048, 128], strides = [1, 1]} : vector<2048x256xf32> to vector<2048x128xf32>
    %slice3A_5 = vector.extract_strided_slice %get3A_4 {offsets = [0, 128], sizes = [2048, 128], strides = [1, 1]} : vector<2048x256xf32> to vector<2048x128xf32>
    %iota3A = tpu.iota {dimensions = array<i32: 0>} : vector<128x8xi32>
    %iota3A_6 = tpu.iota {dimensions = array<i32: 1>} : vector<128x8xi32>
    %jit3A = arith.constant 16 : i32
    %div3A = vector.broadcast %jit3A : i32 to vector<128x8xi32>
    %div3A_7 = arith.divsi %iota3A, %div3A : vector<128x8xi32>
    %sign3A = arith.constant 0 : i32
    %sign3A_8 = vector.broadcast %sign3A : i32 to vector<128x8xi32>
    %sign3A_9 = arith.cmpi sgt, %iota3A, %sign3A_8 : vector<128x8xi32>
    %sign3A_10 = arith.extui %sign3A_9 : vector<128x8xi1> to vector<128x8xi32>
    %sign3A_11 = arith.constant 0 : i32
    %sign3A_12 = vector.broadcast %sign3A_11 : i32 to vector<128x8xi32>
    %sign3A_13 = arith.cmpi slt, %iota3A, %sign3A_12 : vector<128x8xi32>
    %sign3A_14 = arith.extui %sign3A_13 : vector<128x8xi1> to vector<128x8xi32>
    %sign3A_15 = arith.subi %sign3A_10, %sign3A_14 : vector<128x8xi32>
    %sign3A_16 = arith.constant 0 : i32
    %sign3A_17 = arith.cmpi sgt, %jit3A, %sign3A_16 : i32
    %sign3A_18 = arith.extui %sign3A_17 : i1 to i32
    %sign3A_19 = arith.constant 0 : i32
    %sign3A_20 = arith.cmpi slt, %jit3A, %sign3A_19 : i32
    %sign3A_21 = arith.extui %sign3A_20 : i1 to i32
    %sign3A_22 = arith.subi %sign3A_18, %sign3A_21 : i32
    %ne3A = vector.broadcast %sign3A_22 : i32 to vector<128x8xi32>
    %ne3A_23 = arith.cmpi ne, %sign3A_15, %ne3A : vector<128x8xi32>
    %rem3A = vector.broadcast %jit3A : i32 to vector<128x8xi32>
    %rem3A_24 = arith.remsi %iota3A, %rem3A : vector<128x8xi32>
    %ne3A_25 = arith.constant 0 : i32
    %ne3A_26 = vector.broadcast %ne3A_25 : i32 to vector<128x8xi32>
    %ne3A_27 = arith.cmpi ne, %rem3A_24, %ne3A_26 : vector<128x8xi32>
    %and3A = arith.andi %ne3A_23, %ne3A_27 : vector<128x8xi1>
    %sub3A = arith.constant 1 : i32
    %sub3A_28 = vector.broadcast %sub3A : i32 to vector<128x8xi32>
    %sub3A_29 = arith.subi %div3A_7, %sub3A_28 : vector<128x8xi32>
    %select_n3A = arith.select %and3A, %sub3A_29, %div3A_7 : vector<128x8xi1>, vector<128x8xi32>
    %eq3A = arith.cmpi eq, %select_n3A, %iota3A_6 : vector<128x8xi32>
    %convert_element_type3A = arith.extui %eq3A : vector<128x8xi1> to vector<128x8xi32>
    %convert_element_type3A_30 = arith.sitofp %convert_element_type3A : vector<128x8xi32> to vector<128x8xf32>
    %mul3A = arith.mulf %get3A_1, %get3A_1 : vector<2048x128xf32>
    %dot_general3A = arith.constant dense<0.000000e+00> : vector<2048x8xf32>
    %dot_general3A_31 = tpu.matmul %mul3A, %convert_element_type3A_30, %dot_general3A {dimension_numbers = #tpu.dot_dimension_numbers<[1], [0], [0], [1], [0, 0, 1, 1], [], []>, transpose_lhs_hint = false} : vector<2048x128xf32>, vector<128x8xf32>, vector<2048x8xf32> -> vector<2048x8xf32>
    %add3A = arith.constant 1.000000e+00 : f32
    %add3A_32 = vector.broadcast %add3A : f32 to vector<2048x8xf32>
    %add3A_33 = arith.addf %dot_general3A_31, %add3A_32 : vector<2048x8xf32>
    %sqrt3A = math.sqrt %add3A_33 : vector<2048x8xf32>
    %mul3A_34 = arith.mulf %slice3A, %slice3A : vector<2048x128xf32>
    %dot_general3A_35 = arith.constant dense<0.000000e+00> : vector<2048x8xf32>
    %dot_general3A_36 = tpu.matmul %mul3A_34, %convert_element_type3A_30, %dot_general3A_35 {dimension_numbers = #tpu.dot_dimension_numbers<[1], [0], [0], [1], [0, 0, 1, 1], [], []>, transpose_lhs_hint = false} : vector<2048x128xf32>, vector<128x8xf32>, vector<2048x8xf32> -> vector<2048x8xf32>
    %mul3A_37 = arith.constant 4.000000e+00 : f32
    %mul3A_38 = vector.broadcast %mul3A_37 : f32 to vector<2048x8xf32>
    %mul3A_39 = arith.mulf %mul3A_38, %dot_general3A_36 : vector<2048x8xf32>
    %add3A_40 = arith.constant 1.000000e+00 : f32
    %add3A_41 = vector.broadcast %add3A_40 : f32 to vector<2048x8xf32>
    %add3A_42 = arith.addf %mul3A_39, %add3A_41 : vector<2048x8xf32>
    %sqrt3A_43 = math.sqrt %add3A_42 : vector<2048x8xf32>
    %mul3A_44 = arith.mulf %get3A_1, %slice3A : vector<2048x128xf32>
    %dot_general3A_45 = arith.constant dense<0.000000e+00> : vector<2048x8xf32>
    %dot_general3A_46 = tpu.matmul %mul3A_44, %convert_element_type3A_30, %dot_general3A_45 {dimension_numbers = #tpu.dot_dimension_numbers<[1], [0], [0], [1], [0, 0, 1, 1], [], []>, transpose_lhs_hint = false} : vector<2048x128xf32>, vector<128x8xf32>, vector<2048x8xf32> -> vector<2048x8xf32>
    %mul3A_47 = arith.constant 5.000000e-01 : f32
    %mul3A_48 = vector.broadcast %mul3A_47 : f32 to vector<2048x8xf32>
    %mul3A_49 = arith.mulf %mul3A_48, %sqrt3A : vector<2048x8xf32>
    %mul3A_50 = arith.mulf %mul3A_49, %sqrt3A_43 : vector<2048x8xf32>
    %sub3A_51 = arith.subf %dot_general3A_46, %mul3A_50 : vector<2048x8xf32>
    %get3A_52 = arith.constant 0 : index
    %get3A_53 = arith.constant 0 : index
    %get3A_54 = vector.load %arg3[%get3A_52, %get3A_53] : memref<2048x16xf32, #tpu.memory_space<vmem>>, vector<2048x16xf32>
    %get3A_55 = arith.constant 0 : index
    %get3A_56 = arith.constant 0 : index
    %get3A_57 = vector.load %arg5[%get3A_55, %get3A_56] : memref<16x8xf32, #tpu.memory_space<vmem>>, vector<16x8xf32>
    %dot_general3A_58 = arith.constant dense<0.000000e+00> : vector<2048x8xf32>
    %dot_general3A_59 = tpu.matmul %get3A_54, %get3A_57, %dot_general3A_58 {dimension_numbers = #tpu.dot_dimension_numbers<[1], [0], [0], [1], [0, 0, 1, 1], [], []>, transpose_lhs_hint = false} : vector<2048x16xf32>, vector<16x8xf32>, vector<2048x8xf32> -> vector<2048x8xf32>
    %add3A_60 = arith.constant 5.000000e-01 : f32
    %add3A_61 = vector.broadcast %add3A_60 : f32 to vector<2048x8xf32>
    %add3A_62 = arith.addf %dot_general3A_59, %add3A_61 : vector<2048x8xf32>
    %add3A_63 = arith.addf %sub3A_51, %add3A_62 : vector<2048x8xf32>
    %exp3A = math.exp %add3A_63 : vector<2048x8xf32>
    %iota3A_64 = tpu.iota {dimensions = array<i32: 0>} : vector<8x128xi32>
    %iota3A_65 = tpu.iota {dimensions = array<i32: 1>} : vector<8x128xi32>
    %jit3A_66 = arith.constant 16 : i32
    %div3A_67 = vector.broadcast %jit3A_66 : i32 to vector<8x128xi32>
    %div3A_68 = arith.divsi %iota3A_65, %div3A_67 : vector<8x128xi32>
    %sign3A_69 = arith.constant 0 : i32
    %sign3A_70 = vector.broadcast %sign3A_69 : i32 to vector<8x128xi32>
    %sign3A_71 = arith.cmpi sgt, %iota3A_65, %sign3A_70 : vector<8x128xi32>
    %sign3A_72 = arith.extui %sign3A_71 : vector<8x128xi1> to vector<8x128xi32>
    %sign3A_73 = arith.constant 0 : i32
    %sign3A_74 = vector.broadcast %sign3A_73 : i32 to vector<8x128xi32>
    %sign3A_75 = arith.cmpi slt, %iota3A_65, %sign3A_74 : vector<8x128xi32>
    %sign3A_76 = arith.extui %sign3A_75 : vector<8x128xi1> to vector<8x128xi32>
    %sign3A_77 = arith.subi %sign3A_72, %sign3A_76 : vector<8x128xi32>
    %sign3A_78 = arith.constant 0 : i32
    %sign3A_79 = arith.cmpi sgt, %jit3A_66, %sign3A_78 : i32
    %sign3A_80 = arith.extui %sign3A_79 : i1 to i32
    %sign3A_81 = arith.constant 0 : i32
    %sign3A_82 = arith.cmpi slt, %jit3A_66, %sign3A_81 : i32
    %sign3A_83 = arith.extui %sign3A_82 : i1 to i32
    %sign3A_84 = arith.subi %sign3A_80, %sign3A_83 : i32
    %ne3A_85 = vector.broadcast %sign3A_84 : i32 to vector<8x128xi32>
    %ne3A_86 = arith.cmpi ne, %sign3A_77, %ne3A_85 : vector<8x128xi32>
    %rem3A_87 = vector.broadcast %jit3A_66 : i32 to vector<8x128xi32>
    %rem3A_88 = arith.remsi %iota3A_65, %rem3A_87 : vector<8x128xi32>
    %ne3A_89 = arith.constant 0 : i32
    %ne3A_90 = vector.broadcast %ne3A_89 : i32 to vector<8x128xi32>
    %ne3A_91 = arith.cmpi ne, %rem3A_88, %ne3A_90 : vector<8x128xi32>
    %and3A_92 = arith.andi %ne3A_86, %ne3A_91 : vector<8x128xi1>
    %sub3A_93 = arith.constant 1 : i32
    %sub3A_94 = vector.broadcast %sub3A_93 : i32 to vector<8x128xi32>
    %sub3A_95 = arith.subi %div3A_68, %sub3A_94 : vector<8x128xi32>
    %select_n3A_96 = arith.select %and3A_92, %sub3A_95, %div3A_68 : vector<8x128xi1>, vector<8x128xi32>
    %eq3A_97 = arith.cmpi eq, %select_n3A_96, %iota3A_64 : vector<8x128xi32>
    %convert_element_type3A_98 = arith.extui %eq3A_97 : vector<8x128xi1> to vector<8x128xi32>
    %convert_element_type3A_99 = arith.sitofp %convert_element_type3A_98 : vector<8x128xi32> to vector<8x128xf32>
    %dot_general3A_100 = arith.constant dense<0.000000e+00> : vector<2048x128xf32>
    %dot_general3A_101 = tpu.matmul %exp3A, %convert_element_type3A_99, %dot_general3A_100 {dimension_numbers = #tpu.dot_dimension_numbers<[1], [0], [0], [1], [0, 0, 1, 1], [], []>, transpose_lhs_hint = false} : vector<2048x8xf32>, vector<8x128xf32>, vector<2048x128xf32> -> vector<2048x128xf32>
    %mul3A_102 = arith.mulf %dot_general3A_101, %slice3A_5 : vector<2048x128xf32>
    %swap3A = arith.constant 0 : index
    %swap3A_103 = arith.constant 0 : index
    %swap3A_104 = vector.load %arg6[%swap3A, %swap3A_103] : memref<2048x128xf32, #tpu.memory_space<vmem>>, vector<2048x128xf32>
    tpu.vector_store %arg6[%swap3A, %swap3A_103], %mul3A_102 {strides = array<i32>} : memref<2048x128xf32, #tpu.memory_space<vmem>>, vector<2048x128xf32>,
    %mul3A_105 = arith.mulf %slice3A_5, %slice3A_5 : vector<2048x128xf32>
    %dot_general3A_106 = arith.constant dense<0.000000e+00> : vector<2048x8xf32>
    %dot_general3A_107 = tpu.matmul %mul3A_105, %convert_element_type3A_30, %dot_general3A_106 {dimension_numbers = #tpu.dot_dimension_numbers<[1], [0], [0], [1], [0, 0, 1, 1], [], []>, transpose_lhs_hint = false} : vector<2048x128xf32>, vector<128x8xf32>, vector<2048x8xf32> -> vector<2048x8xf32>
    %add3A_108 = arith.constant 1.000000e+00 : f32
    %add3A_109 = vector.broadcast %add3A_108 : f32 to vector<2048x8xf32>
    %add3A_110 = arith.addf %dot_general3A_107, %add3A_109 : vector<2048x8xf32>
    %sqrt3A_111 = math.sqrt %add3A_110 : vector<2048x8xf32>
    %mul3A_112 = arith.mulf %exp3A, %sqrt3A_111 : vector<2048x8xf32>
    %concatenate3A = tpu.concatenate %exp3A, %mul3A_112 in 1 : vector<2048x8xf32>, vector<2048x8xf32> -> vector<2048x16xf32>
    %get3A_113 = arith.constant 0 : index
    %get3A_114 = arith.constant 0 : index
    %get3A_115 = vector.load %arg4[%get3A_113, %get3A_114] : memref<2048x8xf32, #tpu.memory_space<vmem>>, vector<2048x8xf32>
    %iota3A_116 = tpu.iota {dimensions = array<i32: 0>} : vector<8x128xi32>
    %iota3A_117 = tpu.iota {dimensions = array<i32: 1>} : vector<8x128xi32>
    %jit3A_118 = arith.constant 16 : i32
    %div3A_119 = vector.broadcast %jit3A_118 : i32 to vector<8x128xi32>
    %div3A_120 = arith.divsi %iota3A_117, %div3A_119 : vector<8x128xi32>
    %sign3A_121 = arith.constant 0 : i32
    %sign3A_122 = vector.broadcast %sign3A_121 : i32 to vector<8x128xi32>
    %sign3A_123 = arith.cmpi sgt, %iota3A_117, %sign3A_122 : vector<8x128xi32>
    %sign3A_124 = arith.extui %sign3A_123 : vector<8x128xi1> to vector<8x128xi32>
    %sign3A_125 = arith.constant 0 : i32
    %sign3A_126 = vector.broadcast %sign3A_125 : i32 to vector<8x128xi32>
    %sign3A_127 = arith.cmpi slt, %iota3A_117, %sign3A_126 : vector<8x128xi32>
    %sign3A_128 = arith.extui %sign3A_127 : vector<8x128xi1> to vector<8x128xi32>
    %sign3A_129 = arith.subi %sign3A_124, %sign3A_128 : vector<8x128xi32>
    %sign3A_130 = arith.constant 0 : i32
    %sign3A_131 = arith.cmpi sgt, %jit3A_118, %sign3A_130 : i32
    %sign3A_132 = arith.extui %sign3A_131 : i1 to i32
    %sign3A_133 = arith.constant 0 : i32
    %sign3A_134 = arith.cmpi slt, %jit3A_118, %sign3A_133 : i32
    %sign3A_135 = arith.extui %sign3A_134 : i1 to i32
    %sign3A_136 = arith.subi %sign3A_132, %sign3A_135 : i32
    %ne3A_137 = vector.broadcast %sign3A_136 : i32 to vector<8x128xi32>
    %ne3A_138 = arith.cmpi ne, %sign3A_129, %ne3A_137 : vector<8x128xi32>
    %rem3A_139 = vector.broadcast %jit3A_118 : i32 to vector<8x128xi32>
    %rem3A_140 = arith.remsi %iota3A_117, %rem3A_139 : vector<8x128xi32>
    %ne3A_141 = arith.constant 0 : i32
    %ne3A_142 = vector.broadcast %ne3A_141 : i32 to vector<8x128xi32>
    %ne3A_143 = arith.cmpi ne, %rem3A_140, %ne3A_142 : vector<8x128xi32>
    %and3A_144 = arith.andi %ne3A_138, %ne3A_143 : vector<8x128xi1>
    %sub3A_145 = arith.constant 1 : i32
    %sub3A_146 = vector.broadcast %sub3A_145 : i32 to vector<8x128xi32>
    %sub3A_147 = arith.subi %div3A_120, %sub3A_146 : vector<8x128xi32>
    %select_n3A_148 = arith.select %and3A_144, %sub3A_147, %div3A_120 : vector<8x128xi1>, vector<8x128xi32>
    %eq3A_149 = arith.cmpi eq, %select_n3A_148, %iota3A_116 : vector<8x128xi32>
    %convert_element_type3A_150 = arith.extui %eq3A_149 : vector<8x128xi1> to vector<8x128xi32>
    %convert_element_type3A_151 = arith.sitofp %convert_element_type3A_150 : vector<8x128xi32> to vector<8x128xf32>
    %dot_general3A_152 = arith.constant dense<0.000000e+00> : vector<2048x128xf32>
    %dot_general3A_153 = tpu.matmul %get3A_115, %convert_element_type3A_151, %dot_general3A_152 {dimension_numbers = #tpu.dot_dimension_numbers<[1], [0], [0], [1], [0, 0, 1, 1], [], []>, transpose_lhs_hint = false} : vector<2048x8xf32>, vector<8x128xf32>, vector<2048x128xf32> -> vector<2048x128xf32>
    %iota3A_154 = tpu.iota {dimensions = array<i32: 0>} : vector<16x128xi32>
    %iota3A_155 = tpu.iota {dimensions = array<i32: 1>} : vector<16x128xi32>
    %jit3A_156 = arith.constant 16 : i32
    %eq3A_157 = arith.constant 0 : i32
    %eq3A_158 = arith.cmpi eq, %jit3A_156, %eq3A_157 : i32
    %jit3A_159 = arith.constant 1 : i32
    %select_n3A_160 = arith.select %eq3A_158, %jit3A_159, %jit3A_156 : i32
    %rem3A_161 = vector.broadcast %select_n3A_160 : i32 to vector<16x128xi32>
    %rem3A_162 = arith.remsi %iota3A_155, %rem3A_161 : vector<16x128xi32>
    %ne3A_163 = arith.constant 0 : i32
    %ne3A_164 = vector.broadcast %ne3A_163 : i32 to vector<16x128xi32>
    %ne3A_165 = arith.cmpi ne, %rem3A_162, %ne3A_164 : vector<16x128xi32>
    %lt3A = arith.constant 0 : i32
    %lt3A_166 = vector.broadcast %lt3A : i32 to vector<16x128xi32>
    %lt3A_167 = arith.cmpi slt, %rem3A_162, %lt3A_166 : vector<16x128xi32>
    %lt3A_168 = arith.constant 0 : i32
    %lt3A_169 = arith.cmpi slt, %select_n3A_160, %lt3A_168 : i32
    %ne3A_170 = vector.broadcast %lt3A_169 : i1 to vector<16x128xi1>
    %ne3A_171 = vector.broadcast %ne3A_170 : vector<16x128xi1> to vector<16x128xi1>
    %ne3A_172 = arith.xori %lt3A_167, %ne3A_171 : vector<16x128xi1>
    %and3A_173 = arith.andi %ne3A_172, %ne3A_165 : vector<16x128xi1>
    %add3A_174 = vector.broadcast %select_n3A_160 : i32 to vector<16x128xi32>
    %add3A_175 = arith.addi %rem3A_162, %add3A_174 : vector<16x128xi32>
    %select_n3A_176 = arith.select %and3A_173, %add3A_175, %rem3A_162 : vector<16x128xi1>, vector<16x128xi32>
    %eq3A_177 = arith.cmpi eq, %select_n3A_176, %iota3A_154 : vector<16x128xi32>
    %convert_element_type3A_178 = arith.extui %eq3A_177 : vector<16x128xi1> to vector<16x128xi32>
    %convert_element_type3A_179 = arith.sitofp %convert_element_type3A_178 : vector<16x128xi32> to vector<16x128xf32>
    %dot_general3A_180 = arith.constant dense<0.000000e+00> : vector<2048x128xf32>
    %dot_general3A_181 = tpu.matmul %concatenate3A, %convert_element_type3A_179, %dot_general3A_180 {dimension_numbers = #tpu.dot_dimension_numbers<[1], [0], [0], [1], [0, 0, 1, 1], [], []>, transpose_lhs_hint = false} : vector<2048x16xf32>, vector<16x128xf32>, vector<2048x128xf32> -> vector<2048x128xf32>
    %mul3A_182 = arith.mulf %dot_general3A_153, %dot_general3A_181 : vector<2048x128xf32>
    %swap3A_183 = arith.constant 0 : index
    %swap3A_184 = arith.constant 0 : index
    %swap3A_185 = vector.load %arg7[%swap3A_183, %swap3A_184] : memref<2048x128xf32, #tpu.memory_space<vmem>>, vector<2048x128xf32>
    tpu.vector_store %arg7[%swap3A_183, %swap3A_184], %mul3A_182 {strides = array<i32>} : memref<2048x128xf32, #tpu.memory_space<vmem>>, vector<2048x128xf32>,
    return
  }
  func.func @transform_0(%arg0: i32) -> (i32, i32) {
    %c0_i32 = arith.constant 0 : i32
    %c0_i32_0 = arith.constant 0 : i32
    return %arg0, %c0_i32 : i32, i32
  }
  func.func @transform_1(%arg0: i32) -> (i32, i32) {
    %c0_i32 = arith.constant 0 : i32
    %c0_i32_0 = arith.constant 0 : i32
    return %arg0, %c0_i32 : i32, i32
  }
  func.func @transform_2(%arg0: i32) -> (i32, i32) {
    %c0_i32 = arith.constant 0 : i32
    %c0_i32_0 = arith.constant 0 : i32
    return %arg0, %c0_i32 : i32, i32
  }
  func.func @transform_3(%arg0: i32) -> (i32, i32) {
    %c0_i32 = arith.constant 0 : i32
    %c0_i32_0 = arith.constant 0 : i32
    return %arg0, %c0_i32 : i32, i32
  }
  func.func @transform_4(%arg0: i32) -> (i32, i32) {
    %c0_i32 = arith.constant 0 : i32
    %c0_i32_0 = arith.constant 0 : i32
    %c0_i32_1 = arith.constant 0 : i32
    return %c0_i32, %c0_i32_0 : i32, i32
  }
  func.func @transform_5(%arg0: i32) -> (i32, i32) {
    %c0_i32 = arith.constant 0 : i32
    %c0_i32_0 = arith.constant 0 : i32
    return %arg0, %c0_i32 : i32, i32
  }
  func.func @transform_6(%arg0: i32) -> (i32, i32) {
    %c0_i32 = arith.constant 0 : i32
    %c0_i32_0 = arith.constant 0 : i32
    return %arg0, %c0_i32 : i32, i32
  }
}

module attributes {stable_mosaic.version = 14 : i64} {
  func.func @_post_body(%arg0: i32, %arg1: memref<1024x128xf32, #tpu.memory_space<vmem>>, %arg2: memref<1024x128xf32, #tpu.memory_space<vmem>>, %arg3: memref<1024x16xf32, #tpu.memory_space<vmem>>, %arg4: memref<1024x16xf32, #tpu.memory_space<vmem>>, %arg5: memref<1024x128xf32, #tpu.memory_space<vmem>>, %arg6: memref<1x128xf32, #tpu.memory_space<vmem>>, %arg7: memref<128x128xf32, #tpu.memory_space<vmem>>, %arg8: memref<1x128xf32, #tpu.memory_space<vmem>>, %arg9: memref<1x128xf32, #tpu.memory_space<vmem>>, %arg10: memref<1x128xf32, #tpu.memory_space<vmem>>, %arg11: memref<1024x128xf32, #tpu.memory_space<vmem>>) attributes {dimension_semantics = [#tpu.dimension_semantics<arbitrary>], iteration_bounds = array<i64: 10>, scalar_prefetch = 0 : i64, scratch_operands = 0 : i64, tpu.core_type = #tpu.core_type<tc>, window_params = [{transform_indices = @transform_0, window_bounds = array<i64: 1024, 128>}, {transform_indices = @transform_1, window_bounds = array<i64: 1024, 128>}, {transform_indices = @transform_2, window_bounds = array<i64: 1024, 16>}, {transform_indices = @transform_3, window_bounds = array<i64: 1024, 16>}, {transform_indices = @transform_4, window_bounds = array<i64: 1024, 128>}, {pipeline_mode = #tpu.pipeline_mode<synchronous>, transform_indices = @transform_5, window_bounds = array<i64: 1, 128>}, {pipeline_mode = #tpu.pipeline_mode<synchronous>, transform_indices = @transform_6, window_bounds = array<i64: 128, 128>}, {pipeline_mode = #tpu.pipeline_mode<synchronous>, transform_indices = @transform_7, window_bounds = array<i64: 1, 128>}, {pipeline_mode = #tpu.pipeline_mode<synchronous>, transform_indices = @transform_8, window_bounds = array<i64: 1, 128>}, {pipeline_mode = #tpu.pipeline_mode<synchronous>, transform_indices = @transform_9, window_bounds = array<i64: 1, 128>}, {transform_indices = @transform_10, window_bounds = array<i64: 1024, 128>}]} {
    %get3A = arith.constant 0 : index
    %get3A_0 = arith.constant 0 : index
    %get3A_1 = vector.load %arg1[%get3A, %get3A_0] : memref<1024x128xf32, #tpu.memory_space<vmem>>, vector<1024x128xf32>
    %get3A_2 = arith.constant 0 : index
    %get3A_3 = arith.constant 0 : index
    %get3A_4 = vector.load %arg2[%get3A_2, %get3A_3] : memref<1024x128xf32, #tpu.memory_space<vmem>>, vector<1024x128xf32>
    %add3A = arith.addf %get3A_1, %get3A_4 : vector<1024x128xf32>
    %get3A_5 = arith.constant 0 : index
    %get3A_6 = arith.constant 0 : index
    %get3A_7 = vector.load %arg3[%get3A_5, %get3A_6] : memref<1024x16xf32, #tpu.memory_space<vmem>>, vector<1024x16xf32>
    %get3A_8 = arith.constant 0 : index
    %get3A_9 = arith.constant 0 : index
    %get3A_10 = vector.load %arg4[%get3A_8, %get3A_9] : memref<1024x16xf32, #tpu.memory_space<vmem>>, vector<1024x16xf32>
    %add3A_11 = arith.addf %get3A_7, %get3A_10 : vector<1024x16xf32>
    %slice3A = vector.extract_strided_slice %add3A_11 {offsets = [0, 0], sizes = [1024, 8], strides = [1, 1]} : vector<1024x16xf32> to vector<1024x8xf32>
    %slice3A_12 = vector.extract_strided_slice %add3A_11 {offsets = [0, 8], sizes = [1024, 8], strides = [1, 1]} : vector<1024x16xf32> to vector<1024x8xf32>
    %add3A_13 = arith.constant 1.000000e-16 : f32
    %add3A_14 = vector.broadcast %add3A_13 : f32 to vector<1024x8xf32>
    %add3A_15 = arith.addf %slice3A, %add3A_14 : vector<1024x8xf32>
    %iota3A = tpu.iota {dimensions = array<i32: 0>} : vector<8x128xi32>
    %iota3A_16 = tpu.iota {dimensions = array<i32: 1>} : vector<8x128xi32>
    %jit3A = arith.constant 16 : i32
    %div3A = vector.broadcast %jit3A : i32 to vector<8x128xi32>
    %div3A_17 = arith.divsi %iota3A_16, %div3A : vector<8x128xi32>
    %sign3A = arith.constant 0 : i32
    %sign3A_18 = vector.broadcast %sign3A : i32 to vector<8x128xi32>
    %sign3A_19 = arith.cmpi sgt, %iota3A_16, %sign3A_18 : vector<8x128xi32>
    %sign3A_20 = arith.extui %sign3A_19 : vector<8x128xi1> to vector<8x128xi32>
    %sign3A_21 = arith.constant 0 : i32
    %sign3A_22 = vector.broadcast %sign3A_21 : i32 to vector<8x128xi32>
    %sign3A_23 = arith.cmpi slt, %iota3A_16, %sign3A_22 : vector<8x128xi32>
    %sign3A_24 = arith.extui %sign3A_23 : vector<8x128xi1> to vector<8x128xi32>
    %sign3A_25 = arith.subi %sign3A_20, %sign3A_24 : vector<8x128xi32>
    %sign3A_26 = arith.constant 0 : i32
    %sign3A_27 = arith.cmpi sgt, %jit3A, %sign3A_26 : i32
    %sign3A_28 = arith.extui %sign3A_27 : i1 to i32
    %sign3A_29 = arith.constant 0 : i32
    %sign3A_30 = arith.cmpi slt, %jit3A, %sign3A_29 : i32
    %sign3A_31 = arith.extui %sign3A_30 : i1 to i32
    %sign3A_32 = arith.subi %sign3A_28, %sign3A_31 : i32
    %ne3A = vector.broadcast %sign3A_32 : i32 to vector<8x128xi32>
    %ne3A_33 = arith.cmpi ne, %sign3A_25, %ne3A : vector<8x128xi32>
    %rem3A = vector.broadcast %jit3A : i32 to vector<8x128xi32>
    %rem3A_34 = arith.remsi %iota3A_16, %rem3A : vector<8x128xi32>
    %ne3A_35 = arith.constant 0 : i32
    %ne3A_36 = vector.broadcast %ne3A_35 : i32 to vector<8x128xi32>
    %ne3A_37 = arith.cmpi ne, %rem3A_34, %ne3A_36 : vector<8x128xi32>
    %and3A = arith.andi %ne3A_33, %ne3A_37 : vector<8x128xi1>
    %sub3A = arith.constant 1 : i32
    %sub3A_38 = vector.broadcast %sub3A : i32 to vector<8x128xi32>
    %sub3A_39 = arith.subi %div3A_17, %sub3A_38 : vector<8x128xi32>
    %select_n3A = arith.select %and3A, %sub3A_39, %div3A_17 : vector<8x128xi1>, vector<8x128xi32>
    %eq3A = arith.cmpi eq, %select_n3A, %iota3A : vector<8x128xi32>
    %convert_element_type3A = arith.extui %eq3A : vector<8x128xi1> to vector<8x128xi32>
    %convert_element_type3A_40 = arith.sitofp %convert_element_type3A : vector<8x128xi32> to vector<8x128xf32>
    %dot_general3A = arith.constant dense<0.000000e+00> : vector<1024x128xf32>
    %dot_general3A_41 = tpu.matmul %add3A_15, %convert_element_type3A_40, %dot_general3A {dimension_numbers = #tpu.dot_dimension_numbers<[1], [0], [0], [1], [0, 0, 1, 1], [], []>, transpose_lhs_hint = false} : vector<1024x8xf32>, vector<8x128xf32>, vector<1024x128xf32> -> vector<1024x128xf32>
    %div3A_42 = arith.divf %add3A, %dot_general3A_41 : vector<1024x128xf32>
    %div3A_43 = arith.divf %slice3A_12, %add3A_15 : vector<1024x8xf32>
    %iota3A_44 = tpu.iota {dimensions = array<i32: 0>} : vector<128x8xi32>
    %iota3A_45 = tpu.iota {dimensions = array<i32: 1>} : vector<128x8xi32>
    %jit3A_46 = arith.constant 16 : i32
    %div3A_47 = vector.broadcast %jit3A_46 : i32 to vector<128x8xi32>
    %div3A_48 = arith.divsi %iota3A_44, %div3A_47 : vector<128x8xi32>
    %sign3A_49 = arith.constant 0 : i32
    %sign3A_50 = vector.broadcast %sign3A_49 : i32 to vector<128x8xi32>
    %sign3A_51 = arith.cmpi sgt, %iota3A_44, %sign3A_50 : vector<128x8xi32>
    %sign3A_52 = arith.extui %sign3A_51 : vector<128x8xi1> to vector<128x8xi32>
    %sign3A_53 = arith.constant 0 : i32
    %sign3A_54 = vector.broadcast %sign3A_53 : i32 to vector<128x8xi32>
    %sign3A_55 = arith.cmpi slt, %iota3A_44, %sign3A_54 : vector<128x8xi32>
    %sign3A_56 = arith.extui %sign3A_55 : vector<128x8xi1> to vector<128x8xi32>
    %sign3A_57 = arith.subi %sign3A_52, %sign3A_56 : vector<128x8xi32>
    %sign3A_58 = arith.constant 0 : i32
    %sign3A_59 = arith.cmpi sgt, %jit3A_46, %sign3A_58 : i32
    %sign3A_60 = arith.extui %sign3A_59 : i1 to i32
    %sign3A_61 = arith.constant 0 : i32
    %sign3A_62 = arith.cmpi slt, %jit3A_46, %sign3A_61 : i32
    %sign3A_63 = arith.extui %sign3A_62 : i1 to i32
    %sign3A_64 = arith.subi %sign3A_60, %sign3A_63 : i32
    %ne3A_65 = vector.broadcast %sign3A_64 : i32 to vector<128x8xi32>
    %ne3A_66 = arith.cmpi ne, %sign3A_57, %ne3A_65 : vector<128x8xi32>
    %rem3A_67 = vector.broadcast %jit3A_46 : i32 to vector<128x8xi32>
    %rem3A_68 = arith.remsi %iota3A_44, %rem3A_67 : vector<128x8xi32>
    %ne3A_69 = arith.constant 0 : i32
    %ne3A_70 = vector.broadcast %ne3A_69 : i32 to vector<128x8xi32>
    %ne3A_71 = arith.cmpi ne, %rem3A_68, %ne3A_70 : vector<128x8xi32>
    %and3A_72 = arith.andi %ne3A_66, %ne3A_71 : vector<128x8xi1>
    %sub3A_73 = arith.constant 1 : i32
    %sub3A_74 = vector.broadcast %sub3A_73 : i32 to vector<128x8xi32>
    %sub3A_75 = arith.subi %div3A_48, %sub3A_74 : vector<128x8xi32>
    %select_n3A_76 = arith.select %and3A_72, %sub3A_75, %div3A_48 : vector<128x8xi1>, vector<128x8xi32>
    %eq3A_77 = arith.cmpi eq, %select_n3A_76, %iota3A_45 : vector<128x8xi32>
    %convert_element_type3A_78 = arith.extui %eq3A_77 : vector<128x8xi1> to vector<128x8xi32>
    %convert_element_type3A_79 = arith.sitofp %convert_element_type3A_78 : vector<128x8xi32> to vector<128x8xf32>
    %mul3A = arith.mulf %div3A_42, %div3A_42 : vector<1024x128xf32>
    %dot_general3A_80 = arith.constant dense<0.000000e+00> : vector<1024x8xf32>
    %dot_general3A_81 = tpu.matmul %mul3A, %convert_element_type3A_79, %dot_general3A_80 {dimension_numbers = #tpu.dot_dimension_numbers<[1], [0], [0], [1], [0, 0, 1, 1], [], []>, transpose_lhs_hint = false} : vector<1024x128xf32>, vector<128x8xf32>, vector<1024x8xf32> -> vector<1024x8xf32>
    %mul3A_82 = arith.mulf %div3A_43, %div3A_43 : vector<1024x8xf32>
    %sub3A_83 = arith.subf %dot_general3A_81, %mul3A_82 : vector<1024x8xf32>
    %abs3A = math.absf %sub3A_83 : vector<1024x8xf32>
    %jit3A_84 = arith.constant 9.99999993E-9 : f32
    %max3A = vector.broadcast %jit3A_84 : f32 to vector<1024x8xf32>
    %max3A_85 = arith.maximumf %max3A, %abs3A : vector<1024x8xf32>
    %sqrt3A = math.sqrt %max3A_85 : vector<1024x8xf32>
    %div3A_86 = arith.constant 1.000000e+00 : f32
    %div3A_87 = vector.broadcast %div3A_86 : f32 to vector<1024x8xf32>
    %div3A_88 = arith.divf %div3A_87, %sqrt3A : vector<1024x8xf32>
    %dot_general3A_89 = arith.constant dense<0.000000e+00> : vector<1024x128xf32>
    %dot_general3A_90 = tpu.matmul %div3A_88, %convert_element_type3A_40, %dot_general3A_89 {dimension_numbers = #tpu.dot_dimension_numbers<[1], [0], [0], [1], [0, 0, 1, 1], [], []>, transpose_lhs_hint = false} : vector<1024x8xf32>, vector<8x128xf32>, vector<1024x128xf32> -> vector<1024x128xf32>
    %mul3A_91 = arith.mulf %div3A_42, %dot_general3A_90 : vector<1024x128xf32>
    %mul3A_92 = arith.mulf %mul3A_91, %mul3A_91 : vector<1024x128xf32>
    %reduce_sum3A = arith.constant dense<0.000000e+00> : vector<1024xf32>
    %reduce_sum3A_93 = vector.multi_reduction <add>, %mul3A_92, %reduce_sum3A [1] : vector<1024x128xf32> to vector<1024xf32>
    %broadcast_in_dim3A = vector.shape_cast %reduce_sum3A_93 : vector<1024xf32> to vector<1024x1xf32>
    %add3A_94 = arith.constant 1.000000e+00 : f32
    %add3A_95 = vector.broadcast %add3A_94 : f32 to vector<1024x1xf32>
    %add3A_96 = arith.addf %broadcast_in_dim3A, %add3A_95 : vector<1024x1xf32>
    %sqrt3A_97 = math.sqrt %add3A_96 : vector<1024x1xf32>
    %get3A_98 = arith.constant 0 : index
    %get3A_99 = arith.constant 0 : index
    %get3A_100 = vector.load %arg6[%get3A_98, %get3A_99] : memref<1x128xf32, #tpu.memory_space<vmem>>, vector<1x128xf32>
    %mul3A_101 = vector.broadcast %sqrt3A_97 : vector<1024x1xf32> to vector<1024x128xf32>
    %mul3A_102 = vector.broadcast %get3A_100 : vector<1x128xf32> to vector<1024x128xf32>
    %mul3A_103 = arith.mulf %mul3A_101, %mul3A_102 : vector<1024x128xf32>
    %get3A_104 = arith.constant 0 : index
    %get3A_105 = arith.constant 0 : index
    %get3A_106 = vector.load %arg7[%get3A_104, %get3A_105] : memref<128x128xf32, #tpu.memory_space<vmem>>, vector<128x128xf32>
    %dot_general3A_107 = arith.constant dense<0.000000e+00> : vector<1024x128xf32>
    %dot_general3A_108 = tpu.matmul %mul3A_91, %get3A_106, %dot_general3A_107 {dimension_numbers = #tpu.dot_dimension_numbers<[1], [0], [0], [1], [0, 0, 1, 1], [], []>, transpose_lhs_hint = false} : vector<1024x128xf32>, vector<128x128xf32>, vector<1024x128xf32> -> vector<1024x128xf32>
    %add3A_109 = arith.addf %mul3A_103, %dot_general3A_108 : vector<1024x128xf32>
    %get3A_110 = arith.constant 0 : index
    %get3A_111 = arith.constant 0 : index
    %get3A_112 = vector.load %arg8[%get3A_110, %get3A_111] : memref<1x128xf32, #tpu.memory_space<vmem>>, vector<1x128xf32>
    %add3A_113 = vector.broadcast %get3A_112 : vector<1x128xf32> to vector<1024x128xf32>
    %add3A_114 = arith.addf %add3A_109, %add3A_113 : vector<1024x128xf32>
    %mul3A_115 = arith.mulf %add3A_114, %add3A_114 : vector<1024x128xf32>
    %reduce_sum3A_116 = arith.constant dense<0.000000e+00> : vector<1024xf32>
    %reduce_sum3A_117 = vector.multi_reduction <add>, %mul3A_115, %reduce_sum3A_116 [1] : vector<1024x128xf32> to vector<1024xf32>
    %broadcast_in_dim3A_118 = vector.shape_cast %reduce_sum3A_117 : vector<1024xf32> to vector<1024x1xf32>
    %add3A_119 = arith.constant 1.000000e+00 : f32
    %add3A_120 = vector.broadcast %add3A_119 : f32 to vector<1024x1xf32>
    %add3A_121 = arith.addf %broadcast_in_dim3A_118, %add3A_120 : vector<1024x1xf32>
    %sqrt3A_122 = math.sqrt %add3A_121 : vector<1024x1xf32>
    %get3A_123 = arith.constant 0 : index
    %get3A_124 = arith.constant 0 : index
    %get3A_125 = vector.load %arg5[%get3A_123, %get3A_124] : memref<1024x128xf32, #tpu.memory_space<vmem>>, vector<1024x128xf32>
    %mul3A_126 = arith.mulf %get3A_125, %get3A_125 : vector<1024x128xf32>
    %reduce_sum3A_127 = arith.constant dense<0.000000e+00> : vector<1024xf32>
    %reduce_sum3A_128 = vector.multi_reduction <add>, %mul3A_126, %reduce_sum3A_127 [1] : vector<1024x128xf32> to vector<1024xf32>
    %broadcast_in_dim3A_129 = vector.shape_cast %reduce_sum3A_128 : vector<1024xf32> to vector<1024x1xf32>
    %add3A_130 = arith.constant 1.000000e+00 : f32
    %add3A_131 = vector.broadcast %add3A_130 : f32 to vector<1024x1xf32>
    %add3A_132 = arith.addf %broadcast_in_dim3A_129, %add3A_131 : vector<1024x1xf32>
    %sqrt3A_133 = math.sqrt %add3A_132 : vector<1024x1xf32>
    %add3A_134 = arith.addf %add3A_114, %get3A_125 : vector<1024x128xf32>
    %mul3A_135 = arith.constant 5.000000e-01 : f32
    %mul3A_136 = vector.broadcast %mul3A_135 : f32 to vector<1024x128xf32>
    %mul3A_137 = arith.mulf %mul3A_136, %add3A_134 : vector<1024x128xf32>
    %add3A_138 = arith.addf %sqrt3A_122, %sqrt3A_133 : vector<1024x1xf32>
    %mul3A_139 = arith.constant 5.000000e-01 : f32
    %mul3A_140 = vector.broadcast %mul3A_139 : f32 to vector<1024x1xf32>
    %mul3A_141 = arith.mulf %mul3A_140, %add3A_138 : vector<1024x1xf32>
    %mul3A_142 = arith.mulf %mul3A_137, %mul3A_137 : vector<1024x128xf32>
    %reduce_sum3A_143 = arith.constant dense<0.000000e+00> : vector<1024xf32>
    %reduce_sum3A_144 = vector.multi_reduction <add>, %mul3A_142, %reduce_sum3A_143 [1] : vector<1024x128xf32> to vector<1024xf32>
    %broadcast_in_dim3A_145 = vector.shape_cast %reduce_sum3A_144 : vector<1024xf32> to vector<1024x1xf32>
    %mul3A_146 = arith.mulf %mul3A_141, %mul3A_141 : vector<1024x1xf32>
    %sub3A_147 = arith.subf %broadcast_in_dim3A_145, %mul3A_146 : vector<1024x1xf32>
    %abs3A_148 = math.absf %sub3A_147 : vector<1024x1xf32>
    %jit3A_149 = arith.constant 9.99999993E-9 : f32
    %max3A_150 = vector.broadcast %jit3A_149 : f32 to vector<1024x1xf32>
    %max3A_151 = arith.maximumf %max3A_150, %abs3A_148 : vector<1024x1xf32>
    %sqrt3A_152 = math.sqrt %max3A_151 : vector<1024x1xf32>
    %div3A_153 = vector.broadcast %sqrt3A_152 : vector<1024x1xf32> to vector<1024x128xf32>
    %div3A_154 = arith.divf %mul3A_137, %div3A_153 : vector<1024x128xf32>
    %reduce_sum3A_155 = arith.constant dense<0.000000e+00> : vector<1024xf32>
    %reduce_sum3A_156 = vector.multi_reduction <add>, %div3A_154, %reduce_sum3A_155 [1] : vector<1024x128xf32> to vector<1024xf32>
    %broadcast_in_dim3A_157 = vector.shape_cast %reduce_sum3A_156 : vector<1024xf32> to vector<1024x1xf32>
    %div3A_158 = arith.constant 1.280000e+02 : f32
    %div3A_159 = vector.broadcast %div3A_158 : f32 to vector<1024x1xf32>
    %div3A_160 = arith.divf %broadcast_in_dim3A_157, %div3A_159 : vector<1024x1xf32>
    %sub3A_161 = vector.broadcast %div3A_160 : vector<1024x1xf32> to vector<1024x128xf32>
    %sub3A_162 = arith.subf %div3A_154, %sub3A_161 : vector<1024x128xf32>
    %integer_pow3A = arith.mulf %sub3A_162, %sub3A_162 : vector<1024x128xf32>
    %reduce_sum3A_163 = arith.constant dense<0.000000e+00> : vector<1024xf32>
    %reduce_sum3A_164 = vector.multi_reduction <add>, %integer_pow3A, %reduce_sum3A_163 [1] : vector<1024x128xf32> to vector<1024xf32>
    %broadcast_in_dim3A_165 = vector.shape_cast %reduce_sum3A_164 : vector<1024xf32> to vector<1024x1xf32>
    %div3A_166 = arith.constant 1.280000e+02 : f32
    %div3A_167 = vector.broadcast %div3A_166 : f32 to vector<1024x1xf32>
    %div3A_168 = arith.divf %broadcast_in_dim3A_165, %div3A_167 : vector<1024x1xf32>
    %sub3A_169 = vector.broadcast %div3A_160 : vector<1024x1xf32> to vector<1024x128xf32>
    %sub3A_170 = arith.subf %div3A_154, %sub3A_169 : vector<1024x128xf32>
    %add3A_171 = arith.constant 9.99999974E-6 : f32
    %add3A_172 = vector.broadcast %add3A_171 : f32 to vector<1024x1xf32>
    %add3A_173 = arith.addf %div3A_168, %add3A_172 : vector<1024x1xf32>
    %sqrt3A_174 = math.sqrt %add3A_173 : vector<1024x1xf32>
    %div3A_175 = vector.broadcast %sqrt3A_174 : vector<1024x1xf32> to vector<1024x128xf32>
    %div3A_176 = arith.divf %sub3A_170, %div3A_175 : vector<1024x128xf32>
    %get3A_177 = arith.constant 0 : index
    %get3A_178 = arith.constant 0 : index
    %get3A_179 = vector.load %arg9[%get3A_177, %get3A_178] : memref<1x128xf32, #tpu.memory_space<vmem>>, vector<1x128xf32>
    %mul3A_180 = vector.broadcast %get3A_179 : vector<1x128xf32> to vector<1024x128xf32>
    %mul3A_181 = arith.mulf %div3A_176, %mul3A_180 : vector<1024x128xf32>
    %get3A_182 = arith.constant 0 : index
    %get3A_183 = arith.constant 0 : index
    %get3A_184 = vector.load %arg10[%get3A_182, %get3A_183] : memref<1x128xf32, #tpu.memory_space<vmem>>, vector<1x128xf32>
    %add3A_185 = vector.broadcast %get3A_184 : vector<1x128xf32> to vector<1024x128xf32>
    %add3A_186 = arith.addf %mul3A_181, %add3A_185 : vector<1024x128xf32>
    %swap3A = arith.constant 0 : index
    %swap3A_187 = arith.constant 0 : index
    %swap3A_188 = vector.load %arg11[%swap3A, %swap3A_187] : memref<1024x128xf32, #tpu.memory_space<vmem>>, vector<1024x128xf32>
    tpu.vector_store %arg11[%swap3A, %swap3A_187], %add3A_186 {strides = array<i32>} : memref<1024x128xf32, #tpu.memory_space<vmem>>, vector<1024x128xf32>,
    return
  }
  func.func @transform_0(%arg0: i32) -> (i32, i32) {
    %c0_i32 = arith.constant 0 : i32
    %c0_i32_0 = arith.constant 0 : i32
    return %arg0, %c0_i32 : i32, i32
  }
  func.func @transform_1(%arg0: i32) -> (i32, i32) {
    %c0_i32 = arith.constant 0 : i32
    %c0_i32_0 = arith.constant 0 : i32
    return %arg0, %c0_i32 : i32, i32
  }
  func.func @transform_2(%arg0: i32) -> (i32, i32) {
    %c0_i32 = arith.constant 0 : i32
    %c0_i32_0 = arith.constant 0 : i32
    return %arg0, %c0_i32 : i32, i32
  }
  func.func @transform_3(%arg0: i32) -> (i32, i32) {
    %c0_i32 = arith.constant 0 : i32
    %c0_i32_0 = arith.constant 0 : i32
    return %arg0, %c0_i32 : i32, i32
  }
  func.func @transform_4(%arg0: i32) -> (i32, i32) {
    %c0_i32 = arith.constant 0 : i32
    %c0_i32_0 = arith.constant 0 : i32
    return %arg0, %c0_i32 : i32, i32
  }
  func.func @transform_5(%arg0: i32) -> (i32, i32) {
    %c0_i32 = arith.constant 0 : i32
    %c0_i32_0 = arith.constant 0 : i32
    %c0_i32_1 = arith.constant 0 : i32
    return %c0_i32, %c0_i32_0 : i32, i32
  }
  func.func @transform_6(%arg0: i32) -> (i32, i32) {
    %c0_i32 = arith.constant 0 : i32
    %c0_i32_0 = arith.constant 0 : i32
    %c0_i32_1 = arith.constant 0 : i32
    return %c0_i32, %c0_i32_0 : i32, i32
  }
  func.func @transform_7(%arg0: i32) -> (i32, i32) {
    %c0_i32 = arith.constant 0 : i32
    %c0_i32_0 = arith.constant 0 : i32
    %c0_i32_1 = arith.constant 0 : i32
    return %c0_i32, %c0_i32_0 : i32, i32
  }
  func.func @transform_8(%arg0: i32) -> (i32, i32) {
    %c0_i32 = arith.constant 0 : i32
    %c0_i32_0 = arith.constant 0 : i32
    %c0_i32_1 = arith.constant 0 : i32
    return %c0_i32, %c0_i32_0 : i32, i32
  }
  func.func @transform_9(%arg0: i32) -> (i32, i32) {
    %c0_i32 = arith.constant 0 : i32
    %c0_i32_0 = arith.constant 0 : i32
    %c0_i32_1 = arith.constant 0 : i32
    return %c0_i32, %c0_i32_0 : i32, i32
  }
  func.func @transform_10(%arg0: i32) -> (i32, i32) {
    %c0_i32 = arith.constant 0 : i32
    %c0_i32_0 = arith.constant 0 : i32
    return %arg0, %c0_i32 : i32, i32
  }
}

module attributes {stable_mosaic.version = 14 : i64} {
  func.func @_final_body(%arg0: i32, %arg1: memref<1024x128xf32, #tpu.memory_space<vmem>>, %arg2: memref<1x128xf32, #tpu.memory_space<vmem>>, %arg3: memref<128x128xf32, #tpu.memory_space<vmem>>, %arg4: memref<1x128xf32, #tpu.memory_space<vmem>>, %arg5: memref<1024x128xf32, #tpu.memory_space<vmem>>) attributes {dimension_semantics = [#tpu.dimension_semantics<arbitrary>], iteration_bounds = array<i64: 10>, scalar_prefetch = 0 : i64, scratch_operands = 0 : i64, tpu.core_type = #tpu.core_type<tc>, window_params = [{transform_indices = @transform_0, window_bounds = array<i64: 1024, 128>}, {pipeline_mode = #tpu.pipeline_mode<synchronous>, transform_indices = @transform_1, window_bounds = array<i64: 1, 128>}, {pipeline_mode = #tpu.pipeline_mode<synchronous>, transform_indices = @transform_2, window_bounds = array<i64: 128, 128>}, {pipeline_mode = #tpu.pipeline_mode<synchronous>, transform_indices = @transform_3, window_bounds = array<i64: 1, 128>}, {transform_indices = @transform_4, window_bounds = array<i64: 1024, 128>}]} {
    %get3A = arith.constant 0 : index
    %get3A_0 = arith.constant 0 : index
    %get3A_1 = vector.load %arg1[%get3A, %get3A_0] : memref<1024x128xf32, #tpu.memory_space<vmem>>, vector<1024x128xf32>
    %mul3A = arith.mulf %get3A_1, %get3A_1 : vector<1024x128xf32>
    %reduce_sum3A = arith.constant dense<0.000000e+00> : vector<1024xf32>
    %reduce_sum3A_2 = vector.multi_reduction <add>, %mul3A, %reduce_sum3A [1] : vector<1024x128xf32> to vector<1024xf32>
    %broadcast_in_dim3A = vector.shape_cast %reduce_sum3A_2 : vector<1024xf32> to vector<1024x1xf32>
    %add3A = arith.constant 1.000000e+00 : f32
    %add3A_3 = vector.broadcast %add3A : f32 to vector<1024x1xf32>
    %add3A_4 = arith.addf %broadcast_in_dim3A, %add3A_3 : vector<1024x1xf32>
    %sqrt3A = math.sqrt %add3A_4 : vector<1024x1xf32>
    %get3A_5 = arith.constant 0 : index
    %get3A_6 = arith.constant 0 : index
    %get3A_7 = vector.load %arg2[%get3A_5, %get3A_6] : memref<1x128xf32, #tpu.memory_space<vmem>>, vector<1x128xf32>
    %mul3A_8 = vector.broadcast %sqrt3A : vector<1024x1xf32> to vector<1024x128xf32>
    %mul3A_9 = vector.broadcast %get3A_7 : vector<1x128xf32> to vector<1024x128xf32>
    %mul3A_10 = arith.mulf %mul3A_8, %mul3A_9 : vector<1024x128xf32>
    %get3A_11 = arith.constant 0 : index
    %get3A_12 = arith.constant 0 : index
    %get3A_13 = vector.load %arg3[%get3A_11, %get3A_12] : memref<128x128xf32, #tpu.memory_space<vmem>>, vector<128x128xf32>
    %dot_general3A = arith.constant dense<0.000000e+00> : vector<1024x128xf32>
    %dot_general3A_14 = tpu.matmul %get3A_1, %get3A_13, %dot_general3A {dimension_numbers = #tpu.dot_dimension_numbers<[1], [0], [0], [1], [0, 0, 1, 1], [], []>, transpose_lhs_hint = false} : vector<1024x128xf32>, vector<128x128xf32>, vector<1024x128xf32> -> vector<1024x128xf32>
    %add3A_15 = arith.addf %mul3A_10, %dot_general3A_14 : vector<1024x128xf32>
    %get3A_16 = arith.constant 0 : index
    %get3A_17 = arith.constant 0 : index
    %get3A_18 = vector.load %arg4[%get3A_16, %get3A_17] : memref<1x128xf32, #tpu.memory_space<vmem>>, vector<1x128xf32>
    %add3A_19 = vector.broadcast %get3A_18 : vector<1x128xf32> to vector<1024x128xf32>
    %add3A_20 = arith.addf %add3A_15, %add3A_19 : vector<1024x128xf32>
    %mul3A_21 = arith.mulf %add3A_20, %add3A_20 : vector<1024x128xf32>
    %reduce_sum3A_22 = arith.constant dense<0.000000e+00> : vector<1024xf32>
    %reduce_sum3A_23 = vector.multi_reduction <add>, %mul3A_21, %reduce_sum3A_22 [1] : vector<1024x128xf32> to vector<1024xf32>
    %broadcast_in_dim3A_24 = vector.shape_cast %reduce_sum3A_23 : vector<1024xf32> to vector<1024x1xf32>
    %add3A_25 = arith.constant 1.000000e+00 : f32
    %add3A_26 = vector.broadcast %add3A_25 : f32 to vector<1024x1xf32>
    %add3A_27 = arith.addf %broadcast_in_dim3A_24, %add3A_26 : vector<1024x1xf32>
    %sqrt3A_28 = math.sqrt %add3A_27 : vector<1024x1xf32>
    %jit3A = arith.constant 1.00000012 : f32
    %max3A = vector.broadcast %jit3A : f32 to vector<1024x1xf32>
    %max3A_29 = arith.maximumf %max3A, %sqrt3A_28 : vector<1024x1xf32>
    %mul3A_30 = arith.mulf %max3A_29, %max3A_29 : vector<1024x1xf32>
    %sub3A = arith.constant 1.000000e+00 : f32
    %sub3A_31 = vector.broadcast %sub3A : f32 to vector<1024x1xf32>
    %sub3A_32 = arith.subf %mul3A_30, %sub3A_31 : vector<1024x1xf32>
    %sqrt3A_33 = math.sqrt %sub3A_32 : vector<1024x1xf32>
    %add3A_34 = arith.addf %max3A_29, %sqrt3A_33 : vector<1024x1xf32>
    %log3A = math.log %add3A_34 : vector<1024x1xf32>
    %jit3A_35 = arith.constant 9.99999996E-13 : f32
    %max3A_36 = vector.broadcast %jit3A_35 : f32 to vector<1024x1xf32>
    %max3A_37 = arith.maximumf %max3A_36, %broadcast_in_dim3A_24 : vector<1024x1xf32>
    %sqrt3A_38 = math.sqrt %max3A_37 : vector<1024x1xf32>
    %mul3A_39 = vector.broadcast %log3A : vector<1024x1xf32> to vector<1024x128xf32>
    %mul3A_40 = arith.mulf %mul3A_39, %add3A_20 : vector<1024x128xf32>
    %div3A = vector.broadcast %sqrt3A_38 : vector<1024x1xf32> to vector<1024x128xf32>
    %div3A_41 = arith.divf %mul3A_40, %div3A : vector<1024x128xf32>
    %swap3A = arith.constant 0 : index
    %swap3A_42 = arith.constant 0 : index
    %swap3A_43 = vector.load %arg5[%swap3A, %swap3A_42] : memref<1024x128xf32, #tpu.memory_space<vmem>>, vector<1024x128xf32>
    tpu.vector_store %arg5[%swap3A, %swap3A_42], %div3A_41 {strides = array<i32>} : memref<1024x128xf32, #tpu.memory_space<vmem>>, vector<1024x128xf32>,
    return
  }
  func.func @transform_0(%arg0: i32) -> (i32, i32) {
    %c0_i32 = arith.constant 0 : i32
    %c0_i32_0 = arith.constant 0 : i32
    return %arg0, %c0_i32 : i32, i32
  }
  func.func @transform_1(%arg0: i32) -> (i32, i32) {
    %c0_i32 = arith.constant 0 : i32
    %c0_i32_0 = arith.constant 0 : i32
    %c0_i32_1 = arith.constant 0 : i32
    return %c0_i32, %c0_i32_0 : i32, i32
  }
  func.func @transform_2(%arg0: i32) -> (i32, i32) {
    %c0_i32 = arith.constant 0 : i32
    %c0_i32_0 = arith.constant 0 : i32
    %c0_i32_1 = arith.constant 0 : i32
    return %c0_i32, %c0_i32_0 : i32, i32
  }
  func.func @transform_3(%arg0: i32) -> (i32, i32) {
    %c0_i32 = arith.constant 0 : i32
    %c0_i32_0 = arith.constant 0 : i32
    %c0_i32_1 = arith.constant 0 : i32
    return %c0_i32, %c0_i32_0 : i32, i32
  }
  func.func @transform_4(%arg0: i32) -> (i32, i32) {
    %c0_i32 = arith.constant 0 : i32
    %c0_i32_0 = arith.constant 0 : i32
    return %arg0, %c0_i32 : i32, i32
  }
}

</mosaic_0001>

<sc_bundles>
// kernel: kernel.16.cloned.1.call-start
scs
__scs_entry_jumppad:
0x0: {  	(pc) =	sbr.rel $0x88, $3  }
0x1: {  	(tag) =	ssettag $0x0;
	lr =	simm.s32 $0x1  }
0x2: {  	[smem:$0x3F8D] =	sst lr;
	_ =	strace $0xD0000000  }
0x3: {  	_ = 	snop  }
0x4: {  	_ = 	snop  }
0x5: {  	_ = 	snop  }
0x6: {  	_ = 	snop  }
0x7: {  	_ = 	snop  }
__scs_overlays_trampoline_lowered:
0x8: {  	[smem:$0x3F9C] =	sst s0  }
0x9: {  	[smem:$0x3F9D] =	sst s1  }
0xa: {  	[smem:$0x3F9E] =	sst s2  }
0xb: {  	[smem:$0x3F9F] =	sst s3  }
0xc: {  	[smem:$0x3FA0] =	sst s4  }
0xd: {  	[smem:$0x3FA1] =	sst s5  }
0xe: {  	[smem:$0x3FA2] =	sst s6  }
0xf: {  	[smem:$0x3FA3] =	sst s7  }
0x10: {  	[smem:$0x3FA4] =	sst s8  }
0x11: {  	[smem:$0x3FA5] =	sst s9;
	s0 =	simm.s32 @!p0 $0x0  }
0x12: {  	s1 =	sld [smem:$0x3F8B];
	s0 =	simm.s32 @p0 $0x1  }
0x13: {  	[smem:$0x3FA6] =	sst s0;
	s0 =	simm.s32 @!p1 $0x0  }
0x14: {  	s2 =	sld [smem:$0x3F8A];
	s0 =	simm.s32 @p1 $0x1  }
0x15: {  	[smem:$0x3FA7] =	sst s0;
	s0 =	simm.s32 @!p2 $0x0  }
0x16: {  	s3 =	sld [smem:$0x3FDB];
	s0 =	simm.s32 @p2 $0x1  }
0x17: {  	s4 =	simm.s32 $0x1BF5;
	[smem:$0x3FA9] =	sst s0  }
0x18: {  	s0 =	sld [smem:$0x3F8C];
	_ =	swait.ge [sflag:s4], $0x0  }
0x19: {  	s7 =	sld [smem:$0x3F8D]  }
0x1a: {  	s8 =	sadd.s32 $0xFFFFE003, lr  }
0x1b: {  	s9 =	sadd.s32 $0xFFFFFEF7, lr;
	s5 =	simm.s32 $0xFFFFFFFF;
	p2 =	slt.u32 s8, $0xFFFFF086  }
0x1c: {  	p1 =	slt.u32 s9, $0xF7A;
	s5 =	simm.s32 @!p2 $0x0  }
0x1d: {  	s5 =	simm.s32 @p1 $0x1;
	p0 =	seq.s32 s7, s2  }
0x1e: {  	s7 =	smul.u32 @!p0 $0xF7A, s2;
	p2 =	seq.s32 @!p0 s5, $0x0  }
0x1f: {  	s9 =	smul.u32 $0xF7A, s1;
	s8 =	simm.s32 @!p0 $0x1BF5;
	p2 =	por !p2, p0  }
0x20: {  	[sflag:s8] =	ssyncset.s32 @!p0 $0xFFFFF086;
	s6 =	sadd.s32 @!p0 s3, s7;
	s7 =	simm.s32 @!p0 $0x108  }
0x21: {  	s3 =	sadd.s32 s3, s9;
	s6 =	sadd.s32 @!p0 $0x88, s6;
	s7 =	simm.s32 @p2 $0x1082  }
0x22: {  	[simem:s7], [sflag:s8] =	dma.local @!p0 [hbm:s6], $0xF7A  }
0x23: {  	s9 =	sor.u32 $0xD0000000, s2;
	s6 =	simm.s32 $0x108;
	_ =	swait.ge @!p0 [sflag:s8], $0x0  }
0x24: {  	s3 =	sadd.s32 $0x88, s3;
	s6 =	simm.s32 @!p1 $0x1082;
	[sflag:s4] =	ssyncset.s32 $0xFFFFF086  }
0x25: {  	[simem:s6], [sflag:s4] =	dma.local [hbm:s3], $0xF7A  }
0x26: {  	[smem:$0x3F8D] =	sst s1;
	(tag) =	ssettag s2;
	_ =	strace s9  }
0x27: {  	s1 =	sld [smem:$0x3F9D]  }
0x28: {  	s2 =	sld [smem:$0x3F9E]  }
0x29: {  	s4 =	sld [smem:$0x3FA0]  }
0x2a: {  	p0 =	seq.s32 s5, $0x0;
	s5 =	sld [smem:$0x3FA1]  }
0x2b: {  	s6 =	sld [smem:$0x3FA2]  }
0x2c: {  	s7 =	sld [smem:$0x3FA3]  }
0x2d: {  	s3 =	simm.s32 $0x108;
	s8 =	sld [smem:$0x3FA4]  }
0x2e: {  	s3 =	simm.s32 @!p0 $0x1082;
	s9 =	sld [smem:$0x3FA5]  }
0x2f: {  	lr =	sadd.s32 s0, s3;
	s0 =	sld [smem:$0x3F9C]  }
0x30: {  	s3 =	sld [smem:$0x3F9F]  }
0x31: {  	[smem:$0x3FA8] =	sst s10  }
0x32: {  	s10 =	sld [smem:$0x3FA6];
	_ =	sdelay $0x3  }
0x33: {  	p0 =	seq.s32 s10, $0x1;
	s10 =	sld [smem:$0x3FA8];
	_ =	sdelay $0x3  }
0x34: {  	[smem:$0x3FA8] =	sst s10  }
0x35: {  	s10 =	sld [smem:$0x3FA7];
	_ =	sdelay $0x3  }
0x36: {  	p1 =	seq.s32 s10, $0x1;
	s10 =	sld [smem:$0x3FA8];
	_ =	sdelay $0x3  }
0x37: {  	[smem:$0x3FA8] =	sst s10  }
0x38: {  	s10 =	sld [smem:$0x3FA9]  }
0x39: {  	_ = 	snop;
	(pc) =	sbr.ind lr, $3  }
0x3a: {  	_ = 	snop  }
0x3b: {  	_ = 	snop  }
0x3c: {  	p2 =	seq.s32 s10, $0x1;
	s10 =	sld [smem:$0x3FA8]  }
0x3d: {  	_ =	shalt  }
0x3e: {  	_ =	shalt  }
0x3f: {  	_ =	shalt  }
0x40: {  	_ =	shalt  }
0x41: {  	_ =	shalt  }
0x42: {  	_ =	shalt  }
0x43: {  	_ =	shalt  }
0x44: {  	_ =	shalt  }
0x45: {  	_ =	shalt  }
0x46: {  	_ =	shalt  }
0x47: {  	_ =	shalt  }
0x48: {  	_ =	shalt  }
0x49: {  	_ =	shalt  }
0x4a: {  	_ =	shalt  }
0x4b: {  	_ =	shalt  }
0x4c: {  	_ =	shalt  }
0x4d: {  	_ =	shalt  }
0x4e: {  	_ =	shalt  }
0x4f: {  	_ =	shalt  }
0x50: {  	_ =	shalt  }
0x51: {  	_ =	shalt  }
0x52: {  	_ =	shalt  }
0x53: {  	_ =	shalt  }
0x54: {  	_ =	shalt  }
0x55: {  	_ =	shalt  }
0x56: {  	_ =	shalt  }
0x57: {  	_ =	shalt  }
0x58: {  	_ =	shalt  }
0x59: {  	_ =	shalt  }
0x5a: {  	_ =	shalt  }
0x5b: {  	_ =	shalt  }
0x5c: {  	_ =	shalt  }
0x5d: {  	_ =	shalt  }
0x5e: {  	_ =	shalt  }
0x5f: {  	_ =	shalt  }
0x60: {  	_ =	shalt  }
0x61: {  	_ =	shalt  }
0x62: {  	_ =	shalt  }
0x63: {  	_ =	shalt  }
0x64: {  	_ =	shalt  }
0x65: {  	_ =	shalt  }
0x66: {  	_ =	shalt  }
0x67: {  	_ =	shalt  }
0x68: {  	_ =	shalt  }
0x69: {  	_ =	shalt  }
0x6a: {  	_ =	shalt  }
0x6b: {  	_ =	shalt  }
0x6c: {  	_ =	shalt  }
0x6d: {  	_ =	shalt  }
0x6e: {  	_ =	shalt  }
0x6f: {  	_ =	shalt  }
0x70: {  	_ =	shalt  }
0x71: {  	_ =	shalt  }
0x72: {  	_ =	shalt  }
0x73: {  	_ =	shalt  }
0x74: {  	_ =	shalt  }
0x75: {  	_ =	shalt  }
0x76: {  	_ =	shalt  }
0x77: {  	_ =	shalt  }
0x78: {  	_ =	shalt  }
0x79: {  	_ =	shalt  }
0x7a: {  	_ =	shalt  }
0x7b: {  	_ =	shalt  }
0x7c: {  	_ =	shalt  }
0x7d: {  	_ =	shalt  }
0x7e: {  	_ =	shalt  }
0x7f: {  	_ =	shalt  }
0x80: {  	_ =	shalt  }
0x81: {  	_ =	shalt  }
0x82: {  	_ =	shalt  }
0x83: {  	_ =	shalt  }
0x84: {  	_ =	shalt  }
0x85: {  	_ =	shalt  }
0x86: {  	_ =	shalt  }
0x87: {  	_ =	shalt  }
.Lfunc_end0:
.L_simem_size_0:
called_computation_lowered:
.L_overlay_start_0:
0x88: {  	s2 =	sld [smem:$0x3FD9]  }
0x89: {  	s3 =	sld [smem:$0x3FFE];
	_ =	sdelay $0x1  }
0x8a: {  	s1 =	srdreg.scid  }
0x8b: {  	s0 =	sand.u32 $0x1, s1  }
0x8c: {  	s17 =	sshll.u32 s0, $0xA;
	s2 =	sadd.s32 s3, s2  }
0x8d: {  	s2 =	sadd.s32 s2, s17  }
0x8e: {  	[smem:$0x3FB4] =	sst s2  }
0x8f: {  	_ = 	snop  }
0x90: {  	s2 =	sld [smem:$0x3FD0];
	(tm) =	ssettm $0x1  }
0x91: {  	s18 =	sld [smem:$0x3FFB];
	_ =	sdelay $0x3  }
0x92: {  	_ =	strace s18  }
0x93: {  	s3 =	sld [smem:$0x3FFC];
	_ =	sdelay $0x3  }
0x94: {  	_ =	strace s3  }
0x95: {  	s3 =	sld [smem:$0x3FFD];
	_ =	sdelay $0x3  }
0x96: {  	_ =	strace s3  }
0x97: {  	_ =	strace $0x8FFFFFFF  }
0x98: {  	s19 =	sld [smem:$0x3FDB];
	_ =	sdelay $0x1  }
0x99: {  	s4 =	simm.s32 $_scs_section_size  }
0x9a: {  	s5 =	simm.s32 $_size__tile_overlayer_lowered;
	s6 =	simm.s32 $_tile_overlayer_lowered  }
0x9b: {  	s22 =	simm.s32 $0x1BFF;
	s21 =	sshll.u32 s6, $0x1;
	s3 =	sadd.s32 s4, s19  }
0x9c: {  	s7 =	simm.s32 $0x0;
	s20 =	sshll.u32 s5, $0x1;
	s5 =	sadd.s32 s21, s3  }
0x9d: {  	[timem:s7], [sflag:s22] =	dma.local [hbm:s5], s20  }
0x9e: {  	_ =	swait.ge [sflag:s22], s20  }
0x9f: {  	s4 =	ssub.s32 $0x0, s20;
	[sflag:s22] =	ssyncset.done $0x0  }
0xa0: {  	[sflag:s22] =	ssyncadd.s32 s4;
	_ =	sdelay $0x1  }
0xa1: {  	s23 =	simm.s32 $0x1B8B  }
0xa2: {  	_ =	swait.ge [sflag:s23], $0x1  }
0xa3: {  	[sflag:s23] =	ssyncset.done $0x0  }
0xa4: {  	s25 =	simm.s32 $0x1B8E;
	s24 =	sld [smem:$0x3FFE];
	[sflag:s23] =	ssyncadd.s32 $0xFFFFFFFF  }
0xa5: {  	s26 =	simm.s32 $execute0_lowered;
	[smem:$0x3FD2] =	sst s25  }
0xa6: {  	s5 =	sshll.u32 s26, $0x1;
	_ =	strace $0x80000046;
	[dreg:$0x1] =	wrdreg $0xFFFFFFFF  }
0xa7: {  	s28 =	simm.s32 $_size_execute0_lowered;
	s3 =	sadd.s32 s3, s5;
	[dreg:$0x0] =	wrdreg $0x0  }
0xa8: {  	s5 =	sshll.u32 s28, $0x1;
	[dreg:$0x2] =	wrdreg s3  }
0xa9: {  	[dreg:$0x3] =	wrdreg s5  }
0xaa: {  	[dreg:$0x4] =	wrdreg $0xC0  }
0xab: {  	_ =	task [dreg:s7], $0x5FFFF  }
0xac: {  	[dreg:$0x1] =	wrdreg $0xFFFFFFFF  }
0xad: {  	[dreg:$0x0] =	wrdreg $0x60  }
0xae: {  	[dreg:$0x2] =	wrdreg s24  }
0xaf: {  	[dreg:$0x3] =	wrdreg s2  }
0xb0: {  	[dreg:$0x4] =	wrdreg $0x9  }
0xb1: {  	_ =	task.clear_ibuf [dreg:s7], $0x5FFFF;
	_ =	strace $0x90000046  }
0xb2: {  	s29 =	simm.s32 $0x9;
	_ =	strace $0x80000048  }
0xb3: {  	_ =	swait.ge [sflag:s29], $0x1  }
0xb4: {  	[sflag:s29] =	ssyncadd.s32 $0xFFFFFFFF  }
0xb5: {  	_ =	strace $0x90000048  }
0xb6: {  	_ =	sfence  }
0xb7: {  	s30 =	sld [smem:$0x0];
	_ =	sdelay $0x2  }
0xb8: {  	s31 =	sshll.u32 s1, $0xD;
	s1 =	sshrl.u32 s1, $0x2  }
0xb9: {  	s3 =	sand.u32 $0x4000, s31;
	s1 =	sadd.s32 s1, s30  }
0xba: {  	s0 =	sor.u32 s3, s0;
	s1 =	sshll.u32 s1, $0x11  }
0xbb: {  	s0 =	sor.u32 s1, s0  }
0xbc: {  	s0 =	sadd.s32 $0x8F2B, s0  }
0xbd: {  	[sflag:s0] =	ssyncadd.remote.s32 $0x1  }
0xbe: {  	_ =	sfence.sel $0xFFFF  }
0xbf: {  	[dreg:$0x0] =	wrdreg $0xFFFFFFFF;
	(pc) =	sbr.abs _section_cstart, $3  }
0xc0: {  	[dreg:$0x1] =	wrdreg $0xFFFFFFFF  }
0xc1: {  	_ =	task.clear_ibuf [dreg:s7], $0x2FFFF;
	_ =	strace $0x9FFFFFFF  }
0xc2: {  	(tm) =	ssettm $0x7FFFFFFF  }
0xc3: {  	_ =	shalt  }
tec
execute0_lowered:
.L_overlay_start_1:
0x0: {  	(tag) =	ssettag $0x1  }
0x1: {  	s0 =	rddreg [dreg:$0x0]  }
0x2: {  	s1 =	rddreg [dreg:$0x1]  }
0x3: {  	s3 =	stileid.u32;
	s2 =	srdreg.scid;
	s13 =	simm.s32 $0x5  }
0x4: {  	s14 =	simm.s32 $0x80;
	s15 =	simm.s32 $0x5000;
	s16 =	simm.s32 $0x9000  }
0x5: {  	s11 =	simm.s32 $0x18800;
	s17 =	simm.s32 $0x19000;
	s18 =	simm.s32 $0x19800  }
0x6: {  	s19 =	simm.s32 $0x1A000;
	s20 =	simm.s32 $0x1A800;
	s28 =	simm.s32 $0x3  }
0x7: {  	s29 =	simm.s32 $0x4;
	s3 =	smul.u32 $0x50, s3;
	s5 =	sand.u32 $0x1, s2  }
0x8: {  	s2 =	simm.s32 $0x0;
	s4 =	sadd.s32 $0x50600, s0;
	s9 =	sadd.s32 $0xC8600, s0  }
0x9: {  	p0 =	seq.s32 s5, $0x0;
	[smem:$0x7FF] =	sst s2;
	s5 =	ssub.s32 $0x2, s5  }
0xa: {  	s6 =	sadd.s32 $0x500, s3;
	_ =	strace $0x80000047;
	s10 =	sshrl.u32 s5, $0x1  }
0xb: {  	s6 =	smov.u32 @p0 s3;
	s3 =	sadd.s32 $0xA0600, s0;
	s5 =	ssub.s32 s5, s10  }
0xc: {  	s10 =	simm.s32 $0x18000;
	s7 =	sshll.u32 s6, $0x4;
	s21 =	sshrl.u32 s6, $0x1  }
0xd: {  	s22 =	smax.u32 s5, $0x1;
	s24 =	sshll.u32 s6, $0xB;
	s25 =	sshll.u32 s6, $0xC  }
0xe: {  	s6 =	simm.s32 $0x0;
	s8 =	sadd.s32 s7, s0;
	s0 =	sadd.s32 $0x5C8600, s0  }
0xf: {  	s1 =	sadd.s32 s1, s7;
	[dreg:$0x5] =	wrdreg s22;
	s23 =	sshll.u32 s21, $0xC  }
0x10: {  	s26 =	sshll.u32 s21, $0xD;
	s21 =	simm.s32 $0x1B000;
	s22 =	simm.s32 $0x1B800  }
0x11: {  	s8 =	sadd.s32 $0x1E600, s8;
	[dreg:$0x4] =	wrdreg s1;
	s1 =	sadd.s32 s23, s9  }
0x12: {  	s5 =	sadd.s32 s25, s0;
	s0 =	sadd.s32 s26, s0;
	s23 =	simm.s32 $0x1C000  }
.Ltmp0:
0x13: {  	s25 =	simm.s32 $0x1;
	[dreg:$0x3] =	wrdreg s8;
	(pc) =	sbr.rel .LBB2_1-.Ltmp0, $4  }
0x14: {  	s26 =	simm.s32 $0x2;
	[dreg:$0x6] =	wrdreg s1;
	s1 =	sadd.s32 s24, s9  }
0x15: {  	v2 =	vlaneseq.u32;
	[dreg:$0x7] =	wrdreg s0;
	s31 =	sadd.s32 $0x1000, s5;
	s0 =	simm.s32 $0x11000  }
0x16: {  	vm0 =	vmmov $0xffff;
	v1 =	vshrl.u32 v2, $0x3;
	s5 =	simm.s32 $0x15000;
	s30 =	sadd.s32 $0x800, s1;
	[dreg:$0x9] =	wrdreg s31  }
0x17: {  	v0 =	vand.u32 $0x7, v2;
	v2 =	vor.u32 $0x8, v2;
	v1 =	vmul.u32 $0x8, v1;
	s9 =	simm.s32 $0x17800;
	s24 =	simm.s32 $0x1C800;
	[dreg:$0x8] =	wrdreg s30  }
.LBB2_5:
0x18: {  	s6 =	rddreg [dreg:$0xa]  }
0x19: {  	s1 =	rddreg [dreg:$0x5];
	s6 =	sadd.s32 $0x1, s6  }
0x1a: {  	p0 =	sne.s32 s6, s1  }
.Ltmp1:
0x1b: {  	_ = 	snop;
	(pc) =	sbr.rel @!p0 .LBB2_6-.Ltmp1, $1  }
0x1c: {  	_ =	sdelay $0x3  }
.LBB2_1:
0x1d: {  	[dreg:$0xa] =	wrdreg s6  }
0x1e: {  	s1 =	rddreg [dreg:$0x3];
	s8 =	simm.s32 $0x2800  }
0x1f: {  	[tilespmem:s8], [sflag:$0x5] =	stream.linear.gather [hbm4b:s1+s2], $0x2800, $0x38;
	[tilespmem:$0x1D000] =	vst v63  }
0x20: {  	_ =	swait.ge [sflag:s13], $0x2800  }
0x21: {  	[sflag:s13] =	ssyncset.done $0x0  }
0x22: {  	s12 =	rddreg [dreg:$0x4];
	[sflag:s13] =	ssyncadd.s32 $0xFFFFD800  }
0x23: {  	[tilespmem:s2], [sflag:$0x5] =	stream.linear.gather [hbm4b:s12+s2], $0x2800, $0x38;
	[tilespmem:$0x1D000] =	vst v63  }
0x24: {  	_ =	swait.ge [sflag:s13], $0x2800  }
0x25: {  	[sflag:s13] =	ssyncset.done $0x0  }
0x26: {  	[sflag:s13] =	ssyncadd.s32 $0xFFFFD800  }
0x27: {  	[tilespmem:s15], [sflag:$0x1] =	stream.indirect.gather [hbm4b:s3+s14], $0x80, s8, s14, $0xb8;
	[tilespmem:$0x1D000] =	vst v63  }
0x28: {  	v3 =	vld [tilespmem:$0x0];
	_ =	sdelay $0x4  }
0x29: {  	v4 =	vshll.u32 v3, $0x1  }
0x2a: {  	v3 =	vand.u32 $0x7, v3;
	v4 =	vand.u32 $0xFFFFFFF0, v4  }
0x2b: {  	v3 =	vor.u32 v3, v4  }
0x2c: {  	v4 =	vperm.xlane v3, v0;
	_ =	sdelay $0x1  }
0x2d: {  	v3 =	vperm.xlane v3, v2;
	v4 =	vadd.s32 v1, v4;
	_ =	sdelay $0x1  }
0x2e: {  	v3 =	vadd.s32 v1, v3;
	_ =	sdelay $0x2  }
0x2f: {  	[tilespmem:s16], [sflag:$0x2] =	stream.indirect_vreg.gather [hbm4b:s4+s2], $0x80, v4, vm0, $0xb8;
	[tilespmem:$0x1D000] =	vst v63  }
0x30: {  	s7 =	simm.s32 $0x9800  }
0x31: {  	[tilespmem:s7], [sflag:$0x2] =	stream.indirect_vreg.gather [hbm4b:s4+s2], $0x80, v3, vm0, $0xb8;
	[tilespmem:$0x1D000] =	vst v63  }
0x32: {  	v3 =	vld [tilespmem:$0x10];
	_ =	sdelay $0x4  }
0x33: {  	v57 =	vshll.u32 v3, $0x1  }
0x34: {  	v3 =	vand.u32 $0x7, v3;
	v4 =	vand.u32 $0xFFFFFFF0, v57  }
0x35: {  	v3 =	vor.u32 v3, v4  }
0x36: {  	v4 =	vperm.xlane v3, v0;
	_ =	sdelay $0x1  }
0x37: {  	v3 =	vperm.xlane v3, v2;
	v4 =	vadd.s32 v1, v4;
	_ =	sdelay $0x1  }
0x38: {  	v3 =	vadd.s32 v1, v3;
	_ =	sdelay $0x1  }
0x39: {  	s8 =	simm.s32 $0xA000  }
0x3a: {  	[tilespmem:s8], [sflag:$0x2] =	stream.indirect_vreg.gather [hbm4b:s4+s2], $0x80, v4, vm0, $0xb8;
	[tilespmem:$0x1D000] =	vst v63  }
0x3b: {  	s12 =	simm.s32 $0xA800  }
0x3c: {  	[tilespmem:s12], [sflag:$0x2] =	stream.indirect_vreg.gather [hbm4b:s4+s2], $0x80, v3, vm0, $0xb8;
	[tilespmem:$0x1D000] =	vst v63  }
0x3d: {  	v3 =	vld [tilespmem:$0x20];
	_ =	sdelay $0x4  }
0x3e: {  	v58 =	vshll.u32 v3, $0x1  }
0x3f: {  	v3 =	vand.u32 $0x7, v3;
	v4 =	vand.u32 $0xFFFFFFF0, v58  }
0x40: {  	v3 =	vor.u32 v3, v4  }
0x41: {  	v4 =	vperm.xlane v3, v0;
	_ =	sdelay $0x1  }
0x42: {  	v3 =	vperm.xlane v3, v2;
	v4 =	vadd.s32 v1, v4;
	_ =	sdelay $0x1  }
0x43: {  	v3 =	vadd.s32 v1, v3;
	_ =	sdelay $0x1  }
0x44: {  	s6 =	simm.s32 $0xB000  }
0x45: {  	[tilespmem:s6], [sflag:$0x2] =	stream.indirect_vreg.gather [hbm4b:s4+s2], $0x80, v4, vm0, $0xb8;
	[tilespmem:$0x1D000] =	vst v63  }
0x46: {  	s7 =	simm.s32 $0xB800  }
0x47: {  	[tilespmem:s7], [sflag:$0x2] =	stream.indirect_vreg.gather [hbm4b:s4+s2], $0x80, v3, vm0, $0xb8;
	[tilespmem:$0x1D000] =	vst v63  }
0x48: {  	v3 =	vld [tilespmem:$0x30];
	_ =	sdelay $0x4  }
0x49: {  	v59 =	vshll.u32 v3, $0x1  }
0x4a: {  	v3 =	vand.u32 $0x7, v3;
	v4 =	vand.u32 $0xFFFFFFF0, v59  }
0x4b: {  	v3 =	vor.u32 v3, v4  }
0x4c: {  	v4 =	vperm.xlane v3, v0;
	_ =	sdelay $0x1  }
0x4d: {  	v3 =	vperm.xlane v3, v2;
	v4 =	vadd.s32 v1, v4;
	_ =	sdelay $0x1  }
0x4e: {  	v3 =	vadd.s32 v1, v3;
	_ =	sdelay $0x1  }
0x4f: {  	s8 =	simm.s32 $0xC000  }
0x50: {  	[tilespmem:s8], [sflag:$0x2] =	stream.indirect_vreg.gather [hbm4b:s4+s2], $0x80, v4, vm0, $0xb8;
	[tilespmem:$0x1D000] =	vst v63  }
0x51: {  	s12 =	simm.s32 $0xC800  }
0x52: {  	[tilespmem:s12], [sflag:$0x2] =	stream.indirect_vreg.gather [hbm4b:s4+s2], $0x80, v3, vm0, $0xb8;
	[tilespmem:$0x1D000] =	vst v63  }
0x53: {  	v3 =	vld [tilespmem:$0x40];
	_ =	sdelay $0x4  }
0x54: {  	v60 =	vshll.u32 v3, $0x1  }
0x55: {  	v3 =	vand.u32 $0x7, v3;
	v4 =	vand.u32 $0xFFFFFFF0, v60  }
0x56: {  	v3 =	vor.u32 v3, v4  }
0x57: {  	v4 =	vperm.xlane v3, v0;
	_ =	sdelay $0x1  }
0x58: {  	v3 =	vperm.xlane v3, v2;
	v4 =	vadd.s32 v1, v4;
	_ =	sdelay $0x1  }
0x59: {  	v3 =	vadd.s32 v1, v3;
	_ =	sdelay $0x1  }
0x5a: {  	s6 =	simm.s32 $0xD000  }
0x5b: {  	[tilespmem:s6], [sflag:$0x2] =	stream.indirect_vreg.gather [hbm4b:s4+s2], $0x80, v4, vm0, $0xb8;
	[tilespmem:$0x1D000] =	vst v63  }
0x5c: {  	s7 =	simm.s32 $0xD800  }
0x5d: {  	[tilespmem:s7], [sflag:$0x2] =	stream.indirect_vreg.gather [hbm4b:s4+s2], $0x80, v3, vm0, $0xb8;
	[tilespmem:$0x1D000] =	vst v63  }
0x5e: {  	v3 =	vld [tilespmem:$0x50];
	_ =	sdelay $0x4  }
0x5f: {  	v61 =	vshll.u32 v3, $0x1  }
0x60: {  	v3 =	vand.u32 $0x7, v3;
	v4 =	vand.u32 $0xFFFFFFF0, v61  }
0x61: {  	v3 =	vor.u32 v3, v4  }
0x62: {  	v4 =	vperm.xlane v3, v0;
	_ =	sdelay $0x1  }
0x63: {  	v3 =	vperm.xlane v3, v2;
	v4 =	vadd.s32 v1, v4;
	_ =	sdelay $0x1  }
0x64: {  	v3 =	vadd.s32 v1, v3;
	_ =	sdelay $0x1  }
0x65: {  	s8 =	simm.s32 $0xE000  }
0x66: {  	[tilespmem:s8], [sflag:$0x2] =	stream.indirect_vreg.gather [hbm4b:s4+s2], $0x80, v4, vm0, $0xb8;
	[tilespmem:$0x1D000] =	vst v63  }
0x67: {  	s12 =	simm.s32 $0xE800  }
0x68: {  	[tilespmem:s12], [sflag:$0x2] =	stream.indirect_vreg.gather [hbm4b:s4+s2], $0x80, v3, vm0, $0xb8;
	[tilespmem:$0x1D000] =	vst v63  }
0x69: {  	v3 =	vld [tilespmem:$0x60];
	_ =	sdelay $0x4  }
0x6a: {  	v62 =	vshll.u32 v3, $0x1  }
0x6b: {  	v3 =	vand.u32 $0x7, v3;
	v4 =	vand.u32 $0xFFFFFFF0, v62  }
0x6c: {  	v3 =	vor.u32 v3, v4  }
0x6d: {  	v4 =	vperm.xlane v3, v0;
	_ =	sdelay $0x1  }
0x6e: {  	v3 =	vperm.xlane v3, v2;
	v4 =	vadd.s32 v1, v4;
	_ =	sdelay $0x1  }
0x6f: {  	v3 =	vadd.s32 v1, v3;
	_ =	sdelay $0x1  }
0x70: {  	s6 =	simm.s32 $0xF000  }
0x71: {  	[tilespmem:s6], [sflag:$0x2] =	stream.indirect_vreg.gather [hbm4b:s4+s2], $0x80, v4, vm0, $0xb8;
	[tilespmem:$0x1D000] =	vst v63  }
0x72: {  	s7 =	simm.s32 $0xF800  }
0x73: {  	[tilespmem:s7], [sflag:$0x2] =	stream.indirect_vreg.gather [hbm4b:s4+s2], $0x80, v3, vm0, $0xb8;
	[tilespmem:$0x1D000] =	vst v63  }
0x74: {  	v3 =	vld [tilespmem:$0x70];
	_ =	sdelay $0x4  }
0x75: {  	v63 =	vshll.u32 v3, $0x1  }
0x76: {  	v3 =	vand.u32 $0x7, v3;
	v4 =	vand.u32 $0xFFFFFFF0, v63  }
0x77: {  	v3 =	vor.u32 v3, v4  }
0x78: {  	v4 =	vperm.xlane v3, v0;
	_ =	sdelay $0x1  }
0x79: {  	v3 =	vperm.xlane v3, v2;
	v4 =	vadd.s32 v1, v4;
	_ =	sdelay $0x1  }
0x7a: {  	s31 =	rddreg [dreg:$0x9];
	v3 =	vadd.s32 v1, v3  }
.Ltmp2:
0x7b: {  	s1 =	rddreg [dreg:$0x8];
	(pc) =	sbr.rel .LBB2_2-.Ltmp2, $4  }
0x7c: {  	s8 =	simm.s32 $0x10000;
	s6 =	rddreg [dreg:$0x7]  }
0x7d: {  	[tilespmem:s8], [sflag:$0x2] =	stream.indirect_vreg.gather [hbm4b:s4+s2], $0x80, v4, vm0, $0xb8;
	[tilespmem:$0x1D000] =	vst v63  }
0x7e: {  	s30 =	simm.s32 $0x0;
	s12 =	simm.s32 $0x10800;
	s7 =	rddreg [dreg:$0x6]  }
0x7f: {  	[tilespmem:s12], [sflag:$0x2] =	stream.indirect_vreg.gather [hbm4b:s4+s2], $0x80, v3, vm0, $0xb8;
	[tilespmem:$0x1D000] =	vst v63  }
.LBB2_4:
0x80: {  	_ =	swait.ge [sflag:s28], $0x4000  }
0x81: {  	[sflag:s28] =	ssyncset.done $0x0  }
0x82: {  	[sflag:s28] =	ssyncadd.s32 $0xFFFFC000  }
0x83: {  	_ =	swait.ge [sflag:s29], $0x8000  }
0x84: {  	[sflag:s29] =	ssyncset.done $0x0  }
0x85: {  	[sflag:s29] =	ssyncadd.s32 $0xFFFF8000  }
0x86: {  	[hbm4b:s1+s2] =	stream.linear.scatter [tilespmem:s0], [sflag:$0x5], $0x4000, $0x38;
	[tilespmem:$0x1D000] =	vst v63  }
0x87: {  	s30 =	sadd.s32 $0x400, s30;
	_ =	swait.ge [sflag:s13], $0x4000  }
0x88: {  	p0 =	sne.s32 s30, $0xA000;
	[sflag:s13] =	ssyncset.done $0x0  }
.Ltmp3:
0x89: {  	[sflag:s13] =	ssyncadd.s32 $0xFFFFC000;
	(pc) =	sbr.rel @!p0 .LBB2_5-.Ltmp3, $4  }
0x8a: {  	[hbm4b:s31+s2] =	stream.linear.scatter [tilespmem:s5], [sflag:$0x5], $0x8000, $0x38;
	[tilespmem:$0x1D000] =	vst v63  }
0x8b: {  	_ =	swait.ge [sflag:s13], $0x8000  }
0x8c: {  	s7 =	sadd.s32 $0x1000, s7;
	s6 =	sadd.s32 $0x2000, s6;
	[sflag:s13] =	ssyncset.done $0x0  }
0x8d: {  	s1 =	sadd.s32 $0x1000, s1;
	s31 =	sadd.s32 $0x2000, s31;
	[sflag:s13] =	ssyncadd.s32 $0xFFFF8000  }
.LBB2_2:
0x8e: {  	s12 =	sshra.s32 s30, $0x2  }
0x8f: {  	s8 =	sadd.s32 $0x2880, s12  }
0x90: {  	[tilespmem:s0], [sflag:$0x3] =	stream.indirect.gather [hbm4b:s3+s14], $0x80, s8, s14, $0xb8;
	[tilespmem:$0x1D000] =	vst v63  }
0x91: {  	v3 =	vld [tilespmem:s12+$0x80];
	_ =	sdelay $0x4  }
0x92: {  	v4 =	vshll.u32 v3, $0x1  }
0x93: {  	v3 =	vand.u32 $0x7, v3;
	v4 =	vand.u32 $0xFFFFFFF0, v4  }
0x94: {  	v3 =	vor.u32 v3, v4  }
0x95: {  	v4 =	vperm.xlane v3, v0;
	_ =	sdelay $0x1  }
0x96: {  	v3 =	vperm.xlane v3, v2;
	v4 =	vadd.s32 v1, v4;
	_ =	sdelay $0x1  }
0x97: {  	v3 =	vadd.s32 v1, v3;
	_ =	sdelay $0x2  }
0x98: {  	[tilespmem:s5], [sflag:$0x4] =	stream.indirect_vreg.gather [hbm4b:s4+s2], $0x80, v4, vm0, $0xb8;
	[tilespmem:$0x1D000] =	vst v63  }
0x99: {  	s8 =	simm.s32 $0x15800  }
0x9a: {  	[tilespmem:s8], [sflag:$0x4] =	stream.indirect_vreg.gather [hbm4b:s4+s2], $0x80, v3, vm0, $0xb8;
	[tilespmem:$0x1D000] =	vst v63  }
0x9b: {  	v3 =	vld [tilespmem:s12+$0x90];
	_ =	sdelay $0x4  }
0x9c: {  	v57 =	vshll.u32 v3, $0x1  }
0x9d: {  	v3 =	vand.u32 $0x7, v3;
	v4 =	vand.u32 $0xFFFFFFF0, v57  }
0x9e: {  	v3 =	vor.u32 v3, v4  }
0x9f: {  	v4 =	vperm.xlane v3, v0;
	_ =	sdelay $0x1  }
0xa0: {  	v3 =	vperm.xlane v3, v2;
	v4 =	vadd.s32 v1, v4;
	_ =	sdelay $0x1  }
0xa1: {  	v3 =	vadd.s32 v1, v3;
	_ =	sdelay $0x1  }
0xa2: {  	s8 =	simm.s32 $0x16000  }
0xa3: {  	[tilespmem:s8], [sflag:$0x4] =	stream.indirect_vreg.gather [hbm4b:s4+s2], $0x80, v4, vm0, $0xb8;
	[tilespmem:$0x1D000] =	vst v63  }
0xa4: {  	s8 =	simm.s32 $0x16800  }
0xa5: {  	[tilespmem:s8], [sflag:$0x4] =	stream.indirect_vreg.gather [hbm4b:s4+s2], $0x80, v3, vm0, $0xb8;
	[tilespmem:$0x1D000] =	vst v63  }
0xa6: {  	v3 =	vld [tilespmem:s12+$0xA0];
	_ =	sdelay $0x4  }
0xa7: {  	v58 =	vshll.u32 v3, $0x1  }
0xa8: {  	v3 =	vand.u32 $0x7, v3;
	v4 =	vand.u32 $0xFFFFFFF0, v58  }
0xa9: {  	v3 =	vor.u32 v3, v4  }
0xaa: {  	v4 =	vperm.xlane v3, v0;
	_ =	sdelay $0x1  }
0xab: {  	v3 =	vperm.xlane v3, v2;
	v4 =	vadd.s32 v1, v4;
	_ =	sdelay $0x1  }
0xac: {  	v3 =	vadd.s32 v1, v3;
	_ =	sdelay $0x1  }
0xad: {  	s8 =	simm.s32 $0x17000  }
0xae: {  	[tilespmem:s8], [sflag:$0x4] =	stream.indirect_vreg.gather [hbm4b:s4+s2], $0x80, v4, vm0, $0xb8;
	[tilespmem:$0x1D000] =	vst v63  }
0xaf: {  	_ = 	snop  }
0xb0: {  	[tilespmem:s9], [sflag:$0x4] =	stream.indirect_vreg.gather [hbm4b:s4+s2], $0x80, v3, vm0, $0xb8;
	[tilespmem:$0x1D000] =	vst v63  }
0xb1: {  	v3 =	vld [tilespmem:s12+$0xB0];
	_ =	sdelay $0x4  }
0xb2: {  	v59 =	vshll.u32 v3, $0x1  }
0xb3: {  	v3 =	vand.u32 $0x7, v3;
	v4 =	vand.u32 $0xFFFFFFF0, v59  }
0xb4: {  	v3 =	vor.u32 v3, v4  }
0xb5: {  	v4 =	vperm.xlane v3, v0;
	_ =	sdelay $0x1  }
0xb6: {  	v3 =	vperm.xlane v3, v2;
	v4 =	vadd.s32 v1, v4;
	_ =	sdelay $0x1  }
0xb7: {  	v3 =	vadd.s32 v1, v3;
	_ =	sdelay $0x2  }
0xb8: {  	[tilespmem:s10], [sflag:$0x4] =	stream.indirect_vreg.gather [hbm4b:s4+s2], $0x80, v4, vm0, $0xb8;
	[tilespmem:$0x1D000] =	vst v63  }
0xb9: {  	_ = 	snop  }
0xba: {  	[tilespmem:s11], [sflag:$0x4] =	stream.indirect_vreg.gather [hbm4b:s4+s2], $0x80, v3, vm0, $0xb8;
	[tilespmem:$0x1D000] =	vst v63  }
0xbb: {  	v3 =	vld [tilespmem:s12+$0xC0];
	_ =	sdelay $0x4  }
0xbc: {  	v60 =	vshll.u32 v3, $0x1  }
0xbd: {  	v3 =	vand.u32 $0x7, v3;
	v4 =	vand.u32 $0xFFFFFFF0, v60  }
0xbe: {  	v3 =	vor.u32 v3, v4  }
0xbf: {  	v4 =	vperm.xlane v3, v0;
	_ =	sdelay $0x1  }
0xc0: {  	v3 =	vperm.xlane v3, v2;
	v4 =	vadd.s32 v1, v4;
	_ =	sdelay $0x1  }
0xc1: {  	v3 =	vadd.s32 v1, v3;
	_ =	sdelay $0x2  }
0xc2: {  	[tilespmem:s17], [sflag:$0x4] =	stream.indirect_vreg.gather [hbm4b:s4+s2], $0x80, v4, vm0, $0xb8;
	[tilespmem:$0x1D000] =	vst v63  }
0xc3: {  	_ = 	snop  }
0xc4: {  	[tilespmem:s18], [sflag:$0x4] =	stream.indirect_vreg.gather [hbm4b:s4+s2], $0x80, v3, vm0, $0xb8;
	[tilespmem:$0x1D000] =	vst v63  }
0xc5: {  	v3 =	vld [tilespmem:s12+$0xD0];
	_ =	sdelay $0x4  }
0xc6: {  	v61 =	vshll.u32 v3, $0x1  }
0xc7: {  	v3 =	vand.u32 $0x7, v3;
	v4 =	vand.u32 $0xFFFFFFF0, v61  }
0xc8: {  	v3 =	vor.u32 v3, v4  }
0xc9: {  	v4 =	vperm.xlane v3, v0;
	_ =	sdelay $0x1  }
0xca: {  	v3 =	vperm.xlane v3, v2;
	v4 =	vadd.s32 v1, v4;
	_ =	sdelay $0x1  }
0xcb: {  	v3 =	vadd.s32 v1, v3;
	_ =	sdelay $0x2  }
0xcc: {  	[tilespmem:s19], [sflag:$0x4] =	stream.indirect_vreg.gather [hbm4b:s4+s2], $0x80, v4, vm0, $0xb8;
	[tilespmem:$0x1D000] =	vst v63  }
0xcd: {  	_ = 	snop  }
0xce: {  	[tilespmem:s20], [sflag:$0x4] =	stream.indirect_vreg.gather [hbm4b:s4+s2], $0x80, v3, vm0, $0xb8;
	[tilespmem:$0x1D000] =	vst v63  }
0xcf: {  	v3 =	vld [tilespmem:s12+$0xE0];
	_ =	sdelay $0x4  }
0xd0: {  	v62 =	vshll.u32 v3, $0x1  }
0xd1: {  	v3 =	vand.u32 $0x7, v3;
	v4 =	vand.u32 $0xFFFFFFF0, v62  }
0xd2: {  	v3 =	vor.u32 v3, v4  }
0xd3: {  	v4 =	vperm.xlane v3, v0;
	_ =	sdelay $0x1  }
0xd4: {  	v3 =	vperm.xlane v3, v2;
	v4 =	vadd.s32 v1, v4;
	_ =	sdelay $0x1  }
0xd5: {  	v3 =	vadd.s32 v1, v3;
	_ =	sdelay $0x2  }
0xd6: {  	[tilespmem:s21], [sflag:$0x4] =	stream.indirect_vreg.gather [hbm4b:s4+s2], $0x80, v4, vm0, $0xb8;
	[tilespmem:$0x1D000] =	vst v63  }
0xd7: {  	_ = 	snop  }
0xd8: {  	[tilespmem:s22], [sflag:$0x4] =	stream.indirect_vreg.gather [hbm4b:s4+s2], $0x80, v3, vm0, $0xb8;
	[tilespmem:$0x1D000] =	vst v63  }
0xd9: {  	v3 =	vld [tilespmem:s12+$0xF0];
	_ =	sdelay $0x4  }
0xda: {  	v63 =	vshll.u32 v3, $0x1  }
0xdb: {  	v3 =	vand.u32 $0x7, v3;
	v4 =	vand.u32 $0xFFFFFFF0, v63  }
0xdc: {  	v3 =	vor.u32 v3, v4  }
0xdd: {  	v4 =	vperm.xlane v3, v0;
	_ =	sdelay $0x1  }
0xde: {  	v3 =	vperm.xlane v3, v2;
	v4 =	vadd.s32 v1, v4;
	_ =	sdelay $0x1  }
0xdf: {  	v3 =	vadd.s32 v1, v3;
	_ =	sdelay $0x2  }
0xe0: {  	[tilespmem:s23], [sflag:$0x4] =	stream.indirect_vreg.gather [hbm4b:s4+s2], $0x80, v4, vm0, $0xb8;
	[tilespmem:$0x1D000] =	vst v63  }
0xe1: {  	_ = 	snop  }
0xe2: {  	[tilespmem:s24], [sflag:$0x4] =	stream.indirect_vreg.gather [hbm4b:s4+s2], $0x80, v3, vm0, $0xb8;
	[tilespmem:$0x1D000] =	vst v63  }
0xe3: {  	_ =	swait.ge [sflag:s25], $0x4000  }
0xe4: {  	[sflag:s25] =	ssyncset.done $0x0  }
0xe5: {  	[sflag:s25] =	ssyncadd.s32 $0xFFFFC000  }
0xe6: {  	_ =	swait.ge [sflag:s26], $0x8000  }
0xe7: {  	[sflag:s26] =	ssyncset.done $0x0  }
0xe8: {  	[sflag:s26] =	ssyncadd.s32 $0xFFFF8000  }
0xe9: {  	[hbm4b:s7+s2] =	stream.linear.scatter [tilespmem:s15], [sflag:$0x5], $0x4000, $0x38;
	[tilespmem:$0x1D000] =	vst v63  }
0xea: {  	_ =	swait.ge [sflag:s13], $0x4000  }
0xeb: {  	p0 =	seq.s32 s30, $0x9C00;
	[sflag:s13] =	ssyncset.done $0x0  }
.Ltmp4:
0xec: {  	[sflag:s13] =	ssyncadd.s32 $0xFFFFC000;
	(pc) =	sbr.rel @p0 .LBB2_4-.Ltmp4, $4  }
0xed: {  	[hbm4b:s6+s2] =	stream.linear.scatter [tilespmem:s16], [sflag:$0x5], $0x8000, $0x38;
	[tilespmem:$0x1D000] =	vst v63  }
0xee: {  	_ =	swait.ge [sflag:s13], $0x8000  }
0xef: {  	[sflag:s13] =	ssyncset.done $0x0  }
0xf0: {  	[sflag:s13] =	ssyncadd.s32 $0xFFFF8000  }
0xf1: {  	s8 =	sadd.s32 $0x2900, s12  }
0xf2: {  	[tilespmem:s15], [sflag:$0x1] =	stream.indirect.gather [hbm4b:s3+s14], $0x80, s8, s14, $0xb8;
	[tilespmem:$0x1D000] =	vst v63  }
0xf3: {  	v3 =	vld [tilespmem:s12+$0x100];
	_ =	sdelay $0x4  }
0xf4: {  	v4 =	vshll.u32 v3, $0x1  }
0xf5: {  	v3 =	vand.u32 $0x7, v3;
	v4 =	vand.u32 $0xFFFFFFF0, v4  }
0xf6: {  	v3 =	vor.u32 v3, v4  }
0xf7: {  	v4 =	vperm.xlane v3, v0;
	_ =	sdelay $0x1  }
0xf8: {  	v3 =	vperm.xlane v3, v2;
	v4 =	vadd.s32 v1, v4;
	_ =	sdelay $0x1  }
0xf9: {  	v3 =	vadd.s32 v1, v3;
	_ =	sdelay $0x2  }
0xfa: {  	[tilespmem:s16], [sflag:$0x2] =	stream.indirect_vreg.gather [hbm4b:s4+s2], $0x80, v4, vm0, $0xb8;
	[tilespmem:$0x1D000] =	vst v63  }
0xfb: {  	s8 =	simm.s32 $0x9800  }
0xfc: {  	[tilespmem:s8], [sflag:$0x2] =	stream.indirect_vreg.gather [hbm4b:s4+s2], $0x80, v3, vm0, $0xb8;
	[tilespmem:$0x1D000] =	vst v63  }
0xfd: {  	v3 =	vld [tilespmem:s12+$0x110];
	_ =	sdelay $0x4  }
0xfe: {  	v57 =	vshll.u32 v3, $0x1  }
0xff: {  	v3 =	vand.u32 $0x7, v3;
	v4 =	vand.u32 $0xFFFFFFF0, v57  }
0x100: {  	v3 =	vor.u32 v3, v4  }
0x101: {  	v4 =	vperm.xlane v3, v0;
	_ =	sdelay $0x1  }
0x102: {  	v3 =	vperm.xlane v3, v2;
	v4 =	vadd.s32 v1, v4;
	_ =	sdelay $0x1  }
0x103: {  	v3 =	vadd.s32 v1, v3;
	_ =	sdelay $0x1  }
0x104: {  	s8 =	simm.s32 $0xA000  }
0x105: {  	[tilespmem:s8], [sflag:$0x2] =	stream.indirect_vreg.gather [hbm4b:s4+s2], $0x80, v4, vm0, $0xb8;
	[tilespmem:$0x1D000] =	vst v63  }
0x106: {  	s8 =	simm.s32 $0xA800  }
0x107: {  	[tilespmem:s8], [sflag:$0x2] =	stream.indirect_vreg.gather [hbm4b:s4+s2], $0x80, v3, vm0, $0xb8;
	[tilespmem:$0x1D000] =	vst v63  }
0x108: {  	v3 =	vld [tilespmem:s12+$0x120];
	_ =	sdelay $0x4  }
0x109: {  	v58 =	vshll.u32 v3, $0x1  }
0x10a: {  	v3 =	vand.u32 $0x7, v3;
	v4 =	vand.u32 $0xFFFFFFF0, v58  }
0x10b: {  	v3 =	vor.u32 v3, v4  }
0x10c: {  	v4 =	vperm.xlane v3, v0;
	_ =	sdelay $0x1  }
0x10d: {  	v3 =	vperm.xlane v3, v2;
	v4 =	vadd.s32 v1, v4;
	_ =	sdelay $0x1  }
0x10e: {  	v3 =	vadd.s32 v1, v3;
	_ =	sdelay $0x1  }
0x10f: {  	s8 =	simm.s32 $0xB000  }
0x110: {  	[tilespmem:s8], [sflag:$0x2] =	stream.indirect_vreg.gather [hbm4b:s4+s2], $0x80, v4, vm0, $0xb8;
	[tilespmem:$0x1D000] =	vst v63  }
0x111: {  	s8 =	simm.s32 $0xB800  }
0x112: {  	[tilespmem:s8], [sflag:$0x2] =	stream.indirect_vreg.gather [hbm4b:s4+s2], $0x80, v3, vm0, $0xb8;
	[tilespmem:$0x1D000] =	vst v63  }
0x113: {  	v3 =	vld [tilespmem:s12+$0x130];
	_ =	sdelay $0x4  }
0x114: {  	v59 =	vshll.u32 v3, $0x1  }
0x115: {  	v3 =	vand.u32 $0x7, v3;
	v4 =	vand.u32 $0xFFFFFFF0, v59  }
0x116: {  	v3 =	vor.u32 v3, v4  }
0x117: {  	v4 =	vperm.xlane v3, v0;
	_ =	sdelay $0x1  }
0x118: {  	v3 =	vperm.xlane v3, v2;
	v4 =	vadd.s32 v1, v4;
	_ =	sdelay $0x1  }
0x119: {  	v3 =	vadd.s32 v1, v3;
	_ =	sdelay $0x1  }
0x11a: {  	s8 =	simm.s32 $0xC000  }
0x11b: {  	[tilespmem:s8], [sflag:$0x2] =	stream.indirect_vreg.gather [hbm4b:s4+s2], $0x80, v4, vm0, $0xb8;
	[tilespmem:$0x1D000] =	vst v63  }
0x11c: {  	s8 =	simm.s32 $0xC800  }
0x11d: {  	[tilespmem:s8], [sflag:$0x2] =	stream.indirect_vreg.gather [hbm4b:s4+s2], $0x80, v3, vm0, $0xb8;
	[tilespmem:$0x1D000] =	vst v63  }
0x11e: {  	v3 =	vld [tilespmem:s12+$0x140];
	_ =	sdelay $0x4  }
0x11f: {  	v60 =	vshll.u32 v3, $0x1  }
0x120: {  	v3 =	vand.u32 $0x7, v3;
	v4 =	vand.u32 $0xFFFFFFF0, v60  }
0x121: {  	v3 =	vor.u32 v3, v4  }
0x122: {  	v4 =	vperm.xlane v3, v0;
	_ =	sdelay $0x1  }
0x123: {  	v3 =	vperm.xlane v3, v2;
	v4 =	vadd.s32 v1, v4;
	_ =	sdelay $0x1  }
0x124: {  	v3 =	vadd.s32 v1, v3;
	_ =	sdelay $0x1  }
0x125: {  	s8 =	simm.s32 $0xD000  }
0x126: {  	[tilespmem:s8], [sflag:$0x2] =	stream.indirect_vreg.gather [hbm4b:s4+s2], $0x80, v4, vm0, $0xb8;
	[tilespmem:$0x1D000] =	vst v63  }
0x127: {  	s8 =	simm.s32 $0xD800  }
0x128: {  	[tilespmem:s8], [sflag:$0x2] =	stream.indirect_vreg.gather [hbm4b:s4+s2], $0x80, v3, vm0, $0xb8;
	[tilespmem:$0x1D000] =	vst v63  }
0x129: {  	v3 =	vld [tilespmem:s12+$0x150];
	_ =	sdelay $0x4  }
0x12a: {  	v61 =	vshll.u32 v3, $0x1  }
0x12b: {  	v3 =	vand.u32 $0x7, v3;
	v4 =	vand.u32 $0xFFFFFFF0, v61  }
0x12c: {  	v3 =	vor.u32 v3, v4  }
0x12d: {  	v4 =	vperm.xlane v3, v0;
	_ =	sdelay $0x1  }
0x12e: {  	v3 =	vperm.xlane v3, v2;
	v4 =	vadd.s32 v1, v4;
	_ =	sdelay $0x1  }
0x12f: {  	v3 =	vadd.s32 v1, v3;
	_ =	sdelay $0x1  }
0x130: {  	s8 =	simm.s32 $0xE000  }
0x131: {  	[tilespmem:s8], [sflag:$0x2] =	stream.indirect_vreg.gather [hbm4b:s4+s2], $0x80, v4, vm0, $0xb8;
	[tilespmem:$0x1D000] =	vst v63  }
0x132: {  	s8 =	simm.s32 $0xE800  }
0x133: {  	[tilespmem:s8], [sflag:$0x2] =	stream.indirect_vreg.gather [hbm4b:s4+s2], $0x80, v3, vm0, $0xb8;
	[tilespmem:$0x1D000] =	vst v63  }
0x134: {  	v3 =	vld [tilespmem:s12+$0x160];
	_ =	sdelay $0x4  }
0x135: {  	v62 =	vshll.u32 v3, $0x1  }
0x136: {  	v3 =	vand.u32 $0x7, v3;
	v4 =	vand.u32 $0xFFFFFFF0, v62  }
0x137: {  	v3 =	vor.u32 v3, v4  }
0x138: {  	v4 =	vperm.xlane v3, v0;
	_ =	sdelay $0x1  }
0x139: {  	v3 =	vperm.xlane v3, v2;
	v4 =	vadd.s32 v1, v4;
	_ =	sdelay $0x1  }
0x13a: {  	v3 =	vadd.s32 v1, v3;
	_ =	sdelay $0x1  }
0x13b: {  	s8 =	simm.s32 $0xF000  }
0x13c: {  	[tilespmem:s8], [sflag:$0x2] =	stream.indirect_vreg.gather [hbm4b:s4+s2], $0x80, v4, vm0, $0xb8;
	[tilespmem:$0x1D000] =	vst v63  }
0x13d: {  	s8 =	simm.s32 $0xF800  }
0x13e: {  	[tilespmem:s8], [sflag:$0x2] =	stream.indirect_vreg.gather [hbm4b:s4+s2], $0x80, v3, vm0, $0xb8;
	[tilespmem:$0x1D000] =	vst v63  }
0x13f: {  	v3 =	vld [tilespmem:s12+$0x170];
	_ =	sdelay $0x4  }
0x140: {  	v63 =	vshll.u32 v3, $0x1  }
0x141: {  	v3 =	vand.u32 $0x7, v3;
	v4 =	vand.u32 $0xFFFFFFF0, v63  }
0x142: {  	v3 =	vor.u32 v3, v4  }
0x143: {  	v4 =	vperm.xlane v3, v0;
	_ =	sdelay $0x1  }
0x144: {  	v3 =	vperm.xlane v3, v2;
	v4 =	vadd.s32 v1, v4;
	_ =	sdelay $0x1  }
0x145: {  	v3 =	vadd.s32 v1, v3  }
.Ltmp5:
0x146: {  	_ = 	snop;
	(pc) =	sbr.rel .LBB2_4-.Ltmp5, $4  }
0x147: {  	s12 =	simm.s32 $0x10000  }
0x148: {  	[tilespmem:s12], [sflag:$0x2] =	stream.indirect_vreg.gather [hbm4b:s4+s2], $0x80, v4, vm0, $0xb8;
	[tilespmem:$0x1D000] =	vst v63  }
0x149: {  	s12 =	simm.s32 $0x10800  }
0x14a: {  	[tilespmem:s12], [sflag:$0x2] =	stream.indirect_vreg.gather [hbm4b:s4+s2], $0x80, v3, vm0, $0xb8;
	[tilespmem:$0x1D000] =	vst v63  }
.LBB2_6:
0x14b: {  	_ =	sfence.sel $0x180000  }
0x14c: {  	[bflag:$0x0] =	sbarrier.arrive $0xFFFF  }
0x14d: {  	_ =	strace $0x90000047  }
0x14e: {  	s0 =	stileid.u32;
	[bflag:$0x2] =	sbarrier.arrive $0xFFFF  }
0x14f: {  	p0 =	sne.s32 s0, $0x0;
	s0 =	rddreg [dreg:$0x2]  }
0x150: {  	s0 =	sadd.s32 @!p0 $0x100000, s0  }
0x151: {  	[sflag:s0] =	ssyncadd.tile.s32 @!p0 $0x1;
	_ =	shalt  }
.Lfunc_end2:
_tile_overlayer_lowered:
.L_overlay_start_2:
0x152: {  	(tag) =	ssettag $0x2  }
0x153: {  	s0 =	rddreg [dreg:$0x0];
	s2 =	stileid.u32  }
0x154: {  	s1 =	rddreg [dreg:$0x1];
	p0 =	sne.s32 s2, $0x0  }
0x155: {  	s3 =	rddreg [dreg:$0x2];
	[bflag:$0x3] =	sbarrier.arrive $0xFFFF;
	s2 =	simm.s32 @!p0 $0x1C05  }
0x156: {  	[timem:s3], [sflag:s2] =	dma.local @!p0 [hbm:s0], s1  }
0x157: {  	s0 =	simm.s32 @!p0 $0x5  }
0x158: {  	_ =	swait.ge @!p0 [sflag:s0], s1  }
0x159: {  	s1 =	ssub.s32 @!p0 $0x0, s1;
	[sflag:s0] =	ssyncset.done @!p0 $0x0  }
0x15a: {  	[sflag:s0] =	ssyncadd.s32 @!p0 s1  }
0x15b: {  	[bflag:$0x3] =	sbarrier.arrive $0xFFFF  }
0x15c: {  	_ =	shalt  }

// kernel: kernel.19.cloned.1.call-start
scs
__scs_entry_jumppad:
0x0: {  	(pc) =	sbr.rel $0x88, $3  }
0x1: {  	(tag) =	ssettag $0x0;
	lr =	simm.s32 $0x1  }
0x2: {  	[smem:$0x3F8D] =	sst lr;
	_ =	strace $0xD0000000  }
0x3: {  	_ = 	snop  }
0x4: {  	_ = 	snop  }
0x5: {  	_ = 	snop  }
0x6: {  	_ = 	snop  }
0x7: {  	_ = 	snop  }
__scs_overlays_trampoline_lowered:
0x8: {  	[smem:$0x3F9C] =	sst s0  }
0x9: {  	[smem:$0x3F9D] =	sst s1  }
0xa: {  	[smem:$0x3F9E] =	sst s2  }
0xb: {  	[smem:$0x3F9F] =	sst s3  }
0xc: {  	[smem:$0x3FA0] =	sst s4  }
0xd: {  	[smem:$0x3FA1] =	sst s5  }
0xe: {  	[smem:$0x3FA2] =	sst s6  }
0xf: {  	[smem:$0x3FA3] =	sst s7  }
0x10: {  	[smem:$0x3FA4] =	sst s8  }
0x11: {  	[smem:$0x3FA5] =	sst s9;
	s0 =	simm.s32 @!p0 $0x0  }
0x12: {  	s1 =	sld [smem:$0x3F8B];
	s0 =	simm.s32 @p0 $0x1  }
0x13: {  	[smem:$0x3FA6] =	sst s0;
	s0 =	simm.s32 @!p1 $0x0  }
0x14: {  	s2 =	sld [smem:$0x3F8A];
	s0 =	simm.s32 @p1 $0x1  }
0x15: {  	[smem:$0x3FA7] =	sst s0;
	s0 =	simm.s32 @!p2 $0x0  }
0x16: {  	s3 =	sld [smem:$0x3FDB];
	s0 =	simm.s32 @p2 $0x1  }
0x17: {  	s4 =	simm.s32 $0x1BF5;
	[smem:$0x3FA9] =	sst s0  }
0x18: {  	s0 =	sld [smem:$0x3F8C];
	_ =	swait.ge [sflag:s4], $0x0  }
0x19: {  	s7 =	sld [smem:$0x3F8D]  }
0x1a: {  	s8 =	sadd.s32 $0xFFFFE003, lr  }
0x1b: {  	s9 =	sadd.s32 $0xFFFFFEF7, lr;
	s5 =	simm.s32 $0xFFFFFFFF;
	p2 =	slt.u32 s8, $0xFFFFF086  }
0x1c: {  	p1 =	slt.u32 s9, $0xF7A;
	s5 =	simm.s32 @!p2 $0x0  }
0x1d: {  	s5 =	simm.s32 @p1 $0x1;
	p0 =	seq.s32 s7, s2  }
0x1e: {  	s7 =	smul.u32 @!p0 $0xF7A, s2;
	p2 =	seq.s32 @!p0 s5, $0x0  }
0x1f: {  	s9 =	smul.u32 $0xF7A, s1;
	s8 =	simm.s32 @!p0 $0x1BF5;
	p2 =	por !p2, p0  }
0x20: {  	[sflag:s8] =	ssyncset.s32 @!p0 $0xFFFFF086;
	s6 =	sadd.s32 @!p0 s3, s7;
	s7 =	simm.s32 @!p0 $0x108  }
0x21: {  	s3 =	sadd.s32 s3, s9;
	s6 =	sadd.s32 @!p0 $0x88, s6;
	s7 =	simm.s32 @p2 $0x1082  }
0x22: {  	[simem:s7], [sflag:s8] =	dma.local @!p0 [hbm:s6], $0xF7A  }
0x23: {  	s9 =	sor.u32 $0xD0000000, s2;
	s6 =	simm.s32 $0x108;
	_ =	swait.ge @!p0 [sflag:s8], $0x0  }
0x24: {  	s3 =	sadd.s32 $0x88, s3;
	s6 =	simm.s32 @!p1 $0x1082;
	[sflag:s4] =	ssyncset.s32 $0xFFFFF086  }
0x25: {  	[simem:s6], [sflag:s4] =	dma.local [hbm:s3], $0xF7A  }
0x26: {  	[smem:$0x3F8D] =	sst s1;
	(tag) =	ssettag s2;
	_ =	strace s9  }
0x27: {  	s1 =	sld [smem:$0x3F9D]  }
0x28: {  	s2 =	sld [smem:$0x3F9E]  }
0x29: {  	s4 =	sld [smem:$0x3FA0]  }
0x2a: {  	p0 =	seq.s32 s5, $0x0;
	s5 =	sld [smem:$0x3FA1]  }
0x2b: {  	s6 =	sld [smem:$0x3FA2]  }
0x2c: {  	s7 =	sld [smem:$0x3FA3]  }
0x2d: {  	s3 =	simm.s32 $0x108;
	s8 =	sld [smem:$0x3FA4]  }
0x2e: {  	s3 =	simm.s32 @!p0 $0x1082;
	s9 =	sld [smem:$0x3FA5]  }
0x2f: {  	lr =	sadd.s32 s0, s3;
	s0 =	sld [smem:$0x3F9C]  }
0x30: {  	s3 =	sld [smem:$0x3F9F]  }
0x31: {  	[smem:$0x3FA8] =	sst s10  }
0x32: {  	s10 =	sld [smem:$0x3FA6];
	_ =	sdelay $0x3  }
0x33: {  	p0 =	seq.s32 s10, $0x1;
	s10 =	sld [smem:$0x3FA8];
	_ =	sdelay $0x3  }
0x34: {  	[smem:$0x3FA8] =	sst s10  }
0x35: {  	s10 =	sld [smem:$0x3FA7];
	_ =	sdelay $0x3  }
0x36: {  	p1 =	seq.s32 s10, $0x1;
	s10 =	sld [smem:$0x3FA8];
	_ =	sdelay $0x3  }
0x37: {  	[smem:$0x3FA8] =	sst s10  }
0x38: {  	s10 =	sld [smem:$0x3FA9]  }
0x39: {  	_ = 	snop;
	(pc) =	sbr.ind lr, $3  }
0x3a: {  	_ = 	snop  }
0x3b: {  	_ = 	snop  }
0x3c: {  	p2 =	seq.s32 s10, $0x1;
	s10 =	sld [smem:$0x3FA8]  }
0x3d: {  	_ =	shalt  }
0x3e: {  	_ =	shalt  }
0x3f: {  	_ =	shalt  }
0x40: {  	_ =	shalt  }
0x41: {  	_ =	shalt  }
0x42: {  	_ =	shalt  }
0x43: {  	_ =	shalt  }
0x44: {  	_ =	shalt  }
0x45: {  	_ =	shalt  }
0x46: {  	_ =	shalt  }
0x47: {  	_ =	shalt  }
0x48: {  	_ =	shalt  }
0x49: {  	_ =	shalt  }
0x4a: {  	_ =	shalt  }
0x4b: {  	_ =	shalt  }
0x4c: {  	_ =	shalt  }
0x4d: {  	_ =	shalt  }
0x4e: {  	_ =	shalt  }
0x4f: {  	_ =	shalt  }
0x50: {  	_ =	shalt  }
0x51: {  	_ =	shalt  }
0x52: {  	_ =	shalt  }
0x53: {  	_ =	shalt  }
0x54: {  	_ =	shalt  }
0x55: {  	_ =	shalt  }
0x56: {  	_ =	shalt  }
0x57: {  	_ =	shalt  }
0x58: {  	_ =	shalt  }
0x59: {  	_ =	shalt  }
0x5a: {  	_ =	shalt  }
0x5b: {  	_ =	shalt  }
0x5c: {  	_ =	shalt  }
0x5d: {  	_ =	shalt  }
0x5e: {  	_ =	shalt  }
0x5f: {  	_ =	shalt  }
0x60: {  	_ =	shalt  }
0x61: {  	_ =	shalt  }
0x62: {  	_ =	shalt  }
0x63: {  	_ =	shalt  }
0x64: {  	_ =	shalt  }
0x65: {  	_ =	shalt  }
0x66: {  	_ =	shalt  }
0x67: {  	_ =	shalt  }
0x68: {  	_ =	shalt  }
0x69: {  	_ =	shalt  }
0x6a: {  	_ =	shalt  }
0x6b: {  	_ =	shalt  }
0x6c: {  	_ =	shalt  }
0x6d: {  	_ =	shalt  }
0x6e: {  	_ =	shalt  }
0x6f: {  	_ =	shalt  }
0x70: {  	_ =	shalt  }
0x71: {  	_ =	shalt  }
0x72: {  	_ =	shalt  }
0x73: {  	_ =	shalt  }
0x74: {  	_ =	shalt  }
0x75: {  	_ =	shalt  }
0x76: {  	_ =	shalt  }
0x77: {  	_ =	shalt  }
0x78: {  	_ =	shalt  }
0x79: {  	_ =	shalt  }
0x7a: {  	_ =	shalt  }
0x7b: {  	_ =	shalt  }
0x7c: {  	_ =	shalt  }
0x7d: {  	_ =	shalt  }
0x7e: {  	_ =	shalt  }
0x7f: {  	_ =	shalt  }
0x80: {  	_ =	shalt  }
0x81: {  	_ =	shalt  }
0x82: {  	_ =	shalt  }
0x83: {  	_ =	shalt  }
0x84: {  	_ =	shalt  }
0x85: {  	_ =	shalt  }
0x86: {  	_ =	shalt  }
0x87: {  	_ =	shalt  }
.Lfunc_end0:
.L_simem_size_0:
called_computation.1_lowered:
.L_overlay_start_0:
0x88: {  	s2 =	sld [smem:$0x3FD9]  }
0x89: {  	s3 =	sld [smem:$0x3FFE];
	_ =	sdelay $0x1  }
0x8a: {  	s1 =	srdreg.scid  }
0x8b: {  	s0 =	sand.u32 $0x1, s1  }
0x8c: {  	s17 =	sshll.u32 s0, $0xA;
	s2 =	sadd.s32 s3, s2  }
0x8d: {  	s2 =	sadd.s32 s2, s17  }
0x8e: {  	[smem:$0x3FB4] =	sst s2  }
0x8f: {  	_ = 	snop  }
0x90: {  	(tm) =	ssettm $0x1  }
0x91: {  	s18 =	sld [smem:$0x3FFB];
	_ =	sdelay $0x3  }
0x92: {  	_ =	strace s18  }
0x93: {  	s2 =	sld [smem:$0x3FFC];
	_ =	sdelay $0x3  }
0x94: {  	_ =	strace s2  }
0x95: {  	s2 =	sld [smem:$0x3FFD];
	_ =	sdelay $0x3  }
0x96: {  	_ =	strace s2  }
0x97: {  	_ =	strace $0x8FFFFFFF  }
0x98: {  	s19 =	sld [smem:$0x3FDB];
	_ =	sdelay $0x1  }
0x99: {  	s20 =	simm.s32 $_scs_section_size  }
0x9a: {  	s4 =	simm.s32 $_size__tile_overlayer_lowered;
	s5 =	simm.s32 $_tile_overlayer_lowered  }
0x9b: {  	s6 =	simm.s32 $0x1BFF;
	s21 =	sshll.u32 s5, $0x1;
	s3 =	sadd.s32 s20, s19  }
0x9c: {  	s22 =	simm.s32 $0x0;
	s4 =	sshll.u32 s4, $0x1;
	s5 =	sadd.s32 s21, s3  }
0x9d: {  	[timem:s22], [sflag:s6] =	dma.local [hbm:s5], s4  }
0x9e: {  	_ =	swait.ge [sflag:s6], s4  }
0x9f: {  	s4 =	ssub.s32 $0x0, s4;
	[sflag:s6] =	ssyncset.done $0x0  }
0xa0: {  	[sflag:s6] =	ssyncadd.s32 s4;
	_ =	sdelay $0x1  }
0xa1: {  	s23 =	simm.s32 $0x1B8B  }
0xa2: {  	_ =	swait.ge [sflag:s23], $0x1  }
0xa3: {  	[sflag:s23] =	ssyncset.done $0x0  }
0xa4: {  	[sflag:s23] =	ssyncadd.s32 $0xFFFFFFFF  }
0xa5: {  	s4 =	sld [smem:$0x0]  }
0xa6: {  	s5 =	sand.u32 $0xFFFFFFFE, s1  }
0xa7: {  	p0 =	sne.s32 s1, s5  }
0xa8: {  	s5 =	sshll.u32 @p0 s5, $0xE  }
0xa9: {  	s5 =	sadd.s32 @p0 $0x11B8D, s5;
	s6 =	sshll.u32 @p0 s4, $0x11  }
0xaa: {  	s5 =	sor.u32 @p0 s6, s5  }
0xab: {  	[sflag:s5] =	ssyncadd.remote.s32 @p0 $0x1;
	_ =	sdelay $0x1  }
0xac: {  	s5 =	simm.s32 @p0 $0x1B8D  }
0xad: {  	_ =	swait.eq @p0 [sflag:s5], $0x1  }
0xae: {  	[sflag:s5] =	ssyncadd.s32 @p0 $0xFFFFFFFF  }
0xaf: {  	s6 =	sshll.u32 @!p0 s1, $0xE  }
0xb0: {  	s6 =	sor.u32 @!p0 $0x4000, s6;
	s5 =	simm.s32 @!p0 $0x1B8D  }
0xb1: {  	s4 =	sshll.u32 @!p0 s4, $0x11;
	s6 =	sadd.s32 @!p0 $0x11B8D, s6;
	_ =	swait.eq @!p0 [sflag:s5], $0x1  }
0xb2: {  	s4 =	sor.u32 @!p0 s4, s6;
	[sflag:s5] =	ssyncadd.s32 @!p0 $0xFFFFFFFF  }
0xb3: {  	s25 =	simm.s32 $0x1B8E;
	s24 =	sld [smem:$0x3FFE];
	[sflag:s4] =	ssyncadd.remote.s32 @!p0 $0x1  }
0xb4: {  	s26 =	simm.s32 $execute0_lowered;
	[smem:$0x3FD2] =	sst s25  }
0xb5: {  	s5 =	sshll.u32 s26, $0x1;
	_ =	strace $0x8000004C;
	[dreg:$0x1] =	wrdreg $0xFFFFFFFF  }
0xb6: {  	s28 =	simm.s32 $_size_execute0_lowered;
	s3 =	sadd.s32 s3, s5;
	[dreg:$0x0] =	wrdreg $0x0  }
0xb7: {  	s5 =	sshll.u32 s28, $0x1;
	[dreg:$0x2] =	wrdreg s3  }
0xb8: {  	[dreg:$0x3] =	wrdreg s5  }
0xb9: {  	[dreg:$0x4] =	wrdreg $0xC0  }
0xba: {  	_ =	task [dreg:s22], $0x5FFFF  }
0xbb: {  	[dreg:$0x1] =	wrdreg $0xFFFFFFFF  }
0xbc: {  	[dreg:$0x0] =	wrdreg $0x60  }
0xbd: {  	[dreg:$0x2] =	wrdreg s24  }
0xbe: {  	[dreg:$0x3] =	wrdreg $0xA8000  }
0xbf: {  	[dreg:$0x4] =	wrdreg $0x9  }
0xc0: {  	_ =	task.clear_ibuf [dreg:s22], $0x5FFFF;
	_ =	strace $0x9000004C  }
0xc1: {  	s29 =	simm.s32 $0x9;
	_ =	strace $0x8000004E  }
0xc2: {  	_ =	swait.ge [sflag:s29], $0x1  }
0xc3: {  	[sflag:s29] =	ssyncadd.s32 $0xFFFFFFFF  }
0xc4: {  	_ =	strace $0x9000004E  }
0xc5: {  	_ =	sfence  }
0xc6: {  	s30 =	sld [smem:$0x0];
	_ =	sdelay $0x2  }
0xc7: {  	s31 =	sshll.u32 s1, $0xD;
	s1 =	sshrl.u32 s1, $0x2  }
0xc8: {  	s4 =	sand.u32 $0x4000, s31;
	s1 =	sadd.s32 s1, s30  }
0xc9: {  	s0 =	sor.u32 s4, s0;
	s1 =	sshll.u32 s1, $0x11  }
0xca: {  	s0 =	sor.u32 s1, s0  }
0xcb: {  	s0 =	sadd.s32 $0x8F2B, s0  }
0xcc: {  	[sflag:s0] =	ssyncadd.remote.s32 $0x1  }
0xcd: {  	_ =	sfence.sel $0xFFFF  }
0xce: {  	[dreg:$0x0] =	wrdreg $0xFFFFFFFF;
	(pc) =	sbr.abs _section_cstart, $3  }
0xcf: {  	[dreg:$0x1] =	wrdreg $0xFFFFFFFF  }
0xd0: {  	_ =	task.clear_ibuf [dreg:s22], $0x2FFFF;
	_ =	strace $0x9FFFFFFF  }
0xd1: {  	(tm) =	ssettm $0x7FFFFFFF  }
tec
execute0_lowered:
.L_overlay_start_1:
0x0: {  	(tag) =	ssettag $0x1  }
0x1: {  	s1 =	srdreg.scid  }
0x2: {  	s0 =	stileid.u32;
	s5 =	rddreg [dreg:$0x0]  }
0x3: {  	s2 =	rddreg [dreg:$0x1];
	s3 =	simm.s32 $0x0;
	s14 =	simm.s32 $0x2800  }
0x4: {  	s15 =	simm.s32 $0x6800;
	s16 =	simm.s32 $0x1;
	s17 =	simm.s32 $0x80  }
0x5: {  	s18 =	simm.s32 $0x2;
	s19 =	simm.s32 $0x2700;
	s20 =	simm.s32 $0x2780  }
0x6: {  	s21 =	simm.s32 $0x0;
	s7 =	sand.u32 $0x1, s1;
	s9 =	smul.u32 $0x14000, s0  }
0x7: {  	s25 =	sshll.u32 s0, $0x1;
	s1 =	rddreg [dreg:$0x2];
	s12 =	smul.u32 $0x50000, s0  }
0x8: {  	[smem:$0x7FF] =	sst s3;
	s10 =	sadd.s32 $0x23AA600, s5;
	s8 =	smul.u32 $0x140000, s7  }
0x9: {  	s31 =	sshll.u32 s0, $0x6;
	s6 =	sor.u32 s7, s25;
	s30 =	smul.u32 $0x28000, s7  }
0xa: {  	_ =	strace $0x8000004D;
	s26 =	ssub.s32 $0x2, s7;
	s4 =	smul.u32 $0x500, s6  }
0xb: {  	s28 =	sshrl.u32 s26, $0x1;
	s6 =	smul.u32 $0x28000, s6;
	s29 =	sshrl.u32 s12, $0x2  }
0xc: {  	s8 =	sadd.s32 s9, s8;
	s9 =	ssub.s32 s26, s28;
	s13 =	sadd.s32 s29, s2  }
0xd: {  	s11 =	sadd.s32 s4, s5;
	s4 =	sadd.s32 $0xA600, s5;
	s8 =	sshrl.u32 s8, $0x3  }
0xe: {  	s6 =	sadd.s32 s10, s6;
	s10 =	sadd.s32 s12, s10;
	s12 =	sor.u32 $0x1C03, s31  }
0xf: {  	s13 =	sshrl.u32 s13, $0x3;
	s8 =	sadd.s32 s8, s5;
	s5 =	sadd.s32 $0x1E600, s11  }
0x10: {  	s10 =	sadd.s32 s30, s10;
	s11 =	simm.s32 $0x3;
	s7 =	sadd.s32 $0xFD2800, s8  }
0x11: {  	s8 =	smax.u32 s9, $0x1;
	s9 =	sadd.s32 $0x27800, s6;
	s10 =	sadd.s32 $0x1000, s10  }
.LBB2_1:
0x12: {  	[tilespmem:s3], [sflag:$0x3] =	stream.linear.gather [hbm4b:s5+s3], $0x2800, $0x38;
	[tilespmem:$0x1E800] =	vst v63  }
0x13: {  	_ =	swait.ge [sflag:s11], $0x2800  }
0x14: {  	[sflag:s11] =	ssyncset.done $0x0  }
0x15: {  	[sflag:s11] =	ssyncadd.s32 $0xFFFFD800  }
0x16: {  	[spmem:s13], [sflag:s12] =	dma.local [hbm:s4], $0x2800  }
0x17: {  	_ =	swait.ge [sflag:s11], $0x2800  }
0x18: {  	[sflag:s11] =	ssyncset.done $0x0  }
0x19: {  	[sflag:s11] =	ssyncadd.s32 $0xFFFFD800  }
0x1a: {  	[bflag:$0x0] =	sbarrier.arrive $0xFFFF  }
0x1b: {  	[tilespmem:s14], [sflag:$0x1] =	stream.linear.gather [hbm4b:s6+s3], $0x4000, $0x38;
	[tilespmem:$0x1E800] =	vst v63  }
0x1c: {  	s22 =	sadd.s32 $0xFFFFF800, s10  }
0x1d: {  	[tilespmem:s15], [sflag:$0x2] =	stream.linear.gather [hbm4b:s22+s3], $0x4000, $0x38;
	[tilespmem:$0x1E800] =	vst v63  }
0x1e: {  	_ =	swait.ge [sflag:s16], $0x4000  }
0x1f: {  	[sflag:s16] =	ssyncset.done $0x0  }
0x20: {  	s30 =	simm.s32 $0x0;
	[sflag:s16] =	ssyncadd.s32 $0xFFFFC000  }
0x21: {  	[spmem:s2] =	stream.indirect.scatter.add.f32 [tilespmem:s14], [sflag:$0x3], $0x80, s30, s17, $0xb8;
	[tilespmem:$0x1E800] =	vst v63  }
0x22: {  	_ =	swait.ge [sflag:s11], $0x4000  }
0x23: {  	[sflag:s11] =	ssyncset.done $0x0  }
0x24: {  	[sflag:s11] =	ssyncadd.s32 $0xFFFFC000  }
0x25: {  	[tilespmem:s14], [sflag:$0x1] =	stream.linear.gather [hbm4b:s10+s3], $0x4000, $0x38;
	[tilespmem:$0x1E800] =	vst v63  }
0x26: {  	_ =	swait.ge [sflag:s18], $0x4000  }
0x27: {  	[sflag:s18] =	ssyncset.done $0x0  }
0x28: {  	s31 =	simm.s32 $0x80;
	[sflag:s18] =	ssyncadd.s32 $0xFFFFC000  }
0x29: {  	[spmem:s2] =	stream.indirect.scatter.add.f32 [tilespmem:s15], [sflag:$0x3], $0x80, s31, s17, $0xb8;
	[tilespmem:$0x1E800] =	vst v63  }
0x2a: {  	s23 =	simm.s32 $0x400;
	_ =	swait.ge [sflag:s11], $0x4000  }
0x2b: {  	s24 =	simm.s32 $0x800;
	s22 =	sadd.s32 $0x1000, s10;
	[sflag:s11] =	ssyncset.done $0x0  }
.LBB2_2:
0x2c: {  	p0 =	sne.s32 s24, $0x9800;
	s25 =	sadd.s32 $0xFFFFF800, s22;
	[sflag:s11] =	ssyncadd.s32 $0xFFFFC000  }
0x2d: {  	[tilespmem:s15], [sflag:$0x2] =	stream.linear.gather [hbm4b:s25+s3], $0x4000, $0x38;
	[tilespmem:$0x1E800] =	vst v63  }
0x2e: {  	s25 =	smov.u32 s24;
	s24 =	sadd.s32 $0x400, s24;
	_ =	swait.ge [sflag:s16], $0x4000  }
0x2f: {  	[sflag:s16] =	ssyncset.done $0x0  }
0x30: {  	s26 =	sshra.s32 s23, $0x2;
	s23 =	smov.u32 s25;
	[sflag:s16] =	ssyncadd.s32 $0xFFFFC000  }
0x31: {  	[spmem:s2] =	stream.indirect.scatter.add.f32 [tilespmem:s14], [sflag:$0x3], $0x80, s26, s17, $0xb8;
	[tilespmem:$0x1E800] =	vst v63  }
0x32: {  	_ =	swait.ge [sflag:s11], $0x4000  }
0x33: {  	[sflag:s11] =	ssyncset.done $0x0  }
0x34: {  	[sflag:s11] =	ssyncadd.s32 $0xFFFFC000  }
0x35: {  	[tilespmem:s14], [sflag:$0x1] =	stream.linear.gather [hbm4b:s22+s3], $0x4000, $0x38;
	[tilespmem:$0x1E800] =	vst v63  }
0x36: {  	_ =	swait.ge [sflag:s18], $0x4000  }
.Ltmp0:
0x37: {  	[sflag:s18] =	ssyncset.done $0x0;
	(pc) =	sbr.rel @p0 .LBB2_2-.Ltmp0, $4  }
0x38: {  	s25 =	sadd.s32 $0x80, s26;
	[sflag:s18] =	ssyncadd.s32 $0xFFFFC000  }
0x39: {  	[spmem:s2] =	stream.indirect.scatter.add.f32 [tilespmem:s15], [sflag:$0x3], $0x80, s25, s17, $0xb8;
	[tilespmem:$0x1E800] =	vst v63  }
0x3a: {  	_ =	swait.ge [sflag:s11], $0x4000  }
0x3b: {  	s22 =	sadd.s32 $0x1000, s22;
	[sflag:s11] =	ssyncset.done $0x0  }
0x3c: {  	s24 =	sadd.s32 $0xFFFFF800, s22;
	[sflag:s11] =	ssyncadd.s32 $0xFFFFC000  }
0x3d: {  	[tilespmem:s15], [sflag:$0x2] =	stream.linear.gather [hbm4b:s24+s3], $0x4000, $0x38;
	[tilespmem:$0x1E800] =	vst v63  }
0x3e: {  	_ =	swait.ge [sflag:s16], $0x4000  }
0x3f: {  	[sflag:s16] =	ssyncset.done $0x0  }
0x40: {  	s23 =	sshra.s32 s23, $0x2;
	[sflag:s16] =	ssyncadd.s32 $0xFFFFC000  }
0x41: {  	[spmem:s2] =	stream.indirect.scatter.add.f32 [tilespmem:s14], [sflag:$0x3], $0x80, s23, s17, $0xb8;
	[tilespmem:$0x1E800] =	vst v63  }
0x42: {  	_ =	swait.ge [sflag:s11], $0x4000  }
0x43: {  	[sflag:s11] =	ssyncset.done $0x0  }
0x44: {  	[sflag:s11] =	ssyncadd.s32 $0xFFFFC000  }
0x45: {  	[tilespmem:s14], [sflag:$0x1] =	stream.linear.gather [hbm4b:s22+s3], $0x4000, $0x38;
	[tilespmem:$0x1E800] =	vst v63  }
0x46: {  	_ =	swait.ge [sflag:s18], $0x4000  }
0x47: {  	[sflag:s18] =	ssyncset.done $0x0  }
0x48: {  	s31 =	sadd.s32 $0x80, s23;
	[sflag:s18] =	ssyncadd.s32 $0xFFFFC000  }
0x49: {  	[spmem:s2] =	stream.indirect.scatter.add.f32 [tilespmem:s15], [sflag:$0x3], $0x80, s31, s17, $0xb8;
	[tilespmem:$0x1E800] =	vst v63  }
0x4a: {  	_ =	swait.ge [sflag:s11], $0x4000  }
0x4b: {  	[sflag:s11] =	ssyncset.done $0x0  }
0x4c: {  	[sflag:s11] =	ssyncadd.s32 $0xFFFFC000  }
0x4d: {  	[tilespmem:s15], [sflag:$0x2] =	stream.linear.gather [hbm4b:s9+s3], $0x4000, $0x38;
	[tilespmem:$0x1E800] =	vst v63  }
0x4e: {  	_ =	swait.ge [sflag:s16], $0x4000  }
0x4f: {  	[sflag:s16] =	ssyncset.done $0x0  }
0x50: {  	[sflag:s16] =	ssyncadd.s32 $0xFFFFC000  }
0x51: {  	[spmem:s2] =	stream.indirect.scatter.add.f32 [tilespmem:s14], [sflag:$0x3], $0x80, s19, s17, $0xb8;
	[tilespmem:$0x1E800] =	vst v63  }
0x52: {  	_ =	swait.ge [sflag:s11], $0x4000  }
0x53: {  	[sflag:s11] =	ssyncset.done $0x0  }
0x54: {  	[sflag:s11] =	ssyncadd.s32 $0xFFFFC000  }
0x55: {  	_ =	swait.ge [sflag:s18], $0x4000  }
0x56: {  	[sflag:s18] =	ssyncset.done $0x0  }
0x57: {  	[sflag:s18] =	ssyncadd.s32 $0xFFFFC000  }
0x58: {  	[spmem:s2] =	stream.indirect.scatter.add.f32 [tilespmem:s15], [sflag:$0x3], $0x80, s20, s17, $0xb8;
	[tilespmem:$0x1E800] =	vst v63  }
0x59: {  	_ =	swait.ge [sflag:s11], $0x4000  }
0x5a: {  	s21 =	sadd.s32 $0x1, s21;
	[sflag:s11] =	ssyncset.done $0x0  }
0x5b: {  	p0 =	sne.s32 s21, s8;
	[sflag:s11] =	ssyncadd.s32 $0xFFFFC000  }
.Ltmp1:
0x5c: {  	[bflag:$0x0] =	sbarrier.arrive $0xFFFF;
	(pc) =	sbr.rel @p0 .LBB2_1-.Ltmp1, $4  }
0x5d: {  	[hbm:s7], [sflag:s12] =	dma.local [spmem:s13], $0x2800  }
0x5e: {  	_ =	swait.ge [sflag:s11], $0x2800  }
0x5f: {  	[sflag:s11] =	ssyncset.done $0x0  }
0x60: {  	[sflag:s11] =	ssyncadd.s32 $0xFFFFD800  }
0x61: {  	_ =	sfence.sel $0x180000  }
0x62: {  	[bflag:$0x0] =	sbarrier.arrive $0xFFFF  }
0x63: {  	p0 =	sne.s32 s0, $0x0;
	_ =	strace $0x9000004D  }
0x64: {  	s0 =	sadd.s32 @!p0 $0x100000, s1;
	[bflag:$0x2] =	sbarrier.arrive $0xFFFF  }
0x65: {  	[sflag:s0] =	ssyncadd.tile.s32 @!p0 $0x1;
	_ =	shalt  }
.Lfunc_end2:
_tile_overlayer_lowered:
.L_overlay_start_2:
0x66: {  	(tag) =	ssettag $0x2  }
0x67: {  	s0 =	rddreg [dreg:$0x0];
	s2 =	stileid.u32  }
0x68: {  	s1 =	rddreg [dreg:$0x1];
	p0 =	sne.s32 s2, $0x0  }
0x69: {  	s3 =	rddreg [dreg:$0x2];
	[bflag:$0x3] =	sbarrier.arrive $0xFFFF;
	s2 =	simm.s32 @!p0 $0x1C03  }
0x6a: {  	[timem:s3], [sflag:s2] =	dma.local @!p0 [hbm:s0], s1  }
0x6b: {  	s0 =	simm.s32 @!p0 $0x3  }
0x6c: {  	_ =	swait.ge @!p0 [sflag:s0], s1  }
0x6d: {  	s1 =	ssub.s32 @!p0 $0x0, s1;
	[sflag:s0] =	ssyncset.done @!p0 $0x0  }
0x6e: {  	[sflag:s0] =	ssyncadd.s32 @!p0 s1  }
0x6f: {  	[bflag:$0x3] =	sbarrier.arrive $0xFFFF  }
0x70: {  	_ =	shalt  }

// kernel: kernel.22.cloned.1.call-start
scs
__scs_entry_jumppad:
0x0: {  	(pc) =	sbr.rel $0x88, $3  }
0x1: {  	(tag) =	ssettag $0x0;
	lr =	simm.s32 $0x1  }
0x2: {  	[smem:$0x3F8D] =	sst lr;
	_ =	strace $0xD0000000  }
0x3: {  	_ = 	snop  }
0x4: {  	_ = 	snop  }
0x5: {  	_ = 	snop  }
0x6: {  	_ = 	snop  }
0x7: {  	_ = 	snop  }
__scs_overlays_trampoline_lowered:
0x8: {  	[smem:$0x3F9C] =	sst s0  }
0x9: {  	[smem:$0x3F9D] =	sst s1  }
0xa: {  	[smem:$0x3F9E] =	sst s2  }
0xb: {  	[smem:$0x3F9F] =	sst s3  }
0xc: {  	[smem:$0x3FA0] =	sst s4  }
0xd: {  	[smem:$0x3FA1] =	sst s5  }
0xe: {  	[smem:$0x3FA2] =	sst s6  }
0xf: {  	[smem:$0x3FA3] =	sst s7  }
0x10: {  	[smem:$0x3FA4] =	sst s8  }
0x11: {  	[smem:$0x3FA5] =	sst s9;
	s0 =	simm.s32 @!p0 $0x0  }
0x12: {  	s1 =	sld [smem:$0x3F8B];
	s0 =	simm.s32 @p0 $0x1  }
0x13: {  	[smem:$0x3FA6] =	sst s0;
	s0 =	simm.s32 @!p1 $0x0  }
0x14: {  	s2 =	sld [smem:$0x3F8A];
	s0 =	simm.s32 @p1 $0x1  }
0x15: {  	[smem:$0x3FA7] =	sst s0;
	s0 =	simm.s32 @!p2 $0x0  }
0x16: {  	s3 =	sld [smem:$0x3FDB];
	s0 =	simm.s32 @p2 $0x1  }
0x17: {  	s4 =	simm.s32 $0x1BF5;
	[smem:$0x3FA9] =	sst s0  }
0x18: {  	s0 =	sld [smem:$0x3F8C];
	_ =	swait.ge [sflag:s4], $0x0  }
0x19: {  	s7 =	sld [smem:$0x3F8D]  }
0x1a: {  	s8 =	sadd.s32 $0xFFFFE003, lr  }
0x1b: {  	s9 =	sadd.s32 $0xFFFFFEF7, lr;
	s5 =	simm.s32 $0xFFFFFFFF;
	p2 =	slt.u32 s8, $0xFFFFF086  }
0x1c: {  	p1 =	slt.u32 s9, $0xF7A;
	s5 =	simm.s32 @!p2 $0x0  }
0x1d: {  	s5 =	simm.s32 @p1 $0x1;
	p0 =	seq.s32 s7, s2  }
0x1e: {  	s7 =	smul.u32 @!p0 $0xF7A, s2;
	p2 =	seq.s32 @!p0 s5, $0x0  }
0x1f: {  	s9 =	smul.u32 $0xF7A, s1;
	s8 =	simm.s32 @!p0 $0x1BF5;
	p2 =	por !p2, p0  }
0x20: {  	[sflag:s8] =	ssyncset.s32 @!p0 $0xFFFFF086;
	s6 =	sadd.s32 @!p0 s3, s7;
	s7 =	simm.s32 @!p0 $0x108  }
0x21: {  	s3 =	sadd.s32 s3, s9;
	s6 =	sadd.s32 @!p0 $0x88, s6;
	s7 =	simm.s32 @p2 $0x1082  }
0x22: {  	[simem:s7], [sflag:s8] =	dma.local @!p0 [hbm:s6], $0xF7A  }
0x23: {  	s9 =	sor.u32 $0xD0000000, s2;
	s6 =	simm.s32 $0x108;
	_ =	swait.ge @!p0 [sflag:s8], $0x0  }
0x24: {  	s3 =	sadd.s32 $0x88, s3;
	s6 =	simm.s32 @!p1 $0x1082;
	[sflag:s4] =	ssyncset.s32 $0xFFFFF086  }
0x25: {  	[simem:s6], [sflag:s4] =	dma.local [hbm:s3], $0xF7A  }
0x26: {  	[smem:$0x3F8D] =	sst s1;
	(tag) =	ssettag s2;
	_ =	strace s9  }
0x27: {  	s1 =	sld [smem:$0x3F9D]  }
0x28: {  	s2 =	sld [smem:$0x3F9E]  }
0x29: {  	s4 =	sld [smem:$0x3FA0]  }
0x2a: {  	p0 =	seq.s32 s5, $0x0;
	s5 =	sld [smem:$0x3FA1]  }
0x2b: {  	s6 =	sld [smem:$0x3FA2]  }
0x2c: {  	s7 =	sld [smem:$0x3FA3]  }
0x2d: {  	s3 =	simm.s32 $0x108;
	s8 =	sld [smem:$0x3FA4]  }
0x2e: {  	s3 =	simm.s32 @!p0 $0x1082;
	s9 =	sld [smem:$0x3FA5]  }
0x2f: {  	lr =	sadd.s32 s0, s3;
	s0 =	sld [smem:$0x3F9C]  }
0x30: {  	s3 =	sld [smem:$0x3F9F]  }
0x31: {  	[smem:$0x3FA8] =	sst s10  }
0x32: {  	s10 =	sld [smem:$0x3FA6];
	_ =	sdelay $0x3  }
0x33: {  	p0 =	seq.s32 s10, $0x1;
	s10 =	sld [smem:$0x3FA8];
	_ =	sdelay $0x3  }
0x34: {  	[smem:$0x3FA8] =	sst s10  }
0x35: {  	s10 =	sld [smem:$0x3FA7];
	_ =	sdelay $0x3  }
0x36: {  	p1 =	seq.s32 s10, $0x1;
	s10 =	sld [smem:$0x3FA8];
	_ =	sdelay $0x3  }
0x37: {  	[smem:$0x3FA8] =	sst s10  }
0x38: {  	s10 =	sld [smem:$0x3FA9]  }
0x39: {  	_ = 	snop;
	(pc) =	sbr.ind lr, $3  }
0x3a: {  	_ = 	snop  }
0x3b: {  	_ = 	snop  }
0x3c: {  	p2 =	seq.s32 s10, $0x1;
	s10 =	sld [smem:$0x3FA8]  }
0x3d: {  	_ =	shalt  }
0x3e: {  	_ =	shalt  }
0x3f: {  	_ =	shalt  }
0x40: {  	_ =	shalt  }
0x41: {  	_ =	shalt  }
0x42: {  	_ =	shalt  }
0x43: {  	_ =	shalt  }
0x44: {  	_ =	shalt  }
0x45: {  	_ =	shalt  }
0x46: {  	_ =	shalt  }
0x47: {  	_ =	shalt  }
0x48: {  	_ =	shalt  }
0x49: {  	_ =	shalt  }
0x4a: {  	_ =	shalt  }
0x4b: {  	_ =	shalt  }
0x4c: {  	_ =	shalt  }
0x4d: {  	_ =	shalt  }
0x4e: {  	_ =	shalt  }
0x4f: {  	_ =	shalt  }
0x50: {  	_ =	shalt  }
0x51: {  	_ =	shalt  }
0x52: {  	_ =	shalt  }
0x53: {  	_ =	shalt  }
0x54: {  	_ =	shalt  }
0x55: {  	_ =	shalt  }
0x56: {  	_ =	shalt  }
0x57: {  	_ =	shalt  }
0x58: {  	_ =	shalt  }
0x59: {  	_ =	shalt  }
0x5a: {  	_ =	shalt  }
0x5b: {  	_ =	shalt  }
0x5c: {  	_ =	shalt  }
0x5d: {  	_ =	shalt  }
0x5e: {  	_ =	shalt  }
0x5f: {  	_ =	shalt  }
0x60: {  	_ =	shalt  }
0x61: {  	_ =	shalt  }
0x62: {  	_ =	shalt  }
0x63: {  	_ =	shalt  }
0x64: {  	_ =	shalt  }
0x65: {  	_ =	shalt  }
0x66: {  	_ =	shalt  }
0x67: {  	_ =	shalt  }
0x68: {  	_ =	shalt  }
0x69: {  	_ =	shalt  }
0x6a: {  	_ =	shalt  }
0x6b: {  	_ =	shalt  }
0x6c: {  	_ =	shalt  }
0x6d: {  	_ =	shalt  }
0x6e: {  	_ =	shalt  }
0x6f: {  	_ =	shalt  }
0x70: {  	_ =	shalt  }
0x71: {  	_ =	shalt  }
0x72: {  	_ =	shalt  }
0x73: {  	_ =	shalt  }
0x74: {  	_ =	shalt  }
0x75: {  	_ =	shalt  }
0x76: {  	_ =	shalt  }
0x77: {  	_ =	shalt  }
0x78: {  	_ =	shalt  }
0x79: {  	_ =	shalt  }
0x7a: {  	_ =	shalt  }
0x7b: {  	_ =	shalt  }
0x7c: {  	_ =	shalt  }
0x7d: {  	_ =	shalt  }
0x7e: {  	_ =	shalt  }
0x7f: {  	_ =	shalt  }
0x80: {  	_ =	shalt  }
0x81: {  	_ =	shalt  }
0x82: {  	_ =	shalt  }
0x83: {  	_ =	shalt  }
0x84: {  	_ =	shalt  }
0x85: {  	_ =	shalt  }
0x86: {  	_ =	shalt  }
0x87: {  	_ =	shalt  }
.Lfunc_end0:
.L_simem_size_0:
called_computation.2_lowered:
.L_overlay_start_0:
0x88: {  	s2 =	sld [smem:$0x3FD9]  }
0x89: {  	s3 =	sld [smem:$0x3FFE];
	_ =	sdelay $0x1  }
0x8a: {  	s1 =	srdreg.scid  }
0x8b: {  	s0 =	sand.u32 $0x1, s1  }
0x8c: {  	s16 =	sshll.u32 s0, $0xA;
	s2 =	sadd.s32 s3, s2  }
0x8d: {  	s2 =	sadd.s32 s2, s16  }
0x8e: {  	[smem:$0x3FB4] =	sst s2  }
0x8f: {  	_ = 	snop  }
0x90: {  	(tm) =	ssettm $0x1  }
0x91: {  	s17 =	sld [smem:$0x3FFB];
	_ =	sdelay $0x3  }
0x92: {  	_ =	strace s17  }
0x93: {  	s2 =	sld [smem:$0x3FFC];
	_ =	sdelay $0x3  }
0x94: {  	_ =	strace s2  }
0x95: {  	s2 =	sld [smem:$0x3FFD];
	_ =	sdelay $0x3  }
0x96: {  	_ =	strace s2  }
0x97: {  	_ =	strace $0x8FFFFFFF  }
0x98: {  	s18 =	sld [smem:$0x3FDB];
	_ =	sdelay $0x1  }
0x99: {  	s19 =	simm.s32 $_scs_section_size  }
0x9a: {  	s4 =	simm.s32 $_size__tile_overlayer_lowered;
	s5 =	simm.s32 $_tile_overlayer_lowered  }
0x9b: {  	s22 =	simm.s32 $0x1BFF;
	s21 =	sshll.u32 s5, $0x1;
	s2 =	sadd.s32 s19, s18  }
0x9c: {  	s6 =	simm.s32 $0x0;
	s20 =	sshll.u32 s4, $0x1;
	s4 =	sadd.s32 s21, s2  }
0x9d: {  	[timem:s6], [sflag:s22] =	dma.local [hbm:s4], s20  }
0x9e: {  	_ =	swait.ge [sflag:s22], s20  }
0x9f: {  	s3 =	ssub.s32 $0x0, s20;
	[sflag:s22] =	ssyncset.done $0x0  }
0xa0: {  	[sflag:s22] =	ssyncadd.s32 s3;
	_ =	sdelay $0x1  }
0xa1: {  	s23 =	simm.s32 $0x1B8B  }
0xa2: {  	_ =	swait.ge [sflag:s23], $0x1  }
0xa3: {  	[sflag:s23] =	ssyncset.done $0x0  }
0xa4: {  	s25 =	simm.s32 $0x1B8E;
	s24 =	sld [smem:$0x3FFE];
	[sflag:s23] =	ssyncadd.s32 $0xFFFFFFFF  }
0xa5: {  	s26 =	simm.s32 $execute0_lowered;
	[smem:$0x3FD2] =	sst s25  }
0xa6: {  	s4 =	sshll.u32 s26, $0x1;
	_ =	strace $0x80000049;
	[dreg:$0x1] =	wrdreg $0xFFFFFFFF  }
0xa7: {  	s28 =	simm.s32 $_size_execute0_lowered;
	s2 =	sadd.s32 s2, s4;
	[dreg:$0x0] =	wrdreg $0x0  }
0xa8: {  	s4 =	sshll.u32 s28, $0x1;
	[dreg:$0x2] =	wrdreg s2  }
0xa9: {  	[dreg:$0x3] =	wrdreg s4  }
0xaa: {  	[dreg:$0x4] =	wrdreg $0xC0  }
0xab: {  	_ =	task [dreg:s6], $0x5FFFF  }
0xac: {  	[dreg:$0x1] =	wrdreg $0xFFFFFFFF  }
0xad: {  	[dreg:$0x0] =	wrdreg $0x60  }
0xae: {  	[dreg:$0x2] =	wrdreg s24  }
0xaf: {  	[dreg:$0x3] =	wrdreg $0xA8000  }
0xb0: {  	[dreg:$0x4] =	wrdreg $0xA  }
0xb1: {  	_ =	task.clear_ibuf [dreg:s6], $0x5FFFF;
	_ =	strace $0x90000049  }
0xb2: {  	s29 =	simm.s32 $0xA;
	_ =	strace $0x8000004B  }
0xb3: {  	_ =	swait.ge [sflag:s29], $0x1  }
0xb4: {  	[sflag:s29] =	ssyncadd.s32 $0xFFFFFFFF  }
0xb5: {  	_ =	strace $0x9000004B  }
0xb6: {  	_ =	sfence  }
0xb7: {  	s30 =	sld [smem:$0x0];
	_ =	sdelay $0x2  }
0xb8: {  	s31 =	sshll.u32 s1, $0xD;
	s1 =	sshrl.u32 s1, $0x2  }
0xb9: {  	s3 =	sand.u32 $0x4000, s31;
	s1 =	sadd.s32 s1, s30  }
0xba: {  	s0 =	sor.u32 s3, s0;
	s1 =	sshll.u32 s1, $0x11  }
0xbb: {  	s0 =	sor.u32 s1, s0  }
0xbc: {  	s0 =	sadd.s32 $0x8F2B, s0  }
0xbd: {  	[sflag:s0] =	ssyncadd.remote.s32 $0x1  }
0xbe: {  	_ =	sfence.sel $0xFFFF  }
0xbf: {  	[dreg:$0x0] =	wrdreg $0xFFFFFFFF;
	(pc) =	sbr.abs _section_cstart, $3  }
0xc0: {  	[dreg:$0x1] =	wrdreg $0xFFFFFFFF  }
0xc1: {  	_ =	task.clear_ibuf [dreg:s6], $0x2FFFF;
	_ =	strace $0x9FFFFFFF  }
0xc2: {  	(tm) =	ssettm $0x7FFFFFFF  }
0xc3: {  	_ =	shalt  }
tec
execute0_lowered:
.L_overlay_start_1:
0x0: {  	(tag) =	ssettag $0x1  }
0x1: {  	s1 =	srdreg.scid  }
0x2: {  	s0 =	stileid.u32;
	s6 =	rddreg [dreg:$0x0]  }
0x3: {  	s2 =	rddreg [dreg:$0x1];
	s3 =	simm.s32 $0x0;
	s15 =	simm.s32 $0x6800  }
0x4: {  	s16 =	simm.s32 $0x1;
	s17 =	simm.s32 $0x80;
	s18 =	simm.s32 $0x2  }
0x5: {  	s19 =	simm.s32 $0x2700;
	s20 =	simm.s32 $0x2780;
	s21 =	simm.s32 $0x0  }
0x6: {  	s5 =	sand.u32 $0x1, s1;
	s1 =	rddreg [dreg:$0x2];
	s8 =	smul.u32 $0x2800, s0  }
0x7: {  	s25 =	sshll.u32 s0, $0x1;
	[smem:$0x7FF] =	sst s3;
	s12 =	smul.u32 $0xA000, s0  }
0x8: {  	s9 =	sadd.s32 $0x1EAA600, s6;
	s29 =	smul.u32 $0x50000, s0;
	s31 =	sshll.u32 s0, $0x6  }
0x9: {  	s7 =	sor.u32 s5, s25;
	s10 =	smul.u32 $0x28000, s5;
	s5 =	ssub.s32 $0x2, s5  }
0xa: {  	_ =	strace $0x8000004A;
	s4 =	smul.u32 $0x500, s7;
	s26 =	sshrl.u32 s5, $0x1  }
0xb: {  	s7 =	smul.u32 $0x28000, s7;
	s28 =	sshrl.u32 s12, $0x2;
	s30 =	sadd.s32 s29, s9  }
0xc: {  	s12 =	sor.u32 $0x1C03, s31;
	s8 =	sadd.s32 s8, s10;
	s13 =	ssub.s32 s5, s26  }
0xd: {  	s14 =	sadd.s32 s28, s2;
	s10 =	sadd.s32 s10, s30;
	s11 =	sadd.s32 s4, s6  }
0xe: {  	s4 =	sadd.s32 $0xA600, s6;
	s8 =	sshrl.u32 s8, $0x3;
	s10 =	sadd.s32 $0x1000, s10  }
0xf: {  	s8 =	sadd.s32 s8, s6;
	s5 =	sadd.s32 $0x14600, s11;
	s6 =	sadd.s32 s9, s7  }
0x10: {  	s11 =	simm.s32 $0x3;
	s7 =	sadd.s32 $0xFC8800, s8;
	s8 =	smax.u32 s13, $0x1  }
0x11: {  	s9 =	sadd.s32 $0x27800, s6;
	s13 =	sshrl.u32 s14, $0x3;
	s14 =	simm.s32 $0x2800  }
.LBB2_1:
0x12: {  	[tilespmem:s3], [sflag:$0x3] =	stream.linear.gather [hbm4b:s5+s3], $0x2800, $0x38;
	[tilespmem:$0xD000] =	vst v63  }
0x13: {  	_ =	swait.ge [sflag:s11], $0x2800  }
0x14: {  	[sflag:s11] =	ssyncset.done $0x0  }
0x15: {  	[sflag:s11] =	ssyncadd.s32 $0xFFFFD800  }
0x16: {  	[spmem:s13], [sflag:s12] =	dma.local [hbm:s4], $0x500  }
0x17: {  	_ =	swait.ge [sflag:s11], $0x500  }
0x18: {  	[sflag:s11] =	ssyncset.done $0x0  }
0x19: {  	[sflag:s11] =	ssyncadd.s32 $0xFFFFFB00  }
0x1a: {  	[bflag:$0x0] =	sbarrier.arrive $0xFFFF  }
0x1b: {  	[tilespmem:s14], [sflag:$0x1] =	stream.linear.gather [hbm4b:s6+s3], $0x4000, $0x38;
	[tilespmem:$0xD000] =	vst v63  }
0x1c: {  	s22 =	sadd.s32 $0xFFFFF800, s10  }
0x1d: {  	[tilespmem:s15], [sflag:$0x2] =	stream.linear.gather [hbm4b:s22+s3], $0x4000, $0x38;
	[tilespmem:$0xD000] =	vst v63  }
0x1e: {  	_ =	swait.ge [sflag:s16], $0x4000  }
0x1f: {  	[sflag:s16] =	ssyncset.done $0x0  }
0x20: {  	s30 =	simm.s32 $0x0;
	[sflag:s16] =	ssyncadd.s32 $0xFFFFC000  }
0x21: {  	[spmem:s2] =	stream.indirect.scatter.add.f32 [tilespmem:s14], [sflag:$0x3], $0x80, s30, s17, $0xb8;
	[tilespmem:$0xD000] =	vst v63  }
0x22: {  	_ =	swait.ge [sflag:s11], $0x4000  }
0x23: {  	[sflag:s11] =	ssyncset.done $0x0  }
0x24: {  	[sflag:s11] =	ssyncadd.s32 $0xFFFFC000  }
0x25: {  	[tilespmem:s14], [sflag:$0x1] =	stream.linear.gather [hbm4b:s10+s3], $0x4000, $0x38;
	[tilespmem:$0xD000] =	vst v63  }
0x26: {  	_ =	swait.ge [sflag:s18], $0x4000  }
0x27: {  	[sflag:s18] =	ssyncset.done $0x0  }
0x28: {  	s31 =	simm.s32 $0x80;
	[sflag:s18] =	ssyncadd.s32 $0xFFFFC000  }
0x29: {  	[spmem:s2] =	stream.indirect.scatter.add.f32 [tilespmem:s15], [sflag:$0x3], $0x80, s31, s17, $0xb8;
	[tilespmem:$0xD000] =	vst v63  }
0x2a: {  	s23 =	simm.s32 $0x400;
	_ =	swait.ge [sflag:s11], $0x4000  }
0x2b: {  	s24 =	simm.s32 $0x800;
	s22 =	sadd.s32 $0x1000, s10;
	[sflag:s11] =	ssyncset.done $0x0  }
.LBB2_2:
0x2c: {  	p0 =	sne.s32 s24, $0x9800;
	s25 =	sadd.s32 $0xFFFFF800, s22;
	[sflag:s11] =	ssyncadd.s32 $0xFFFFC000  }
0x2d: {  	[tilespmem:s15], [sflag:$0x2] =	stream.linear.gather [hbm4b:s25+s3], $0x4000, $0x38;
	[tilespmem:$0xD000] =	vst v63  }
0x2e: {  	s25 =	smov.u32 s24;
	s24 =	sadd.s32 $0x400, s24;
	_ =	swait.ge [sflag:s16], $0x4000  }
0x2f: {  	[sflag:s16] =	ssyncset.done $0x0  }
0x30: {  	s26 =	sshra.s32 s23, $0x2;
	s23 =	smov.u32 s25;
	[sflag:s16] =	ssyncadd.s32 $0xFFFFC000  }
0x31: {  	[spmem:s2] =	stream.indirect.scatter.add.f32 [tilespmem:s14], [sflag:$0x3], $0x80, s26, s17, $0xb8;
	[tilespmem:$0xD000] =	vst v63  }
0x32: {  	_ =	swait.ge [sflag:s11], $0x4000  }
0x33: {  	[sflag:s11] =	ssyncset.done $0x0  }
0x34: {  	[sflag:s11] =	ssyncadd.s32 $0xFFFFC000  }
0x35: {  	[tilespmem:s14], [sflag:$0x1] =	stream.linear.gather [hbm4b:s22+s3], $0x4000, $0x38;
	[tilespmem:$0xD000] =	vst v63  }
0x36: {  	_ =	swait.ge [sflag:s18], $0x4000  }
.Ltmp0:
0x37: {  	[sflag:s18] =	ssyncset.done $0x0;
	(pc) =	sbr.rel @p0 .LBB2_2-.Ltmp0, $4  }
0x38: {  	s25 =	sadd.s32 $0x80, s26;
	[sflag:s18] =	ssyncadd.s32 $0xFFFFC000  }
0x39: {  	[spmem:s2] =	stream.indirect.scatter.add.f32 [tilespmem:s15], [sflag:$0x3], $0x80, s25, s17, $0xb8;
	[tilespmem:$0xD000] =	vst v63  }
0x3a: {  	_ =	swait.ge [sflag:s11], $0x4000  }
0x3b: {  	s22 =	sadd.s32 $0x1000, s22;
	[sflag:s11] =	ssyncset.done $0x0  }
0x3c: {  	s24 =	sadd.s32 $0xFFFFF800, s22;
	[sflag:s11] =	ssyncadd.s32 $0xFFFFC000  }
0x3d: {  	[tilespmem:s15], [sflag:$0x2] =	stream.linear.gather [hbm4b:s24+s3], $0x4000, $0x38;
	[tilespmem:$0xD000] =	vst v63  }
0x3e: {  	_ =	swait.ge [sflag:s16], $0x4000  }
0x3f: {  	[sflag:s16] =	ssyncset.done $0x0  }
0x40: {  	s23 =	sshra.s32 s23, $0x2;
	[sflag:s16] =	ssyncadd.s32 $0xFFFFC000  }
0x41: {  	[spmem:s2] =	stream.indirect.scatter.add.f32 [tilespmem:s14], [sflag:$0x3], $0x80, s23, s17, $0xb8;
	[tilespmem:$0xD000] =	vst v63  }
0x42: {  	_ =	swait.ge [sflag:s11], $0x4000  }
0x43: {  	[sflag:s11] =	ssyncset.done $0x0  }
0x44: {  	[sflag:s11] =	ssyncadd.s32 $0xFFFFC000  }
0x45: {  	[tilespmem:s14], [sflag:$0x1] =	stream.linear.gather [hbm4b:s22+s3], $0x4000, $0x38;
	[tilespmem:$0xD000] =	vst v63  }
0x46: {  	_ =	swait.ge [sflag:s18], $0x4000  }
0x47: {  	[sflag:s18] =	ssyncset.done $0x0  }
0x48: {  	s31 =	sadd.s32 $0x80, s23;
	[sflag:s18] =	ssyncadd.s32 $0xFFFFC000  }
0x49: {  	[spmem:s2] =	stream.indirect.scatter.add.f32 [tilespmem:s15], [sflag:$0x3], $0x80, s31, s17, $0xb8;
	[tilespmem:$0xD000] =	vst v63  }
0x4a: {  	_ =	swait.ge [sflag:s11], $0x4000  }
0x4b: {  	[sflag:s11] =	ssyncset.done $0x0  }
0x4c: {  	[sflag:s11] =	ssyncadd.s32 $0xFFFFC000  }
0x4d: {  	[tilespmem:s15], [sflag:$0x2] =	stream.linear.gather [hbm4b:s9+s3], $0x4000, $0x38;
	[tilespmem:$0xD000] =	vst v63  }
0x4e: {  	_ =	swait.ge [sflag:s16], $0x4000  }
0x4f: {  	[sflag:s16] =	ssyncset.done $0x0  }
0x50: {  	[sflag:s16] =	ssyncadd.s32 $0xFFFFC000  }
0x51: {  	[spmem:s2] =	stream.indirect.scatter.add.f32 [tilespmem:s14], [sflag:$0x3], $0x80, s19, s17, $0xb8;
	[tilespmem:$0xD000] =	vst v63  }
0x52: {  	_ =	swait.ge [sflag:s11], $0x4000  }
0x53: {  	[sflag:s11] =	ssyncset.done $0x0  }
0x54: {  	[sflag:s11] =	ssyncadd.s32 $0xFFFFC000  }
0x55: {  	_ =	swait.ge [sflag:s18], $0x4000  }
0x56: {  	[sflag:s18] =	ssyncset.done $0x0  }
0x57: {  	[sflag:s18] =	ssyncadd.s32 $0xFFFFC000  }
0x58: {  	[spmem:s2] =	stream.indirect.scatter.add.f32 [tilespmem:s15], [sflag:$0x3], $0x80, s20, s17, $0xb8;
	[tilespmem:$0xD000] =	vst v63  }
0x59: {  	_ =	swait.ge [sflag:s11], $0x4000  }
0x5a: {  	s21 =	sadd.s32 $0x1, s21;
	[sflag:s11] =	ssyncset.done $0x0  }
0x5b: {  	p0 =	sne.s32 s21, s8;
	[sflag:s11] =	ssyncadd.s32 $0xFFFFC000  }
.Ltmp1:
0x5c: {  	[bflag:$0x0] =	sbarrier.arrive $0xFFFF;
	(pc) =	sbr.rel @p0 .LBB2_1-.Ltmp1, $4  }
0x5d: {  	[hbm:s7], [sflag:s12] =	dma.local [spmem:s13], $0x500  }
0x5e: {  	_ =	swait.ge [sflag:s11], $0x500  }
0x5f: {  	[sflag:s11] =	ssyncset.done $0x0  }
0x60: {  	[sflag:s11] =	ssyncadd.s32 $0xFFFFFB00  }
0x61: {  	_ =	sfence.sel $0x180000  }
0x62: {  	[bflag:$0x0] =	sbarrier.arrive $0xFFFF  }
0x63: {  	p0 =	sne.s32 s0, $0x0;
	_ =	strace $0x9000004A  }
0x64: {  	s0 =	sadd.s32 @!p0 $0x100000, s1;
	[bflag:$0x2] =	sbarrier.arrive $0xFFFF  }
0x65: {  	[sflag:s0] =	ssyncadd.tile.s32 @!p0 $0x1;
	_ =	shalt  }
.Lfunc_end2:
_tile_overlayer_lowered:
.L_overlay_start_2:
0x66: {  	(tag) =	ssettag $0x2  }
0x67: {  	s0 =	rddreg [dreg:$0x0];
	s2 =	stileid.u32  }
0x68: {  	s1 =	rddreg [dreg:$0x1];
	p0 =	sne.s32 s2, $0x0  }
0x69: {  	s3 =	rddreg [dreg:$0x2];
	[bflag:$0x3] =	sbarrier.arrive $0xFFFF;
	s2 =	simm.s32 @!p0 $0x1C03  }
0x6a: {  	[timem:s3], [sflag:s2] =	dma.local @!p0 [hbm:s0], s1  }
0x6b: {  	s0 =	simm.s32 @!p0 $0x3  }
0x6c: {  	_ =	swait.ge @!p0 [sflag:s0], s1  }
0x6d: {  	s1 =	ssub.s32 @!p0 $0x0, s1;
	[sflag:s0] =	ssyncset.done @!p0 $0x0  }
0x6e: {  	[sflag:s0] =	ssyncadd.s32 @!p0 s1  }
0x6f: {  	[bflag:$0x3] =	sbarrier.arrive $0xFFFF  }
0x70: {  	_ =	shalt  }

// kernel: kernel.25.cloned.1.call-start
scs
__scs_entry_jumppad:
0x0: {  	(pc) =	sbr.rel $0x88, $3  }
0x1: {  	(tag) =	ssettag $0x0;
	lr =	simm.s32 $0x1  }
0x2: {  	[smem:$0x3F8D] =	sst lr;
	_ =	strace $0xD0000000  }
0x3: {  	_ = 	snop  }
0x4: {  	_ = 	snop  }
0x5: {  	_ = 	snop  }
0x6: {  	_ = 	snop  }
0x7: {  	_ = 	snop  }
__scs_overlays_trampoline_lowered:
0x8: {  	[smem:$0x3F9C] =	sst s0  }
0x9: {  	[smem:$0x3F9D] =	sst s1  }
0xa: {  	[smem:$0x3F9E] =	sst s2  }
0xb: {  	[smem:$0x3F9F] =	sst s3  }
0xc: {  	[smem:$0x3FA0] =	sst s4  }
0xd: {  	[smem:$0x3FA1] =	sst s5  }
0xe: {  	[smem:$0x3FA2] =	sst s6  }
0xf: {  	[smem:$0x3FA3] =	sst s7  }
0x10: {  	[smem:$0x3FA4] =	sst s8  }
0x11: {  	[smem:$0x3FA5] =	sst s9;
	s0 =	simm.s32 @!p0 $0x0  }
0x12: {  	s1 =	sld [smem:$0x3F8B];
	s0 =	simm.s32 @p0 $0x1  }
0x13: {  	[smem:$0x3FA6] =	sst s0;
	s0 =	simm.s32 @!p1 $0x0  }
0x14: {  	s2 =	sld [smem:$0x3F8A];
	s0 =	simm.s32 @p1 $0x1  }
0x15: {  	[smem:$0x3FA7] =	sst s0;
	s0 =	simm.s32 @!p2 $0x0  }
0x16: {  	s3 =	sld [smem:$0x3FDB];
	s0 =	simm.s32 @p2 $0x1  }
0x17: {  	s4 =	simm.s32 $0x1BF5;
	[smem:$0x3FA9] =	sst s0  }
0x18: {  	s0 =	sld [smem:$0x3F8C];
	_ =	swait.ge [sflag:s4], $0x0  }
0x19: {  	s7 =	sld [smem:$0x3F8D]  }
0x1a: {  	s8 =	sadd.s32 $0xFFFFE003, lr  }
0x1b: {  	s9 =	sadd.s32 $0xFFFFFEF7, lr;
	s5 =	simm.s32 $0xFFFFFFFF;
	p2 =	slt.u32 s8, $0xFFFFF086  }
0x1c: {  	p1 =	slt.u32 s9, $0xF7A;
	s5 =	simm.s32 @!p2 $0x0  }
0x1d: {  	s5 =	simm.s32 @p1 $0x1;
	p0 =	seq.s32 s7, s2  }
0x1e: {  	s7 =	smul.u32 @!p0 $0xF7A, s2;
	p2 =	seq.s32 @!p0 s5, $0x0  }
0x1f: {  	s9 =	smul.u32 $0xF7A, s1;
	s8 =	simm.s32 @!p0 $0x1BF5;
	p2 =	por !p2, p0  }
0x20: {  	[sflag:s8] =	ssyncset.s32 @!p0 $0xFFFFF086;
	s6 =	sadd.s32 @!p0 s3, s7;
	s7 =	simm.s32 @!p0 $0x108  }
0x21: {  	s3 =	sadd.s32 s3, s9;
	s6 =	sadd.s32 @!p0 $0x88, s6;
	s7 =	simm.s32 @p2 $0x1082  }
0x22: {  	[simem:s7], [sflag:s8] =	dma.local @!p0 [hbm:s6], $0xF7A  }
0x23: {  	s9 =	sor.u32 $0xD0000000, s2;
	s6 =	simm.s32 $0x108;
	_ =	swait.ge @!p0 [sflag:s8], $0x0  }
0x24: {  	s3 =	sadd.s32 $0x88, s3;
	s6 =	simm.s32 @!p1 $0x1082;
	[sflag:s4] =	ssyncset.s32 $0xFFFFF086  }
0x25: {  	[simem:s6], [sflag:s4] =	dma.local [hbm:s3], $0xF7A  }
0x26: {  	[smem:$0x3F8D] =	sst s1;
	(tag) =	ssettag s2;
	_ =	strace s9  }
0x27: {  	s1 =	sld [smem:$0x3F9D]  }
0x28: {  	s2 =	sld [smem:$0x3F9E]  }
0x29: {  	s4 =	sld [smem:$0x3FA0]  }
0x2a: {  	p0 =	seq.s32 s5, $0x0;
	s5 =	sld [smem:$0x3FA1]  }
0x2b: {  	s6 =	sld [smem:$0x3FA2]  }
0x2c: {  	s7 =	sld [smem:$0x3FA3]  }
0x2d: {  	s3 =	simm.s32 $0x108;
	s8 =	sld [smem:$0x3FA4]  }
0x2e: {  	s3 =	simm.s32 @!p0 $0x1082;
	s9 =	sld [smem:$0x3FA5]  }
0x2f: {  	lr =	sadd.s32 s0, s3;
	s0 =	sld [smem:$0x3F9C]  }
0x30: {  	s3 =	sld [smem:$0x3F9F]  }
0x31: {  	[smem:$0x3FA8] =	sst s10  }
0x32: {  	s10 =	sld [smem:$0x3FA6];
	_ =	sdelay $0x3  }
0x33: {  	p0 =	seq.s32 s10, $0x1;
	s10 =	sld [smem:$0x3FA8];
	_ =	sdelay $0x3  }
0x34: {  	[smem:$0x3FA8] =	sst s10  }
0x35: {  	s10 =	sld [smem:$0x3FA7];
	_ =	sdelay $0x3  }
0x36: {  	p1 =	seq.s32 s10, $0x1;
	s10 =	sld [smem:$0x3FA8];
	_ =	sdelay $0x3  }
0x37: {  	[smem:$0x3FA8] =	sst s10  }
0x38: {  	s10 =	sld [smem:$0x3FA9]  }
0x39: {  	_ = 	snop;
	(pc) =	sbr.ind lr, $3  }
0x3a: {  	_ = 	snop  }
0x3b: {  	_ = 	snop  }
0x3c: {  	p2 =	seq.s32 s10, $0x1;
	s10 =	sld [smem:$0x3FA8]  }
0x3d: {  	_ =	shalt  }
0x3e: {  	_ =	shalt  }
0x3f: {  	_ =	shalt  }
0x40: {  	_ =	shalt  }
0x41: {  	_ =	shalt  }
0x42: {  	_ =	shalt  }
0x43: {  	_ =	shalt  }
0x44: {  	_ =	shalt  }
0x45: {  	_ =	shalt  }
0x46: {  	_ =	shalt  }
0x47: {  	_ =	shalt  }
0x48: {  	_ =	shalt  }
0x49: {  	_ =	shalt  }
0x4a: {  	_ =	shalt  }
0x4b: {  	_ =	shalt  }
0x4c: {  	_ =	shalt  }
0x4d: {  	_ =	shalt  }
0x4e: {  	_ =	shalt  }
0x4f: {  	_ =	shalt  }
0x50: {  	_ =	shalt  }
0x51: {  	_ =	shalt  }
0x52: {  	_ =	shalt  }
0x53: {  	_ =	shalt  }
0x54: {  	_ =	shalt  }
0x55: {  	_ =	shalt  }
0x56: {  	_ =	shalt  }
0x57: {  	_ =	shalt  }
0x58: {  	_ =	shalt  }
0x59: {  	_ =	shalt  }
0x5a: {  	_ =	shalt  }
0x5b: {  	_ =	shalt  }
0x5c: {  	_ =	shalt  }
0x5d: {  	_ =	shalt  }
0x5e: {  	_ =	shalt  }
0x5f: {  	_ =	shalt  }
0x60: {  	_ =	shalt  }
0x61: {  	_ =	shalt  }
0x62: {  	_ =	shalt  }
0x63: {  	_ =	shalt  }
0x64: {  	_ =	shalt  }
0x65: {  	_ =	shalt  }
0x66: {  	_ =	shalt  }
0x67: {  	_ =	shalt  }
0x68: {  	_ =	shalt  }
0x69: {  	_ =	shalt  }
0x6a: {  	_ =	shalt  }
0x6b: {  	_ =	shalt  }
0x6c: {  	_ =	shalt  }
0x6d: {  	_ =	shalt  }
0x6e: {  	_ =	shalt  }
0x6f: {  	_ =	shalt  }
0x70: {  	_ =	shalt  }
0x71: {  	_ =	shalt  }
0x72: {  	_ =	shalt  }
0x73: {  	_ =	shalt  }
0x74: {  	_ =	shalt  }
0x75: {  	_ =	shalt  }
0x76: {  	_ =	shalt  }
0x77: {  	_ =	shalt  }
0x78: {  	_ =	shalt  }
0x79: {  	_ =	shalt  }
0x7a: {  	_ =	shalt  }
0x7b: {  	_ =	shalt  }
0x7c: {  	_ =	shalt  }
0x7d: {  	_ =	shalt  }
0x7e: {  	_ =	shalt  }
0x7f: {  	_ =	shalt  }
0x80: {  	_ =	shalt  }
0x81: {  	_ =	shalt  }
0x82: {  	_ =	shalt  }
0x83: {  	_ =	shalt  }
0x84: {  	_ =	shalt  }
0x85: {  	_ =	shalt  }
0x86: {  	_ =	shalt  }
0x87: {  	_ =	shalt  }
.Lfunc_end0:
.L_simem_size_0:
called_computation.3_lowered:
.L_overlay_start_0:
0x88: {  	s2 =	sld [smem:$0x3FD9]  }
0x89: {  	s3 =	sld [smem:$0x3FFE];
	_ =	sdelay $0x1  }
0x8a: {  	s1 =	srdreg.scid  }
0x8b: {  	s0 =	sand.u32 $0x1, s1  }
0x8c: {  	s17 =	sshll.u32 s0, $0xA;
	s2 =	sadd.s32 s3, s2  }
0x8d: {  	s2 =	sadd.s32 s2, s17  }
0x8e: {  	[smem:$0x3FB4] =	sst s2  }
0x8f: {  	_ = 	snop  }
0x90: {  	s2 =	sld [smem:$0x3FD0];
	(tm) =	ssettm $0x1  }
0x91: {  	s18 =	sld [smem:$0x3FFB];
	_ =	sdelay $0x3  }
0x92: {  	_ =	strace s18  }
0x93: {  	s3 =	sld [smem:$0x3FFC];
	_ =	sdelay $0x3  }
0x94: {  	_ =	strace s3  }
0x95: {  	s3 =	sld [smem:$0x3FFD];
	_ =	sdelay $0x3  }
0x96: {  	_ =	strace s3  }
0x97: {  	_ =	strace $0x8FFFFFFF  }
0x98: {  	s19 =	sld [smem:$0x3FDB];
	_ =	sdelay $0x1  }
0x99: {  	s4 =	simm.s32 $_scs_section_size  }
0x9a: {  	s5 =	simm.s32 $_size__tile_overlayer_lowered;
	s6 =	simm.s32 $_tile_overlayer_lowered  }
0x9b: {  	s22 =	simm.s32 $0x1BFF;
	s21 =	sshll.u32 s6, $0x1;
	s3 =	sadd.s32 s4, s19  }
0x9c: {  	s7 =	simm.s32 $0x0;
	s20 =	sshll.u32 s5, $0x1;
	s5 =	sadd.s32 s21, s3  }
0x9d: {  	[timem:s7], [sflag:s22] =	dma.local [hbm:s5], s20  }
0x9e: {  	_ =	swait.ge [sflag:s22], s20  }
0x9f: {  	s4 =	ssub.s32 $0x0, s20;
	[sflag:s22] =	ssyncset.done $0x0  }
0xa0: {  	[sflag:s22] =	ssyncadd.s32 s4;
	_ =	sdelay $0x1  }
0xa1: {  	s23 =	simm.s32 $0x1B8B  }
0xa2: {  	_ =	swait.ge [sflag:s23], $0x1  }
0xa3: {  	[sflag:s23] =	ssyncset.done $0x0  }
0xa4: {  	s25 =	simm.s32 $0x1B8E;
	s24 =	sld [smem:$0x3FFE];
	[sflag:s23] =	ssyncadd.s32 $0xFFFFFFFF  }
0xa5: {  	s26 =	simm.s32 $execute0_lowered;
	[smem:$0x3FD2] =	sst s25  }
0xa6: {  	s5 =	sshll.u32 s26, $0x1;
	_ =	strace $0x8000004F;
	[dreg:$0x1] =	wrdreg $0xFFFFFFFF  }
0xa7: {  	s28 =	simm.s32 $_size_execute0_lowered;
	s3 =	sadd.s32 s3, s5;
	[dreg:$0x0] =	wrdreg $0x0  }
0xa8: {  	s5 =	sshll.u32 s28, $0x1;
	[dreg:$0x2] =	wrdreg s3  }
0xa9: {  	[dreg:$0x3] =	wrdreg s5  }
0xaa: {  	[dreg:$0x4] =	wrdreg $0xC0  }
0xab: {  	_ =	task [dreg:s7], $0x5FFFF  }
0xac: {  	[dreg:$0x1] =	wrdreg $0xFFFFFFFF  }
0xad: {  	[dreg:$0x0] =	wrdreg $0x60  }
0xae: {  	[dreg:$0x2] =	wrdreg s24  }
0xaf: {  	[dreg:$0x3] =	wrdreg s2  }
0xb0: {  	[dreg:$0x4] =	wrdreg $0x9  }
0xb1: {  	_ =	task.clear_ibuf [dreg:s7], $0x5FFFF;
	_ =	strace $0x9000004F  }
0xb2: {  	s29 =	simm.s32 $0x9;
	_ =	strace $0x80000051  }
0xb3: {  	_ =	swait.ge [sflag:s29], $0x1  }
0xb4: {  	[sflag:s29] =	ssyncadd.s32 $0xFFFFFFFF  }
0xb5: {  	_ =	strace $0x90000051  }
0xb6: {  	_ =	sfence  }
0xb7: {  	s30 =	sld [smem:$0x0];
	_ =	sdelay $0x2  }
0xb8: {  	s31 =	sshll.u32 s1, $0xD;
	s1 =	sshrl.u32 s1, $0x2  }
0xb9: {  	s3 =	sand.u32 $0x4000, s31;
	s1 =	sadd.s32 s1, s30  }
0xba: {  	s0 =	sor.u32 s3, s0;
	s1 =	sshll.u32 s1, $0x11  }
0xbb: {  	s0 =	sor.u32 s1, s0  }
0xbc: {  	s0 =	sadd.s32 $0x8F2B, s0  }
0xbd: {  	[sflag:s0] =	ssyncadd.remote.s32 $0x1  }
0xbe: {  	_ =	sfence.sel $0xFFFF  }
0xbf: {  	[dreg:$0x0] =	wrdreg $0xFFFFFFFF;
	(pc) =	sbr.abs _section_cstart, $3  }
0xc0: {  	[dreg:$0x1] =	wrdreg $0xFFFFFFFF  }
0xc1: {  	_ =	task.clear_ibuf [dreg:s7], $0x2FFFF;
	_ =	strace $0x9FFFFFFF  }
0xc2: {  	(tm) =	ssettm $0x7FFFFFFF  }
0xc3: {  	_ =	shalt  }
tec
execute0_lowered:
.L_overlay_start_1:
0x0: {  	(tag) =	ssettag $0x1  }
0x1: {  	s0 =	rddreg [dreg:$0x0]  }
0x2: {  	s1 =	rddreg [dreg:$0x1]  }
0x3: {  	s3 =	stileid.u32;
	s2 =	srdreg.scid;
	s13 =	simm.s32 $0x5  }
0x4: {  	s14 =	simm.s32 $0x80;
	s15 =	simm.s32 $0x5000;
	s16 =	simm.s32 $0x9000  }
0x5: {  	s11 =	simm.s32 $0x18800;
	s17 =	simm.s32 $0x19000;
	s18 =	simm.s32 $0x19800  }
0x6: {  	s19 =	simm.s32 $0x1A000;
	s20 =	simm.s32 $0x1A800;
	s28 =	simm.s32 $0x3  }
0x7: {  	s29 =	simm.s32 $0x4;
	s3 =	smul.u32 $0x50, s3;
	s5 =	sand.u32 $0x1, s2  }
0x8: {  	s2 =	simm.s32 $0x0;
	s4 =	sadd.s32 $0xFF0800, s0;
	s9 =	sadd.s32 $0x28600, s0  }
0x9: {  	p0 =	seq.s32 s5, $0x0;
	[smem:$0x7FF] =	sst s2;
	s5 =	ssub.s32 $0x2, s5  }
0xa: {  	s6 =	sadd.s32 $0x500, s3;
	_ =	strace $0x80000050;
	s10 =	sshrl.u32 s5, $0x1  }
0xb: {  	s6 =	smov.u32 @p0 s3;
	s3 =	sadd.s32 $0x1040800, s0;
	s5 =	ssub.s32 s5, s10  }
0xc: {  	s10 =	simm.s32 $0x18000;
	s7 =	sshll.u32 s6, $0x4;
	s21 =	sshrl.u32 s6, $0x1  }
0xd: {  	s22 =	smax.u32 s5, $0x1;
	s24 =	sshll.u32 s6, $0xB;
	s25 =	sshll.u32 s6, $0xC  }
0xe: {  	s6 =	simm.s32 $0x0;
	s8 =	sadd.s32 s7, s0;
	s0 =	sadd.s32 $0x528600, s0  }
0xf: {  	s1 =	sadd.s32 s1, s7;
	[dreg:$0x5] =	wrdreg s22;
	s23 =	sshll.u32 s21, $0xC  }
0x10: {  	s26 =	sshll.u32 s21, $0xD;
	s21 =	simm.s32 $0x1B000;
	s22 =	simm.s32 $0x1B800  }
0x11: {  	s8 =	sadd.s32 $0x1E600, s8;
	[dreg:$0x4] =	wrdreg s1;
	s1 =	sadd.s32 s23, s9  }
0x12: {  	s5 =	sadd.s32 s25, s0;
	s0 =	sadd.s32 s26, s0;
	s23 =	simm.s32 $0x1C000  }
.Ltmp0:
0x13: {  	s25 =	simm.s32 $0x1;
	[dreg:$0x3] =	wrdreg s8;
	(pc) =	sbr.rel .LBB2_1-.Ltmp0, $4  }
0x14: {  	s26 =	simm.s32 $0x2;
	[dreg:$0x6] =	wrdreg s1;
	s1 =	sadd.s32 s24, s9  }
0x15: {  	v2 =	vlaneseq.u32;
	[dreg:$0x7] =	wrdreg s0;
	s31 =	sadd.s32 $0x1000, s5;
	s0 =	simm.s32 $0x11000  }
0x16: {  	vm0 =	vmmov $0xffff;
	v1 =	vshrl.u32 v2, $0x3;
	s5 =	simm.s32 $0x15000;
	s30 =	sadd.s32 $0x800, s1;
	[dreg:$0x9] =	wrdreg s31  }
0x17: {  	v0 =	vand.u32 $0x7, v2;
	v2 =	vor.u32 $0x8, v2;
	v1 =	vmul.u32 $0x8, v1;
	s9 =	simm.s32 $0x17800;
	s24 =	simm.s32 $0x1C800;
	[dreg:$0x8] =	wrdreg s30  }
.LBB2_5:
0x18: {  	s6 =	rddreg [dreg:$0xa]  }
0x19: {  	s1 =	rddreg [dreg:$0x5];
	s6 =	sadd.s32 $0x1, s6  }
0x1a: {  	p0 =	sne.s32 s6, s1  }
.Ltmp1:
0x1b: {  	_ = 	snop;
	(pc) =	sbr.rel @!p0 .LBB2_6-.Ltmp1, $1  }
0x1c: {  	_ =	sdelay $0x3  }
.LBB2_1:
0x1d: {  	[dreg:$0xa] =	wrdreg s6  }
0x1e: {  	s1 =	rddreg [dreg:$0x3];
	s8 =	simm.s32 $0x2800  }
0x1f: {  	[tilespmem:s8], [sflag:$0x5] =	stream.linear.gather [hbm4b:s1+s2], $0x2800, $0x38;
	[tilespmem:$0x1D000] =	vst v63  }
0x20: {  	_ =	swait.ge [sflag:s13], $0x2800  }
0x21: {  	[sflag:s13] =	ssyncset.done $0x0  }
0x22: {  	s12 =	rddreg [dreg:$0x4];
	[sflag:s13] =	ssyncadd.s32 $0xFFFFD800  }
0x23: {  	[tilespmem:s2], [sflag:$0x5] =	stream.linear.gather [hbm4b:s12+s2], $0x2800, $0x38;
	[tilespmem:$0x1D000] =	vst v63  }
0x24: {  	_ =	swait.ge [sflag:s13], $0x2800  }
0x25: {  	[sflag:s13] =	ssyncset.done $0x0  }
0x26: {  	[sflag:s13] =	ssyncadd.s32 $0xFFFFD800  }
0x27: {  	[tilespmem:s15], [sflag:$0x1] =	stream.indirect.gather [hbm4b:s3+s14], $0x80, s8, s14, $0xb8;
	[tilespmem:$0x1D000] =	vst v63  }
0x28: {  	v3 =	vld [tilespmem:$0x0];
	_ =	sdelay $0x4  }
0x29: {  	v4 =	vshll.u32 v3, $0x1  }
0x2a: {  	v3 =	vand.u32 $0x7, v3;
	v4 =	vand.u32 $0xFFFFFFF0, v4  }
0x2b: {  	v3 =	vor.u32 v3, v4  }
0x2c: {  	v4 =	vperm.xlane v3, v0;
	_ =	sdelay $0x1  }
0x2d: {  	v3 =	vperm.xlane v3, v2;
	v4 =	vadd.s32 v1, v4;
	_ =	sdelay $0x1  }
0x2e: {  	v3 =	vadd.s32 v1, v3;
	_ =	sdelay $0x2  }
0x2f: {  	[tilespmem:s16], [sflag:$0x2] =	stream.indirect_vreg.gather [hbm4b:s4+s2], $0x80, v4, vm0, $0xb8;
	[tilespmem:$0x1D000] =	vst v63  }
0x30: {  	s7 =	simm.s32 $0x9800  }
0x31: {  	[tilespmem:s7], [sflag:$0x2] =	stream.indirect_vreg.gather [hbm4b:s4+s2], $0x80, v3, vm0, $0xb8;
	[tilespmem:$0x1D000] =	vst v63  }
0x32: {  	v3 =	vld [tilespmem:$0x10];
	_ =	sdelay $0x4  }
0x33: {  	v57 =	vshll.u32 v3, $0x1  }
0x34: {  	v3 =	vand.u32 $0x7, v3;
	v4 =	vand.u32 $0xFFFFFFF0, v57  }
0x35: {  	v3 =	vor.u32 v3, v4  }
0x36: {  	v4 =	vperm.xlane v3, v0;
	_ =	sdelay $0x1  }
0x37: {  	v3 =	vperm.xlane v3, v2;
	v4 =	vadd.s32 v1, v4;
	_ =	sdelay $0x1  }
0x38: {  	v3 =	vadd.s32 v1, v3;
	_ =	sdelay $0x1  }
0x39: {  	s8 =	simm.s32 $0xA000  }
0x3a: {  	[tilespmem:s8], [sflag:$0x2] =	stream.indirect_vreg.gather [hbm4b:s4+s2], $0x80, v4, vm0, $0xb8;
	[tilespmem:$0x1D000] =	vst v63  }
0x3b: {  	s12 =	simm.s32 $0xA800  }
0x3c: {  	[tilespmem:s12], [sflag:$0x2] =	stream.indirect_vreg.gather [hbm4b:s4+s2], $0x80, v3, vm0, $0xb8;
	[tilespmem:$0x1D000] =	vst v63  }
0x3d: {  	v3 =	vld [tilespmem:$0x20];
	_ =	sdelay $0x4  }
0x3e: {  	v58 =	vshll.u32 v3, $0x1  }
0x3f: {  	v3 =	vand.u32 $0x7, v3;
	v4 =	vand.u32 $0xFFFFFFF0, v58  }
0x40: {  	v3 =	vor.u32 v3, v4  }
0x41: {  	v4 =	vperm.xlane v3, v0;
	_ =	sdelay $0x1  }
0x42: {  	v3 =	vperm.xlane v3, v2;
	v4 =	vadd.s32 v1, v4;
	_ =	sdelay $0x1  }
0x43: {  	v3 =	vadd.s32 v1, v3;
	_ =	sdelay $0x1  }
0x44: {  	s6 =	simm.s32 $0xB000  }
0x45: {  	[tilespmem:s6], [sflag:$0x2] =	stream.indirect_vreg.gather [hbm4b:s4+s2], $0x80, v4, vm0, $0xb8;
	[tilespmem:$0x1D000] =	vst v63  }
0x46: {  	s7 =	simm.s32 $0xB800  }
0x47: {  	[tilespmem:s7], [sflag:$0x2] =	stream.indirect_vreg.gather [hbm4b:s4+s2], $0x80, v3, vm0, $0xb8;
	[tilespmem:$0x1D000] =	vst v63  }
0x48: {  	v3 =	vld [tilespmem:$0x30];
	_ =	sdelay $0x4  }
0x49: {  	v59 =	vshll.u32 v3, $0x1  }
0x4a: {  	v3 =	vand.u32 $0x7, v3;
	v4 =	vand.u32 $0xFFFFFFF0, v59  }
0x4b: {  	v3 =	vor.u32 v3, v4  }
0x4c: {  	v4 =	vperm.xlane v3, v0;
	_ =	sdelay $0x1  }
0x4d: {  	v3 =	vperm.xlane v3, v2;
	v4 =	vadd.s32 v1, v4;
	_ =	sdelay $0x1  }
0x4e: {  	v3 =	vadd.s32 v1, v3;
	_ =	sdelay $0x1  }
0x4f: {  	s8 =	simm.s32 $0xC000  }
0x50: {  	[tilespmem:s8], [sflag:$0x2] =	stream.indirect_vreg.gather [hbm4b:s4+s2], $0x80, v4, vm0, $0xb8;
	[tilespmem:$0x1D000] =	vst v63  }
0x51: {  	s12 =	simm.s32 $0xC800  }
0x52: {  	[tilespmem:s12], [sflag:$0x2] =	stream.indirect_vreg.gather [hbm4b:s4+s2], $0x80, v3, vm0, $0xb8;
	[tilespmem:$0x1D000] =	vst v63  }
0x53: {  	v3 =	vld [tilespmem:$0x40];
	_ =	sdelay $0x4  }
0x54: {  	v60 =	vshll.u32 v3, $0x1  }
0x55: {  	v3 =	vand.u32 $0x7, v3;
	v4 =	vand.u32 $0xFFFFFFF0, v60  }
0x56: {  	v3 =	vor.u32 v3, v4  }
0x57: {  	v4 =	vperm.xlane v3, v0;
	_ =	sdelay $0x1  }
0x58: {  	v3 =	vperm.xlane v3, v2;
	v4 =	vadd.s32 v1, v4;
	_ =	sdelay $0x1  }
0x59: {  	v3 =	vadd.s32 v1, v3;
	_ =	sdelay $0x1  }
0x5a: {  	s6 =	simm.s32 $0xD000  }
0x5b: {  	[tilespmem:s6], [sflag:$0x2] =	stream.indirect_vreg.gather [hbm4b:s4+s2], $0x80, v4, vm0, $0xb8;
	[tilespmem:$0x1D000] =	vst v63  }
0x5c: {  	s7 =	simm.s32 $0xD800  }
0x5d: {  	[tilespmem:s7], [sflag:$0x2] =	stream.indirect_vreg.gather [hbm4b:s4+s2], $0x80, v3, vm0, $0xb8;
	[tilespmem:$0x1D000] =	vst v63  }
0x5e: {  	v3 =	vld [tilespmem:$0x50];
	_ =	sdelay $0x4  }
0x5f: {  	v61 =	vshll.u32 v3, $0x1  }
0x60: {  	v3 =	vand.u32 $0x7, v3;
	v4 =	vand.u32 $0xFFFFFFF0, v61  }
0x61: {  	v3 =	vor.u32 v3, v4  }
0x62: {  	v4 =	vperm.xlane v3, v0;
	_ =	sdelay $0x1  }
0x63: {  	v3 =	vperm.xlane v3, v2;
	v4 =	vadd.s32 v1, v4;
	_ =	sdelay $0x1  }
0x64: {  	v3 =	vadd.s32 v1, v3;
	_ =	sdelay $0x1  }
0x65: {  	s8 =	simm.s32 $0xE000  }
0x66: {  	[tilespmem:s8], [sflag:$0x2] =	stream.indirect_vreg.gather [hbm4b:s4+s2], $0x80, v4, vm0, $0xb8;
	[tilespmem:$0x1D000] =	vst v63  }
0x67: {  	s12 =	simm.s32 $0xE800  }
0x68: {  	[tilespmem:s12], [sflag:$0x2] =	stream.indirect_vreg.gather [hbm4b:s4+s2], $0x80, v3, vm0, $0xb8;
	[tilespmem:$0x1D000] =	vst v63  }
0x69: {  	v3 =	vld [tilespmem:$0x60];
	_ =	sdelay $0x4  }
0x6a: {  	v62 =	vshll.u32 v3, $0x1  }
0x6b: {  	v3 =	vand.u32 $0x7, v3;
	v4 =	vand.u32 $0xFFFFFFF0, v62  }
0x6c: {  	v3 =	vor.u32 v3, v4  }
0x6d: {  	v4 =	vperm.xlane v3, v0;
	_ =	sdelay $0x1  }
0x6e: {  	v3 =	vperm.xlane v3, v2;
	v4 =	vadd.s32 v1, v4;
	_ =	sdelay $0x1  }
0x6f: {  	v3 =	vadd.s32 v1, v3;
	_ =	sdelay $0x1  }
0x70: {  	s6 =	simm.s32 $0xF000  }
0x71: {  	[tilespmem:s6], [sflag:$0x2] =	stream.indirect_vreg.gather [hbm4b:s4+s2], $0x80, v4, vm0, $0xb8;
	[tilespmem:$0x1D000] =	vst v63  }
0x72: {  	s7 =	simm.s32 $0xF800  }
0x73: {  	[tilespmem:s7], [sflag:$0x2] =	stream.indirect_vreg.gather [hbm4b:s4+s2], $0x80, v3, vm0, $0xb8;
	[tilespmem:$0x1D000] =	vst v63  }
0x74: {  	v3 =	vld [tilespmem:$0x70];
	_ =	sdelay $0x4  }
0x75: {  	v63 =	vshll.u32 v3, $0x1  }
0x76: {  	v3 =	vand.u32 $0x7, v3;
	v4 =	vand.u32 $0xFFFFFFF0, v63  }
0x77: {  	v3 =	vor.u32 v3, v4  }
0x78: {  	v4 =	vperm.xlane v3, v0;
	_ =	sdelay $0x1  }
0x79: {  	v3 =	vperm.xlane v3, v2;
	v4 =	vadd.s32 v1, v4;
	_ =	sdelay $0x1  }
0x7a: {  	s31 =	rddreg [dreg:$0x9];
	v3 =	vadd.s32 v1, v3  }
.Ltmp2:
0x7b: {  	s1 =	rddreg [dreg:$0x8];
	(pc) =	sbr.rel .LBB2_2-.Ltmp2, $4  }
0x7c: {  	s8 =	simm.s32 $0x10000;
	s6 =	rddreg [dreg:$0x7]  }
0x7d: {  	[tilespmem:s8], [sflag:$0x2] =	stream.indirect_vreg.gather [hbm4b:s4+s2], $0x80, v4, vm0, $0xb8;
	[tilespmem:$0x1D000] =	vst v63  }
0x7e: {  	s30 =	simm.s32 $0x0;
	s12 =	simm.s32 $0x10800;
	s7 =	rddreg [dreg:$0x6]  }
0x7f: {  	[tilespmem:s12], [sflag:$0x2] =	stream.indirect_vreg.gather [hbm4b:s4+s2], $0x80, v3, vm0, $0xb8;
	[tilespmem:$0x1D000] =	vst v63  }
.LBB2_4:
0x80: {  	_ =	swait.ge [sflag:s28], $0x4000  }
0x81: {  	[sflag:s28] =	ssyncset.done $0x0  }
0x82: {  	[sflag:s28] =	ssyncadd.s32 $0xFFFFC000  }
0x83: {  	_ =	swait.ge [sflag:s29], $0x8000  }
0x84: {  	[sflag:s29] =	ssyncset.done $0x0  }
0x85: {  	[sflag:s29] =	ssyncadd.s32 $0xFFFF8000  }
0x86: {  	[hbm4b:s1+s2] =	stream.linear.scatter [tilespmem:s0], [sflag:$0x5], $0x4000, $0x38;
	[tilespmem:$0x1D000] =	vst v63  }
0x87: {  	s30 =	sadd.s32 $0x400, s30;
	_ =	swait.ge [sflag:s13], $0x4000  }
0x88: {  	p0 =	sne.s32 s30, $0xA000;
	[sflag:s13] =	ssyncset.done $0x0  }
.Ltmp3:
0x89: {  	[sflag:s13] =	ssyncadd.s32 $0xFFFFC000;
	(pc) =	sbr.rel @!p0 .LBB2_5-.Ltmp3, $4  }
0x8a: {  	[hbm4b:s31+s2] =	stream.linear.scatter [tilespmem:s5], [sflag:$0x5], $0x8000, $0x38;
	[tilespmem:$0x1D000] =	vst v63  }
0x8b: {  	_ =	swait.ge [sflag:s13], $0x8000  }
0x8c: {  	s7 =	sadd.s32 $0x1000, s7;
	s6 =	sadd.s32 $0x2000, s6;
	[sflag:s13] =	ssyncset.done $0x0  }
0x8d: {  	s1 =	sadd.s32 $0x1000, s1;
	s31 =	sadd.s32 $0x2000, s31;
	[sflag:s13] =	ssyncadd.s32 $0xFFFF8000  }
.LBB2_2:
0x8e: {  	s12 =	sshra.s32 s30, $0x2  }
0x8f: {  	s8 =	sadd.s32 $0x2880, s12  }
0x90: {  	[tilespmem:s0], [sflag:$0x3] =	stream.indirect.gather [hbm4b:s3+s14], $0x80, s8, s14, $0xb8;
	[tilespmem:$0x1D000] =	vst v63  }
0x91: {  	v3 =	vld [tilespmem:s12+$0x80];
	_ =	sdelay $0x4  }
0x92: {  	v4 =	vshll.u32 v3, $0x1  }
0x93: {  	v3 =	vand.u32 $0x7, v3;
	v4 =	vand.u32 $0xFFFFFFF0, v4  }
0x94: {  	v3 =	vor.u32 v3, v4  }
0x95: {  	v4 =	vperm.xlane v3, v0;
	_ =	sdelay $0x1  }
0x96: {  	v3 =	vperm.xlane v3, v2;
	v4 =	vadd.s32 v1, v4;
	_ =	sdelay $0x1  }
0x97: {  	v3 =	vadd.s32 v1, v3;
	_ =	sdelay $0x2  }
0x98: {  	[tilespmem:s5], [sflag:$0x4] =	stream.indirect_vreg.gather [hbm4b:s4+s2], $0x80, v4, vm0, $0xb8;
	[tilespmem:$0x1D000] =	vst v63  }
0x99: {  	s8 =	simm.s32 $0x15800  }
0x9a: {  	[tilespmem:s8], [sflag:$0x4] =	stream.indirect_vreg.gather [hbm4b:s4+s2], $0x80, v3, vm0, $0xb8;
	[tilespmem:$0x1D000] =	vst v63  }
0x9b: {  	v3 =	vld [tilespmem:s12+$0x90];
	_ =	sdelay $0x4  }
0x9c: {  	v57 =	vshll.u32 v3, $0x1  }
0x9d: {  	v3 =	vand.u32 $0x7, v3;
	v4 =	vand.u32 $0xFFFFFFF0, v57  }
0x9e: {  	v3 =	vor.u32 v3, v4  }
0x9f: {  	v4 =	vperm.xlane v3, v0;
	_ =	sdelay $0x1  }
0xa0: {  	v3 =	vperm.xlane v3, v2;
	v4 =	vadd.s32 v1, v4;
	_ =	sdelay $0x1  }
0xa1: {  	v3 =	vadd.s32 v1, v3;
	_ =	sdelay $0x1  }
0xa2: {  	s8 =	simm.s32 $0x16000  }
0xa3: {  	[tilespmem:s8], [sflag:$0x4] =	stream.indirect_vreg.gather [hbm4b:s4+s2], $0x80, v4, vm0, $0xb8;
	[tilespmem:$0x1D000] =	vst v63  }
0xa4: {  	s8 =	simm.s32 $0x16800  }
0xa5: {  	[tilespmem:s8], [sflag:$0x4] =	stream.indirect_vreg.gather [hbm4b:s4+s2], $0x80, v3, vm0, $0xb8;
	[tilespmem:$0x1D000] =	vst v63  }
0xa6: {  	v3 =	vld [tilespmem:s12+$0xA0];
	_ =	sdelay $0x4  }
0xa7: {  	v58 =	vshll.u32 v3, $0x1  }
0xa8: {  	v3 =	vand.u32 $0x7, v3;
	v4 =	vand.u32 $0xFFFFFFF0, v58  }
0xa9: {  	v3 =	vor.u32 v3, v4  }
0xaa: {  	v4 =	vperm.xlane v3, v0;
	_ =	sdelay $0x1  }
0xab: {  	v3 =	vperm.xlane v3, v2;
	v4 =	vadd.s32 v1, v4;
	_ =	sdelay $0x1  }
0xac: {  	v3 =	vadd.s32 v1, v3;
	_ =	sdelay $0x1  }
0xad: {  	s8 =	simm.s32 $0x17000  }
0xae: {  	[tilespmem:s8], [sflag:$0x4] =	stream.indirect_vreg.gather [hbm4b:s4+s2], $0x80, v4, vm0, $0xb8;
	[tilespmem:$0x1D000] =	vst v63  }
0xaf: {  	_ = 	snop  }
0xb0: {  	[tilespmem:s9], [sflag:$0x4] =	stream.indirect_vreg.gather [hbm4b:s4+s2], $0x80, v3, vm0, $0xb8;
	[tilespmem:$0x1D000] =	vst v63  }
0xb1: {  	v3 =	vld [tilespmem:s12+$0xB0];
	_ =	sdelay $0x4  }
0xb2: {  	v59 =	vshll.u32 v3, $0x1  }
0xb3: {  	v3 =	vand.u32 $0x7, v3;
	v4 =	vand.u32 $0xFFFFFFF0, v59  }
0xb4: {  	v3 =	vor.u32 v3, v4  }
0xb5: {  	v4 =	vperm.xlane v3, v0;
	_ =	sdelay $0x1  }
0xb6: {  	v3 =	vperm.xlane v3, v2;
	v4 =	vadd.s32 v1, v4;
	_ =	sdelay $0x1  }
0xb7: {  	v3 =	vadd.s32 v1, v3;
	_ =	sdelay $0x2  }
0xb8: {  	[tilespmem:s10], [sflag:$0x4] =	stream.indirect_vreg.gather [hbm4b:s4+s2], $0x80, v4, vm0, $0xb8;
	[tilespmem:$0x1D000] =	vst v63  }
0xb9: {  	_ = 	snop  }
0xba: {  	[tilespmem:s11], [sflag:$0x4] =	stream.indirect_vreg.gather [hbm4b:s4+s2], $0x80, v3, vm0, $0xb8;
	[tilespmem:$0x1D000] =	vst v63  }
0xbb: {  	v3 =	vld [tilespmem:s12+$0xC0];
	_ =	sdelay $0x4  }
0xbc: {  	v60 =	vshll.u32 v3, $0x1  }
0xbd: {  	v3 =	vand.u32 $0x7, v3;
	v4 =	vand.u32 $0xFFFFFFF0, v60  }
0xbe: {  	v3 =	vor.u32 v3, v4  }
0xbf: {  	v4 =	vperm.xlane v3, v0;
	_ =	sdelay $0x1  }
0xc0: {  	v3 =	vperm.xlane v3, v2;
	v4 =	vadd.s32 v1, v4;
	_ =	sdelay $0x1  }
0xc1: {  	v3 =	vadd.s32 v1, v3;
	_ =	sdelay $0x2  }
0xc2: {  	[tilespmem:s17], [sflag:$0x4] =	stream.indirect_vreg.gather [hbm4b:s4+s2], $0x80, v4, vm0, $0xb8;
	[tilespmem:$0x1D000] =	vst v63  }
0xc3: {  	_ = 	snop  }
0xc4: {  	[tilespmem:s18], [sflag:$0x4] =	stream.indirect_vreg.gather [hbm4b:s4+s2], $0x80, v3, vm0, $0xb8;
	[tilespmem:$0x1D000] =	vst v63  }
0xc5: {  	v3 =	vld [tilespmem:s12+$0xD0];
	_ =	sdelay $0x4  }
0xc6: {  	v61 =	vshll.u32 v3, $0x1  }
0xc7: {  	v3 =	vand.u32 $0x7, v3;
	v4 =	vand.u32 $0xFFFFFFF0, v61  }
0xc8: {  	v3 =	vor.u32 v3, v4  }
0xc9: {  	v4 =	vperm.xlane v3, v0;
	_ =	sdelay $0x1  }
0xca: {  	v3 =	vperm.xlane v3, v2;
	v4 =	vadd.s32 v1, v4;
	_ =	sdelay $0x1  }
0xcb: {  	v3 =	vadd.s32 v1, v3;
	_ =	sdelay $0x2  }
0xcc: {  	[tilespmem:s19], [sflag:$0x4] =	stream.indirect_vreg.gather [hbm4b:s4+s2], $0x80, v4, vm0, $0xb8;
	[tilespmem:$0x1D000] =	vst v63  }
0xcd: {  	_ = 	snop  }
0xce: {  	[tilespmem:s20], [sflag:$0x4] =	stream.indirect_vreg.gather [hbm4b:s4+s2], $0x80, v3, vm0, $0xb8;
	[tilespmem:$0x1D000] =	vst v63  }
0xcf: {  	v3 =	vld [tilespmem:s12+$0xE0];
	_ =	sdelay $0x4  }
0xd0: {  	v62 =	vshll.u32 v3, $0x1  }
0xd1: {  	v3 =	vand.u32 $0x7, v3;
	v4 =	vand.u32 $0xFFFFFFF0, v62  }
0xd2: {  	v3 =	vor.u32 v3, v4  }
0xd3: {  	v4 =	vperm.xlane v3, v0;
	_ =	sdelay $0x1  }
0xd4: {  	v3 =	vperm.xlane v3, v2;
	v4 =	vadd.s32 v1, v4;
	_ =	sdelay $0x1  }
0xd5: {  	v3 =	vadd.s32 v1, v3;
	_ =	sdelay $0x2  }
0xd6: {  	[tilespmem:s21], [sflag:$0x4] =	stream.indirect_vreg.gather [hbm4b:s4+s2], $0x80, v4, vm0, $0xb8;
	[tilespmem:$0x1D000] =	vst v63  }
0xd7: {  	_ = 	snop  }
0xd8: {  	[tilespmem:s22], [sflag:$0x4] =	stream.indirect_vreg.gather [hbm4b:s4+s2], $0x80, v3, vm0, $0xb8;
	[tilespmem:$0x1D000] =	vst v63  }
0xd9: {  	v3 =	vld [tilespmem:s12+$0xF0];
	_ =	sdelay $0x4  }
0xda: {  	v63 =	vshll.u32 v3, $0x1  }
0xdb: {  	v3 =	vand.u32 $0x7, v3;
	v4 =	vand.u32 $0xFFFFFFF0, v63  }
0xdc: {  	v3 =	vor.u32 v3, v4  }
0xdd: {  	v4 =	vperm.xlane v3, v0;
	_ =	sdelay $0x1  }
0xde: {  	v3 =	vperm.xlane v3, v2;
	v4 =	vadd.s32 v1, v4;
	_ =	sdelay $0x1  }
0xdf: {  	v3 =	vadd.s32 v1, v3;
	_ =	sdelay $0x2  }
0xe0: {  	[tilespmem:s23], [sflag:$0x4] =	stream.indirect_vreg.gather [hbm4b:s4+s2], $0x80, v4, vm0, $0xb8;
	[tilespmem:$0x1D000] =	vst v63  }
0xe1: {  	_ = 	snop  }
0xe2: {  	[tilespmem:s24], [sflag:$0x4] =	stream.indirect_vreg.gather [hbm4b:s4+s2], $0x80, v3, vm0, $0xb8;
	[tilespmem:$0x1D000] =	vst v63  }
0xe3: {  	_ =	swait.ge [sflag:s25], $0x4000  }
0xe4: {  	[sflag:s25] =	ssyncset.done $0x0  }
0xe5: {  	[sflag:s25] =	ssyncadd.s32 $0xFFFFC000  }
0xe6: {  	_ =	swait.ge [sflag:s26], $0x8000  }
0xe7: {  	[sflag:s26] =	ssyncset.done $0x0  }
0xe8: {  	[sflag:s26] =	ssyncadd.s32 $0xFFFF8000  }
0xe9: {  	[hbm4b:s7+s2] =	stream.linear.scatter [tilespmem:s15], [sflag:$0x5], $0x4000, $0x38;
	[tilespmem:$0x1D000] =	vst v63  }
0xea: {  	_ =	swait.ge [sflag:s13], $0x4000  }
0xeb: {  	p0 =	seq.s32 s30, $0x9C00;
	[sflag:s13] =	ssyncset.done $0x0  }
.Ltmp4:
0xec: {  	[sflag:s13] =	ssyncadd.s32 $0xFFFFC000;
	(pc) =	sbr.rel @p0 .LBB2_4-.Ltmp4, $4  }
0xed: {  	[hbm4b:s6+s2] =	stream.linear.scatter [tilespmem:s16], [sflag:$0x5], $0x8000, $0x38;
	[tilespmem:$0x1D000] =	vst v63  }
0xee: {  	_ =	swait.ge [sflag:s13], $0x8000  }
0xef: {  	[sflag:s13] =	ssyncset.done $0x0  }
0xf0: {  	[sflag:s13] =	ssyncadd.s32 $0xFFFF8000  }
0xf1: {  	s8 =	sadd.s32 $0x2900, s12  }
0xf2: {  	[tilespmem:s15], [sflag:$0x1] =	stream.indirect.gather [hbm4b:s3+s14], $0x80, s8, s14, $0xb8;
	[tilespmem:$0x1D000] =	vst v63  }
0xf3: {  	v3 =	vld [tilespmem:s12+$0x100];
	_ =	sdelay $0x4  }
0xf4: {  	v4 =	vshll.u32 v3, $0x1  }
0xf5: {  	v3 =	vand.u32 $0x7, v3;
	v4 =	vand.u32 $0xFFFFFFF0, v4  }
0xf6: {  	v3 =	vor.u32 v3, v4  }
0xf7: {  	v4 =	vperm.xlane v3, v0;
	_ =	sdelay $0x1  }
0xf8: {  	v3 =	vperm.xlane v3, v2;
	v4 =	vadd.s32 v1, v4;
	_ =	sdelay $0x1  }
0xf9: {  	v3 =	vadd.s32 v1, v3;
	_ =	sdelay $0x2  }
0xfa: {  	[tilespmem:s16], [sflag:$0x2] =	stream.indirect_vreg.gather [hbm4b:s4+s2], $0x80, v4, vm0, $0xb8;
	[tilespmem:$0x1D000] =	vst v63  }
0xfb: {  	s8 =	simm.s32 $0x9800  }
0xfc: {  	[tilespmem:s8], [sflag:$0x2] =	stream.indirect_vreg.gather [hbm4b:s4+s2], $0x80, v3, vm0, $0xb8;
	[tilespmem:$0x1D000] =	vst v63  }
0xfd: {  	v3 =	vld [tilespmem:s12+$0x110];
	_ =	sdelay $0x4  }
0xfe: {  	v57 =	vshll.u32 v3, $0x1  }
0xff: {  	v3 =	vand.u32 $0x7, v3;
	v4 =	vand.u32 $0xFFFFFFF0, v57  }
0x100: {  	v3 =	vor.u32 v3, v4  }
0x101: {  	v4 =	vperm.xlane v3, v0;
	_ =	sdelay $0x1  }
0x102: {  	v3 =	vperm.xlane v3, v2;
	v4 =	vadd.s32 v1, v4;
	_ =	sdelay $0x1  }
0x103: {  	v3 =	vadd.s32 v1, v3;
	_ =	sdelay $0x1  }
0x104: {  	s8 =	simm.s32 $0xA000  }
0x105: {  	[tilespmem:s8], [sflag:$0x2] =	stream.indirect_vreg.gather [hbm4b:s4+s2], $0x80, v4, vm0, $0xb8;
	[tilespmem:$0x1D000] =	vst v63  }
0x106: {  	s8 =	simm.s32 $0xA800  }
0x107: {  	[tilespmem:s8], [sflag:$0x2] =	stream.indirect_vreg.gather [hbm4b:s4+s2], $0x80, v3, vm0, $0xb8;
	[tilespmem:$0x1D000] =	vst v63  }
0x108: {  	v3 =	vld [tilespmem:s12+$0x120];
	_ =	sdelay $0x4  }
0x109: {  	v58 =	vshll.u32 v3, $0x1  }
0x10a: {  	v3 =	vand.u32 $0x7, v3;
	v4 =	vand.u32 $0xFFFFFFF0, v58  }
0x10b: {  	v3 =	vor.u32 v3, v4  }
0x10c: {  	v4 =	vperm.xlane v3, v0;
	_ =	sdelay $0x1  }
0x10d: {  	v3 =	vperm.xlane v3, v2;
	v4 =	vadd.s32 v1, v4;
	_ =	sdelay $0x1  }
0x10e: {  	v3 =	vadd.s32 v1, v3;
	_ =	sdelay $0x1  }
0x10f: {  	s8 =	simm.s32 $0xB000  }
0x110: {  	[tilespmem:s8], [sflag:$0x2] =	stream.indirect_vreg.gather [hbm4b:s4+s2], $0x80, v4, vm0, $0xb8;
	[tilespmem:$0x1D000] =	vst v63  }
0x111: {  	s8 =	simm.s32 $0xB800  }
0x112: {  	[tilespmem:s8], [sflag:$0x2] =	stream.indirect_vreg.gather [hbm4b:s4+s2], $0x80, v3, vm0, $0xb8;
	[tilespmem:$0x1D000] =	vst v63  }
0x113: {  	v3 =	vld [tilespmem:s12+$0x130];
	_ =	sdelay $0x4  }
0x114: {  	v59 =	vshll.u32 v3, $0x1  }
0x115: {  	v3 =	vand.u32 $0x7, v3;
	v4 =	vand.u32 $0xFFFFFFF0, v59  }
0x116: {  	v3 =	vor.u32 v3, v4  }
0x117: {  	v4 =	vperm.xlane v3, v0;
	_ =	sdelay $0x1  }
0x118: {  	v3 =	vperm.xlane v3, v2;
	v4 =	vadd.s32 v1, v4;
	_ =	sdelay $0x1  }
0x119: {  	v3 =	vadd.s32 v1, v3;
	_ =	sdelay $0x1  }
0x11a: {  	s8 =	simm.s32 $0xC000  }
0x11b: {  	[tilespmem:s8], [sflag:$0x2] =	stream.indirect_vreg.gather [hbm4b:s4+s2], $0x80, v4, vm0, $0xb8;
	[tilespmem:$0x1D000] =	vst v63  }
0x11c: {  	s8 =	simm.s32 $0xC800  }
0x11d: {  	[tilespmem:s8], [sflag:$0x2] =	stream.indirect_vreg.gather [hbm4b:s4+s2], $0x80, v3, vm0, $0xb8;
	[tilespmem:$0x1D000] =	vst v63  }
0x11e: {  	v3 =	vld [tilespmem:s12+$0x140];
	_ =	sdelay $0x4  }
0x11f: {  	v60 =	vshll.u32 v3, $0x1  }
0x120: {  	v3 =	vand.u32 $0x7, v3;
	v4 =	vand.u32 $0xFFFFFFF0, v60  }
0x121: {  	v3 =	vor.u32 v3, v4  }
0x122: {  	v4 =	vperm.xlane v3, v0;
	_ =	sdelay $0x1  }
0x123: {  	v3 =	vperm.xlane v3, v2;
	v4 =	vadd.s32 v1, v4;
	_ =	sdelay $0x1  }
0x124: {  	v3 =	vadd.s32 v1, v3;
	_ =	sdelay $0x1  }
0x125: {  	s8 =	simm.s32 $0xD000  }
0x126: {  	[tilespmem:s8], [sflag:$0x2] =	stream.indirect_vreg.gather [hbm4b:s4+s2], $0x80, v4, vm0, $0xb8;
	[tilespmem:$0x1D000] =	vst v63  }
0x127: {  	s8 =	simm.s32 $0xD800  }
0x128: {  	[tilespmem:s8], [sflag:$0x2] =	stream.indirect_vreg.gather [hbm4b:s4+s2], $0x80, v3, vm0, $0xb8;
	[tilespmem:$0x1D000] =	vst v63  }
0x129: {  	v3 =	vld [tilespmem:s12+$0x150];
	_ =	sdelay $0x4  }
0x12a: {  	v61 =	vshll.u32 v3, $0x1  }
0x12b: {  	v3 =	vand.u32 $0x7, v3;
	v4 =	vand.u32 $0xFFFFFFF0, v61  }
0x12c: {  	v3 =	vor.u32 v3, v4  }
0x12d: {  	v4 =	vperm.xlane v3, v0;
	_ =	sdelay $0x1  }
0x12e: {  	v3 =	vperm.xlane v3, v2;
	v4 =	vadd.s32 v1, v4;
	_ =	sdelay $0x1  }
0x12f: {  	v3 =	vadd.s32 v1, v3;
	_ =	sdelay $0x1  }
0x130: {  	s8 =	simm.s32 $0xE000  }
0x131: {  	[tilespmem:s8], [sflag:$0x2] =	stream.indirect_vreg.gather [hbm4b:s4+s2], $0x80, v4, vm0, $0xb8;
	[tilespmem:$0x1D000] =	vst v63  }
0x132: {  	s8 =	simm.s32 $0xE800  }
0x133: {  	[tilespmem:s8], [sflag:$0x2] =	stream.indirect_vreg.gather [hbm4b:s4+s2], $0x80, v3, vm0, $0xb8;
	[tilespmem:$0x1D000] =	vst v63  }
0x134: {  	v3 =	vld [tilespmem:s12+$0x160];
	_ =	sdelay $0x4  }
0x135: {  	v62 =	vshll.u32 v3, $0x1  }
0x136: {  	v3 =	vand.u32 $0x7, v3;
	v4 =	vand.u32 $0xFFFFFFF0, v62  }
0x137: {  	v3 =	vor.u32 v3, v4  }
0x138: {  	v4 =	vperm.xlane v3, v0;
	_ =	sdelay $0x1  }
0x139: {  	v3 =	vperm.xlane v3, v2;
	v4 =	vadd.s32 v1, v4;
	_ =	sdelay $0x1  }
0x13a: {  	v3 =	vadd.s32 v1, v3;
	_ =	sdelay $0x1  }
0x13b: {  	s8 =	simm.s32 $0xF000  }
0x13c: {  	[tilespmem:s8], [sflag:$0x2] =	stream.indirect_vreg.gather [hbm4b:s4+s2], $0x80, v4, vm0, $0xb8;
	[tilespmem:$0x1D000] =	vst v63  }
0x13d: {  	s8 =	simm.s32 $0xF800  }
0x13e: {  	[tilespmem:s8], [sflag:$0x2] =	stream.indirect_vreg.gather [hbm4b:s4+s2], $0x80, v3, vm0, $0xb8;
	[tilespmem:$0x1D000] =	vst v63  }
0x13f: {  	v3 =	vld [tilespmem:s12+$0x170];
	_ =	sdelay $0x4  }
0x140: {  	v63 =	vshll.u32 v3, $0x1  }
0x141: {  	v3 =	vand.u32 $0x7, v3;
	v4 =	vand.u32 $0xFFFFFFF0, v63  }
0x142: {  	v3 =	vor.u32 v3, v4  }
0x143: {  	v4 =	vperm.xlane v3, v0;
	_ =	sdelay $0x1  }
0x144: {  	v3 =	vperm.xlane v3, v2;
	v4 =	vadd.s32 v1, v4;
	_ =	sdelay $0x1  }
0x145: {  	v3 =	vadd.s32 v1, v3  }
.Ltmp5:
0x146: {  	_ = 	snop;
	(pc) =	sbr.rel .LBB2_4-.Ltmp5, $4  }
0x147: {  	s12 =	simm.s32 $0x10000  }
0x148: {  	[tilespmem:s12], [sflag:$0x2] =	stream.indirect_vreg.gather [hbm4b:s4+s2], $0x80, v4, vm0, $0xb8;
	[tilespmem:$0x1D000] =	vst v63  }
0x149: {  	s12 =	simm.s32 $0x10800  }
0x14a: {  	[tilespmem:s12], [sflag:$0x2] =	stream.indirect_vreg.gather [hbm4b:s4+s2], $0x80, v3, vm0, $0xb8;
	[tilespmem:$0x1D000] =	vst v63  }
.LBB2_6:
0x14b: {  	_ =	sfence.sel $0x180000  }
0x14c: {  	[bflag:$0x0] =	sbarrier.arrive $0xFFFF  }
0x14d: {  	_ =	strace $0x90000050  }
0x14e: {  	s0 =	stileid.u32;
	[bflag:$0x2] =	sbarrier.arrive $0xFFFF  }
0x14f: {  	p0 =	sne.s32 s0, $0x0;
	s0 =	rddreg [dreg:$0x2]  }
0x150: {  	s0 =	sadd.s32 @!p0 $0x100000, s0  }
0x151: {  	[sflag:s0] =	ssyncadd.tile.s32 @!p0 $0x1;
	_ =	shalt  }
.Lfunc_end2:
_tile_overlayer_lowered:
.L_overlay_start_2:
0x152: {  	(tag) =	ssettag $0x2  }
0x153: {  	s0 =	rddreg [dreg:$0x0];
	s2 =	stileid.u32  }
0x154: {  	s1 =	rddreg [dreg:$0x1];
	p0 =	sne.s32 s2, $0x0  }
0x155: {  	s3 =	rddreg [dreg:$0x2];
	[bflag:$0x3] =	sbarrier.arrive $0xFFFF;
	s2 =	simm.s32 @!p0 $0x1C05  }
0x156: {  	[timem:s3], [sflag:s2] =	dma.local @!p0 [hbm:s0], s1  }
0x157: {  	s0 =	simm.s32 @!p0 $0x5  }
0x158: {  	_ =	swait.ge @!p0 [sflag:s0], s1  }
0x159: {  	s1 =	ssub.s32 @!p0 $0x0, s1;
	[sflag:s0] =	ssyncset.done @!p0 $0x0  }
0x15a: {  	[sflag:s0] =	ssyncadd.s32 @!p0 s1  }
0x15b: {  	[bflag:$0x3] =	sbarrier.arrive $0xFFFF  }
0x15c: {  	_ =	shalt  }

// kernel: kernel.28.cloned.1.call-start
scs
__scs_entry_jumppad:
0x0: {  	(pc) =	sbr.rel $0x88, $3  }
0x1: {  	(tag) =	ssettag $0x0;
	lr =	simm.s32 $0x1  }
0x2: {  	[smem:$0x3F8D] =	sst lr;
	_ =	strace $0xD0000000  }
0x3: {  	_ = 	snop  }
0x4: {  	_ = 	snop  }
0x5: {  	_ = 	snop  }
0x6: {  	_ = 	snop  }
0x7: {  	_ = 	snop  }
__scs_overlays_trampoline_lowered:
0x8: {  	[smem:$0x3F9C] =	sst s0  }
0x9: {  	[smem:$0x3F9D] =	sst s1  }
0xa: {  	[smem:$0x3F9E] =	sst s2  }
0xb: {  	[smem:$0x3F9F] =	sst s3  }
0xc: {  	[smem:$0x3FA0] =	sst s4  }
0xd: {  	[smem:$0x3FA1] =	sst s5  }
0xe: {  	[smem:$0x3FA2] =	sst s6  }
0xf: {  	[smem:$0x3FA3] =	sst s7  }
0x10: {  	[smem:$0x3FA4] =	sst s8  }
0x11: {  	[smem:$0x3FA5] =	sst s9;
	s0 =	simm.s32 @!p0 $0x0  }
0x12: {  	s1 =	sld [smem:$0x3F8B];
	s0 =	simm.s32 @p0 $0x1  }
0x13: {  	[smem:$0x3FA6] =	sst s0;
	s0 =	simm.s32 @!p1 $0x0  }
0x14: {  	s2 =	sld [smem:$0x3F8A];
	s0 =	simm.s32 @p1 $0x1  }
0x15: {  	[smem:$0x3FA7] =	sst s0;
	s0 =	simm.s32 @!p2 $0x0  }
0x16: {  	s3 =	sld [smem:$0x3FDB];
	s0 =	simm.s32 @p2 $0x1  }
0x17: {  	s4 =	simm.s32 $0x1BF5;
	[smem:$0x3FA9] =	sst s0  }
0x18: {  	s0 =	sld [smem:$0x3F8C];
	_ =	swait.ge [sflag:s4], $0x0  }
0x19: {  	s7 =	sld [smem:$0x3F8D]  }
0x1a: {  	s8 =	sadd.s32 $0xFFFFE003, lr  }
0x1b: {  	s9 =	sadd.s32 $0xFFFFFEF7, lr;
	s5 =	simm.s32 $0xFFFFFFFF;
	p2 =	slt.u32 s8, $0xFFFFF086  }
0x1c: {  	p1 =	slt.u32 s9, $0xF7A;
	s5 =	simm.s32 @!p2 $0x0  }
0x1d: {  	s5 =	simm.s32 @p1 $0x1;
	p0 =	seq.s32 s7, s2  }
0x1e: {  	s7 =	smul.u32 @!p0 $0xF7A, s2;
	p2 =	seq.s32 @!p0 s5, $0x0  }
0x1f: {  	s9 =	smul.u32 $0xF7A, s1;
	s8 =	simm.s32 @!p0 $0x1BF5;
	p2 =	por !p2, p0  }
0x20: {  	[sflag:s8] =	ssyncset.s32 @!p0 $0xFFFFF086;
	s6 =	sadd.s32 @!p0 s3, s7;
	s7 =	simm.s32 @!p0 $0x108  }
0x21: {  	s3 =	sadd.s32 s3, s9;
	s6 =	sadd.s32 @!p0 $0x88, s6;
	s7 =	simm.s32 @p2 $0x1082  }
0x22: {  	[simem:s7], [sflag:s8] =	dma.local @!p0 [hbm:s6], $0xF7A  }
0x23: {  	s9 =	sor.u32 $0xD0000000, s2;
	s6 =	simm.s32 $0x108;
	_ =	swait.ge @!p0 [sflag:s8], $0x0  }
0x24: {  	s3 =	sadd.s32 $0x88, s3;
	s6 =	simm.s32 @!p1 $0x1082;
	[sflag:s4] =	ssyncset.s32 $0xFFFFF086  }
0x25: {  	[simem:s6], [sflag:s4] =	dma.local [hbm:s3], $0xF7A  }
0x26: {  	[smem:$0x3F8D] =	sst s1;
	(tag) =	ssettag s2;
	_ =	strace s9  }
0x27: {  	s1 =	sld [smem:$0x3F9D]  }
0x28: {  	s2 =	sld [smem:$0x3F9E]  }
0x29: {  	s4 =	sld [smem:$0x3FA0]  }
0x2a: {  	p0 =	seq.s32 s5, $0x0;
	s5 =	sld [smem:$0x3FA1]  }
0x2b: {  	s6 =	sld [smem:$0x3FA2]  }
0x2c: {  	s7 =	sld [smem:$0x3FA3]  }
0x2d: {  	s3 =	simm.s32 $0x108;
	s8 =	sld [smem:$0x3FA4]  }
0x2e: {  	s3 =	simm.s32 @!p0 $0x1082;
	s9 =	sld [smem:$0x3FA5]  }
0x2f: {  	lr =	sadd.s32 s0, s3;
	s0 =	sld [smem:$0x3F9C]  }
0x30: {  	s3 =	sld [smem:$0x3F9F]  }
0x31: {  	[smem:$0x3FA8] =	sst s10  }
0x32: {  	s10 =	sld [smem:$0x3FA6];
	_ =	sdelay $0x3  }
0x33: {  	p0 =	seq.s32 s10, $0x1;
	s10 =	sld [smem:$0x3FA8];
	_ =	sdelay $0x3  }
0x34: {  	[smem:$0x3FA8] =	sst s10  }
0x35: {  	s10 =	sld [smem:$0x3FA7];
	_ =	sdelay $0x3  }
0x36: {  	p1 =	seq.s32 s10, $0x1;
	s10 =	sld [smem:$0x3FA8];
	_ =	sdelay $0x3  }
0x37: {  	[smem:$0x3FA8] =	sst s10  }
0x38: {  	s10 =	sld [smem:$0x3FA9]  }
0x39: {  	_ = 	snop;
	(pc) =	sbr.ind lr, $3  }
0x3a: {  	_ = 	snop  }
0x3b: {  	_ = 	snop  }
0x3c: {  	p2 =	seq.s32 s10, $0x1;
	s10 =	sld [smem:$0x3FA8]  }
0x3d: {  	_ =	shalt  }
0x3e: {  	_ =	shalt  }
0x3f: {  	_ =	shalt  }
0x40: {  	_ =	shalt  }
0x41: {  	_ =	shalt  }
0x42: {  	_ =	shalt  }
0x43: {  	_ =	shalt  }
0x44: {  	_ =	shalt  }
0x45: {  	_ =	shalt  }
0x46: {  	_ =	shalt  }
0x47: {  	_ =	shalt  }
0x48: {  	_ =	shalt  }
0x49: {  	_ =	shalt  }
0x4a: {  	_ =	shalt  }
0x4b: {  	_ =	shalt  }
0x4c: {  	_ =	shalt  }
0x4d: {  	_ =	shalt  }
0x4e: {  	_ =	shalt  }
0x4f: {  	_ =	shalt  }
0x50: {  	_ =	shalt  }
0x51: {  	_ =	shalt  }
0x52: {  	_ =	shalt  }
0x53: {  	_ =	shalt  }
0x54: {  	_ =	shalt  }
0x55: {  	_ =	shalt  }
0x56: {  	_ =	shalt  }
0x57: {  	_ =	shalt  }
0x58: {  	_ =	shalt  }
0x59: {  	_ =	shalt  }
0x5a: {  	_ =	shalt  }
0x5b: {  	_ =	shalt  }
0x5c: {  	_ =	shalt  }
0x5d: {  	_ =	shalt  }
0x5e: {  	_ =	shalt  }
0x5f: {  	_ =	shalt  }
0x60: {  	_ =	shalt  }
0x61: {  	_ =	shalt  }
0x62: {  	_ =	shalt  }
0x63: {  	_ =	shalt  }
0x64: {  	_ =	shalt  }
0x65: {  	_ =	shalt  }
0x66: {  	_ =	shalt  }
0x67: {  	_ =	shalt  }
0x68: {  	_ =	shalt  }
0x69: {  	_ =	shalt  }
0x6a: {  	_ =	shalt  }
0x6b: {  	_ =	shalt  }
0x6c: {  	_ =	shalt  }
0x6d: {  	_ =	shalt  }
0x6e: {  	_ =	shalt  }
0x6f: {  	_ =	shalt  }
0x70: {  	_ =	shalt  }
0x71: {  	_ =	shalt  }
0x72: {  	_ =	shalt  }
0x73: {  	_ =	shalt  }
0x74: {  	_ =	shalt  }
0x75: {  	_ =	shalt  }
0x76: {  	_ =	shalt  }
0x77: {  	_ =	shalt  }
0x78: {  	_ =	shalt  }
0x79: {  	_ =	shalt  }
0x7a: {  	_ =	shalt  }
0x7b: {  	_ =	shalt  }
0x7c: {  	_ =	shalt  }
0x7d: {  	_ =	shalt  }
0x7e: {  	_ =	shalt  }
0x7f: {  	_ =	shalt  }
0x80: {  	_ =	shalt  }
0x81: {  	_ =	shalt  }
0x82: {  	_ =	shalt  }
0x83: {  	_ =	shalt  }
0x84: {  	_ =	shalt  }
0x85: {  	_ =	shalt  }
0x86: {  	_ =	shalt  }
0x87: {  	_ =	shalt  }
.Lfunc_end0:
.L_simem_size_0:
called_computation.4_lowered:
.L_overlay_start_0:
0x88: {  	s2 =	sld [smem:$0x3FD9]  }
0x89: {  	s3 =	sld [smem:$0x3FFE];
	_ =	sdelay $0x1  }
0x8a: {  	s1 =	srdreg.scid  }
0x8b: {  	s0 =	sand.u32 $0x1, s1  }
0x8c: {  	s17 =	sshll.u32 s0, $0xA;
	s2 =	sadd.s32 s3, s2  }
0x8d: {  	s2 =	sadd.s32 s2, s17  }
0x8e: {  	[smem:$0x3FB4] =	sst s2  }
0x8f: {  	_ = 	snop  }
0x90: {  	(tm) =	ssettm $0x1  }
0x91: {  	s18 =	sld [smem:$0x3FFB];
	_ =	sdelay $0x3  }
0x92: {  	_ =	strace s18  }
0x93: {  	s2 =	sld [smem:$0x3FFC];
	_ =	sdelay $0x3  }
0x94: {  	_ =	strace s2  }
0x95: {  	s2 =	sld [smem:$0x3FFD];
	_ =	sdelay $0x3  }
0x96: {  	_ =	strace s2  }
0x97: {  	_ =	strace $0x8FFFFFFF  }
0x98: {  	s19 =	sld [smem:$0x3FDB];
	_ =	sdelay $0x1  }
0x99: {  	s20 =	simm.s32 $_scs_section_size  }
0x9a: {  	s4 =	simm.s32 $_size__tile_overlayer_lowered;
	s5 =	simm.s32 $_tile_overlayer_lowered  }
0x9b: {  	s6 =	simm.s32 $0x1BFF;
	s21 =	sshll.u32 s5, $0x1;
	s3 =	sadd.s32 s20, s19  }
0x9c: {  	s22 =	simm.s32 $0x0;
	s4 =	sshll.u32 s4, $0x1;
	s5 =	sadd.s32 s21, s3  }
0x9d: {  	[timem:s22], [sflag:s6] =	dma.local [hbm:s5], s4  }
0x9e: {  	_ =	swait.ge [sflag:s6], s4  }
0x9f: {  	s4 =	ssub.s32 $0x0, s4;
	[sflag:s6] =	ssyncset.done $0x0  }
0xa0: {  	[sflag:s6] =	ssyncadd.s32 s4;
	_ =	sdelay $0x1  }
0xa1: {  	s23 =	simm.s32 $0x1B8B  }
0xa2: {  	_ =	swait.ge [sflag:s23], $0x1  }
0xa3: {  	[sflag:s23] =	ssyncset.done $0x0  }
0xa4: {  	[sflag:s23] =	ssyncadd.s32 $0xFFFFFFFF  }
0xa5: {  	s4 =	sld [smem:$0x0]  }
0xa6: {  	s5 =	sand.u32 $0xFFFFFFFE, s1  }
0xa7: {  	p0 =	sne.s32 s1, s5  }
0xa8: {  	s5 =	sshll.u32 @p0 s5, $0xE  }
0xa9: {  	s5 =	sadd.s32 @p0 $0x11B8D, s5;
	s6 =	sshll.u32 @p0 s4, $0x11  }
0xaa: {  	s5 =	sor.u32 @p0 s6, s5  }
0xab: {  	[sflag:s5] =	ssyncadd.remote.s32 @p0 $0x1;
	_ =	sdelay $0x1  }
0xac: {  	s5 =	simm.s32 @p0 $0x1B8D  }
0xad: {  	_ =	swait.eq @p0 [sflag:s5], $0x1  }
0xae: {  	[sflag:s5] =	ssyncadd.s32 @p0 $0xFFFFFFFF  }
0xaf: {  	s6 =	sshll.u32 @!p0 s1, $0xE  }
0xb0: {  	s6 =	sor.u32 @!p0 $0x4000, s6;
	s5 =	simm.s32 @!p0 $0x1B8D  }
0xb1: {  	s4 =	sshll.u32 @!p0 s4, $0x11;
	s6 =	sadd.s32 @!p0 $0x11B8D, s6;
	_ =	swait.eq @!p0 [sflag:s5], $0x1  }
0xb2: {  	s4 =	sor.u32 @!p0 s4, s6;
	[sflag:s5] =	ssyncadd.s32 @!p0 $0xFFFFFFFF  }
0xb3: {  	s25 =	simm.s32 $0x1B8E;
	s24 =	sld [smem:$0x3FFE];
	[sflag:s4] =	ssyncadd.remote.s32 @!p0 $0x1  }
0xb4: {  	s26 =	simm.s32 $execute0_lowered;
	[smem:$0x3FD2] =	sst s25  }
0xb5: {  	s5 =	sshll.u32 s26, $0x1;
	_ =	strace $0x80000055;
	[dreg:$0x1] =	wrdreg $0xFFFFFFFF  }
0xb6: {  	s28 =	simm.s32 $_size_execute0_lowered;
	s3 =	sadd.s32 s3, s5;
	[dreg:$0x0] =	wrdreg $0x0  }
0xb7: {  	s5 =	sshll.u32 s28, $0x1;
	[dreg:$0x2] =	wrdreg s3  }
0xb8: {  	[dreg:$0x3] =	wrdreg s5  }
0xb9: {  	[dreg:$0x4] =	wrdreg $0xC0  }
0xba: {  	_ =	task [dreg:s22], $0x5FFFF  }
0xbb: {  	[dreg:$0x1] =	wrdreg $0xFFFFFFFF  }
0xbc: {  	[dreg:$0x0] =	wrdreg $0x60  }
0xbd: {  	[dreg:$0x2] =	wrdreg s24  }
0xbe: {  	[dreg:$0x3] =	wrdreg $0xA8000  }
0xbf: {  	[dreg:$0x4] =	wrdreg $0x9  }
0xc0: {  	_ =	task.clear_ibuf [dreg:s22], $0x5FFFF;
	_ =	strace $0x90000055  }
0xc1: {  	s29 =	simm.s32 $0x9;
	_ =	strace $0x80000057  }
0xc2: {  	_ =	swait.ge [sflag:s29], $0x1  }
0xc3: {  	[sflag:s29] =	ssyncadd.s32 $0xFFFFFFFF  }
0xc4: {  	_ =	strace $0x90000057  }
0xc5: {  	_ =	sfence  }
0xc6: {  	s30 =	sld [smem:$0x0];
	_ =	sdelay $0x2  }
0xc7: {  	s31 =	sshll.u32 s1, $0xD;
	s1 =	sshrl.u32 s1, $0x2  }
0xc8: {  	s4 =	sand.u32 $0x4000, s31;
	s1 =	sadd.s32 s1, s30  }
0xc9: {  	s0 =	sor.u32 s4, s0;
	s1 =	sshll.u32 s1, $0x11  }
0xca: {  	s0 =	sor.u32 s1, s0  }
0xcb: {  	s0 =	sadd.s32 $0x8F2B, s0  }
0xcc: {  	[sflag:s0] =	ssyncadd.remote.s32 $0x1  }
0xcd: {  	_ =	sfence.sel $0xFFFF  }
0xce: {  	[dreg:$0x0] =	wrdreg $0xFFFFFFFF;
	(pc) =	sbr.abs _section_cstart, $3  }
0xcf: {  	[dreg:$0x1] =	wrdreg $0xFFFFFFFF  }
0xd0: {  	_ =	task.clear_ibuf [dreg:s22], $0x2FFFF;
	_ =	strace $0x9FFFFFFF  }
0xd1: {  	(tm) =	ssettm $0x7FFFFFFF  }
tec
execute0_lowered:
.L_overlay_start_1:
0x0: {  	(tag) =	ssettag $0x1  }
0x1: {  	s1 =	srdreg.scid  }
0x2: {  	s0 =	stileid.u32;
	s5 =	rddreg [dreg:$0x0]  }
0x3: {  	s2 =	rddreg [dreg:$0x1];
	s3 =	simm.s32 $0x0;
	s14 =	simm.s32 $0x2800  }
0x4: {  	s15 =	simm.s32 $0x6800;
	s16 =	simm.s32 $0x1;
	s17 =	simm.s32 $0x80  }
0x5: {  	s18 =	simm.s32 $0x2;
	s19 =	simm.s32 $0x2700;
	s20 =	simm.s32 $0x2780  }
0x6: {  	s21 =	simm.s32 $0x0;
	s7 =	sand.u32 $0x1, s1;
	s9 =	smul.u32 $0x14000, s0  }
0x7: {  	s25 =	sshll.u32 s0, $0x1;
	s1 =	rddreg [dreg:$0x2];
	s12 =	smul.u32 $0x50000, s0  }
0x8: {  	[smem:$0x7FF] =	sst s3;
	s10 =	sadd.s32 $0x23AA600, s5;
	s8 =	smul.u32 $0x140000, s7  }
0x9: {  	s31 =	sshll.u32 s0, $0x6;
	s6 =	sor.u32 s7, s25;
	s30 =	smul.u32 $0x28000, s7  }
0xa: {  	_ =	strace $0x80000056;
	s26 =	ssub.s32 $0x2, s7;
	s4 =	smul.u32 $0x500, s6  }
0xb: {  	s28 =	sshrl.u32 s26, $0x1;
	s6 =	smul.u32 $0x28000, s6;
	s29 =	sshrl.u32 s12, $0x2  }
0xc: {  	s8 =	sadd.s32 s9, s8;
	s9 =	ssub.s32 s26, s28;
	s13 =	sadd.s32 s29, s2  }
0xd: {  	s11 =	sadd.s32 s4, s5;
	s4 =	sadd.s32 $0xA600, s5;
	s8 =	sshrl.u32 s8, $0x3  }
0xe: {  	s6 =	sadd.s32 s10, s6;
	s10 =	sadd.s32 s12, s10;
	s12 =	sor.u32 $0x1C03, s31  }
0xf: {  	s13 =	sshrl.u32 s13, $0x3;
	s8 =	sadd.s32 s8, s5;
	s5 =	sadd.s32 $0x1E600, s11  }
0x10: {  	s10 =	sadd.s32 s30, s10;
	s11 =	simm.s32 $0x3;
	s7 =	sadd.s32 $0xFF0800, s8  }
0x11: {  	s8 =	smax.u32 s9, $0x1;
	s9 =	sadd.s32 $0x27800, s6;
	s10 =	sadd.s32 $0x1000, s10  }
.LBB2_1:
0x12: {  	[tilespmem:s3], [sflag:$0x3] =	stream.linear.gather [hbm4b:s5+s3], $0x2800, $0x38;
	[tilespmem:$0x1E800] =	vst v63  }
0x13: {  	_ =	swait.ge [sflag:s11], $0x2800  }
0x14: {  	[sflag:s11] =	ssyncset.done $0x0  }
0x15: {  	[sflag:s11] =	ssyncadd.s32 $0xFFFFD800  }
0x16: {  	[spmem:s13], [sflag:s12] =	dma.local [hbm:s4], $0x2800  }
0x17: {  	_ =	swait.ge [sflag:s11], $0x2800  }
0x18: {  	[sflag:s11] =	ssyncset.done $0x0  }
0x19: {  	[sflag:s11] =	ssyncadd.s32 $0xFFFFD800  }
0x1a: {  	[bflag:$0x0] =	sbarrier.arrive $0xFFFF  }
0x1b: {  	[tilespmem:s14], [sflag:$0x1] =	stream.linear.gather [hbm4b:s6+s3], $0x4000, $0x38;
	[tilespmem:$0x1E800] =	vst v63  }
0x1c: {  	s22 =	sadd.s32 $0xFFFFF800, s10  }
0x1d: {  	[tilespmem:s15], [sflag:$0x2] =	stream.linear.gather [hbm4b:s22+s3], $0x4000, $0x38;
	[tilespmem:$0x1E800] =	vst v63  }
0x1e: {  	_ =	swait.ge [sflag:s16], $0x4000  }
0x1f: {  	[sflag:s16] =	ssyncset.done $0x0  }
0x20: {  	s30 =	simm.s32 $0x0;
	[sflag:s16] =	ssyncadd.s32 $0xFFFFC000  }
0x21: {  	[spmem:s2] =	stream.indirect.scatter.add.f32 [tilespmem:s14], [sflag:$0x3], $0x80, s30, s17, $0xb8;
	[tilespmem:$0x1E800] =	vst v63  }
0x22: {  	_ =	swait.ge [sflag:s11], $0x4000  }
0x23: {  	[sflag:s11] =	ssyncset.done $0x0  }
0x24: {  	[sflag:s11] =	ssyncadd.s32 $0xFFFFC000  }
0x25: {  	[tilespmem:s14], [sflag:$0x1] =	stream.linear.gather [hbm4b:s10+s3], $0x4000, $0x38;
	[tilespmem:$0x1E800] =	vst v63  }
0x26: {  	_ =	swait.ge [sflag:s18], $0x4000  }
0x27: {  	[sflag:s18] =	ssyncset.done $0x0  }
0x28: {  	s31 =	simm.s32 $0x80;
	[sflag:s18] =	ssyncadd.s32 $0xFFFFC000  }
0x29: {  	[spmem:s2] =	stream.indirect.scatter.add.f32 [tilespmem:s15], [sflag:$0x3], $0x80, s31, s17, $0xb8;
	[tilespmem:$0x1E800] =	vst v63  }
0x2a: {  	s23 =	simm.s32 $0x400;
	_ =	swait.ge [sflag:s11], $0x4000  }
0x2b: {  	s24 =	simm.s32 $0x800;
	s22 =	sadd.s32 $0x1000, s10;
	[sflag:s11] =	ssyncset.done $0x0  }
.LBB2_2:
0x2c: {  	p0 =	sne.s32 s24, $0x9800;
	s25 =	sadd.s32 $0xFFFFF800, s22;
	[sflag:s11] =	ssyncadd.s32 $0xFFFFC000  }
0x2d: {  	[tilespmem:s15], [sflag:$0x2] =	stream.linear.gather [hbm4b:s25+s3], $0x4000, $0x38;
	[tilespmem:$0x1E800] =	vst v63  }
0x2e: {  	s25 =	smov.u32 s24;
	s24 =	sadd.s32 $0x400, s24;
	_ =	swait.ge [sflag:s16], $0x4000  }
0x2f: {  	[sflag:s16] =	ssyncset.done $0x0  }
0x30: {  	s26 =	sshra.s32 s23, $0x2;
	s23 =	smov.u32 s25;
	[sflag:s16] =	ssyncadd.s32 $0xFFFFC000  }
0x31: {  	[spmem:s2] =	stream.indirect.scatter.add.f32 [tilespmem:s14], [sflag:$0x3], $0x80, s26, s17, $0xb8;
	[tilespmem:$0x1E800] =	vst v63  }
0x32: {  	_ =	swait.ge [sflag:s11], $0x4000  }
0x33: {  	[sflag:s11] =	ssyncset.done $0x0  }
0x34: {  	[sflag:s11] =	ssyncadd.s32 $0xFFFFC000  }
0x35: {  	[tilespmem:s14], [sflag:$0x1] =	stream.linear.gather [hbm4b:s22+s3], $0x4000, $0x38;
	[tilespmem:$0x1E800] =	vst v63  }
0x36: {  	_ =	swait.ge [sflag:s18], $0x4000  }
.Ltmp0:
0x37: {  	[sflag:s18] =	ssyncset.done $0x0;
	(pc) =	sbr.rel @p0 .LBB2_2-.Ltmp0, $4  }
0x38: {  	s25 =	sadd.s32 $0x80, s26;
	[sflag:s18] =	ssyncadd.s32 $0xFFFFC000  }
0x39: {  	[spmem:s2] =	stream.indirect.scatter.add.f32 [tilespmem:s15], [sflag:$0x3], $0x80, s25, s17, $0xb8;
	[tilespmem:$0x1E800] =	vst v63  }
0x3a: {  	_ =	swait.ge [sflag:s11], $0x4000  }
0x3b: {  	s22 =	sadd.s32 $0x1000, s22;
	[sflag:s11] =	ssyncset.done $0x0  }
0x3c: {  	s24 =	sadd.s32 $0xFFFFF800, s22;
	[sflag:s11] =	ssyncadd.s32 $0xFFFFC000  }
0x3d: {  	[tilespmem:s15], [sflag:$0x2] =	stream.linear.gather [hbm4b:s24+s3], $0x4000, $0x38;
	[tilespmem:$0x1E800] =	vst v63  }
0x3e: {  	_ =	swait.ge [sflag:s16], $0x4000  }
0x3f: {  	[sflag:s16] =	ssyncset.done $0x0  }
0x40: {  	s23 =	sshra.s32 s23, $0x2;
	[sflag:s16] =	ssyncadd.s32 $0xFFFFC000  }
0x41: {  	[spmem:s2] =	stream.indirect.scatter.add.f32 [tilespmem:s14], [sflag:$0x3], $0x80, s23, s17, $0xb8;
	[tilespmem:$0x1E800] =	vst v63  }
0x42: {  	_ =	swait.ge [sflag:s11], $0x4000  }
0x43: {  	[sflag:s11] =	ssyncset.done $0x0  }
0x44: {  	[sflag:s11] =	ssyncadd.s32 $0xFFFFC000  }
0x45: {  	[tilespmem:s14], [sflag:$0x1] =	stream.linear.gather [hbm4b:s22+s3], $0x4000, $0x38;
	[tilespmem:$0x1E800] =	vst v63  }
0x46: {  	_ =	swait.ge [sflag:s18], $0x4000  }
0x47: {  	[sflag:s18] =	ssyncset.done $0x0  }
0x48: {  	s31 =	sadd.s32 $0x80, s23;
	[sflag:s18] =	ssyncadd.s32 $0xFFFFC000  }
0x49: {  	[spmem:s2] =	stream.indirect.scatter.add.f32 [tilespmem:s15], [sflag:$0x3], $0x80, s31, s17, $0xb8;
	[tilespmem:$0x1E800] =	vst v63  }
0x4a: {  	_ =	swait.ge [sflag:s11], $0x4000  }
0x4b: {  	[sflag:s11] =	ssyncset.done $0x0  }
0x4c: {  	[sflag:s11] =	ssyncadd.s32 $0xFFFFC000  }
0x4d: {  	[tilespmem:s15], [sflag:$0x2] =	stream.linear.gather [hbm4b:s9+s3], $0x4000, $0x38;
	[tilespmem:$0x1E800] =	vst v63  }
0x4e: {  	_ =	swait.ge [sflag:s16], $0x4000  }
0x4f: {  	[sflag:s16] =	ssyncset.done $0x0  }
0x50: {  	[sflag:s16] =	ssyncadd.s32 $0xFFFFC000  }
0x51: {  	[spmem:s2] =	stream.indirect.scatter.add.f32 [tilespmem:s14], [sflag:$0x3], $0x80, s19, s17, $0xb8;
	[tilespmem:$0x1E800] =	vst v63  }
0x52: {  	_ =	swait.ge [sflag:s11], $0x4000  }
0x53: {  	[sflag:s11] =	ssyncset.done $0x0  }
0x54: {  	[sflag:s11] =	ssyncadd.s32 $0xFFFFC000  }
0x55: {  	_ =	swait.ge [sflag:s18], $0x4000  }
0x56: {  	[sflag:s18] =	ssyncset.done $0x0  }
0x57: {  	[sflag:s18] =	ssyncadd.s32 $0xFFFFC000  }
0x58: {  	[spmem:s2] =	stream.indirect.scatter.add.f32 [tilespmem:s15], [sflag:$0x3], $0x80, s20, s17, $0xb8;
	[tilespmem:$0x1E800] =	vst v63  }
0x59: {  	_ =	swait.ge [sflag:s11], $0x4000  }
0x5a: {  	s21 =	sadd.s32 $0x1, s21;
	[sflag:s11] =	ssyncset.done $0x0  }
0x5b: {  	p0 =	sne.s32 s21, s8;
	[sflag:s11] =	ssyncadd.s32 $0xFFFFC000  }
.Ltmp1:
0x5c: {  	[bflag:$0x0] =	sbarrier.arrive $0xFFFF;
	(pc) =	sbr.rel @p0 .LBB2_1-.Ltmp1, $4  }
0x5d: {  	[hbm:s7], [sflag:s12] =	dma.local [spmem:s13], $0x2800  }
0x5e: {  	_ =	swait.ge [sflag:s11], $0x2800  }
0x5f: {  	[sflag:s11] =	ssyncset.done $0x0  }
0x60: {  	[sflag:s11] =	ssyncadd.s32 $0xFFFFD800  }
0x61: {  	_ =	sfence.sel $0x180000  }
0x62: {  	[bflag:$0x0] =	sbarrier.arrive $0xFFFF  }
0x63: {  	p0 =	sne.s32 s0, $0x0;
	_ =	strace $0x90000056  }
0x64: {  	s0 =	sadd.s32 @!p0 $0x100000, s1;
	[bflag:$0x2] =	sbarrier.arrive $0xFFFF  }
0x65: {  	[sflag:s0] =	ssyncadd.tile.s32 @!p0 $0x1;
	_ =	shalt  }
.Lfunc_end2:
_tile_overlayer_lowered:
.L_overlay_start_2:
0x66: {  	(tag) =	ssettag $0x2  }
0x67: {  	s0 =	rddreg [dreg:$0x0];
	s2 =	stileid.u32  }
0x68: {  	s1 =	rddreg [dreg:$0x1];
	p0 =	sne.s32 s2, $0x0  }
0x69: {  	s3 =	rddreg [dreg:$0x2];
	[bflag:$0x3] =	sbarrier.arrive $0xFFFF;
	s2 =	simm.s32 @!p0 $0x1C03  }
0x6a: {  	[timem:s3], [sflag:s2] =	dma.local @!p0 [hbm:s0], s1  }
0x6b: {  	s0 =	simm.s32 @!p0 $0x3  }
0x6c: {  	_ =	swait.ge @!p0 [sflag:s0], s1  }
0x6d: {  	s1 =	ssub.s32 @!p0 $0x0, s1;
	[sflag:s0] =	ssyncset.done @!p0 $0x0  }
0x6e: {  	[sflag:s0] =	ssyncadd.s32 @!p0 s1  }
0x6f: {  	[bflag:$0x3] =	sbarrier.arrive $0xFFFF  }
0x70: {  	_ =	shalt  }

// kernel: kernel.31.cloned.1.call-start
scs
__scs_entry_jumppad:
0x0: {  	(pc) =	sbr.rel $0x88, $3  }
0x1: {  	(tag) =	ssettag $0x0;
	lr =	simm.s32 $0x1  }
0x2: {  	[smem:$0x3F8D] =	sst lr;
	_ =	strace $0xD0000000  }
0x3: {  	_ = 	snop  }
0x4: {  	_ = 	snop  }
0x5: {  	_ = 	snop  }
0x6: {  	_ = 	snop  }
0x7: {  	_ = 	snop  }
__scs_overlays_trampoline_lowered:
0x8: {  	[smem:$0x3F9C] =	sst s0  }
0x9: {  	[smem:$0x3F9D] =	sst s1  }
0xa: {  	[smem:$0x3F9E] =	sst s2  }
0xb: {  	[smem:$0x3F9F] =	sst s3  }
0xc: {  	[smem:$0x3FA0] =	sst s4  }
0xd: {  	[smem:$0x3FA1] =	sst s5  }
0xe: {  	[smem:$0x3FA2] =	sst s6  }
0xf: {  	[smem:$0x3FA3] =	sst s7  }
0x10: {  	[smem:$0x3FA4] =	sst s8  }
0x11: {  	[smem:$0x3FA5] =	sst s9;
	s0 =	simm.s32 @!p0 $0x0  }
0x12: {  	s1 =	sld [smem:$0x3F8B];
	s0 =	simm.s32 @p0 $0x1  }
0x13: {  	[smem:$0x3FA6] =	sst s0;
	s0 =	simm.s32 @!p1 $0x0  }
0x14: {  	s2 =	sld [smem:$0x3F8A];
	s0 =	simm.s32 @p1 $0x1  }
0x15: {  	[smem:$0x3FA7] =	sst s0;
	s0 =	simm.s32 @!p2 $0x0  }
0x16: {  	s3 =	sld [smem:$0x3FDB];
	s0 =	simm.s32 @p2 $0x1  }
0x17: {  	s4 =	simm.s32 $0x1BF5;
	[smem:$0x3FA9] =	sst s0  }
0x18: {  	s0 =	sld [smem:$0x3F8C];
	_ =	swait.ge [sflag:s4], $0x0  }
0x19: {  	s7 =	sld [smem:$0x3F8D]  }
0x1a: {  	s8 =	sadd.s32 $0xFFFFE003, lr  }
0x1b: {  	s9 =	sadd.s32 $0xFFFFFEF7, lr;
	s5 =	simm.s32 $0xFFFFFFFF;
	p2 =	slt.u32 s8, $0xFFFFF086  }
0x1c: {  	p1 =	slt.u32 s9, $0xF7A;
	s5 =	simm.s32 @!p2 $0x0  }
0x1d: {  	s5 =	simm.s32 @p1 $0x1;
	p0 =	seq.s32 s7, s2  }
0x1e: {  	s7 =	smul.u32 @!p0 $0xF7A, s2;
	p2 =	seq.s32 @!p0 s5, $0x0  }
0x1f: {  	s9 =	smul.u32 $0xF7A, s1;
	s8 =	simm.s32 @!p0 $0x1BF5;
	p2 =	por !p2, p0  }
0x20: {  	[sflag:s8] =	ssyncset.s32 @!p0 $0xFFFFF086;
	s6 =	sadd.s32 @!p0 s3, s7;
	s7 =	simm.s32 @!p0 $0x108  }
0x21: {  	s3 =	sadd.s32 s3, s9;
	s6 =	sadd.s32 @!p0 $0x88, s6;
	s7 =	simm.s32 @p2 $0x1082  }
0x22: {  	[simem:s7], [sflag:s8] =	dma.local @!p0 [hbm:s6], $0xF7A  }
0x23: {  	s9 =	sor.u32 $0xD0000000, s2;
	s6 =	simm.s32 $0x108;
	_ =	swait.ge @!p0 [sflag:s8], $0x0  }
0x24: {  	s3 =	sadd.s32 $0x88, s3;
	s6 =	simm.s32 @!p1 $0x1082;
	[sflag:s4] =	ssyncset.s32 $0xFFFFF086  }
0x25: {  	[simem:s6], [sflag:s4] =	dma.local [hbm:s3], $0xF7A  }
0x26: {  	[smem:$0x3F8D] =	sst s1;
	(tag) =	ssettag s2;
	_ =	strace s9  }
0x27: {  	s1 =	sld [smem:$0x3F9D]  }
0x28: {  	s2 =	sld [smem:$0x3F9E]  }
0x29: {  	s4 =	sld [smem:$0x3FA0]  }
0x2a: {  	p0 =	seq.s32 s5, $0x0;
	s5 =	sld [smem:$0x3FA1]  }
0x2b: {  	s6 =	sld [smem:$0x3FA2]  }
0x2c: {  	s7 =	sld [smem:$0x3FA3]  }
0x2d: {  	s3 =	simm.s32 $0x108;
	s8 =	sld [smem:$0x3FA4]  }
0x2e: {  	s3 =	simm.s32 @!p0 $0x1082;
	s9 =	sld [smem:$0x3FA5]  }
0x2f: {  	lr =	sadd.s32 s0, s3;
	s0 =	sld [smem:$0x3F9C]  }
0x30: {  	s3 =	sld [smem:$0x3F9F]  }
0x31: {  	[smem:$0x3FA8] =	sst s10  }
0x32: {  	s10 =	sld [smem:$0x3FA6];
	_ =	sdelay $0x3  }
0x33: {  	p0 =	seq.s32 s10, $0x1;
	s10 =	sld [smem:$0x3FA8];
	_ =	sdelay $0x3  }
0x34: {  	[smem:$0x3FA8] =	sst s10  }
0x35: {  	s10 =	sld [smem:$0x3FA7];
	_ =	sdelay $0x3  }
0x36: {  	p1 =	seq.s32 s10, $0x1;
	s10 =	sld [smem:$0x3FA8];
	_ =	sdelay $0x3  }
0x37: {  	[smem:$0x3FA8] =	sst s10  }
0x38: {  	s10 =	sld [smem:$0x3FA9]  }
0x39: {  	_ = 	snop;
	(pc) =	sbr.ind lr, $3  }
0x3a: {  	_ = 	snop  }
0x3b: {  	_ = 	snop  }
0x3c: {  	p2 =	seq.s32 s10, $0x1;
	s10 =	sld [smem:$0x3FA8]  }
0x3d: {  	_ =	shalt  }
0x3e: {  	_ =	shalt  }
0x3f: {  	_ =	shalt  }
0x40: {  	_ =	shalt  }
0x41: {  	_ =	shalt  }
0x42: {  	_ =	shalt  }
0x43: {  	_ =	shalt  }
0x44: {  	_ =	shalt  }
0x45: {  	_ =	shalt  }
0x46: {  	_ =	shalt  }
0x47: {  	_ =	shalt  }
0x48: {  	_ =	shalt  }
0x49: {  	_ =	shalt  }
0x4a: {  	_ =	shalt  }
0x4b: {  	_ =	shalt  }
0x4c: {  	_ =	shalt  }
0x4d: {  	_ =	shalt  }
0x4e: {  	_ =	shalt  }
0x4f: {  	_ =	shalt  }
0x50: {  	_ =	shalt  }
0x51: {  	_ =	shalt  }
0x52: {  	_ =	shalt  }
0x53: {  	_ =	shalt  }
0x54: {  	_ =	shalt  }
0x55: {  	_ =	shalt  }
0x56: {  	_ =	shalt  }
0x57: {  	_ =	shalt  }
0x58: {  	_ =	shalt  }
0x59: {  	_ =	shalt  }
0x5a: {  	_ =	shalt  }
0x5b: {  	_ =	shalt  }
0x5c: {  	_ =	shalt  }
0x5d: {  	_ =	shalt  }
0x5e: {  	_ =	shalt  }
0x5f: {  	_ =	shalt  }
0x60: {  	_ =	shalt  }
0x61: {  	_ =	shalt  }
0x62: {  	_ =	shalt  }
0x63: {  	_ =	shalt  }
0x64: {  	_ =	shalt  }
0x65: {  	_ =	shalt  }
0x66: {  	_ =	shalt  }
0x67: {  	_ =	shalt  }
0x68: {  	_ =	shalt  }
0x69: {  	_ =	shalt  }
0x6a: {  	_ =	shalt  }
0x6b: {  	_ =	shalt  }
0x6c: {  	_ =	shalt  }
0x6d: {  	_ =	shalt  }
0x6e: {  	_ =	shalt  }
0x6f: {  	_ =	shalt  }
0x70: {  	_ =	shalt  }
0x71: {  	_ =	shalt  }
0x72: {  	_ =	shalt  }
0x73: {  	_ =	shalt  }
0x74: {  	_ =	shalt  }
0x75: {  	_ =	shalt  }
0x76: {  	_ =	shalt  }
0x77: {  	_ =	shalt  }
0x78: {  	_ =	shalt  }
0x79: {  	_ =	shalt  }
0x7a: {  	_ =	shalt  }
0x7b: {  	_ =	shalt  }
0x7c: {  	_ =	shalt  }
0x7d: {  	_ =	shalt  }
0x7e: {  	_ =	shalt  }
0x7f: {  	_ =	shalt  }
0x80: {  	_ =	shalt  }
0x81: {  	_ =	shalt  }
0x82: {  	_ =	shalt  }
0x83: {  	_ =	shalt  }
0x84: {  	_ =	shalt  }
0x85: {  	_ =	shalt  }
0x86: {  	_ =	shalt  }
0x87: {  	_ =	shalt  }
.Lfunc_end0:
.L_simem_size_0:
called_computation.5_lowered:
.L_overlay_start_0:
0x88: {  	s2 =	sld [smem:$0x3FD9]  }
0x89: {  	s3 =	sld [smem:$0x3FFE];
	_ =	sdelay $0x1  }
0x8a: {  	s1 =	srdreg.scid  }
0x8b: {  	s0 =	sand.u32 $0x1, s1  }
0x8c: {  	s17 =	sshll.u32 s0, $0xA;
	s2 =	sadd.s32 s3, s2  }
0x8d: {  	s2 =	sadd.s32 s2, s17  }
0x8e: {  	[smem:$0x3FB4] =	sst s2  }
0x8f: {  	_ = 	snop  }
0x90: {  	s2 =	sld [smem:$0x3FD0];
	(tm) =	ssettm $0x1  }
0x91: {  	s18 =	sld [smem:$0x3FFB];
	_ =	sdelay $0x3  }
0x92: {  	_ =	strace s18  }
0x93: {  	s3 =	sld [smem:$0x3FFC];
	_ =	sdelay $0x3  }
0x94: {  	_ =	strace s3  }
0x95: {  	s3 =	sld [smem:$0x3FFD];
	_ =	sdelay $0x3  }
0x96: {  	_ =	strace s3  }
0x97: {  	_ =	strace $0x8FFFFFFF  }
0x98: {  	s19 =	sld [smem:$0x3FDB];
	_ =	sdelay $0x1  }
0x99: {  	s4 =	simm.s32 $_scs_section_size  }
0x9a: {  	s5 =	simm.s32 $_size__tile_overlayer_lowered;
	s6 =	simm.s32 $_tile_overlayer_lowered  }
0x9b: {  	s22 =	simm.s32 $0x1BFF;
	s21 =	sshll.u32 s6, $0x1;
	s3 =	sadd.s32 s4, s19  }
0x9c: {  	s7 =	simm.s32 $0x0;
	s20 =	sshll.u32 s5, $0x1;
	s5 =	sadd.s32 s21, s3  }
0x9d: {  	[timem:s7], [sflag:s22] =	dma.local [hbm:s5], s20  }
0x9e: {  	_ =	swait.ge [sflag:s22], s20  }
0x9f: {  	s4 =	ssub.s32 $0x0, s20;
	[sflag:s22] =	ssyncset.done $0x0  }
0xa0: {  	[sflag:s22] =	ssyncadd.s32 s4;
	_ =	sdelay $0x1  }
0xa1: {  	s23 =	simm.s32 $0x1B8B  }
0xa2: {  	_ =	swait.ge [sflag:s23], $0x1  }
0xa3: {  	[sflag:s23] =	ssyncset.done $0x0  }
0xa4: {  	s25 =	simm.s32 $0x1B8E;
	s24 =	sld [smem:$0x3FFE];
	[sflag:s23] =	ssyncadd.s32 $0xFFFFFFFF  }
0xa5: {  	s26 =	simm.s32 $execute0_lowered;
	[smem:$0x3FD2] =	sst s25  }
0xa6: {  	s5 =	sshll.u32 s26, $0x1;
	_ =	strace $0x80000052;
	[dreg:$0x1] =	wrdreg $0xFFFFFFFF  }
0xa7: {  	s28 =	simm.s32 $_size_execute0_lowered;
	s3 =	sadd.s32 s3, s5;
	[dreg:$0x0] =	wrdreg $0x0  }
0xa8: {  	s5 =	sshll.u32 s28, $0x1;
	[dreg:$0x2] =	wrdreg s3  }
0xa9: {  	[dreg:$0x3] =	wrdreg s5  }
0xaa: {  	[dreg:$0x4] =	wrdreg $0xC0  }
0xab: {  	_ =	task [dreg:s7], $0x5FFFF  }
0xac: {  	[dreg:$0x1] =	wrdreg $0xFFFFFFFF  }
0xad: {  	[dreg:$0x0] =	wrdreg $0x60  }
0xae: {  	[dreg:$0x2] =	wrdreg s24  }
0xaf: {  	[dreg:$0x3] =	wrdreg s2  }
0xb0: {  	[dreg:$0x4] =	wrdreg $0xA8000  }
0xb1: {  	[dreg:$0x5] =	wrdreg $0xA  }
0xb2: {  	_ =	task.clear_ibuf [dreg:s7], $0x6FFFF;
	_ =	strace $0x90000052  }
0xb3: {  	s29 =	simm.s32 $0xA;
	_ =	strace $0x80000054  }
0xb4: {  	_ =	swait.ge [sflag:s29], $0x1  }
0xb5: {  	[sflag:s29] =	ssyncadd.s32 $0xFFFFFFFF  }
0xb6: {  	_ =	strace $0x90000054  }
0xb7: {  	_ =	sfence  }
0xb8: {  	s30 =	sld [smem:$0x0];
	_ =	sdelay $0x2  }
0xb9: {  	s31 =	sshll.u32 s1, $0xD;
	s1 =	sshrl.u32 s1, $0x2  }
0xba: {  	s3 =	sand.u32 $0x4000, s31;
	s1 =	sadd.s32 s1, s30  }
0xbb: {  	s0 =	sor.u32 s3, s0;
	s1 =	sshll.u32 s1, $0x11  }
0xbc: {  	s0 =	sor.u32 s1, s0  }
0xbd: {  	s0 =	sadd.s32 $0x8F2B, s0  }
0xbe: {  	[sflag:s0] =	ssyncadd.remote.s32 $0x1  }
0xbf: {  	_ =	sfence.sel $0xFFFF  }
0xc0: {  	[dreg:$0x0] =	wrdreg $0xFFFFFFFF;
	(pc) =	sbr.abs _section_cstart, $3  }
0xc1: {  	[dreg:$0x1] =	wrdreg $0xFFFFFFFF  }
0xc2: {  	_ =	task.clear_ibuf [dreg:s7], $0x2FFFF;
	_ =	strace $0x9FFFFFFF  }
0xc3: {  	(tm) =	ssettm $0x7FFFFFFF  }
tec
execute0_lowered:
.L_overlay_start_1:
0x0: {  	(tag) =	ssettag $0x1  }
0x1: {  	s4 =	rddreg [dreg:$0x0]  }
0x2: {  	s7 =	rddreg [dreg:$0x1]  }
0x3: {  	s2 =	rddreg [dreg:$0x2]  }
0x4: {  	s0 =	rddreg [dreg:$0x3]  }
0x5: {  	s5 =	srdreg.scid;
	s1 =	stileid.u32  }
0x6: {  	s3 =	simm.s32 $0x0;
	s15 =	simm.s32 $0x6800;
	s16 =	simm.s32 $0x1  }
0x7: {  	s17 =	simm.s32 $0x80;
	s18 =	simm.s32 $0x2;
	s19 =	simm.s32 $0x2700  }
0x8: {  	s20 =	simm.s32 $0x2780;
	s21 =	simm.s32 $0x0;
	s10 =	smul.u32 $0xA000, s1  }
0x9: {  	s5 =	sand.u32 $0x1, s5;
	s6 =	sshll.u32 s1, $0x1;
	s13 =	smul.u32 $0x2800, s1  }
0xa: {  	[smem:$0x7FF] =	sst s3;
	s9 =	sadd.s32 $0x1EAA600, s4;
	s28 =	smul.u32 $0x50000, s1  }
0xb: {  	s31 =	sshll.u32 s1, $0x6;
	s6 =	sor.u32 s5, s6;
	s12 =	smul.u32 $0x28000, s5  }
0xc: {  	_ =	strace $0x80000053;
	s11 =	ssub.s32 $0x2, s5;
	s8 =	smul.u32 $0x500, s6  }
0xd: {  	s24 =	sshrl.u32 s11, $0x1;
	s6 =	smul.u32 $0x28000, s6;
	s25 =	sshrl.u32 s10, $0x2  }
0xe: {  	s30 =	sadd.s32 s28, s9;
	s11 =	ssub.s32 s11, s24;
	s26 =	sadd.s32 s13, s12  }
0xf: {  	s14 =	sadd.s32 s25, s2;
	s10 =	sadd.s32 s12, s30;
	s12 =	sor.u32 $0x1C03, s31  }
0x10: {  	s8 =	sadd.s32 s8, s4;
	s4 =	sadd.s32 $0xA600, s4;
	s6 =	sadd.s32 s9, s6  }
0x11: {  	s29 =	sshrl.u32 s26, $0x3;
	s10 =	sadd.s32 $0x1000, s10;
	s13 =	sshrl.u32 s14, $0x3  }
0x12: {  	s14 =	simm.s32 $0x2800;
	s5 =	sadd.s32 $0x14600, s8;
	s7 =	sadd.s32 s7, s29  }
0x13: {  	s8 =	smax.u32 s11, $0x1;
	s9 =	sadd.s32 $0x27800, s6;
	s11 =	simm.s32 $0x3  }
.LBB2_1:
0x14: {  	[tilespmem:s3], [sflag:$0x3] =	stream.linear.gather [hbm4b:s5+s3], $0x2800, $0x38;
	[tilespmem:$0xD000] =	vst v63  }
0x15: {  	_ =	swait.ge [sflag:s11], $0x2800  }
0x16: {  	[sflag:s11] =	ssyncset.done $0x0  }
0x17: {  	[sflag:s11] =	ssyncadd.s32 $0xFFFFD800  }
0x18: {  	[spmem:s13], [sflag:s12] =	dma.local [hbm:s4], $0x500  }
0x19: {  	_ =	swait.ge [sflag:s11], $0x500  }
0x1a: {  	[sflag:s11] =	ssyncset.done $0x0  }
0x1b: {  	[sflag:s11] =	ssyncadd.s32 $0xFFFFFB00  }
0x1c: {  	[bflag:$0x0] =	sbarrier.arrive $0xFFFF  }
0x1d: {  	[tilespmem:s14], [sflag:$0x1] =	stream.linear.gather [hbm4b:s6+s3], $0x4000, $0x38;
	[tilespmem:$0xD000] =	vst v63  }
0x1e: {  	s22 =	sadd.s32 $0xFFFFF800, s10  }
0x1f: {  	[tilespmem:s15], [sflag:$0x2] =	stream.linear.gather [hbm4b:s22+s3], $0x4000, $0x38;
	[tilespmem:$0xD000] =	vst v63  }
0x20: {  	_ =	swait.ge [sflag:s16], $0x4000  }
0x21: {  	[sflag:s16] =	ssyncset.done $0x0  }
0x22: {  	s30 =	simm.s32 $0x0;
	[sflag:s16] =	ssyncadd.s32 $0xFFFFC000  }
0x23: {  	[spmem:s2] =	stream.indirect.scatter.add.f32 [tilespmem:s14], [sflag:$0x3], $0x80, s30, s17, $0xb8;
	[tilespmem:$0xD000] =	vst v63  }
0x24: {  	_ =	swait.ge [sflag:s11], $0x4000  }
0x25: {  	[sflag:s11] =	ssyncset.done $0x0  }
0x26: {  	[sflag:s11] =	ssyncadd.s32 $0xFFFFC000  }
0x27: {  	[tilespmem:s14], [sflag:$0x1] =	stream.linear.gather [hbm4b:s10+s3], $0x4000, $0x38;
	[tilespmem:$0xD000] =	vst v63  }
0x28: {  	_ =	swait.ge [sflag:s18], $0x4000  }
0x29: {  	[sflag:s18] =	ssyncset.done $0x0  }
0x2a: {  	s31 =	simm.s32 $0x80;
	[sflag:s18] =	ssyncadd.s32 $0xFFFFC000  }
0x2b: {  	[spmem:s2] =	stream.indirect.scatter.add.f32 [tilespmem:s15], [sflag:$0x3], $0x80, s31, s17, $0xb8;
	[tilespmem:$0xD000] =	vst v63  }
0x2c: {  	s23 =	simm.s32 $0x400;
	_ =	swait.ge [sflag:s11], $0x4000  }
0x2d: {  	s24 =	simm.s32 $0x800;
	s22 =	sadd.s32 $0x1000, s10;
	[sflag:s11] =	ssyncset.done $0x0  }
.LBB2_2:
0x2e: {  	p0 =	sne.s32 s24, $0x9800;
	s25 =	sadd.s32 $0xFFFFF800, s22;
	[sflag:s11] =	ssyncadd.s32 $0xFFFFC000  }
0x2f: {  	[tilespmem:s15], [sflag:$0x2] =	stream.linear.gather [hbm4b:s25+s3], $0x4000, $0x38;
	[tilespmem:$0xD000] =	vst v63  }
0x30: {  	s25 =	smov.u32 s24;
	s24 =	sadd.s32 $0x400, s24;
	_ =	swait.ge [sflag:s16], $0x4000  }
0x31: {  	[sflag:s16] =	ssyncset.done $0x0  }
0x32: {  	s26 =	sshra.s32 s23, $0x2;
	s23 =	smov.u32 s25;
	[sflag:s16] =	ssyncadd.s32 $0xFFFFC000  }
0x33: {  	[spmem:s2] =	stream.indirect.scatter.add.f32 [tilespmem:s14], [sflag:$0x3], $0x80, s26, s17, $0xb8;
	[tilespmem:$0xD000] =	vst v63  }
0x34: {  	_ =	swait.ge [sflag:s11], $0x4000  }
0x35: {  	[sflag:s11] =	ssyncset.done $0x0  }
0x36: {  	[sflag:s11] =	ssyncadd.s32 $0xFFFFC000  }
0x37: {  	[tilespmem:s14], [sflag:$0x1] =	stream.linear.gather [hbm4b:s22+s3], $0x4000, $0x38;
	[tilespmem:$0xD000] =	vst v63  }
0x38: {  	_ =	swait.ge [sflag:s18], $0x4000  }
.Ltmp0:
0x39: {  	[sflag:s18] =	ssyncset.done $0x0;
	(pc) =	sbr.rel @p0 .LBB2_2-.Ltmp0, $4  }
0x3a: {  	s25 =	sadd.s32 $0x80, s26;
	[sflag:s18] =	ssyncadd.s32 $0xFFFFC000  }
0x3b: {  	[spmem:s2] =	stream.indirect.scatter.add.f32 [tilespmem:s15], [sflag:$0x3], $0x80, s25, s17, $0xb8;
	[tilespmem:$0xD000] =	vst v63  }
0x3c: {  	_ =	swait.ge [sflag:s11], $0x4000  }
0x3d: {  	s22 =	sadd.s32 $0x1000, s22;
	[sflag:s11] =	ssyncset.done $0x0  }
0x3e: {  	s24 =	sadd.s32 $0xFFFFF800, s22;
	[sflag:s11] =	ssyncadd.s32 $0xFFFFC000  }
0x3f: {  	[tilespmem:s15], [sflag:$0x2] =	stream.linear.gather [hbm4b:s24+s3], $0x4000, $0x38;
	[tilespmem:$0xD000] =	vst v63  }
0x40: {  	_ =	swait.ge [sflag:s16], $0x4000  }
0x41: {  	[sflag:s16] =	ssyncset.done $0x0  }
0x42: {  	s23 =	sshra.s32 s23, $0x2;
	[sflag:s16] =	ssyncadd.s32 $0xFFFFC000  }
0x43: {  	[spmem:s2] =	stream.indirect.scatter.add.f32 [tilespmem:s14], [sflag:$0x3], $0x80, s23, s17, $0xb8;
	[tilespmem:$0xD000] =	vst v63  }
0x44: {  	_ =	swait.ge [sflag:s11], $0x4000  }
0x45: {  	[sflag:s11] =	ssyncset.done $0x0  }
0x46: {  	[sflag:s11] =	ssyncadd.s32 $0xFFFFC000  }
0x47: {  	[tilespmem:s14], [sflag:$0x1] =	stream.linear.gather [hbm4b:s22+s3], $0x4000, $0x38;
	[tilespmem:$0xD000] =	vst v63  }
0x48: {  	_ =	swait.ge [sflag:s18], $0x4000  }
0x49: {  	[sflag:s18] =	ssyncset.done $0x0  }
0x4a: {  	s31 =	sadd.s32 $0x80, s23;
	[sflag:s18] =	ssyncadd.s32 $0xFFFFC000  }
0x4b: {  	[spmem:s2] =	stream.indirect.scatter.add.f32 [tilespmem:s15], [sflag:$0x3], $0x80, s31, s17, $0xb8;
	[tilespmem:$0xD000] =	vst v63  }
0x4c: {  	_ =	swait.ge [sflag:s11], $0x4000  }
0x4d: {  	[sflag:s11] =	ssyncset.done $0x0  }
0x4e: {  	[sflag:s11] =	ssyncadd.s32 $0xFFFFC000  }
0x4f: {  	[tilespmem:s15], [sflag:$0x2] =	stream.linear.gather [hbm4b:s9+s3], $0x4000, $0x38;
	[tilespmem:$0xD000] =	vst v63  }
0x50: {  	_ =	swait.ge [sflag:s16], $0x4000  }
0x51: {  	[sflag:s16] =	ssyncset.done $0x0  }
0x52: {  	[sflag:s16] =	ssyncadd.s32 $0xFFFFC000  }
0x53: {  	[spmem:s2] =	stream.indirect.scatter.add.f32 [tilespmem:s14], [sflag:$0x3], $0x80, s19, s17, $0xb8;
	[tilespmem:$0xD000] =	vst v63  }
0x54: {  	_ =	swait.ge [sflag:s11], $0x4000  }
0x55: {  	[sflag:s11] =	ssyncset.done $0x0  }
0x56: {  	[sflag:s11] =	ssyncadd.s32 $0xFFFFC000  }
0x57: {  	_ =	swait.ge [sflag:s18], $0x4000  }
0x58: {  	[sflag:s18] =	ssyncset.done $0x0  }
0x59: {  	[sflag:s18] =	ssyncadd.s32 $0xFFFFC000  }
0x5a: {  	[spmem:s2] =	stream.indirect.scatter.add.f32 [tilespmem:s15], [sflag:$0x3], $0x80, s20, s17, $0xb8;
	[tilespmem:$0xD000] =	vst v63  }
0x5b: {  	_ =	swait.ge [sflag:s11], $0x4000  }
0x5c: {  	s21 =	sadd.s32 $0x1, s21;
	[sflag:s11] =	ssyncset.done $0x0  }
0x5d: {  	p0 =	sne.s32 s21, s8;
	[sflag:s11] =	ssyncadd.s32 $0xFFFFC000  }
.Ltmp1:
0x5e: {  	[bflag:$0x0] =	sbarrier.arrive $0xFFFF;
	(pc) =	sbr.rel @p0 .LBB2_1-.Ltmp1, $4  }
0x5f: {  	[hbm:s7], [sflag:s12] =	dma.local [spmem:s13], $0x500  }
0x60: {  	_ =	swait.ge [sflag:s11], $0x500  }
0x61: {  	[sflag:s11] =	ssyncset.done $0x0  }
0x62: {  	[sflag:s11] =	ssyncadd.s32 $0xFFFFFB00  }
0x63: {  	_ =	sfence.sel $0x180000  }
0x64: {  	[bflag:$0x0] =	sbarrier.arrive $0xFFFF  }
0x65: {  	p0 =	sne.s32 s1, $0x0;
	_ =	strace $0x90000053  }
0x66: {  	s0 =	sadd.s32 @!p0 $0x100000, s0;
	[bflag:$0x2] =	sbarrier.arrive $0xFFFF  }
0x67: {  	[sflag:s0] =	ssyncadd.tile.s32 @!p0 $0x1;
	_ =	shalt  }
.Lfunc_end2:
_tile_overlayer_lowered:
.L_overlay_start_2:
0x68: {  	(tag) =	ssettag $0x2  }
0x69: {  	s0 =	rddreg [dreg:$0x0];
	s2 =	stileid.u32  }
0x6a: {  	s1 =	rddreg [dreg:$0x1];
	p0 =	sne.s32 s2, $0x0  }
0x6b: {  	s3 =	rddreg [dreg:$0x2];
	[bflag:$0x3] =	sbarrier.arrive $0xFFFF;
	s2 =	simm.s32 @!p0 $0x1C03  }
0x6c: {  	[timem:s3], [sflag:s2] =	dma.local @!p0 [hbm:s0], s1  }
0x6d: {  	s0 =	simm.s32 @!p0 $0x3  }
0x6e: {  	_ =	swait.ge @!p0 [sflag:s0], s1  }
0x6f: {  	s1 =	ssub.s32 @!p0 $0x0, s1;
	[sflag:s0] =	ssyncset.done @!p0 $0x0  }
0x70: {  	[sflag:s0] =	ssyncadd.s32 @!p0 s1  }
0x71: {  	[bflag:$0x3] =	sbarrier.arrive $0xFFFF  }
0x72: {  	_ =	shalt  }

</sc_bundles>
